<compile_context>
chip_gen: v7x
topology: tpu7x:2x2x1
jax: 0.10.2.dev20260603
libtpu: 0.0.44.dev20260713+nightly
codegen_flags: <defaults>
</compile_context>

<pallas_src>
import functools

import jax
import jax.numpy as jnp
from jax import lax
from jax.experimental import pallas as pl
from jax.experimental.pallas import tpu as pltpu
from jax.experimental.pallas import tpu_sc as plsc

N = 10000
XS = 128
W0 = 64
NC = 2
NS = 16
CHUNK = 128
CPT = 160
EPAD = NS * CPT * CHUNK
NCHUNK = EPAD // CHUNK
ACC_ROWS = 10240
ZROWS = 64
RPT = ACC_ROWS // NS
OROWS = 632
BLK = 1000


NBUF = 5
IRING = 2 * NBUF


def _sc_agg_body(xt_hbm, t2_hbm, sd_hbm, out_hbm, outt_hbm,
                 idxr, rows, tvals, zbuf, ztbuf, acc, acct,
                 sg, ss, ig, tg, ts):
    cid = lax.axis_index("c")
    sid = lax.axis_index("s")

    zero = jnp.zeros((16,), jnp.float32)

    def _zrow(r, _):
        for c in range(W0 // 16):
            zbuf[r, pl.ds(c * 16, 16)] = zero
        return 0

    lax.fori_loop(0, ZROWS, _zrow, 0)
    for j in range(RPT // 16):
        ztbuf[pl.ds(j * 16, 16)] = zero
    zbase = sid * RPT
    for j in range(RPT // ZROWS):
        pltpu.sync_copy(zbuf, acc.at[pl.ds(zbase + j * ZROWS, ZROWS)])
    pltpu.sync_copy(ztbuf, acct.at[pl.ds(zbase, RPT)])

    plsc.subcore_barrier()

    ebase = sid * CPT

    def _start_idx(ch):
        s = lax.rem(ch, IRING) if not isinstance(ch, int) else ch % IRING
        pltpu.async_copy(sd_hbm.at[cid, ebase + ch], idxr.at[s], ig.at[s])

    def _wait_idx(ch):
        s = lax.rem(ch, IRING) if not isinstance(ch, int) else ch % IRING
        pltpu.make_async_copy(
            sd_hbm.at[cid, ebase + ch], idxr.at[s], ig.at[s]).wait()

    def _start_gather(ch, b):
        s = lax.rem(ch, IRING) if not isinstance(ch, int) else ch % IRING
        pltpu.async_copy(xt_hbm.at[idxr.at[s, 0]], rows.at[b], sg.at[b])
        pltpu.async_copy(t2_hbm.at[idxr.at[s, 0]], tvals.at[b], tg.at[b])

    def _wait_gather(ch, b):
        s = lax.rem(ch, IRING) if not isinstance(ch, int) else ch % IRING
        pltpu.make_async_copy(
            xt_hbm.at[idxr.at[s, 0]], rows.at[b], sg.at[b]).wait()
        pltpu.make_async_copy(
            t2_hbm.at[idxr.at[s, 0]], tvals.at[b], tg.at[b]).wait()

    def _start_scatter(ch, b):
        s = lax.rem(ch, IRING) if not isinstance(ch, int) else ch % IRING
        pltpu.async_copy(rows.at[b], acc.at[idxr.at[s, 1]], ss.at[b],
                         add=True)
        pltpu.async_copy(tvals.at[b], acct.at[idxr.at[s, 1]], ts.at[b],
                         add=True)

    def _wait_scatter(ch, b):
        s = lax.rem(ch, IRING) if not isinstance(ch, int) else ch % IRING
        pltpu.make_async_copy(
            rows.at[b], acc.at[idxr.at[s, 1]], ss.at[b]).wait()
        pltpu.make_async_copy(
            tvals.at[b], acct.at[idxr.at[s, 1]], ts.at[b]).wait()

    for j in range(IRING - 1):
        _start_idx(j)
    for b in range(NBUF - 1):
        _wait_idx(b)
        _start_gather(b, b)

    _wait_gather(0, 0)
    _start_scatter(0, 0)
    _wait_idx(NBUF - 1)
    _start_gather(NBUF - 1, NBUF - 1)
    _start_idx(IRING - 1)
    for b in range(1, NBUF):
        _wait_gather(b, b)
        _start_scatter(b, b)
        _wait_scatter(b - 1, b - 1)
        _wait_idx(b - 1 + NBUF)
        _start_gather(b - 1 + NBUF, b - 1)
        _start_idx(b - 1 + IRING)

    def _round(i, _):
        for b in range(NBUF):
            ch = i * NBUF + b
            b3 = (b - 1) % NBUF
            _wait_gather(ch, b)
            _start_scatter(ch, b)
            _wait_scatter(ch - 1, b3)

            @pl.when(ch - 1 + NBUF < CPT)
            def _():
                _wait_idx(ch - 1 + NBUF)
                _start_gather(ch - 1 + NBUF, b3)

            @pl.when(ch - 1 + IRING < CPT)
            def _():
                _start_idx(ch - 1 + IRING)
        return 0

    lax.fori_loop(1, CPT // NBUF, _round, 0)
    _wait_scatter(CPT - 1, (CPT - 1) % NBUF)

    plsc.subcore_barrier()

    @pl.when(sid < NS - 1)
    def _():
        pltpu.sync_copy(acc.at[pl.ds(sid * OROWS, OROWS)],
                        out_hbm.at[cid, pl.ds(sid * OROWS, OROWS)])
        pltpu.sync_copy(acct.at[pl.ds(sid * OROWS, OROWS)],
                        outt_hbm.at[cid, pl.ds(sid * OROWS, OROWS)])

    @pl.when(sid == NS - 1)
    def _():
        last = OROWS * (NS - 1)
        pltpu.sync_copy(acc.at[pl.ds(last, N - last)],
                        out_hbm.at[cid, pl.ds(last, N - last)])
        pltpu.sync_copy(acct.at[pl.ds(last, N - last)],
                        outt_hbm.at[cid, pl.ds(last, N - last)])


@functools.cache
def _sc_agg():
    return pl.kernel(
        _sc_agg_body,
        out_type=(jax.ShapeDtypeStruct((NC, N, W0), jnp.float32),
                  jax.ShapeDtypeStruct((NC, N), jnp.float32)),
        mesh=plsc.VectorSubcoreMesh(core_axis_name="c", subcore_axis_name="s",
                                    num_cores=NC, num_subcores=NS),
        scratch_types=[
            pltpu.VMEM((IRING, 2, CHUNK), jnp.int32),
            pltpu.VMEM((NBUF, CHUNK, W0), jnp.float32),
            pltpu.VMEM((NBUF, CHUNK), jnp.float32),
            pltpu.VMEM((ZROWS, W0), jnp.float32),
            pltpu.VMEM((RPT,), jnp.float32),
            pltpu.VMEM_SHARED((ACC_ROWS, W0), jnp.float32),
            pltpu.VMEM_SHARED((ACC_ROWS,), jnp.float32),
            pltpu.SemaphoreType.DMA((NBUF,)),
            pltpu.SemaphoreType.DMA((NBUF,)),
            pltpu.SemaphoreType.DMA((IRING,)),
            pltpu.SemaphoreType.DMA((NBUF,)),
            pltpu.SemaphoreType.DMA((NBUF,)),
        ],
        compiler_params=pltpu.CompilerParams(use_tc_tiling_on_sc=False),
    )


def _leaky(v):
    return jnp.where(v >= 0, v, 0.2 * v)


def _tc_body(x_ref, t_ref, a0_ref, a1_ref, at0_ref, at1_ref,
             w1x_ref, w1t_ref, w1a_ref, w1c_ref, b1_ref, w2_ref, b2_ref,
             p1g_ref, p1x_ref, p1t_ref, p1b_ref,
             p2_ref, p2b_ref, p3_ref, p3b_ref, out_ref):
    f32 = jnp.float32
    x = x_ref[...]
    t = t_ref[...]
    a0 = a0_ref[0]
    a1 = a1_ref[0]
    ht = t + at0_ref[0] + at1_ref[0]

    g = jnp.dot(x, w1x_ref[...], preferred_element_type=f32)
    g = g + jnp.dot(a0, w1a_ref[...], preferred_element_type=f32)
    g = g + jnp.dot(a1, w1c_ref[...], preferred_element_type=f32)
    g = jax.nn.relu(g + ht * w1t_ref[...] + b1_ref[...])
    h2 = jnp.tanh(jnp.dot(g, w2_ref[...], preferred_element_type=f32)
                  + b2_ref[...])
    xg = jax.nn.relu(h2)

    p = jnp.dot(xg, p1g_ref[...], preferred_element_type=f32)
    p = p + jnp.dot(x, p1x_ref[...], preferred_element_type=f32)
    p = _leaky(p + t * p1t_ref[...] + p1b_ref[...])
    p = _leaky(jnp.dot(p, p2_ref[...], preferred_element_type=f32)
               + p2b_ref[...])
    out_ref[...] = (jnp.dot(p, p3_ref[...], preferred_element_type=f32)
                    + p3b_ref[...])


def _full_spec(shape):
    return pl.BlockSpec(shape, lambda i: tuple(0 for _ in shape))


_tc_in_specs = [
    pl.BlockSpec((BLK, XS), lambda i: (i, 0)),
    pl.BlockSpec((BLK, 1), lambda i: (i, 0)),
    pl.BlockSpec((1, BLK, W0), lambda i: (0, i, 0)),
    pl.BlockSpec((1, BLK, W0), lambda i: (1, i, 0)),
    pl.BlockSpec((1, BLK, 1), lambda i: (0, i, 0)),
    pl.BlockSpec((1, BLK, 1), lambda i: (1, i, 0)),
    _full_spec((XS, 128)),
    _full_spec((1, 128)),
    _full_spec((W0, 128)),
    _full_spec((W0, 128)),
    _full_spec((1, 128)),
    _full_spec((128, 128)),
    _full_spec((1, 128)),
    _full_spec((128, 128)),
    _full_spec((XS, 128)),
    _full_spec((1, 128)),
    _full_spec((1, 128)),
    _full_spec((128, 128)),
    _full_spec((1, 128)),
    _full_spec((128, 1)),
    _full_spec((1, 1)),
]


def _tc_mlp(*args):
    return pl.pallas_call(
        _tc_body,
        grid=(N // BLK,),
        in_specs=_tc_in_specs,
        out_specs=pl.BlockSpec((BLK, 1), lambda i: (i, 0)),
        out_shape=jax.ShapeDtypeStruct((N, 1), jnp.float32),
    )(*args)


def kernel(x, t, z, edge_index, W1, b1, W2, b2, P1w, P1b, P2w, P2b, P3w, P3b):
    xt = jnp.concatenate([x[:, :W0], x[:, W0:]], axis=0)
    t2 = jnp.concatenate([jnp.zeros_like(t), t])
    ei = edge_index.astype(jnp.int32)
    e = ei.shape[1]
    src = jnp.concatenate([ei[0], jnp.zeros((EPAD - e,), jnp.int32)])
    src = jnp.stack([src, src + N]).reshape(NC, NCHUNK, 1, CHUNK)
    dst = jnp.concatenate(
        [ei[1], jnp.full((EPAD - e,), N, jnp.int32)]).reshape(NCHUNK, 1, CHUNK)
    dst = jnp.broadcast_to(dst[None], (NC, NCHUNK, 1, CHUNK))
    sd = jnp.concatenate([src, dst], axis=2)

    agg, aggt = _sc_agg()(xt, t2, sd)

    pred = _tc_mlp(
        x, t[:, None], agg, agg, aggt[..., None], aggt[..., None],
        W1[:XS], W1[XS:XS + 1], W1[:W0], W1[W0:XS], b1[None], W2, b2[None],
        P1w[:128], P1w[128:128 + XS], P1w[128 + XS:128 + XS + 1], P1b[None],
        P2w, P2b[None], P3w, P3b[None])

    t_pred = jnp.zeros((N, 1), jnp.float32)
    return (t_pred, pred)

# --- scband reference (transcript-rebuilt; emitter-appended) ---
"""Pipeline reference for scband-ginmodel-17411797418333 (READ-ONLY COPY).

The authoritative reference and input builder live on the scoring server;
editing this copy changes nothing except your own understanding.
"""

import jax, jax.numpy as jnp
import numpy as np

N = 10000
E = 320000
XS = 128   # Xshape
H = 128    # hidden
DIN = XS + 1          # 129 (x cat t)
PIN = H + XS + 1      # 257 (Predictor input)


def _init_linear(key, fan_in, fan_out):
    kw, kb = jax.random.split(key)
    bound = 1.0 / np.sqrt(fan_in)
    W = jax.random.uniform(kw, (fan_in, fan_out), minval=-bound, maxval=bound, dtype=jnp.float32)
    b = jax.random.uniform(kb, (fan_out,), minval=-bound, maxval=bound, dtype=jnp.float32)
    return W, b


def setup_inputs(seed: int = 0) -> dict:
    key = jax.random.key(seed)
    ks = jax.random.split(key, 10)
    x = jax.random.normal(ks[0], (N, XS), dtype=jnp.float32)
    t = jax.random.normal(ks[1], (N,), dtype=jnp.float32)
    z = jax.random.normal(ks[2], (N,), dtype=jnp.float32)
    edge_index = jax.random.randint(ks[3], (2, E), 0, N, dtype=jnp.int32).astype(jnp.int64)
    W1, b1 = _init_linear(ks[4], DIN, H)
    W2, b2 = _init_linear(ks[5], H, H)
    P1w, P1b = _init_linear(ks[6], PIN, H)
    P2w, P2b = _init_linear(ks[7], H, H)
    P3w, P3b = _init_linear(ks[8], H, 1)
    return {"x": x, "t": t, "z": z, "edge_index": edge_index,
            "W1": W1, "b1": b1, "W2": W2, "b2": b2,
            "P1w": P1w, "P1b": P1b, "P2w": P2w, "P2b": P2b,
            "P3w": P3w, "P3b": P3b}


def _leaky(v):
    return jnp.where(v >= 0, v, 0.2 * v)


def reference(x, t, z, edge_index, W1, b1, W2, b2, P1w, P1b, P2w, P2b, P3w, P3b):
    # x = torch.cat([x, t.unsqueeze(1)], dim=-1)
    xc = jnp.concatenate([x, t[:, None]], axis=-1)  # [N, 129]
    # GINConv (eps=0): out = mlp((1+eps)*x_i + sum_{j in N(i)} x_j)
    src = edge_index[0]
    dst = edge_index[1]
    agg = jnp.zeros_like(xc).at[dst].add(xc[src])  # scatter-add (sum aggregation)
    h = xc + agg
    # mlp: Linear -> ReLU -> Linear -> Tanh
    h = jnp.tanh(jnp.dot(jax.nn.relu(jnp.dot(h, W1) + b1), W2) + b2)
    x_gin = jax.nn.relu(h)
    x_comb = jnp.concatenate([x_gin, xc], axis=-1)  # [N, 257]
    # Predictor (dropout is identity in eval)
    p = _leaky(jnp.dot(x_comb, P1w) + P1b)
    p = _leaky(jnp.dot(p, P2w) + P2b)
    pred = jnp.dot(p, P3w) + P3b  # [N, 1]
    t_pred = jnp.zeros((x.shape[0], 1), dtype=jnp.float32)
    return (t_pred, pred)

if __name__ == "__main__":
    import jax
    _d = setup_inputs()
    print(jax.jit(kernel)(*tuple(_d.values())))

</pallas_src>

<mosaic_0001>
#map = affine_map<(d0, d1) -> (0, 0)>
#map1 = affine_map<(d0, d1) -> (0)>
#map2 = affine_map<(d0, d1) -> (0, 0, 0, 0)>
#map3 = affine_map<(d0, d1) -> (0, 0, 0)>
module attributes {stable_mosaic.version = 14 : i64} {
  func.func @_sc_agg_body(%arg0: i32, %arg1: i32, %arg2: memref<20000x64xf32, #tpu.memory_space<hbm>>, %arg3: memref<20000xf32, #tpu.memory_space<hbm>>, %arg4: memref<2x2560x2x128xi32, #tpu.memory_space<hbm>>, %arg5: memref<2x10000x64xf32, #tpu.memory_space<hbm>>, %arg6: memref<2x10000xf32, #tpu.memory_space<hbm>>, %arg7: memref<10x2x128xi32, #tpu.memory_space<vmem>>, %arg8: memref<5x128x64xf32, #tpu.memory_space<vmem>>, %arg9: memref<5x128xf32, #tpu.memory_space<vmem>>, %arg10: memref<64x64xf32, #tpu.memory_space<vmem>>, %arg11: memref<640xf32, #tpu.memory_space<vmem>>, %arg12: memref<10240x64xf32, #tpu.memory_space<vmem_shared>>, %arg13: memref<10240xf32, #tpu.memory_space<vmem_shared>>, %arg14: memref<5x!tpu.dma_semaphore, #tpu.memory_space<semaphore_mem>>, %arg15: memref<5x!tpu.dma_semaphore, #tpu.memory_space<semaphore_mem>>, %arg16: memref<10x!tpu.dma_semaphore, #tpu.memory_space<semaphore_mem>>, %arg17: memref<5x!tpu.dma_semaphore, #tpu.memory_space<semaphore_mem>>, %arg18: memref<5x!tpu.dma_semaphore, #tpu.memory_space<semaphore_mem>>) attributes {dimension_semantics = [#tpu.dimension_semantics<core_parallel>, #tpu.dimension_semantics<subcore_parallel>], iteration_bounds = array<i64: 2, 16>, scalar_prefetch = 0 : i64, scratch_operands = 12 : i64, tpu.core_type = #tpu.core_type<sc_vector_subcore>, window_params = [{transform_indices = #map}, {transform_indices = #map1}, {transform_indices = #map2}, {transform_indices = #map3}, {transform_indices = #map}]} {
    %broadcast_in_dim3A = arith.constant 0.000000e+00 : f32
    %broadcast_in_dim3A_0 = vector.broadcast %broadcast_in_dim3A : f32 to vector<16xf32>
    %scan3A = arith.constant 0 : i32
    %scan3A_1 = arith.constant 0 : i32
    %scan3A_2 = arith.constant 64 : i32
    %scan3A_3 = arith.addi %scan3A_1, %scan3A_2 : i32
    %scan3A_4 = arith.constant 1 : i32
    %scan3A_5 = scf.for %scan3A_1426 = %scan3A_1 to %scan3A_3 step %scan3A_4 iter_args(%scan3A_1427 = %scan3A) -> (i32)  : i32 {
      %swap3A_1428 = arith.index_cast %scan3A_1426 : i32 to index
      %swap3A_1429 = arith.constant 0 : index
      %swap3A_1430 = tpu.vector_load %arg10[%swap3A_1428, %swap3A_1429] {strides = array<i32>} : memref<64x64xf32, #tpu.memory_space<vmem>>, vector<1x16xf32>,
      %swap3A_1431 = vector.shape_cast %swap3A_1430 : vector<1x16xf32> to vector<16xf32>
      %swap3A_1432 = vector.shape_cast %broadcast_in_dim3A_0 : vector<16xf32> to vector<1x16xf32>
      tpu.vector_store %arg10[%swap3A_1428, %swap3A_1429], %swap3A_1432 {strides = array<i32>} : memref<64x64xf32, #tpu.memory_space<vmem>>, vector<1x16xf32>,
      %swap3A_1433 = arith.index_cast %scan3A_1426 : i32 to index
      %swap3A_1434 = arith.constant 16 : index
      %swap3A_1435 = tpu.vector_load %arg10[%swap3A_1433, %swap3A_1434] {strides = array<i32>} : memref<64x64xf32, #tpu.memory_space<vmem>>, vector<1x16xf32>,
      %swap3A_1436 = vector.shape_cast %swap3A_1435 : vector<1x16xf32> to vector<16xf32>
      %swap3A_1437 = vector.shape_cast %broadcast_in_dim3A_0 : vector<16xf32> to vector<1x16xf32>
      tpu.vector_store %arg10[%swap3A_1433, %swap3A_1434], %swap3A_1437 {strides = array<i32>} : memref<64x64xf32, #tpu.memory_space<vmem>>, vector<1x16xf32>,
      %swap3A_1438 = arith.index_cast %scan3A_1426 : i32 to index
      %swap3A_1439 = arith.constant 32 : index
      %swap3A_1440 = tpu.vector_load %arg10[%swap3A_1438, %swap3A_1439] {strides = array<i32>} : memref<64x64xf32, #tpu.memory_space<vmem>>, vector<1x16xf32>,
      %swap3A_1441 = vector.shape_cast %swap3A_1440 : vector<1x16xf32> to vector<16xf32>
      %swap3A_1442 = vector.shape_cast %broadcast_in_dim3A_0 : vector<16xf32> to vector<1x16xf32>
      tpu.vector_store %arg10[%swap3A_1438, %swap3A_1439], %swap3A_1442 {strides = array<i32>} : memref<64x64xf32, #tpu.memory_space<vmem>>, vector<1x16xf32>,
      %swap3A_1443 = arith.index_cast %scan3A_1426 : i32 to index
      %swap3A_1444 = arith.constant 48 : index
      %swap3A_1445 = tpu.vector_load %arg10[%swap3A_1443, %swap3A_1444] {strides = array<i32>} : memref<64x64xf32, #tpu.memory_space<vmem>>, vector<1x16xf32>,
      %swap3A_1446 = vector.shape_cast %swap3A_1445 : vector<1x16xf32> to vector<16xf32>
      %swap3A_1447 = vector.shape_cast %broadcast_in_dim3A_0 : vector<16xf32> to vector<1x16xf32>
      tpu.vector_store %arg10[%swap3A_1443, %swap3A_1444], %swap3A_1447 {strides = array<i32>} : memref<64x64xf32, #tpu.memory_space<vmem>>, vector<1x16xf32>,
      %scan3A_1448 = arith.constant 0 : i32
      scf.yield %scan3A_1448 : i32
    }
    %scan3A_6 = arith.constant 64 : i32
    %swap3A = arith.constant 0 : index
    %swap3A_7 = tpu.vector_load %arg11[%swap3A] {strides = array<i32>} : memref<640xf32, #tpu.memory_space<vmem>>, vector<16xf32>,
    %swap3A_8 = vector.shape_cast %swap3A_7 : vector<16xf32> to vector<16xf32>
    %swap3A_9 = vector.shape_cast %broadcast_in_dim3A_0 : vector<16xf32> to vector<16xf32>
    tpu.vector_store %arg11[%swap3A], %swap3A_9 {strides = array<i32>} : memref<640xf32, #tpu.memory_space<vmem>>, vector<16xf32>,
    %swap3A_10 = arith.constant 16 : index
    %swap3A_11 = tpu.vector_load %arg11[%swap3A_10] {strides = array<i32>} : memref<640xf32, #tpu.memory_space<vmem>>, vector<16xf32>,
    %swap3A_12 = vector.shape_cast %swap3A_11 : vector<16xf32> to vector<16xf32>
    %swap3A_13 = vector.shape_cast %broadcast_in_dim3A_0 : vector<16xf32> to vector<16xf32>
    tpu.vector_store %arg11[%swap3A_10], %swap3A_13 {strides = array<i32>} : memref<640xf32, #tpu.memory_space<vmem>>, vector<16xf32>,
    %swap3A_14 = arith.constant 32 : index
    %swap3A_15 = tpu.vector_load %arg11[%swap3A_14] {strides = array<i32>} : memref<640xf32, #tpu.memory_space<vmem>>, vector<16xf32>,
    %swap3A_16 = vector.shape_cast %swap3A_15 : vector<16xf32> to vector<16xf32>
    %swap3A_17 = vector.shape_cast %broadcast_in_dim3A_0 : vector<16xf32> to vector<16xf32>
    tpu.vector_store %arg11[%swap3A_14], %swap3A_17 {strides = array<i32>} : memref<640xf32, #tpu.memory_space<vmem>>, vector<16xf32>,
    %swap3A_18 = arith.constant 48 : index
    %swap3A_19 = tpu.vector_load %arg11[%swap3A_18] {strides = array<i32>} : memref<640xf32, #tpu.memory_space<vmem>>, vector<16xf32>,
    %swap3A_20 = vector.shape_cast %swap3A_19 : vector<16xf32> to vector<16xf32>
    %swap3A_21 = vector.shape_cast %broadcast_in_dim3A_0 : vector<16xf32> to vector<16xf32>
    tpu.vector_store %arg11[%swap3A_18], %swap3A_21 {strides = array<i32>} : memref<640xf32, #tpu.memory_space<vmem>>, vector<16xf32>,
    %swap3A_22 = arith.constant 64 : index
    %swap3A_23 = tpu.vector_load %arg11[%swap3A_22] {strides = array<i32>} : memref<640xf32, #tpu.memory_space<vmem>>, vector<16xf32>,
    %swap3A_24 = vector.shape_cast %swap3A_23 : vector<16xf32> to vector<16xf32>
    %swap3A_25 = vector.shape_cast %broadcast_in_dim3A_0 : vector<16xf32> to vector<16xf32>
    tpu.vector_store %arg11[%swap3A_22], %swap3A_25 {strides = array<i32>} : memref<640xf32, #tpu.memory_space<vmem>>, vector<16xf32>,
    %swap3A_26 = arith.constant 80 : index
    %swap3A_27 = tpu.vector_load %arg11[%swap3A_26] {strides = array<i32>} : memref<640xf32, #tpu.memory_space<vmem>>, vector<16xf32>,
    %swap3A_28 = vector.shape_cast %swap3A_27 : vector<16xf32> to vector<16xf32>
    %swap3A_29 = vector.shape_cast %broadcast_in_dim3A_0 : vector<16xf32> to vector<16xf32>
    tpu.vector_store %arg11[%swap3A_26], %swap3A_29 {strides = array<i32>} : memref<640xf32, #tpu.memory_space<vmem>>, vector<16xf32>,
    %swap3A_30 = arith.constant 96 : index
    %swap3A_31 = tpu.vector_load %arg11[%swap3A_30] {strides = array<i32>} : memref<640xf32, #tpu.memory_space<vmem>>, vector<16xf32>,
    %swap3A_32 = vector.shape_cast %swap3A_31 : vector<16xf32> to vector<16xf32>
    %swap3A_33 = vector.shape_cast %broadcast_in_dim3A_0 : vector<16xf32> to vector<16xf32>
    tpu.vector_store %arg11[%swap3A_30], %swap3A_33 {strides = array<i32>} : memref<640xf32, #tpu.memory_space<vmem>>, vector<16xf32>,
    %swap3A_34 = arith.constant 112 : index
    %swap3A_35 = tpu.vector_load %arg11[%swap3A_34] {strides = array<i32>} : memref<640xf32, #tpu.memory_space<vmem>>, vector<16xf32>,
    %swap3A_36 = vector.shape_cast %swap3A_35 : vector<16xf32> to vector<16xf32>
    %swap3A_37 = vector.shape_cast %broadcast_in_dim3A_0 : vector<16xf32> to vector<16xf32>
    tpu.vector_store %arg11[%swap3A_34], %swap3A_37 {strides = array<i32>} : memref<640xf32, #tpu.memory_space<vmem>>, vector<16xf32>,
    %swap3A_38 = arith.constant 128 : index
    %swap3A_39 = tpu.vector_load %arg11[%swap3A_38] {strides = array<i32>} : memref<640xf32, #tpu.memory_space<vmem>>, vector<16xf32>,
    %swap3A_40 = vector.shape_cast %swap3A_39 : vector<16xf32> to vector<16xf32>
    %swap3A_41 = vector.shape_cast %broadcast_in_dim3A_0 : vector<16xf32> to vector<16xf32>
    tpu.vector_store %arg11[%swap3A_38], %swap3A_41 {strides = array<i32>} : memref<640xf32, #tpu.memory_space<vmem>>, vector<16xf32>,
    %swap3A_42 = arith.constant 144 : index
    %swap3A_43 = tpu.vector_load %arg11[%swap3A_42] {strides = array<i32>} : memref<640xf32, #tpu.memory_space<vmem>>, vector<16xf32>,
    %swap3A_44 = vector.shape_cast %swap3A_43 : vector<16xf32> to vector<16xf32>
    %swap3A_45 = vector.shape_cast %broadcast_in_dim3A_0 : vector<16xf32> to vector<16xf32>
    tpu.vector_store %arg11[%swap3A_42], %swap3A_45 {strides = array<i32>} : memref<640xf32, #tpu.memory_space<vmem>>, vector<16xf32>,
    %swap3A_46 = arith.constant 160 : index
    %swap3A_47 = tpu.vector_load %arg11[%swap3A_46] {strides = array<i32>} : memref<640xf32, #tpu.memory_space<vmem>>, vector<16xf32>,
    %swap3A_48 = vector.shape_cast %swap3A_47 : vector<16xf32> to vector<16xf32>
    %swap3A_49 = vector.shape_cast %broadcast_in_dim3A_0 : vector<16xf32> to vector<16xf32>
    tpu.vector_store %arg11[%swap3A_46], %swap3A_49 {strides = array<i32>} : memref<640xf32, #tpu.memory_space<vmem>>, vector<16xf32>,
    %swap3A_50 = arith.constant 176 : index
    %swap3A_51 = tpu.vector_load %arg11[%swap3A_50] {strides = array<i32>} : memref<640xf32, #tpu.memory_space<vmem>>, vector<16xf32>,
    %swap3A_52 = vector.shape_cast %swap3A_51 : vector<16xf32> to vector<16xf32>
    %swap3A_53 = vector.shape_cast %broadcast_in_dim3A_0 : vector<16xf32> to vector<16xf32>
    tpu.vector_store %arg11[%swap3A_50], %swap3A_53 {strides = array<i32>} : memref<640xf32, #tpu.memory_space<vmem>>, vector<16xf32>,
    %swap3A_54 = arith.constant 192 : index
    %swap3A_55 = tpu.vector_load %arg11[%swap3A_54] {strides = array<i32>} : memref<640xf32, #tpu.memory_space<vmem>>, vector<16xf32>,
    %swap3A_56 = vector.shape_cast %swap3A_55 : vector<16xf32> to vector<16xf32>
    %swap3A_57 = vector.shape_cast %broadcast_in_dim3A_0 : vector<16xf32> to vector<16xf32>
    tpu.vector_store %arg11[%swap3A_54], %swap3A_57 {strides = array<i32>} : memref<640xf32, #tpu.memory_space<vmem>>, vector<16xf32>,
    %swap3A_58 = arith.constant 208 : index
    %swap3A_59 = tpu.vector_load %arg11[%swap3A_58] {strides = array<i32>} : memref<640xf32, #tpu.memory_space<vmem>>, vector<16xf32>,
    %swap3A_60 = vector.shape_cast %swap3A_59 : vector<16xf32> to vector<16xf32>
    %swap3A_61 = vector.shape_cast %broadcast_in_dim3A_0 : vector<16xf32> to vector<16xf32>
    tpu.vector_store %arg11[%swap3A_58], %swap3A_61 {strides = array<i32>} : memref<640xf32, #tpu.memory_space<vmem>>, vector<16xf32>,
    %swap3A_62 = arith.constant 224 : index
    %swap3A_63 = tpu.vector_load %arg11[%swap3A_62] {strides = array<i32>} : memref<640xf32, #tpu.memory_space<vmem>>, vector<16xf32>,
    %swap3A_64 = vector.shape_cast %swap3A_63 : vector<16xf32> to vector<16xf32>
    %swap3A_65 = vector.shape_cast %broadcast_in_dim3A_0 : vector<16xf32> to vector<16xf32>
    tpu.vector_store %arg11[%swap3A_62], %swap3A_65 {strides = array<i32>} : memref<640xf32, #tpu.memory_space<vmem>>, vector<16xf32>,
    %swap3A_66 = arith.constant 240 : index
    %swap3A_67 = tpu.vector_load %arg11[%swap3A_66] {strides = array<i32>} : memref<640xf32, #tpu.memory_space<vmem>>, vector<16xf32>,
    %swap3A_68 = vector.shape_cast %swap3A_67 : vector<16xf32> to vector<16xf32>
    %swap3A_69 = vector.shape_cast %broadcast_in_dim3A_0 : vector<16xf32> to vector<16xf32>
    tpu.vector_store %arg11[%swap3A_66], %swap3A_69 {strides = array<i32>} : memref<640xf32, #tpu.memory_space<vmem>>, vector<16xf32>,
    %swap3A_70 = arith.constant 256 : index
    %swap3A_71 = tpu.vector_load %arg11[%swap3A_70] {strides = array<i32>} : memref<640xf32, #tpu.memory_space<vmem>>, vector<16xf32>,
    %swap3A_72 = vector.shape_cast %swap3A_71 : vector<16xf32> to vector<16xf32>
    %swap3A_73 = vector.shape_cast %broadcast_in_dim3A_0 : vector<16xf32> to vector<16xf32>
    tpu.vector_store %arg11[%swap3A_70], %swap3A_73 {strides = array<i32>} : memref<640xf32, #tpu.memory_space<vmem>>, vector<16xf32>,
    %swap3A_74 = arith.constant 272 : index
    %swap3A_75 = tpu.vector_load %arg11[%swap3A_74] {strides = array<i32>} : memref<640xf32, #tpu.memory_space<vmem>>, vector<16xf32>,
    %swap3A_76 = vector.shape_cast %swap3A_75 : vector<16xf32> to vector<16xf32>
    %swap3A_77 = vector.shape_cast %broadcast_in_dim3A_0 : vector<16xf32> to vector<16xf32>
    tpu.vector_store %arg11[%swap3A_74], %swap3A_77 {strides = array<i32>} : memref<640xf32, #tpu.memory_space<vmem>>, vector<16xf32>,
    %swap3A_78 = arith.constant 288 : index
    %swap3A_79 = tpu.vector_load %arg11[%swap3A_78] {strides = array<i32>} : memref<640xf32, #tpu.memory_space<vmem>>, vector<16xf32>,
    %swap3A_80 = vector.shape_cast %swap3A_79 : vector<16xf32> to vector<16xf32>
    %swap3A_81 = vector.shape_cast %broadcast_in_dim3A_0 : vector<16xf32> to vector<16xf32>
    tpu.vector_store %arg11[%swap3A_78], %swap3A_81 {strides = array<i32>} : memref<640xf32, #tpu.memory_space<vmem>>, vector<16xf32>,
    %swap3A_82 = arith.constant 304 : index
    %swap3A_83 = tpu.vector_load %arg11[%swap3A_82] {strides = array<i32>} : memref<640xf32, #tpu.memory_space<vmem>>, vector<16xf32>,
    %swap3A_84 = vector.shape_cast %swap3A_83 : vector<16xf32> to vector<16xf32>
    %swap3A_85 = vector.shape_cast %broadcast_in_dim3A_0 : vector<16xf32> to vector<16xf32>
    tpu.vector_store %arg11[%swap3A_82], %swap3A_85 {strides = array<i32>} : memref<640xf32, #tpu.memory_space<vmem>>, vector<16xf32>,
    %swap3A_86 = arith.constant 320 : index
    %swap3A_87 = tpu.vector_load %arg11[%swap3A_86] {strides = array<i32>} : memref<640xf32, #tpu.memory_space<vmem>>, vector<16xf32>,
    %swap3A_88 = vector.shape_cast %swap3A_87 : vector<16xf32> to vector<16xf32>
    %swap3A_89 = vector.shape_cast %broadcast_in_dim3A_0 : vector<16xf32> to vector<16xf32>
    tpu.vector_store %arg11[%swap3A_86], %swap3A_89 {strides = array<i32>} : memref<640xf32, #tpu.memory_space<vmem>>, vector<16xf32>,
    %swap3A_90 = arith.constant 336 : index
    %swap3A_91 = tpu.vector_load %arg11[%swap3A_90] {strides = array<i32>} : memref<640xf32, #tpu.memory_space<vmem>>, vector<16xf32>,
    %swap3A_92 = vector.shape_cast %swap3A_91 : vector<16xf32> to vector<16xf32>
    %swap3A_93 = vector.shape_cast %broadcast_in_dim3A_0 : vector<16xf32> to vector<16xf32>
    tpu.vector_store %arg11[%swap3A_90], %swap3A_93 {strides = array<i32>} : memref<640xf32, #tpu.memory_space<vmem>>, vector<16xf32>,
    %swap3A_94 = arith.constant 352 : index
    %swap3A_95 = tpu.vector_load %arg11[%swap3A_94] {strides = array<i32>} : memref<640xf32, #tpu.memory_space<vmem>>, vector<16xf32>,
    %swap3A_96 = vector.shape_cast %swap3A_95 : vector<16xf32> to vector<16xf32>
    %swap3A_97 = vector.shape_cast %broadcast_in_dim3A_0 : vector<16xf32> to vector<16xf32>
    tpu.vector_store %arg11[%swap3A_94], %swap3A_97 {strides = array<i32>} : memref<640xf32, #tpu.memory_space<vmem>>, vector<16xf32>,
    %swap3A_98 = arith.constant 368 : index
    %swap3A_99 = tpu.vector_load %arg11[%swap3A_98] {strides = array<i32>} : memref<640xf32, #tpu.memory_space<vmem>>, vector<16xf32>,
    %swap3A_100 = vector.shape_cast %swap3A_99 : vector<16xf32> to vector<16xf32>
    %swap3A_101 = vector.shape_cast %broadcast_in_dim3A_0 : vector<16xf32> to vector<16xf32>
    tpu.vector_store %arg11[%swap3A_98], %swap3A_101 {strides = array<i32>} : memref<640xf32, #tpu.memory_space<vmem>>, vector<16xf32>,
    %swap3A_102 = arith.constant 384 : index
    %swap3A_103 = tpu.vector_load %arg11[%swap3A_102] {strides = array<i32>} : memref<640xf32, #tpu.memory_space<vmem>>, vector<16xf32>,
    %swap3A_104 = vector.shape_cast %swap3A_103 : vector<16xf32> to vector<16xf32>
    %swap3A_105 = vector.shape_cast %broadcast_in_dim3A_0 : vector<16xf32> to vector<16xf32>
    tpu.vector_store %arg11[%swap3A_102], %swap3A_105 {strides = array<i32>} : memref<640xf32, #tpu.memory_space<vmem>>, vector<16xf32>,
    %swap3A_106 = arith.constant 400 : index
    %swap3A_107 = tpu.vector_load %arg11[%swap3A_106] {strides = array<i32>} : memref<640xf32, #tpu.memory_space<vmem>>, vector<16xf32>,
    %swap3A_108 = vector.shape_cast %swap3A_107 : vector<16xf32> to vector<16xf32>
    %swap3A_109 = vector.shape_cast %broadcast_in_dim3A_0 : vector<16xf32> to vector<16xf32>
    tpu.vector_store %arg11[%swap3A_106], %swap3A_109 {strides = array<i32>} : memref<640xf32, #tpu.memory_space<vmem>>, vector<16xf32>,
    %swap3A_110 = arith.constant 416 : index
    %swap3A_111 = tpu.vector_load %arg11[%swap3A_110] {strides = array<i32>} : memref<640xf32, #tpu.memory_space<vmem>>, vector<16xf32>,
    %swap3A_112 = vector.shape_cast %swap3A_111 : vector<16xf32> to vector<16xf32>
    %swap3A_113 = vector.shape_cast %broadcast_in_dim3A_0 : vector<16xf32> to vector<16xf32>
    tpu.vector_store %arg11[%swap3A_110], %swap3A_113 {strides = array<i32>} : memref<640xf32, #tpu.memory_space<vmem>>, vector<16xf32>,
    %swap3A_114 = arith.constant 432 : index
    %swap3A_115 = tpu.vector_load %arg11[%swap3A_114] {strides = array<i32>} : memref<640xf32, #tpu.memory_space<vmem>>, vector<16xf32>,
    %swap3A_116 = vector.shape_cast %swap3A_115 : vector<16xf32> to vector<16xf32>
    %swap3A_117 = vector.shape_cast %broadcast_in_dim3A_0 : vector<16xf32> to vector<16xf32>
    tpu.vector_store %arg11[%swap3A_114], %swap3A_117 {strides = array<i32>} : memref<640xf32, #tpu.memory_space<vmem>>, vector<16xf32>,
    %swap3A_118 = arith.constant 448 : index
    %swap3A_119 = tpu.vector_load %arg11[%swap3A_118] {strides = array<i32>} : memref<640xf32, #tpu.memory_space<vmem>>, vector<16xf32>,
    %swap3A_120 = vector.shape_cast %swap3A_119 : vector<16xf32> to vector<16xf32>
    %swap3A_121 = vector.shape_cast %broadcast_in_dim3A_0 : vector<16xf32> to vector<16xf32>
    tpu.vector_store %arg11[%swap3A_118], %swap3A_121 {strides = array<i32>} : memref<640xf32, #tpu.memory_space<vmem>>, vector<16xf32>,
    %swap3A_122 = arith.constant 464 : index
    %swap3A_123 = tpu.vector_load %arg11[%swap3A_122] {strides = array<i32>} : memref<640xf32, #tpu.memory_space<vmem>>, vector<16xf32>,
    %swap3A_124 = vector.shape_cast %swap3A_123 : vector<16xf32> to vector<16xf32>
    %swap3A_125 = vector.shape_cast %broadcast_in_dim3A_0 : vector<16xf32> to vector<16xf32>
    tpu.vector_store %arg11[%swap3A_122], %swap3A_125 {strides = array<i32>} : memref<640xf32, #tpu.memory_space<vmem>>, vector<16xf32>,
    %swap3A_126 = arith.constant 480 : index
    %swap3A_127 = tpu.vector_load %arg11[%swap3A_126] {strides = array<i32>} : memref<640xf32, #tpu.memory_space<vmem>>, vector<16xf32>,
    %swap3A_128 = vector.shape_cast %swap3A_127 : vector<16xf32> to vector<16xf32>
    %swap3A_129 = vector.shape_cast %broadcast_in_dim3A_0 : vector<16xf32> to vector<16xf32>
    tpu.vector_store %arg11[%swap3A_126], %swap3A_129 {strides = array<i32>} : memref<640xf32, #tpu.memory_space<vmem>>, vector<16xf32>,
    %swap3A_130 = arith.constant 496 : index
    %swap3A_131 = tpu.vector_load %arg11[%swap3A_130] {strides = array<i32>} : memref<640xf32, #tpu.memory_space<vmem>>, vector<16xf32>,
    %swap3A_132 = vector.shape_cast %swap3A_131 : vector<16xf32> to vector<16xf32>
    %swap3A_133 = vector.shape_cast %broadcast_in_dim3A_0 : vector<16xf32> to vector<16xf32>
    tpu.vector_store %arg11[%swap3A_130], %swap3A_133 {strides = array<i32>} : memref<640xf32, #tpu.memory_space<vmem>>, vector<16xf32>,
    %swap3A_134 = arith.constant 512 : index
    %swap3A_135 = tpu.vector_load %arg11[%swap3A_134] {strides = array<i32>} : memref<640xf32, #tpu.memory_space<vmem>>, vector<16xf32>,
    %swap3A_136 = vector.shape_cast %swap3A_135 : vector<16xf32> to vector<16xf32>
    %swap3A_137 = vector.shape_cast %broadcast_in_dim3A_0 : vector<16xf32> to vector<16xf32>
    tpu.vector_store %arg11[%swap3A_134], %swap3A_137 {strides = array<i32>} : memref<640xf32, #tpu.memory_space<vmem>>, vector<16xf32>,
    %swap3A_138 = arith.constant 528 : index
    %swap3A_139 = tpu.vector_load %arg11[%swap3A_138] {strides = array<i32>} : memref<640xf32, #tpu.memory_space<vmem>>, vector<16xf32>,
    %swap3A_140 = vector.shape_cast %swap3A_139 : vector<16xf32> to vector<16xf32>
    %swap3A_141 = vector.shape_cast %broadcast_in_dim3A_0 : vector<16xf32> to vector<16xf32>
    tpu.vector_store %arg11[%swap3A_138], %swap3A_141 {strides = array<i32>} : memref<640xf32, #tpu.memory_space<vmem>>, vector<16xf32>,
    %swap3A_142 = arith.constant 544 : index
    %swap3A_143 = tpu.vector_load %arg11[%swap3A_142] {strides = array<i32>} : memref<640xf32, #tpu.memory_space<vmem>>, vector<16xf32>,
    %swap3A_144 = vector.shape_cast %swap3A_143 : vector<16xf32> to vector<16xf32>
    %swap3A_145 = vector.shape_cast %broadcast_in_dim3A_0 : vector<16xf32> to vector<16xf32>
    tpu.vector_store %arg11[%swap3A_142], %swap3A_145 {strides = array<i32>} : memref<640xf32, #tpu.memory_space<vmem>>, vector<16xf32>,
    %swap3A_146 = arith.constant 560 : index
    %swap3A_147 = tpu.vector_load %arg11[%swap3A_146] {strides = array<i32>} : memref<640xf32, #tpu.memory_space<vmem>>, vector<16xf32>,
    %swap3A_148 = vector.shape_cast %swap3A_147 : vector<16xf32> to vector<16xf32>
    %swap3A_149 = vector.shape_cast %broadcast_in_dim3A_0 : vector<16xf32> to vector<16xf32>
    tpu.vector_store %arg11[%swap3A_146], %swap3A_149 {strides = array<i32>} : memref<640xf32, #tpu.memory_space<vmem>>, vector<16xf32>,
    %swap3A_150 = arith.constant 576 : index
    %swap3A_151 = tpu.vector_load %arg11[%swap3A_150] {strides = array<i32>} : memref<640xf32, #tpu.memory_space<vmem>>, vector<16xf32>,
    %swap3A_152 = vector.shape_cast %swap3A_151 : vector<16xf32> to vector<16xf32>
    %swap3A_153 = vector.shape_cast %broadcast_in_dim3A_0 : vector<16xf32> to vector<16xf32>
    tpu.vector_store %arg11[%swap3A_150], %swap3A_153 {strides = array<i32>} : memref<640xf32, #tpu.memory_space<vmem>>, vector<16xf32>,
    %swap3A_154 = arith.constant 592 : index
    %swap3A_155 = tpu.vector_load %arg11[%swap3A_154] {strides = array<i32>} : memref<640xf32, #tpu.memory_space<vmem>>, vector<16xf32>,
    %swap3A_156 = vector.shape_cast %swap3A_155 : vector<16xf32> to vector<16xf32>
    %swap3A_157 = vector.shape_cast %broadcast_in_dim3A_0 : vector<16xf32> to vector<16xf32>
    tpu.vector_store %arg11[%swap3A_154], %swap3A_157 {strides = array<i32>} : memref<640xf32, #tpu.memory_space<vmem>>, vector<16xf32>,
    %swap3A_158 = arith.constant 608 : index
    %swap3A_159 = tpu.vector_load %arg11[%swap3A_158] {strides = array<i32>} : memref<640xf32, #tpu.memory_space<vmem>>, vector<16xf32>,
    %swap3A_160 = vector.shape_cast %swap3A_159 : vector<16xf32> to vector<16xf32>
    %swap3A_161 = vector.shape_cast %broadcast_in_dim3A_0 : vector<16xf32> to vector<16xf32>
    tpu.vector_store %arg11[%swap3A_158], %swap3A_161 {strides = array<i32>} : memref<640xf32, #tpu.memory_space<vmem>>, vector<16xf32>,
    %swap3A_162 = arith.constant 624 : index
    %swap3A_163 = tpu.vector_load %arg11[%swap3A_162] {strides = array<i32>} : memref<640xf32, #tpu.memory_space<vmem>>, vector<16xf32>,
    %swap3A_164 = vector.shape_cast %swap3A_163 : vector<16xf32> to vector<16xf32>
    %swap3A_165 = vector.shape_cast %broadcast_in_dim3A_0 : vector<16xf32> to vector<16xf32>
    tpu.vector_store %arg11[%swap3A_162], %swap3A_165 {strides = array<i32>} : memref<640xf32, #tpu.memory_space<vmem>>, vector<16xf32>,
    %mul3A = arith.constant 640 : i32
    %mul3A_166 = arith.muli %arg1, %mul3A : i32
    %add3A = arith.constant 0 : i32
    %add3A_167 = arith.addi %mul3A_166, %add3A : i32
    "tpu.region"() ({
      %run_scoped3A = tpu.sem_alloc : memref<!tpu.dma_semaphore, #tpu.memory_space<semaphore_mem>>
      %dma_start3A_1426 = arith.constant 0 : i32
      %dma_start3A_1427 = tpu.memref_slice %arg12[%add3A_167, %dma_start3A_1426] : memref<10240x64xf32, #tpu.memory_space<vmem_shared>> -> memref<64x64xf32, #tpu.memory_space<vmem_shared>>
      %dma_start3A_1428 = arith.constant 0 : i32
      %dma_start3A_1429 = tpu.memref_slice %arg12[%add3A_167, %dma_start3A_1428] : memref<10240x64xf32, #tpu.memory_space<vmem_shared>> -> memref<64x64xf32, #tpu.memory_space<vmem_shared>>
      tpu.enqueue_dma source(%arg10 : memref<64x64xf32, #tpu.memory_space<vmem>>) target(%dma_start3A_1429 : memref<64x64xf32, #tpu.memory_space<vmem_shared>>) target_semaphore(%run_scoped3A : memref<!tpu.dma_semaphore, #tpu.memory_space<semaphore_mem>>)
      %dma_wait3A_1430 = arith.constant 0 : i32
      %dma_wait3A_1431 = tpu.memref_slice %arg12[%add3A_167, %dma_wait3A_1430] : memref<10240x64xf32, #tpu.memory_space<vmem_shared>> -> memref<64x64xf32, #tpu.memory_space<vmem_shared>>
      %dma_wait3A_1432 = arith.constant 0 : i32
      %dma_wait3A_1433 = tpu.memref_slice %arg12[%add3A_167, %dma_wait3A_1432] : memref<10240x64xf32, #tpu.memory_space<vmem_shared>> -> memref<64x64xf32, #tpu.memory_space<vmem_shared>>
      tpu.wait_dma2 semaphore(%run_scoped3A : memref<!tpu.dma_semaphore, #tpu.memory_space<semaphore_mem>>) src(%arg10 : memref<64x64xf32, #tpu.memory_space<vmem>>) dst(%dma_wait3A_1433 : memref<64x64xf32, #tpu.memory_space<vmem_shared>>)
      tpu.yield
    }) : () -> ()
    %add3A_168 = arith.constant 64 : i32
    %add3A_169 = arith.addi %mul3A_166, %add3A_168 : i32
    "tpu.region"() ({
      %run_scoped3A = tpu.sem_alloc : memref<!tpu.dma_semaphore, #tpu.memory_space<semaphore_mem>>
      %dma_start3A_1426 = arith.constant 0 : i32
      %dma_start3A_1427 = tpu.memref_slice %arg12[%add3A_169, %dma_start3A_1426] : memref<10240x64xf32, #tpu.memory_space<vmem_shared>> -> memref<64x64xf32, #tpu.memory_space<vmem_shared>>
      %dma_start3A_1428 = arith.constant 0 : i32
      %dma_start3A_1429 = tpu.memref_slice %arg12[%add3A_169, %dma_start3A_1428] : memref<10240x64xf32, #tpu.memory_space<vmem_shared>> -> memref<64x64xf32, #tpu.memory_space<vmem_shared>>
      tpu.enqueue_dma source(%arg10 : memref<64x64xf32, #tpu.memory_space<vmem>>) target(%dma_start3A_1429 : memref<64x64xf32, #tpu.memory_space<vmem_shared>>) target_semaphore(%run_scoped3A : memref<!tpu.dma_semaphore, #tpu.memory_space<semaphore_mem>>)
      %dma_wait3A_1430 = arith.constant 0 : i32
      %dma_wait3A_1431 = tpu.memref_slice %arg12[%add3A_169, %dma_wait3A_1430] : memref<10240x64xf32, #tpu.memory_space<vmem_shared>> -> memref<64x64xf32, #tpu.memory_space<vmem_shared>>
      %dma_wait3A_1432 = arith.constant 0 : i32
      %dma_wait3A_1433 = tpu.memref_slice %arg12[%add3A_169, %dma_wait3A_1432] : memref<10240x64xf32, #tpu.memory_space<vmem_shared>> -> memref<64x64xf32, #tpu.memory_space<vmem_shared>>
      tpu.wait_dma2 semaphore(%run_scoped3A : memref<!tpu.dma_semaphore, #tpu.memory_space<semaphore_mem>>) src(%arg10 : memref<64x64xf32, #tpu.memory_space<vmem>>) dst(%dma_wait3A_1433 : memref<64x64xf32, #tpu.memory_space<vmem_shared>>)
      tpu.yield
    }) : () -> ()
    %add3A_170 = arith.constant 128 : i32
    %add3A_171 = arith.addi %mul3A_166, %add3A_170 : i32
    "tpu.region"() ({
      %run_scoped3A = tpu.sem_alloc : memref<!tpu.dma_semaphore, #tpu.memory_space<semaphore_mem>>
      %dma_start3A_1426 = arith.constant 0 : i32
      %dma_start3A_1427 = tpu.memref_slice %arg12[%add3A_171, %dma_start3A_1426] : memref<10240x64xf32, #tpu.memory_space<vmem_shared>> -> memref<64x64xf32, #tpu.memory_space<vmem_shared>>
      %dma_start3A_1428 = arith.constant 0 : i32
      %dma_start3A_1429 = tpu.memref_slice %arg12[%add3A_171, %dma_start3A_1428] : memref<10240x64xf32, #tpu.memory_space<vmem_shared>> -> memref<64x64xf32, #tpu.memory_space<vmem_shared>>
      tpu.enqueue_dma source(%arg10 : memref<64x64xf32, #tpu.memory_space<vmem>>) target(%dma_start3A_1429 : memref<64x64xf32, #tpu.memory_space<vmem_shared>>) target_semaphore(%run_scoped3A : memref<!tpu.dma_semaphore, #tpu.memory_space<semaphore_mem>>)
      %dma_wait3A_1430 = arith.constant 0 : i32
      %dma_wait3A_1431 = tpu.memref_slice %arg12[%add3A_171, %dma_wait3A_1430] : memref<10240x64xf32, #tpu.memory_space<vmem_shared>> -> memref<64x64xf32, #tpu.memory_space<vmem_shared>>
      %dma_wait3A_1432 = arith.constant 0 : i32
      %dma_wait3A_1433 = tpu.memref_slice %arg12[%add3A_171, %dma_wait3A_1432] : memref<10240x64xf32, #tpu.memory_space<vmem_shared>> -> memref<64x64xf32, #tpu.memory_space<vmem_shared>>
      tpu.wait_dma2 semaphore(%run_scoped3A : memref<!tpu.dma_semaphore, #tpu.memory_space<semaphore_mem>>) src(%arg10 : memref<64x64xf32, #tpu.memory_space<vmem>>) dst(%dma_wait3A_1433 : memref<64x64xf32, #tpu.memory_space<vmem_shared>>)
      tpu.yield
    }) : () -> ()
    %add3A_172 = arith.constant 192 : i32
    %add3A_173 = arith.addi %mul3A_166, %add3A_172 : i32
    "tpu.region"() ({
      %run_scoped3A = tpu.sem_alloc : memref<!tpu.dma_semaphore, #tpu.memory_space<semaphore_mem>>
      %dma_start3A_1426 = arith.constant 0 : i32
      %dma_start3A_1427 = tpu.memref_slice %arg12[%add3A_173, %dma_start3A_1426] : memref<10240x64xf32, #tpu.memory_space<vmem_shared>> -> memref<64x64xf32, #tpu.memory_space<vmem_shared>>
      %dma_start3A_1428 = arith.constant 0 : i32
      %dma_start3A_1429 = tpu.memref_slice %arg12[%add3A_173, %dma_start3A_1428] : memref<10240x64xf32, #tpu.memory_space<vmem_shared>> -> memref<64x64xf32, #tpu.memory_space<vmem_shared>>
      tpu.enqueue_dma source(%arg10 : memref<64x64xf32, #tpu.memory_space<vmem>>) target(%dma_start3A_1429 : memref<64x64xf32, #tpu.memory_space<vmem_shared>>) target_semaphore(%run_scoped3A : memref<!tpu.dma_semaphore, #tpu.memory_space<semaphore_mem>>)
      %dma_wait3A_1430 = arith.constant 0 : i32
      %dma_wait3A_1431 = tpu.memref_slice %arg12[%add3A_173, %dma_wait3A_1430] : memref<10240x64xf32, #tpu.memory_space<vmem_shared>> -> memref<64x64xf32, #tpu.memory_space<vmem_shared>>
      %dma_wait3A_1432 = arith.constant 0 : i32
      %dma_wait3A_1433 = tpu.memref_slice %arg12[%add3A_173, %dma_wait3A_1432] : memref<10240x64xf32, #tpu.memory_space<vmem_shared>> -> memref<64x64xf32, #tpu.memory_space<vmem_shared>>
      tpu.wait_dma2 semaphore(%run_scoped3A : memref<!tpu.dma_semaphore, #tpu.memory_space<semaphore_mem>>) src(%arg10 : memref<64x64xf32, #tpu.memory_space<vmem>>) dst(%dma_wait3A_1433 : memref<64x64xf32, #tpu.memory_space<vmem_shared>>)
      tpu.yield
    }) : () -> ()
    %add3A_174 = arith.constant 256 : i32
    %add3A_175 = arith.addi %mul3A_166, %add3A_174 : i32
    "tpu.region"() ({
      %run_scoped3A = tpu.sem_alloc : memref<!tpu.dma_semaphore, #tpu.memory_space<semaphore_mem>>
      %dma_start3A_1426 = arith.constant 0 : i32
      %dma_start3A_1427 = tpu.memref_slice %arg12[%add3A_175, %dma_start3A_1426] : memref<10240x64xf32, #tpu.memory_space<vmem_shared>> -> memref<64x64xf32, #tpu.memory_space<vmem_shared>>
      %dma_start3A_1428 = arith.constant 0 : i32
      %dma_start3A_1429 = tpu.memref_slice %arg12[%add3A_175, %dma_start3A_1428] : memref<10240x64xf32, #tpu.memory_space<vmem_shared>> -> memref<64x64xf32, #tpu.memory_space<vmem_shared>>
      tpu.enqueue_dma source(%arg10 : memref<64x64xf32, #tpu.memory_space<vmem>>) target(%dma_start3A_1429 : memref<64x64xf32, #tpu.memory_space<vmem_shared>>) target_semaphore(%run_scoped3A : memref<!tpu.dma_semaphore, #tpu.memory_space<semaphore_mem>>)
      %dma_wait3A_1430 = arith.constant 0 : i32
      %dma_wait3A_1431 = tpu.memref_slice %arg12[%add3A_175, %dma_wait3A_1430] : memref<10240x64xf32, #tpu.memory_space<vmem_shared>> -> memref<64x64xf32, #tpu.memory_space<vmem_shared>>
      %dma_wait3A_1432 = arith.constant 0 : i32
      %dma_wait3A_1433 = tpu.memref_slice %arg12[%add3A_175, %dma_wait3A_1432] : memref<10240x64xf32, #tpu.memory_space<vmem_shared>> -> memref<64x64xf32, #tpu.memory_space<vmem_shared>>
      tpu.wait_dma2 semaphore(%run_scoped3A : memref<!tpu.dma_semaphore, #tpu.memory_space<semaphore_mem>>) src(%arg10 : memref<64x64xf32, #tpu.memory_space<vmem>>) dst(%dma_wait3A_1433 : memref<64x64xf32, #tpu.memory_space<vmem_shared>>)
      tpu.yield
    }) : () -> ()
    %add3A_176 = arith.constant 320 : i32
    %add3A_177 = arith.addi %mul3A_166, %add3A_176 : i32
    "tpu.region"() ({
      %run_scoped3A = tpu.sem_alloc : memref<!tpu.dma_semaphore, #tpu.memory_space<semaphore_mem>>
      %dma_start3A_1426 = arith.constant 0 : i32
      %dma_start3A_1427 = tpu.memref_slice %arg12[%add3A_177, %dma_start3A_1426] : memref<10240x64xf32, #tpu.memory_space<vmem_shared>> -> memref<64x64xf32, #tpu.memory_space<vmem_shared>>
      %dma_start3A_1428 = arith.constant 0 : i32
      %dma_start3A_1429 = tpu.memref_slice %arg12[%add3A_177, %dma_start3A_1428] : memref<10240x64xf32, #tpu.memory_space<vmem_shared>> -> memref<64x64xf32, #tpu.memory_space<vmem_shared>>
      tpu.enqueue_dma source(%arg10 : memref<64x64xf32, #tpu.memory_space<vmem>>) target(%dma_start3A_1429 : memref<64x64xf32, #tpu.memory_space<vmem_shared>>) target_semaphore(%run_scoped3A : memref<!tpu.dma_semaphore, #tpu.memory_space<semaphore_mem>>)
      %dma_wait3A_1430 = arith.constant 0 : i32
      %dma_wait3A_1431 = tpu.memref_slice %arg12[%add3A_177, %dma_wait3A_1430] : memref<10240x64xf32, #tpu.memory_space<vmem_shared>> -> memref<64x64xf32, #tpu.memory_space<vmem_shared>>
      %dma_wait3A_1432 = arith.constant 0 : i32
      %dma_wait3A_1433 = tpu.memref_slice %arg12[%add3A_177, %dma_wait3A_1432] : memref<10240x64xf32, #tpu.memory_space<vmem_shared>> -> memref<64x64xf32, #tpu.memory_space<vmem_shared>>
      tpu.wait_dma2 semaphore(%run_scoped3A : memref<!tpu.dma_semaphore, #tpu.memory_space<semaphore_mem>>) src(%arg10 : memref<64x64xf32, #tpu.memory_space<vmem>>) dst(%dma_wait3A_1433 : memref<64x64xf32, #tpu.memory_space<vmem_shared>>)
      tpu.yield
    }) : () -> ()
    %add3A_178 = arith.constant 384 : i32
    %add3A_179 = arith.addi %mul3A_166, %add3A_178 : i32
    "tpu.region"() ({
      %run_scoped3A = tpu.sem_alloc : memref<!tpu.dma_semaphore, #tpu.memory_space<semaphore_mem>>
      %dma_start3A_1426 = arith.constant 0 : i32
      %dma_start3A_1427 = tpu.memref_slice %arg12[%add3A_179, %dma_start3A_1426] : memref<10240x64xf32, #tpu.memory_space<vmem_shared>> -> memref<64x64xf32, #tpu.memory_space<vmem_shared>>
      %dma_start3A_1428 = arith.constant 0 : i32
      %dma_start3A_1429 = tpu.memref_slice %arg12[%add3A_179, %dma_start3A_1428] : memref<10240x64xf32, #tpu.memory_space<vmem_shared>> -> memref<64x64xf32, #tpu.memory_space<vmem_shared>>
      tpu.enqueue_dma source(%arg10 : memref<64x64xf32, #tpu.memory_space<vmem>>) target(%dma_start3A_1429 : memref<64x64xf32, #tpu.memory_space<vmem_shared>>) target_semaphore(%run_scoped3A : memref<!tpu.dma_semaphore, #tpu.memory_space<semaphore_mem>>)
      %dma_wait3A_1430 = arith.constant 0 : i32
      %dma_wait3A_1431 = tpu.memref_slice %arg12[%add3A_179, %dma_wait3A_1430] : memref<10240x64xf32, #tpu.memory_space<vmem_shared>> -> memref<64x64xf32, #tpu.memory_space<vmem_shared>>
      %dma_wait3A_1432 = arith.constant 0 : i32
      %dma_wait3A_1433 = tpu.memref_slice %arg12[%add3A_179, %dma_wait3A_1432] : memref<10240x64xf32, #tpu.memory_space<vmem_shared>> -> memref<64x64xf32, #tpu.memory_space<vmem_shared>>
      tpu.wait_dma2 semaphore(%run_scoped3A : memref<!tpu.dma_semaphore, #tpu.memory_space<semaphore_mem>>) src(%arg10 : memref<64x64xf32, #tpu.memory_space<vmem>>) dst(%dma_wait3A_1433 : memref<64x64xf32, #tpu.memory_space<vmem_shared>>)
      tpu.yield
    }) : () -> ()
    %add3A_180 = arith.constant 448 : i32
    %add3A_181 = arith.addi %mul3A_166, %add3A_180 : i32
    "tpu.region"() ({
      %run_scoped3A = tpu.sem_alloc : memref<!tpu.dma_semaphore, #tpu.memory_space<semaphore_mem>>
      %dma_start3A_1426 = arith.constant 0 : i32
      %dma_start3A_1427 = tpu.memref_slice %arg12[%add3A_181, %dma_start3A_1426] : memref<10240x64xf32, #tpu.memory_space<vmem_shared>> -> memref<64x64xf32, #tpu.memory_space<vmem_shared>>
      %dma_start3A_1428 = arith.constant 0 : i32
      %dma_start3A_1429 = tpu.memref_slice %arg12[%add3A_181, %dma_start3A_1428] : memref<10240x64xf32, #tpu.memory_space<vmem_shared>> -> memref<64x64xf32, #tpu.memory_space<vmem_shared>>
      tpu.enqueue_dma source(%arg10 : memref<64x64xf32, #tpu.memory_space<vmem>>) target(%dma_start3A_1429 : memref<64x64xf32, #tpu.memory_space<vmem_shared>>) target_semaphore(%run_scoped3A : memref<!tpu.dma_semaphore, #tpu.memory_space<semaphore_mem>>)
      %dma_wait3A_1430 = arith.constant 0 : i32
      %dma_wait3A_1431 = tpu.memref_slice %arg12[%add3A_181, %dma_wait3A_1430] : memref<10240x64xf32, #tpu.memory_space<vmem_shared>> -> memref<64x64xf32, #tpu.memory_space<vmem_shared>>
      %dma_wait3A_1432 = arith.constant 0 : i32
      %dma_wait3A_1433 = tpu.memref_slice %arg12[%add3A_181, %dma_wait3A_1432] : memref<10240x64xf32, #tpu.memory_space<vmem_shared>> -> memref<64x64xf32, #tpu.memory_space<vmem_shared>>
      tpu.wait_dma2 semaphore(%run_scoped3A : memref<!tpu.dma_semaphore, #tpu.memory_space<semaphore_mem>>) src(%arg10 : memref<64x64xf32, #tpu.memory_space<vmem>>) dst(%dma_wait3A_1433 : memref<64x64xf32, #tpu.memory_space<vmem_shared>>)
      tpu.yield
    }) : () -> ()
    %add3A_182 = arith.constant 512 : i32
    %add3A_183 = arith.addi %mul3A_166, %add3A_182 : i32
    "tpu.region"() ({
      %run_scoped3A = tpu.sem_alloc : memref<!tpu.dma_semaphore, #tpu.memory_space<semaphore_mem>>
      %dma_start3A_1426 = arith.constant 0 : i32
      %dma_start3A_1427 = tpu.memref_slice %arg12[%add3A_183, %dma_start3A_1426] : memref<10240x64xf32, #tpu.memory_space<vmem_shared>> -> memref<64x64xf32, #tpu.memory_space<vmem_shared>>
      %dma_start3A_1428 = arith.constant 0 : i32
      %dma_start3A_1429 = tpu.memref_slice %arg12[%add3A_183, %dma_start3A_1428] : memref<10240x64xf32, #tpu.memory_space<vmem_shared>> -> memref<64x64xf32, #tpu.memory_space<vmem_shared>>
      tpu.enqueue_dma source(%arg10 : memref<64x64xf32, #tpu.memory_space<vmem>>) target(%dma_start3A_1429 : memref<64x64xf32, #tpu.memory_space<vmem_shared>>) target_semaphore(%run_scoped3A : memref<!tpu.dma_semaphore, #tpu.memory_space<semaphore_mem>>)
      %dma_wait3A_1430 = arith.constant 0 : i32
      %dma_wait3A_1431 = tpu.memref_slice %arg12[%add3A_183, %dma_wait3A_1430] : memref<10240x64xf32, #tpu.memory_space<vmem_shared>> -> memref<64x64xf32, #tpu.memory_space<vmem_shared>>
      %dma_wait3A_1432 = arith.constant 0 : i32
      %dma_wait3A_1433 = tpu.memref_slice %arg12[%add3A_183, %dma_wait3A_1432] : memref<10240x64xf32, #tpu.memory_space<vmem_shared>> -> memref<64x64xf32, #tpu.memory_space<vmem_shared>>
      tpu.wait_dma2 semaphore(%run_scoped3A : memref<!tpu.dma_semaphore, #tpu.memory_space<semaphore_mem>>) src(%arg10 : memref<64x64xf32, #tpu.memory_space<vmem>>) dst(%dma_wait3A_1433 : memref<64x64xf32, #tpu.memory_space<vmem_shared>>)
      tpu.yield
    }) : () -> ()
    %add3A_184 = arith.constant 576 : i32
    %add3A_185 = arith.addi %mul3A_166, %add3A_184 : i32
    "tpu.region"() ({
      %run_scoped3A = tpu.sem_alloc : memref<!tpu.dma_semaphore, #tpu.memory_space<semaphore_mem>>
      %dma_start3A_1426 = arith.constant 0 : i32
      %dma_start3A_1427 = tpu.memref_slice %arg12[%add3A_185, %dma_start3A_1426] : memref<10240x64xf32, #tpu.memory_space<vmem_shared>> -> memref<64x64xf32, #tpu.memory_space<vmem_shared>>
      %dma_start3A_1428 = arith.constant 0 : i32
      %dma_start3A_1429 = tpu.memref_slice %arg12[%add3A_185, %dma_start3A_1428] : memref<10240x64xf32, #tpu.memory_space<vmem_shared>> -> memref<64x64xf32, #tpu.memory_space<vmem_shared>>
      tpu.enqueue_dma source(%arg10 : memref<64x64xf32, #tpu.memory_space<vmem>>) target(%dma_start3A_1429 : memref<64x64xf32, #tpu.memory_space<vmem_shared>>) target_semaphore(%run_scoped3A : memref<!tpu.dma_semaphore, #tpu.memory_space<semaphore_mem>>)
      %dma_wait3A_1430 = arith.constant 0 : i32
      %dma_wait3A_1431 = tpu.memref_slice %arg12[%add3A_185, %dma_wait3A_1430] : memref<10240x64xf32, #tpu.memory_space<vmem_shared>> -> memref<64x64xf32, #tpu.memory_space<vmem_shared>>
      %dma_wait3A_1432 = arith.constant 0 : i32
      %dma_wait3A_1433 = tpu.memref_slice %arg12[%add3A_185, %dma_wait3A_1432] : memref<10240x64xf32, #tpu.memory_space<vmem_shared>> -> memref<64x64xf32, #tpu.memory_space<vmem_shared>>
      tpu.wait_dma2 semaphore(%run_scoped3A : memref<!tpu.dma_semaphore, #tpu.memory_space<semaphore_mem>>) src(%arg10 : memref<64x64xf32, #tpu.memory_space<vmem>>) dst(%dma_wait3A_1433 : memref<64x64xf32, #tpu.memory_space<vmem_shared>>)
      tpu.yield
    }) : () -> ()
    "tpu.region"() ({
      %run_scoped3A = tpu.sem_alloc : memref<!tpu.dma_semaphore, #tpu.memory_space<semaphore_mem>>
      %dma_start3A_1426 = tpu.memref_slice %arg13[%mul3A_166] : memref<10240xf32, #tpu.memory_space<vmem_shared>> -> memref<640xf32, #tpu.memory_space<vmem_shared>>
      %dma_start3A_1427 = tpu.memref_slice %arg13[%mul3A_166] : memref<10240xf32, #tpu.memory_space<vmem_shared>> -> memref<640xf32, #tpu.memory_space<vmem_shared>>
      tpu.enqueue_dma source(%arg11 : memref<640xf32, #tpu.memory_space<vmem>>) target(%dma_start3A_1427 : memref<640xf32, #tpu.memory_space<vmem_shared>>) target_semaphore(%run_scoped3A : memref<!tpu.dma_semaphore, #tpu.memory_space<semaphore_mem>>)
      %dma_wait3A_1428 = tpu.memref_slice %arg13[%mul3A_166] : memref<10240xf32, #tpu.memory_space<vmem_shared>> -> memref<640xf32, #tpu.memory_space<vmem_shared>>
      %dma_wait3A_1429 = tpu.memref_slice %arg13[%mul3A_166] : memref<10240xf32, #tpu.memory_space<vmem_shared>> -> memref<640xf32, #tpu.memory_space<vmem_shared>>
      tpu.wait_dma2 semaphore(%run_scoped3A : memref<!tpu.dma_semaphore, #tpu.memory_space<semaphore_mem>>) src(%arg11 : memref<640xf32, #tpu.memory_space<vmem>>) dst(%dma_wait3A_1429 : memref<640xf32, #tpu.memory_space<vmem_shared>>)
      tpu.yield
    }) : () -> ()
    %barrier3A = arith.constant 0 : index
    tpu.barrier barrier_id(%barrier3A)
    %mul3A_186 = arith.constant 160 : i32
    %mul3A_187 = arith.muli %arg1, %mul3A_186 : i32
    %add3A_188 = arith.constant 0 : i32
    %add3A_189 = arith.addi %mul3A_187, %add3A_188 : i32
    %dma_start3A = arith.constant 0 : i32
    %dma_start3A_190 = arith.constant 0 : i32
    %dma_start3A_191 = arith.constant 0 : i32
    %dma_start3A_192 = arith.constant 0 : i32
    %dma_start3A_193 = tpu.memref_slice %arg7[%dma_start3A, %dma_start3A_191, %dma_start3A_192] : memref<10x2x128xi32, #tpu.memory_space<vmem>> -> memref<1x2x128xi32, #tpu.memory_space<vmem>>
    %dma_start3A_194 = tpu.memref_squeeze %dma_start3A_193 : memref<1x2x128xi32, #tpu.memory_space<vmem>> -> memref<2x128xi32, #tpu.memory_space<vmem>>
    %dma_start3A_195 = arith.constant 0 : i32
    %dma_start3A_196 = arith.constant 0 : i32
    %dma_start3A_197 = tpu.memref_slice %arg4[%arg0, %add3A_189, %dma_start3A_195, %dma_start3A_196] : memref<2x2560x2x128xi32, #tpu.memory_space<hbm>> -> memref<1x1x2x128xi32, #tpu.memory_space<hbm>>
    %dma_start3A_198 = tpu.memref_squeeze %dma_start3A_197 : memref<1x1x2x128xi32, #tpu.memory_space<hbm>> -> memref<2x128xi32, #tpu.memory_space<hbm>>
    %dma_start3A_199 = tpu.memref_slice %arg16[%dma_start3A_190] : memref<10x!tpu.dma_semaphore, #tpu.memory_space<semaphore_mem>> -> memref<1x!tpu.dma_semaphore, #tpu.memory_space<semaphore_mem>>
    %dma_start3A_200 = tpu.memref_squeeze %dma_start3A_199 : memref<1x!tpu.dma_semaphore, #tpu.memory_space<semaphore_mem>> -> memref<!tpu.dma_semaphore, #tpu.memory_space<semaphore_mem>>
    %dma_start3A_201 = arith.constant 0 : i32
    %dma_start3A_202 = arith.constant 0 : i32
    %dma_start3A_203 = tpu.memref_slice %arg7[%dma_start3A, %dma_start3A_201, %dma_start3A_202] : memref<10x2x128xi32, #tpu.memory_space<vmem>> -> memref<1x2x128xi32, #tpu.memory_space<vmem>>
    %dma_start3A_204 = tpu.memref_squeeze %dma_start3A_203 : memref<1x2x128xi32, #tpu.memory_space<vmem>> -> memref<2x128xi32, #tpu.memory_space<vmem>>
    %dma_start3A_205 = arith.constant 0 : i32
    %dma_start3A_206 = arith.constant 0 : i32
    %dma_start3A_207 = tpu.memref_slice %arg4[%arg0, %add3A_189, %dma_start3A_205, %dma_start3A_206] : memref<2x2560x2x128xi32, #tpu.memory_space<hbm>> -> memref<1x1x2x128xi32, #tpu.memory_space<hbm>>
    %dma_start3A_208 = tpu.memref_squeeze %dma_start3A_207 : memref<1x1x2x128xi32, #tpu.memory_space<hbm>> -> memref<2x128xi32, #tpu.memory_space<hbm>>
    tpu.enqueue_dma source(%dma_start3A_208 : memref<2x128xi32, #tpu.memory_space<hbm>>) target(%dma_start3A_204 : memref<2x128xi32, #tpu.memory_space<vmem>>) target_semaphore(%dma_start3A_200 : memref<!tpu.dma_semaphore, #tpu.memory_space<semaphore_mem>>)
    %add3A_209 = arith.constant 1 : i32
    %add3A_210 = arith.addi %mul3A_187, %add3A_209 : i32
    %dma_start3A_211 = arith.constant 1 : i32
    %dma_start3A_212 = arith.constant 1 : i32
    %dma_start3A_213 = arith.constant 0 : i32
    %dma_start3A_214 = arith.constant 0 : i32
    %dma_start3A_215 = tpu.memref_slice %arg7[%dma_start3A_211, %dma_start3A_213, %dma_start3A_214] : memref<10x2x128xi32, #tpu.memory_space<vmem>> -> memref<1x2x128xi32, #tpu.memory_space<vmem>>
    %dma_start3A_216 = tpu.memref_squeeze %dma_start3A_215 : memref<1x2x128xi32, #tpu.memory_space<vmem>> -> memref<2x128xi32, #tpu.memory_space<vmem>>
    %dma_start3A_217 = arith.constant 0 : i32
    %dma_start3A_218 = arith.constant 0 : i32
    %dma_start3A_219 = tpu.memref_slice %arg4[%arg0, %add3A_210, %dma_start3A_217, %dma_start3A_218] : memref<2x2560x2x128xi32, #tpu.memory_space<hbm>> -> memref<1x1x2x128xi32, #tpu.memory_space<hbm>>
    %dma_start3A_220 = tpu.memref_squeeze %dma_start3A_219 : memref<1x1x2x128xi32, #tpu.memory_space<hbm>> -> memref<2x128xi32, #tpu.memory_space<hbm>>
    %dma_start3A_221 = tpu.memref_slice %arg16[%dma_start3A_212] : memref<10x!tpu.dma_semaphore, #tpu.memory_space<semaphore_mem>> -> memref<1x!tpu.dma_semaphore, #tpu.memory_space<semaphore_mem>>
    %dma_start3A_222 = tpu.memref_squeeze %dma_start3A_221 : memref<1x!tpu.dma_semaphore, #tpu.memory_space<semaphore_mem>> -> memref<!tpu.dma_semaphore, #tpu.memory_space<semaphore_mem>>
    %dma_start3A_223 = arith.constant 0 : i32
    %dma_start3A_224 = arith.constant 0 : i32
    %dma_start3A_225 = tpu.memref_slice %arg7[%dma_start3A_211, %dma_start3A_223, %dma_start3A_224] : memref<10x2x128xi32, #tpu.memory_space<vmem>> -> memref<1x2x128xi32, #tpu.memory_space<vmem>>
    %dma_start3A_226 = tpu.memref_squeeze %dma_start3A_225 : memref<1x2x128xi32, #tpu.memory_space<vmem>> -> memref<2x128xi32, #tpu.memory_space<vmem>>
    %dma_start3A_227 = arith.constant 0 : i32
    %dma_start3A_228 = arith.constant 0 : i32
    %dma_start3A_229 = tpu.memref_slice %arg4[%arg0, %add3A_210, %dma_start3A_227, %dma_start3A_228] : memref<2x2560x2x128xi32, #tpu.memory_space<hbm>> -> memref<1x1x2x128xi32, #tpu.memory_space<hbm>>
    %dma_start3A_230 = tpu.memref_squeeze %dma_start3A_229 : memref<1x1x2x128xi32, #tpu.memory_space<hbm>> -> memref<2x128xi32, #tpu.memory_space<hbm>>
    tpu.enqueue_dma source(%dma_start3A_230 : memref<2x128xi32, #tpu.memory_space<hbm>>) target(%dma_start3A_226 : memref<2x128xi32, #tpu.memory_space<vmem>>) target_semaphore(%dma_start3A_222 : memref<!tpu.dma_semaphore, #tpu.memory_space<semaphore_mem>>)
    %add3A_231 = arith.constant 2 : i32
    %add3A_232 = arith.addi %mul3A_187, %add3A_231 : i32
    %dma_start3A_233 = arith.constant 2 : i32
    %dma_start3A_234 = arith.constant 2 : i32
    %dma_start3A_235 = arith.constant 0 : i32
    %dma_start3A_236 = arith.constant 0 : i32
    %dma_start3A_237 = tpu.memref_slice %arg7[%dma_start3A_233, %dma_start3A_235, %dma_start3A_236] : memref<10x2x128xi32, #tpu.memory_space<vmem>> -> memref<1x2x128xi32, #tpu.memory_space<vmem>>
    %dma_start3A_238 = tpu.memref_squeeze %dma_start3A_237 : memref<1x2x128xi32, #tpu.memory_space<vmem>> -> memref<2x128xi32, #tpu.memory_space<vmem>>
    %dma_start3A_239 = arith.constant 0 : i32
    %dma_start3A_240 = arith.constant 0 : i32
    %dma_start3A_241 = tpu.memref_slice %arg4[%arg0, %add3A_232, %dma_start3A_239, %dma_start3A_240] : memref<2x2560x2x128xi32, #tpu.memory_space<hbm>> -> memref<1x1x2x128xi32, #tpu.memory_space<hbm>>
    %dma_start3A_242 = tpu.memref_squeeze %dma_start3A_241 : memref<1x1x2x128xi32, #tpu.memory_space<hbm>> -> memref<2x128xi32, #tpu.memory_space<hbm>>
    %dma_start3A_243 = tpu.memref_slice %arg16[%dma_start3A_234] : memref<10x!tpu.dma_semaphore, #tpu.memory_space<semaphore_mem>> -> memref<1x!tpu.dma_semaphore, #tpu.memory_space<semaphore_mem>>
    %dma_start3A_244 = tpu.memref_squeeze %dma_start3A_243 : memref<1x!tpu.dma_semaphore, #tpu.memory_space<semaphore_mem>> -> memref<!tpu.dma_semaphore, #tpu.memory_space<semaphore_mem>>
    %dma_start3A_245 = arith.constant 0 : i32
    %dma_start3A_246 = arith.constant 0 : i32
    %dma_start3A_247 = tpu.memref_slice %arg7[%dma_start3A_233, %dma_start3A_245, %dma_start3A_246] : memref<10x2x128xi32, #tpu.memory_space<vmem>> -> memref<1x2x128xi32, #tpu.memory_space<vmem>>
    %dma_start3A_248 = tpu.memref_squeeze %dma_start3A_247 : memref<1x2x128xi32, #tpu.memory_space<vmem>> -> memref<2x128xi32, #tpu.memory_space<vmem>>
    %dma_start3A_249 = arith.constant 0 : i32
    %dma_start3A_250 = arith.constant 0 : i32
    %dma_start3A_251 = tpu.memref_slice %arg4[%arg0, %add3A_232, %dma_start3A_249, %dma_start3A_250] : memref<2x2560x2x128xi32, #tpu.memory_space<hbm>> -> memref<1x1x2x128xi32, #tpu.memory_space<hbm>>
    %dma_start3A_252 = tpu.memref_squeeze %dma_start3A_251 : memref<1x1x2x128xi32, #tpu.memory_space<hbm>> -> memref<2x128xi32, #tpu.memory_space<hbm>>
    tpu.enqueue_dma source(%dma_start3A_252 : memref<2x128xi32, #tpu.memory_space<hbm>>) target(%dma_start3A_248 : memref<2x128xi32, #tpu.memory_space<vmem>>) target_semaphore(%dma_start3A_244 : memref<!tpu.dma_semaphore, #tpu.memory_space<semaphore_mem>>)
    %add3A_253 = arith.constant 3 : i32
    %add3A_254 = arith.addi %mul3A_187, %add3A_253 : i32
    %dma_start3A_255 = arith.constant 3 : i32
    %dma_start3A_256 = arith.constant 3 : i32
    %dma_start3A_257 = arith.constant 0 : i32
    %dma_start3A_258 = arith.constant 0 : i32
    %dma_start3A_259 = tpu.memref_slice %arg7[%dma_start3A_255, %dma_start3A_257, %dma_start3A_258] : memref<10x2x128xi32, #tpu.memory_space<vmem>> -> memref<1x2x128xi32, #tpu.memory_space<vmem>>
    %dma_start3A_260 = tpu.memref_squeeze %dma_start3A_259 : memref<1x2x128xi32, #tpu.memory_space<vmem>> -> memref<2x128xi32, #tpu.memory_space<vmem>>
    %dma_start3A_261 = arith.constant 0 : i32
    %dma_start3A_262 = arith.constant 0 : i32
    %dma_start3A_263 = tpu.memref_slice %arg4[%arg0, %add3A_254, %dma_start3A_261, %dma_start3A_262] : memref<2x2560x2x128xi32, #tpu.memory_space<hbm>> -> memref<1x1x2x128xi32, #tpu.memory_space<hbm>>
    %dma_start3A_264 = tpu.memref_squeeze %dma_start3A_263 : memref<1x1x2x128xi32, #tpu.memory_space<hbm>> -> memref<2x128xi32, #tpu.memory_space<hbm>>
    %dma_start3A_265 = tpu.memref_slice %arg16[%dma_start3A_256] : memref<10x!tpu.dma_semaphore, #tpu.memory_space<semaphore_mem>> -> memref<1x!tpu.dma_semaphore, #tpu.memory_space<semaphore_mem>>
    %dma_start3A_266 = tpu.memref_squeeze %dma_start3A_265 : memref<1x!tpu.dma_semaphore, #tpu.memory_space<semaphore_mem>> -> memref<!tpu.dma_semaphore, #tpu.memory_space<semaphore_mem>>
    %dma_start3A_267 = arith.constant 0 : i32
    %dma_start3A_268 = arith.constant 0 : i32
    %dma_start3A_269 = tpu.memref_slice %arg7[%dma_start3A_255, %dma_start3A_267, %dma_start3A_268] : memref<10x2x128xi32, #tpu.memory_space<vmem>> -> memref<1x2x128xi32, #tpu.memory_space<vmem>>
    %dma_start3A_270 = tpu.memref_squeeze %dma_start3A_269 : memref<1x2x128xi32, #tpu.memory_space<vmem>> -> memref<2x128xi32, #tpu.memory_space<vmem>>
    %dma_start3A_271 = arith.constant 0 : i32
    %dma_start3A_272 = arith.constant 0 : i32
    %dma_start3A_273 = tpu.memref_slice %arg4[%arg0, %add3A_254, %dma_start3A_271, %dma_start3A_272] : memref<2x2560x2x128xi32, #tpu.memory_space<hbm>> -> memref<1x1x2x128xi32, #tpu.memory_space<hbm>>
    %dma_start3A_274 = tpu.memref_squeeze %dma_start3A_273 : memref<1x1x2x128xi32, #tpu.memory_space<hbm>> -> memref<2x128xi32, #tpu.memory_space<hbm>>
    tpu.enqueue_dma source(%dma_start3A_274 : memref<2x128xi32, #tpu.memory_space<hbm>>) target(%dma_start3A_270 : memref<2x128xi32, #tpu.memory_space<vmem>>) target_semaphore(%dma_start3A_266 : memref<!tpu.dma_semaphore, #tpu.memory_space<semaphore_mem>>)
    %add3A_275 = arith.constant 4 : i32
    %add3A_276 = arith.addi %mul3A_187, %add3A_275 : i32
    %dma_start3A_277 = arith.constant 4 : i32
    %dma_start3A_278 = arith.constant 4 : i32
    %dma_start3A_279 = arith.constant 0 : i32
    %dma_start3A_280 = arith.constant 0 : i32
    %dma_start3A_281 = tpu.memref_slice %arg7[%dma_start3A_277, %dma_start3A_279, %dma_start3A_280] : memref<10x2x128xi32, #tpu.memory_space<vmem>> -> memref<1x2x128xi32, #tpu.memory_space<vmem>>
    %dma_start3A_282 = tpu.memref_squeeze %dma_start3A_281 : memref<1x2x128xi32, #tpu.memory_space<vmem>> -> memref<2x128xi32, #tpu.memory_space<vmem>>
    %dma_start3A_283 = arith.constant 0 : i32
    %dma_start3A_284 = arith.constant 0 : i32
    %dma_start3A_285 = tpu.memref_slice %arg4[%arg0, %add3A_276, %dma_start3A_283, %dma_start3A_284] : memref<2x2560x2x128xi32, #tpu.memory_space<hbm>> -> memref<1x1x2x128xi32, #tpu.memory_space<hbm>>
    %dma_start3A_286 = tpu.memref_squeeze %dma_start3A_285 : memref<1x1x2x128xi32, #tpu.memory_space<hbm>> -> memref<2x128xi32, #tpu.memory_space<hbm>>
    %dma_start3A_287 = tpu.memref_slice %arg16[%dma_start3A_278] : memref<10x!tpu.dma_semaphore, #tpu.memory_space<semaphore_mem>> -> memref<1x!tpu.dma_semaphore, #tpu.memory_space<semaphore_mem>>
    %dma_start3A_288 = tpu.memref_squeeze %dma_start3A_287 : memref<1x!tpu.dma_semaphore, #tpu.memory_space<semaphore_mem>> -> memref<!tpu.dma_semaphore, #tpu.memory_space<semaphore_mem>>
    %dma_start3A_289 = arith.constant 0 : i32
    %dma_start3A_290 = arith.constant 0 : i32
    %dma_start3A_291 = tpu.memref_slice %arg7[%dma_start3A_277, %dma_start3A_289, %dma_start3A_290] : memref<10x2x128xi32, #tpu.memory_space<vmem>> -> memref<1x2x128xi32, #tpu.memory_space<vmem>>
    %dma_start3A_292 = tpu.memref_squeeze %dma_start3A_291 : memref<1x2x128xi32, #tpu.memory_space<vmem>> -> memref<2x128xi32, #tpu.memory_space<vmem>>
    %dma_start3A_293 = arith.constant 0 : i32
    %dma_start3A_294 = arith.constant 0 : i32
    %dma_start3A_295 = tpu.memref_slice %arg4[%arg0, %add3A_276, %dma_start3A_293, %dma_start3A_294] : memref<2x2560x2x128xi32, #tpu.memory_space<hbm>> -> memref<1x1x2x128xi32, #tpu.memory_space<hbm>>
    %dma_start3A_296 = tpu.memref_squeeze %dma_start3A_295 : memref<1x1x2x128xi32, #tpu.memory_space<hbm>> -> memref<2x128xi32, #tpu.memory_space<hbm>>
    tpu.enqueue_dma source(%dma_start3A_296 : memref<2x128xi32, #tpu.memory_space<hbm>>) target(%dma_start3A_292 : memref<2x128xi32, #tpu.memory_space<vmem>>) target_semaphore(%dma_start3A_288 : memref<!tpu.dma_semaphore, #tpu.memory_space<semaphore_mem>>)
    %add3A_297 = arith.constant 5 : i32
    %add3A_298 = arith.addi %mul3A_187, %add3A_297 : i32
    %dma_start3A_299 = arith.constant 5 : i32
    %dma_start3A_300 = arith.constant 5 : i32
    %dma_start3A_301 = arith.constant 0 : i32
    %dma_start3A_302 = arith.constant 0 : i32
    %dma_start3A_303 = tpu.memref_slice %arg7[%dma_start3A_299, %dma_start3A_301, %dma_start3A_302] : memref<10x2x128xi32, #tpu.memory_space<vmem>> -> memref<1x2x128xi32, #tpu.memory_space<vmem>>
    %dma_start3A_304 = tpu.memref_squeeze %dma_start3A_303 : memref<1x2x128xi32, #tpu.memory_space<vmem>> -> memref<2x128xi32, #tpu.memory_space<vmem>>
    %dma_start3A_305 = arith.constant 0 : i32
    %dma_start3A_306 = arith.constant 0 : i32
    %dma_start3A_307 = tpu.memref_slice %arg4[%arg0, %add3A_298, %dma_start3A_305, %dma_start3A_306] : memref<2x2560x2x128xi32, #tpu.memory_space<hbm>> -> memref<1x1x2x128xi32, #tpu.memory_space<hbm>>
    %dma_start3A_308 = tpu.memref_squeeze %dma_start3A_307 : memref<1x1x2x128xi32, #tpu.memory_space<hbm>> -> memref<2x128xi32, #tpu.memory_space<hbm>>
    %dma_start3A_309 = tpu.memref_slice %arg16[%dma_start3A_300] : memref<10x!tpu.dma_semaphore, #tpu.memory_space<semaphore_mem>> -> memref<1x!tpu.dma_semaphore, #tpu.memory_space<semaphore_mem>>
    %dma_start3A_310 = tpu.memref_squeeze %dma_start3A_309 : memref<1x!tpu.dma_semaphore, #tpu.memory_space<semaphore_mem>> -> memref<!tpu.dma_semaphore, #tpu.memory_space<semaphore_mem>>
    %dma_start3A_311 = arith.constant 0 : i32
    %dma_start3A_312 = arith.constant 0 : i32
    %dma_start3A_313 = tpu.memref_slice %arg7[%dma_start3A_299, %dma_start3A_311, %dma_start3A_312] : memref<10x2x128xi32, #tpu.memory_space<vmem>> -> memref<1x2x128xi32, #tpu.memory_space<vmem>>
    %dma_start3A_314 = tpu.memref_squeeze %dma_start3A_313 : memref<1x2x128xi32, #tpu.memory_space<vmem>> -> memref<2x128xi32, #tpu.memory_space<vmem>>
    %dma_start3A_315 = arith.constant 0 : i32
    %dma_start3A_316 = arith.constant 0 : i32
    %dma_start3A_317 = tpu.memref_slice %arg4[%arg0, %add3A_298, %dma_start3A_315, %dma_start3A_316] : memref<2x2560x2x128xi32, #tpu.memory_space<hbm>> -> memref<1x1x2x128xi32, #tpu.memory_space<hbm>>
    %dma_start3A_318 = tpu.memref_squeeze %dma_start3A_317 : memref<1x1x2x128xi32, #tpu.memory_space<hbm>> -> memref<2x128xi32, #tpu.memory_space<hbm>>
    tpu.enqueue_dma source(%dma_start3A_318 : memref<2x128xi32, #tpu.memory_space<hbm>>) target(%dma_start3A_314 : memref<2x128xi32, #tpu.memory_space<vmem>>) target_semaphore(%dma_start3A_310 : memref<!tpu.dma_semaphore, #tpu.memory_space<semaphore_mem>>)
    %add3A_319 = arith.constant 6 : i32
    %add3A_320 = arith.addi %mul3A_187, %add3A_319 : i32
    %dma_start3A_321 = arith.constant 6 : i32
    %dma_start3A_322 = arith.constant 6 : i32
    %dma_start3A_323 = arith.constant 0 : i32
    %dma_start3A_324 = arith.constant 0 : i32
    %dma_start3A_325 = tpu.memref_slice %arg7[%dma_start3A_321, %dma_start3A_323, %dma_start3A_324] : memref<10x2x128xi32, #tpu.memory_space<vmem>> -> memref<1x2x128xi32, #tpu.memory_space<vmem>>
    %dma_start3A_326 = tpu.memref_squeeze %dma_start3A_325 : memref<1x2x128xi32, #tpu.memory_space<vmem>> -> memref<2x128xi32, #tpu.memory_space<vmem>>
    %dma_start3A_327 = arith.constant 0 : i32
    %dma_start3A_328 = arith.constant 0 : i32
    %dma_start3A_329 = tpu.memref_slice %arg4[%arg0, %add3A_320, %dma_start3A_327, %dma_start3A_328] : memref<2x2560x2x128xi32, #tpu.memory_space<hbm>> -> memref<1x1x2x128xi32, #tpu.memory_space<hbm>>
    %dma_start3A_330 = tpu.memref_squeeze %dma_start3A_329 : memref<1x1x2x128xi32, #tpu.memory_space<hbm>> -> memref<2x128xi32, #tpu.memory_space<hbm>>
    %dma_start3A_331 = tpu.memref_slice %arg16[%dma_start3A_322] : memref<10x!tpu.dma_semaphore, #tpu.memory_space<semaphore_mem>> -> memref<1x!tpu.dma_semaphore, #tpu.memory_space<semaphore_mem>>
    %dma_start3A_332 = tpu.memref_squeeze %dma_start3A_331 : memref<1x!tpu.dma_semaphore, #tpu.memory_space<semaphore_mem>> -> memref<!tpu.dma_semaphore, #tpu.memory_space<semaphore_mem>>
    %dma_start3A_333 = arith.constant 0 : i32
    %dma_start3A_334 = arith.constant 0 : i32
    %dma_start3A_335 = tpu.memref_slice %arg7[%dma_start3A_321, %dma_start3A_333, %dma_start3A_334] : memref<10x2x128xi32, #tpu.memory_space<vmem>> -> memref<1x2x128xi32, #tpu.memory_space<vmem>>
    %dma_start3A_336 = tpu.memref_squeeze %dma_start3A_335 : memref<1x2x128xi32, #tpu.memory_space<vmem>> -> memref<2x128xi32, #tpu.memory_space<vmem>>
    %dma_start3A_337 = arith.constant 0 : i32
    %dma_start3A_338 = arith.constant 0 : i32
    %dma_start3A_339 = tpu.memref_slice %arg4[%arg0, %add3A_320, %dma_start3A_337, %dma_start3A_338] : memref<2x2560x2x128xi32, #tpu.memory_space<hbm>> -> memref<1x1x2x128xi32, #tpu.memory_space<hbm>>
    %dma_start3A_340 = tpu.memref_squeeze %dma_start3A_339 : memref<1x1x2x128xi32, #tpu.memory_space<hbm>> -> memref<2x128xi32, #tpu.memory_space<hbm>>
    tpu.enqueue_dma source(%dma_start3A_340 : memref<2x128xi32, #tpu.memory_space<hbm>>) target(%dma_start3A_336 : memref<2x128xi32, #tpu.memory_space<vmem>>) target_semaphore(%dma_start3A_332 : memref<!tpu.dma_semaphore, #tpu.memory_space<semaphore_mem>>)
    %add3A_341 = arith.constant 7 : i32
    %add3A_342 = arith.addi %mul3A_187, %add3A_341 : i32
    %dma_start3A_343 = arith.constant 7 : i32
    %dma_start3A_344 = arith.constant 7 : i32
    %dma_start3A_345 = arith.constant 0 : i32
    %dma_start3A_346 = arith.constant 0 : i32
    %dma_start3A_347 = tpu.memref_slice %arg7[%dma_start3A_343, %dma_start3A_345, %dma_start3A_346] : memref<10x2x128xi32, #tpu.memory_space<vmem>> -> memref<1x2x128xi32, #tpu.memory_space<vmem>>
    %dma_start3A_348 = tpu.memref_squeeze %dma_start3A_347 : memref<1x2x128xi32, #tpu.memory_space<vmem>> -> memref<2x128xi32, #tpu.memory_space<vmem>>
    %dma_start3A_349 = arith.constant 0 : i32
    %dma_start3A_350 = arith.constant 0 : i32
    %dma_start3A_351 = tpu.memref_slice %arg4[%arg0, %add3A_342, %dma_start3A_349, %dma_start3A_350] : memref<2x2560x2x128xi32, #tpu.memory_space<hbm>> -> memref<1x1x2x128xi32, #tpu.memory_space<hbm>>
    %dma_start3A_352 = tpu.memref_squeeze %dma_start3A_351 : memref<1x1x2x128xi32, #tpu.memory_space<hbm>> -> memref<2x128xi32, #tpu.memory_space<hbm>>
    %dma_start3A_353 = tpu.memref_slice %arg16[%dma_start3A_344] : memref<10x!tpu.dma_semaphore, #tpu.memory_space<semaphore_mem>> -> memref<1x!tpu.dma_semaphore, #tpu.memory_space<semaphore_mem>>
    %dma_start3A_354 = tpu.memref_squeeze %dma_start3A_353 : memref<1x!tpu.dma_semaphore, #tpu.memory_space<semaphore_mem>> -> memref<!tpu.dma_semaphore, #tpu.memory_space<semaphore_mem>>
    %dma_start3A_355 = arith.constant 0 : i32
    %dma_start3A_356 = arith.constant 0 : i32
    %dma_start3A_357 = tpu.memref_slice %arg7[%dma_start3A_343, %dma_start3A_355, %dma_start3A_356] : memref<10x2x128xi32, #tpu.memory_space<vmem>> -> memref<1x2x128xi32, #tpu.memory_space<vmem>>
    %dma_start3A_358 = tpu.memref_squeeze %dma_start3A_357 : memref<1x2x128xi32, #tpu.memory_space<vmem>> -> memref<2x128xi32, #tpu.memory_space<vmem>>
    %dma_start3A_359 = arith.constant 0 : i32
    %dma_start3A_360 = arith.constant 0 : i32
    %dma_start3A_361 = tpu.memref_slice %arg4[%arg0, %add3A_342, %dma_start3A_359, %dma_start3A_360] : memref<2x2560x2x128xi32, #tpu.memory_space<hbm>> -> memref<1x1x2x128xi32, #tpu.memory_space<hbm>>
    %dma_start3A_362 = tpu.memref_squeeze %dma_start3A_361 : memref<1x1x2x128xi32, #tpu.memory_space<hbm>> -> memref<2x128xi32, #tpu.memory_space<hbm>>
    tpu.enqueue_dma source(%dma_start3A_362 : memref<2x128xi32, #tpu.memory_space<hbm>>) target(%dma_start3A_358 : memref<2x128xi32, #tpu.memory_space<vmem>>) target_semaphore(%dma_start3A_354 : memref<!tpu.dma_semaphore, #tpu.memory_space<semaphore_mem>>)
    %add3A_363 = arith.constant 8 : i32
    %add3A_364 = arith.addi %mul3A_187, %add3A_363 : i32
    %dma_start3A_365 = arith.constant 8 : i32
    %dma_start3A_366 = arith.constant 8 : i32
    %dma_start3A_367 = arith.constant 0 : i32
    %dma_start3A_368 = arith.constant 0 : i32
    %dma_start3A_369 = tpu.memref_slice %arg7[%dma_start3A_365, %dma_start3A_367, %dma_start3A_368] : memref<10x2x128xi32, #tpu.memory_space<vmem>> -> memref<1x2x128xi32, #tpu.memory_space<vmem>>
    %dma_start3A_370 = tpu.memref_squeeze %dma_start3A_369 : memref<1x2x128xi32, #tpu.memory_space<vmem>> -> memref<2x128xi32, #tpu.memory_space<vmem>>
    %dma_start3A_371 = arith.constant 0 : i32
    %dma_start3A_372 = arith.constant 0 : i32
    %dma_start3A_373 = tpu.memref_slice %arg4[%arg0, %add3A_364, %dma_start3A_371, %dma_start3A_372] : memref<2x2560x2x128xi32, #tpu.memory_space<hbm>> -> memref<1x1x2x128xi32, #tpu.memory_space<hbm>>
    %dma_start3A_374 = tpu.memref_squeeze %dma_start3A_373 : memref<1x1x2x128xi32, #tpu.memory_space<hbm>> -> memref<2x128xi32, #tpu.memory_space<hbm>>
    %dma_start3A_375 = tpu.memref_slice %arg16[%dma_start3A_366] : memref<10x!tpu.dma_semaphore, #tpu.memory_space<semaphore_mem>> -> memref<1x!tpu.dma_semaphore, #tpu.memory_space<semaphore_mem>>
    %dma_start3A_376 = tpu.memref_squeeze %dma_start3A_375 : memref<1x!tpu.dma_semaphore, #tpu.memory_space<semaphore_mem>> -> memref<!tpu.dma_semaphore, #tpu.memory_space<semaphore_mem>>
    %dma_start3A_377 = arith.constant 0 : i32
    %dma_start3A_378 = arith.constant 0 : i32
    %dma_start3A_379 = tpu.memref_slice %arg7[%dma_start3A_365, %dma_start3A_377, %dma_start3A_378] : memref<10x2x128xi32, #tpu.memory_space<vmem>> -> memref<1x2x128xi32, #tpu.memory_space<vmem>>
    %dma_start3A_380 = tpu.memref_squeeze %dma_start3A_379 : memref<1x2x128xi32, #tpu.memory_space<vmem>> -> memref<2x128xi32, #tpu.memory_space<vmem>>
    %dma_start3A_381 = arith.constant 0 : i32
    %dma_start3A_382 = arith.constant 0 : i32
    %dma_start3A_383 = tpu.memref_slice %arg4[%arg0, %add3A_364, %dma_start3A_381, %dma_start3A_382] : memref<2x2560x2x128xi32, #tpu.memory_space<hbm>> -> memref<1x1x2x128xi32, #tpu.memory_space<hbm>>
    %dma_start3A_384 = tpu.memref_squeeze %dma_start3A_383 : memref<1x1x2x128xi32, #tpu.memory_space<hbm>> -> memref<2x128xi32, #tpu.memory_space<hbm>>
    tpu.enqueue_dma source(%dma_start3A_384 : memref<2x128xi32, #tpu.memory_space<hbm>>) target(%dma_start3A_380 : memref<2x128xi32, #tpu.memory_space<vmem>>) target_semaphore(%dma_start3A_376 : memref<!tpu.dma_semaphore, #tpu.memory_space<semaphore_mem>>)
    %add3A_385 = arith.constant 0 : i32
    %add3A_386 = arith.addi %mul3A_187, %add3A_385 : i32
    %dma_wait3A = arith.constant 0 : i32
    %dma_wait3A_387 = arith.constant 0 : i32
    %dma_wait3A_388 = arith.constant 0 : i32
    %dma_wait3A_389 = arith.constant 0 : i32
    %dma_wait3A_390 = tpu.memref_slice %arg7[%dma_wait3A, %dma_wait3A_388, %dma_wait3A_389] : memref<10x2x128xi32, #tpu.memory_space<vmem>> -> memref<1x2x128xi32, #tpu.memory_space<vmem>>
    %dma_wait3A_391 = tpu.memref_squeeze %dma_wait3A_390 : memref<1x2x128xi32, #tpu.memory_space<vmem>> -> memref<2x128xi32, #tpu.memory_space<vmem>>
    %dma_wait3A_392 = arith.constant 0 : i32
    %dma_wait3A_393 = arith.constant 0 : i32
    %dma_wait3A_394 = tpu.memref_slice %arg4[%arg0, %add3A_386, %dma_wait3A_392, %dma_wait3A_393] : memref<2x2560x2x128xi32, #tpu.memory_space<hbm>> -> memref<1x1x2x128xi32, #tpu.memory_space<hbm>>
    %dma_wait3A_395 = tpu.memref_squeeze %dma_wait3A_394 : memref<1x1x2x128xi32, #tpu.memory_space<hbm>> -> memref<2x128xi32, #tpu.memory_space<hbm>>
    %dma_wait3A_396 = tpu.memref_slice %arg16[%dma_wait3A_387] : memref<10x!tpu.dma_semaphore, #tpu.memory_space<semaphore_mem>> -> memref<1x!tpu.dma_semaphore, #tpu.memory_space<semaphore_mem>>
    %dma_wait3A_397 = tpu.memref_squeeze %dma_wait3A_396 : memref<1x!tpu.dma_semaphore, #tpu.memory_space<semaphore_mem>> -> memref<!tpu.dma_semaphore, #tpu.memory_space<semaphore_mem>>
    %dma_wait3A_398 = arith.constant 0 : i32
    %dma_wait3A_399 = arith.constant 0 : i32
    %dma_wait3A_400 = tpu.memref_slice %arg7[%dma_wait3A, %dma_wait3A_398, %dma_wait3A_399] : memref<10x2x128xi32, #tpu.memory_space<vmem>> -> memref<1x2x128xi32, #tpu.memory_space<vmem>>
    %dma_wait3A_401 = tpu.memref_squeeze %dma_wait3A_400 : memref<1x2x128xi32, #tpu.memory_space<vmem>> -> memref<2x128xi32, #tpu.memory_space<vmem>>
    %dma_wait3A_402 = arith.constant 0 : i32
    %dma_wait3A_403 = arith.constant 0 : i32
    %dma_wait3A_404 = tpu.memref_slice %arg4[%arg0, %add3A_386, %dma_wait3A_402, %dma_wait3A_403] : memref<2x2560x2x128xi32, #tpu.memory_space<hbm>> -> memref<1x1x2x128xi32, #tpu.memory_space<hbm>>
    %dma_wait3A_405 = tpu.memref_squeeze %dma_wait3A_404 : memref<1x1x2x128xi32, #tpu.memory_space<hbm>> -> memref<2x128xi32, #tpu.memory_space<hbm>>
    tpu.wait_dma2 semaphore(%dma_wait3A_397 : memref<!tpu.dma_semaphore, #tpu.memory_space<semaphore_mem>>) src(%dma_wait3A_405 : memref<2x128xi32, #tpu.memory_space<hbm>>) dst(%dma_wait3A_401 : memref<2x128xi32, #tpu.memory_space<vmem>>)
    %dma_start3A_406 = arith.constant 0 : i32
    %dma_start3A_407 = arith.constant 0 : i32
    %dma_start3A_408 = arith.constant 0 : i32
    %dma_start3A_409 = arith.constant 0 : i32
    %dma_start3A_410 = arith.constant 0 : i32
    %dma_start3A_411 = arith.constant 0 : i32
    %dma_start3A_412 = tpu.memref_slice %arg8[%dma_start3A_408, %dma_start3A_410, %dma_start3A_411] : memref<5x128x64xf32, #tpu.memory_space<vmem>> -> memref<1x128x64xf32, #tpu.memory_space<vmem>>
    %dma_start3A_413 = tpu.memref_squeeze %dma_start3A_412 : memref<1x128x64xf32, #tpu.memory_space<vmem>> -> memref<128x64xf32, #tpu.memory_space<vmem>>
    %dma_start3A_414 = arith.constant 0 : i32
    %dma_start3A_415 = tpu.memref_slice %arg7[%dma_start3A_406, %dma_start3A_407, %dma_start3A_414] : memref<10x2x128xi32, #tpu.memory_space<vmem>> -> memref<1x1x128xi32, #tpu.memory_space<vmem>>
    %dma_start3A_416 = tpu.memref_squeeze %dma_start3A_415 : memref<1x1x128xi32, #tpu.memory_space<vmem>> -> memref<128xi32, #tpu.memory_space<vmem>>
    %dma_start3A_417 = arith.constant 0 : i32
    %dma_start3A_418 = arith.constant 0 : i32
    %dma_start3A_419 = tpu.memref_slice %arg2[%dma_start3A_417, %dma_start3A_418] : memref<20000x64xf32, #tpu.memory_space<hbm>> -> memref<20000x64xf32, #tpu.memory_space<hbm>>
    %dma_start3A_420 = tpu.memref_slice %arg14[%dma_start3A_409] : memref<5x!tpu.dma_semaphore, #tpu.memory_space<semaphore_mem>> -> memref<1x!tpu.dma_semaphore, #tpu.memory_space<semaphore_mem>>
    %dma_start3A_421 = tpu.memref_squeeze %dma_start3A_420 : memref<1x!tpu.dma_semaphore, #tpu.memory_space<semaphore_mem>> -> memref<!tpu.dma_semaphore, #tpu.memory_space<semaphore_mem>>
    tpu.enqueue_indirect_dma source(%dma_start3A_419 : memref<20000x64xf32, #tpu.memory_space<hbm>>) target(%dma_start3A_413 : memref<128x64xf32, #tpu.memory_space<vmem>>) offsets(%dma_start3A_416 : memref<128xi32, #tpu.memory_space<vmem>>) semaphore(%dma_start3A_421 : memref<!tpu.dma_semaphore, #tpu.memory_space<semaphore_mem>>)
    %dma_start3A_422 = arith.constant 0 : i32
    %dma_start3A_423 = arith.constant 0 : i32
    %dma_start3A_424 = arith.constant 0 : i32
    %dma_start3A_425 = arith.constant 0 : i32
    %dma_start3A_426 = arith.constant 0 : i32
    %dma_start3A_427 = tpu.memref_slice %arg9[%dma_start3A_424, %dma_start3A_426] : memref<5x128xf32, #tpu.memory_space<vmem>> -> memref<1x128xf32, #tpu.memory_space<vmem>>
    %dma_start3A_428 = tpu.memref_squeeze %dma_start3A_427 : memref<1x128xf32, #tpu.memory_space<vmem>> -> memref<128xf32, #tpu.memory_space<vmem>>
    %dma_start3A_429 = arith.constant 0 : i32
    %dma_start3A_430 = tpu.memref_slice %arg7[%dma_start3A_422, %dma_start3A_423, %dma_start3A_429] : memref<10x2x128xi32, #tpu.memory_space<vmem>> -> memref<1x1x128xi32, #tpu.memory_space<vmem>>
    %dma_start3A_431 = tpu.memref_squeeze %dma_start3A_430 : memref<1x1x128xi32, #tpu.memory_space<vmem>> -> memref<128xi32, #tpu.memory_space<vmem>>
    %dma_start3A_432 = arith.constant 0 : i32
    %dma_start3A_433 = tpu.memref_slice %arg3[%dma_start3A_432] : memref<20000xf32, #tpu.memory_space<hbm>> -> memref<20000xf32, #tpu.memory_space<hbm>>
    %dma_start3A_434 = tpu.memref_slice %arg17[%dma_start3A_425] : memref<5x!tpu.dma_semaphore, #tpu.memory_space<semaphore_mem>> -> memref<1x!tpu.dma_semaphore, #tpu.memory_space<semaphore_mem>>
    %dma_start3A_435 = tpu.memref_squeeze %dma_start3A_434 : memref<1x!tpu.dma_semaphore, #tpu.memory_space<semaphore_mem>> -> memref<!tpu.dma_semaphore, #tpu.memory_space<semaphore_mem>>
    tpu.enqueue_indirect_dma source(%dma_start3A_433 : memref<20000xf32, #tpu.memory_space<hbm>>) target(%dma_start3A_428 : memref<128xf32, #tpu.memory_space<vmem>>) offsets(%dma_start3A_431 : memref<128xi32, #tpu.memory_space<vmem>>) semaphore(%dma_start3A_435 : memref<!tpu.dma_semaphore, #tpu.memory_space<semaphore_mem>>)
    %add3A_436 = arith.constant 1 : i32
    %add3A_437 = arith.addi %mul3A_187, %add3A_436 : i32
    %dma_wait3A_438 = arith.constant 1 : i32
    %dma_wait3A_439 = arith.constant 1 : i32
    %dma_wait3A_440 = arith.constant 0 : i32
    %dma_wait3A_441 = arith.constant 0 : i32
    %dma_wait3A_442 = tpu.memref_slice %arg7[%dma_wait3A_438, %dma_wait3A_440, %dma_wait3A_441] : memref<10x2x128xi32, #tpu.memory_space<vmem>> -> memref<1x2x128xi32, #tpu.memory_space<vmem>>
    %dma_wait3A_443 = tpu.memref_squeeze %dma_wait3A_442 : memref<1x2x128xi32, #tpu.memory_space<vmem>> -> memref<2x128xi32, #tpu.memory_space<vmem>>
    %dma_wait3A_444 = arith.constant 0 : i32
    %dma_wait3A_445 = arith.constant 0 : i32
    %dma_wait3A_446 = tpu.memref_slice %arg4[%arg0, %add3A_437, %dma_wait3A_444, %dma_wait3A_445] : memref<2x2560x2x128xi32, #tpu.memory_space<hbm>> -> memref<1x1x2x128xi32, #tpu.memory_space<hbm>>
    %dma_wait3A_447 = tpu.memref_squeeze %dma_wait3A_446 : memref<1x1x2x128xi32, #tpu.memory_space<hbm>> -> memref<2x128xi32, #tpu.memory_space<hbm>>
    %dma_wait3A_448 = tpu.memref_slice %arg16[%dma_wait3A_439] : memref<10x!tpu.dma_semaphore, #tpu.memory_space<semaphore_mem>> -> memref<1x!tpu.dma_semaphore, #tpu.memory_space<semaphore_mem>>
    %dma_wait3A_449 = tpu.memref_squeeze %dma_wait3A_448 : memref<1x!tpu.dma_semaphore, #tpu.memory_space<semaphore_mem>> -> memref<!tpu.dma_semaphore, #tpu.memory_space<semaphore_mem>>
    %dma_wait3A_450 = arith.constant 0 : i32
    %dma_wait3A_451 = arith.constant 0 : i32
    %dma_wait3A_452 = tpu.memref_slice %arg7[%dma_wait3A_438, %dma_wait3A_450, %dma_wait3A_451] : memref<10x2x128xi32, #tpu.memory_space<vmem>> -> memref<1x2x128xi32, #tpu.memory_space<vmem>>
    %dma_wait3A_453 = tpu.memref_squeeze %dma_wait3A_452 : memref<1x2x128xi32, #tpu.memory_space<vmem>> -> memref<2x128xi32, #tpu.memory_space<vmem>>
    %dma_wait3A_454 = arith.constant 0 : i32
    %dma_wait3A_455 = arith.constant 0 : i32
    %dma_wait3A_456 = tpu.memref_slice %arg4[%arg0, %add3A_437, %dma_wait3A_454, %dma_wait3A_455] : memref<2x2560x2x128xi32, #tpu.memory_space<hbm>> -> memref<1x1x2x128xi32, #tpu.memory_space<hbm>>
    %dma_wait3A_457 = tpu.memref_squeeze %dma_wait3A_456 : memref<1x1x2x128xi32, #tpu.memory_space<hbm>> -> memref<2x128xi32, #tpu.memory_space<hbm>>
    tpu.wait_dma2 semaphore(%dma_wait3A_449 : memref<!tpu.dma_semaphore, #tpu.memory_space<semaphore_mem>>) src(%dma_wait3A_457 : memref<2x128xi32, #tpu.memory_space<hbm>>) dst(%dma_wait3A_453 : memref<2x128xi32, #tpu.memory_space<vmem>>)
    %dma_start3A_458 = arith.constant 1 : i32
    %dma_start3A_459 = arith.constant 0 : i32
    %dma_start3A_460 = arith.constant 1 : i32
    %dma_start3A_461 = arith.constant 1 : i32
    %dma_start3A_462 = arith.constant 0 : i32
    %dma_start3A_463 = arith.constant 0 : i32
    %dma_start3A_464 = tpu.memref_slice %arg8[%dma_start3A_460, %dma_start3A_462, %dma_start3A_463] : memref<5x128x64xf32, #tpu.memory_space<vmem>> -> memref<1x128x64xf32, #tpu.memory_space<vmem>>
    %dma_start3A_465 = tpu.memref_squeeze %dma_start3A_464 : memref<1x128x64xf32, #tpu.memory_space<vmem>> -> memref<128x64xf32, #tpu.memory_space<vmem>>
    %dma_start3A_466 = arith.constant 0 : i32
    %dma_start3A_467 = tpu.memref_slice %arg7[%dma_start3A_458, %dma_start3A_459, %dma_start3A_466] : memref<10x2x128xi32, #tpu.memory_space<vmem>> -> memref<1x1x128xi32, #tpu.memory_space<vmem>>
    %dma_start3A_468 = tpu.memref_squeeze %dma_start3A_467 : memref<1x1x128xi32, #tpu.memory_space<vmem>> -> memref<128xi32, #tpu.memory_space<vmem>>
    %dma_start3A_469 = arith.constant 0 : i32
    %dma_start3A_470 = arith.constant 0 : i32
    %dma_start3A_471 = tpu.memref_slice %arg2[%dma_start3A_469, %dma_start3A_470] : memref<20000x64xf32, #tpu.memory_space<hbm>> -> memref<20000x64xf32, #tpu.memory_space<hbm>>
    %dma_start3A_472 = tpu.memref_slice %arg14[%dma_start3A_461] : memref<5x!tpu.dma_semaphore, #tpu.memory_space<semaphore_mem>> -> memref<1x!tpu.dma_semaphore, #tpu.memory_space<semaphore_mem>>
    %dma_start3A_473 = tpu.memref_squeeze %dma_start3A_472 : memref<1x!tpu.dma_semaphore, #tpu.memory_space<semaphore_mem>> -> memref<!tpu.dma_semaphore, #tpu.memory_space<semaphore_mem>>
    tpu.enqueue_indirect_dma source(%dma_start3A_471 : memref<20000x64xf32, #tpu.memory_space<hbm>>) target(%dma_start3A_465 : memref<128x64xf32, #tpu.memory_space<vmem>>) offsets(%dma_start3A_468 : memref<128xi32, #tpu.memory_space<vmem>>) semaphore(%dma_start3A_473 : memref<!tpu.dma_semaphore, #tpu.memory_space<semaphore_mem>>)
    %dma_start3A_474 = arith.constant 1 : i32
    %dma_start3A_475 = arith.constant 0 : i32
    %dma_start3A_476 = arith.constant 1 : i32
    %dma_start3A_477 = arith.constant 1 : i32
    %dma_start3A_478 = arith.constant 0 : i32
    %dma_start3A_479 = tpu.memref_slice %arg9[%dma_start3A_476, %dma_start3A_478] : memref<5x128xf32, #tpu.memory_space<vmem>> -> memref<1x128xf32, #tpu.memory_space<vmem>>
    %dma_start3A_480 = tpu.memref_squeeze %dma_start3A_479 : memref<1x128xf32, #tpu.memory_space<vmem>> -> memref<128xf32, #tpu.memory_space<vmem>>
    %dma_start3A_481 = arith.constant 0 : i32
    %dma_start3A_482 = tpu.memref_slice %arg7[%dma_start3A_474, %dma_start3A_475, %dma_start3A_481] : memref<10x2x128xi32, #tpu.memory_space<vmem>> -> memref<1x1x128xi32, #tpu.memory_space<vmem>>
    %dma_start3A_483 = tpu.memref_squeeze %dma_start3A_482 : memref<1x1x128xi32, #tpu.memory_space<vmem>> -> memref<128xi32, #tpu.memory_space<vmem>>
    %dma_start3A_484 = arith.constant 0 : i32
    %dma_start3A_485 = tpu.memref_slice %arg3[%dma_start3A_484] : memref<20000xf32, #tpu.memory_space<hbm>> -> memref<20000xf32, #tpu.memory_space<hbm>>
    %dma_start3A_486 = tpu.memref_slice %arg17[%dma_start3A_477] : memref<5x!tpu.dma_semaphore, #tpu.memory_space<semaphore_mem>> -> memref<1x!tpu.dma_semaphore, #tpu.memory_space<semaphore_mem>>
    %dma_start3A_487 = tpu.memref_squeeze %dma_start3A_486 : memref<1x!tpu.dma_semaphore, #tpu.memory_space<semaphore_mem>> -> memref<!tpu.dma_semaphore, #tpu.memory_space<semaphore_mem>>
    tpu.enqueue_indirect_dma source(%dma_start3A_485 : memref<20000xf32, #tpu.memory_space<hbm>>) target(%dma_start3A_480 : memref<128xf32, #tpu.memory_space<vmem>>) offsets(%dma_start3A_483 : memref<128xi32, #tpu.memory_space<vmem>>) semaphore(%dma_start3A_487 : memref<!tpu.dma_semaphore, #tpu.memory_space<semaphore_mem>>)
    %add3A_488 = arith.constant 2 : i32
    %add3A_489 = arith.addi %mul3A_187, %add3A_488 : i32
    %dma_wait3A_490 = arith.constant 2 : i32
    %dma_wait3A_491 = arith.constant 2 : i32
    %dma_wait3A_492 = arith.constant 0 : i32
    %dma_wait3A_493 = arith.constant 0 : i32
    %dma_wait3A_494 = tpu.memref_slice %arg7[%dma_wait3A_490, %dma_wait3A_492, %dma_wait3A_493] : memref<10x2x128xi32, #tpu.memory_space<vmem>> -> memref<1x2x128xi32, #tpu.memory_space<vmem>>
    %dma_wait3A_495 = tpu.memref_squeeze %dma_wait3A_494 : memref<1x2x128xi32, #tpu.memory_space<vmem>> -> memref<2x128xi32, #tpu.memory_space<vmem>>
    %dma_wait3A_496 = arith.constant 0 : i32
    %dma_wait3A_497 = arith.constant 0 : i32
    %dma_wait3A_498 = tpu.memref_slice %arg4[%arg0, %add3A_489, %dma_wait3A_496, %dma_wait3A_497] : memref<2x2560x2x128xi32, #tpu.memory_space<hbm>> -> memref<1x1x2x128xi32, #tpu.memory_space<hbm>>
    %dma_wait3A_499 = tpu.memref_squeeze %dma_wait3A_498 : memref<1x1x2x128xi32, #tpu.memory_space<hbm>> -> memref<2x128xi32, #tpu.memory_space<hbm>>
    %dma_wait3A_500 = tpu.memref_slice %arg16[%dma_wait3A_491] : memref<10x!tpu.dma_semaphore, #tpu.memory_space<semaphore_mem>> -> memref<1x!tpu.dma_semaphore, #tpu.memory_space<semaphore_mem>>
    %dma_wait3A_501 = tpu.memref_squeeze %dma_wait3A_500 : memref<1x!tpu.dma_semaphore, #tpu.memory_space<semaphore_mem>> -> memref<!tpu.dma_semaphore, #tpu.memory_space<semaphore_mem>>
    %dma_wait3A_502 = arith.constant 0 : i32
    %dma_wait3A_503 = arith.constant 0 : i32
    %dma_wait3A_504 = tpu.memref_slice %arg7[%dma_wait3A_490, %dma_wait3A_502, %dma_wait3A_503] : memref<10x2x128xi32, #tpu.memory_space<vmem>> -> memref<1x2x128xi32, #tpu.memory_space<vmem>>
    %dma_wait3A_505 = tpu.memref_squeeze %dma_wait3A_504 : memref<1x2x128xi32, #tpu.memory_space<vmem>> -> memref<2x128xi32, #tpu.memory_space<vmem>>
    %dma_wait3A_506 = arith.constant 0 : i32
    %dma_wait3A_507 = arith.constant 0 : i32
    %dma_wait3A_508 = tpu.memref_slice %arg4[%arg0, %add3A_489, %dma_wait3A_506, %dma_wait3A_507] : memref<2x2560x2x128xi32, #tpu.memory_space<hbm>> -> memref<1x1x2x128xi32, #tpu.memory_space<hbm>>
    %dma_wait3A_509 = tpu.memref_squeeze %dma_wait3A_508 : memref<1x1x2x128xi32, #tpu.memory_space<hbm>> -> memref<2x128xi32, #tpu.memory_space<hbm>>
    tpu.wait_dma2 semaphore(%dma_wait3A_501 : memref<!tpu.dma_semaphore, #tpu.memory_space<semaphore_mem>>) src(%dma_wait3A_509 : memref<2x128xi32, #tpu.memory_space<hbm>>) dst(%dma_wait3A_505 : memref<2x128xi32, #tpu.memory_space<vmem>>)
    %dma_start3A_510 = arith.constant 2 : i32
    %dma_start3A_511 = arith.constant 0 : i32
    %dma_start3A_512 = arith.constant 2 : i32
    %dma_start3A_513 = arith.constant 2 : i32
    %dma_start3A_514 = arith.constant 0 : i32
    %dma_start3A_515 = arith.constant 0 : i32
    %dma_start3A_516 = tpu.memref_slice %arg8[%dma_start3A_512, %dma_start3A_514, %dma_start3A_515] : memref<5x128x64xf32, #tpu.memory_space<vmem>> -> memref<1x128x64xf32, #tpu.memory_space<vmem>>
    %dma_start3A_517 = tpu.memref_squeeze %dma_start3A_516 : memref<1x128x64xf32, #tpu.memory_space<vmem>> -> memref<128x64xf32, #tpu.memory_space<vmem>>
    %dma_start3A_518 = arith.constant 0 : i32
    %dma_start3A_519 = tpu.memref_slice %arg7[%dma_start3A_510, %dma_start3A_511, %dma_start3A_518] : memref<10x2x128xi32, #tpu.memory_space<vmem>> -> memref<1x1x128xi32, #tpu.memory_space<vmem>>
    %dma_start3A_520 = tpu.memref_squeeze %dma_start3A_519 : memref<1x1x128xi32, #tpu.memory_space<vmem>> -> memref<128xi32, #tpu.memory_space<vmem>>
    %dma_start3A_521 = arith.constant 0 : i32
    %dma_start3A_522 = arith.constant 0 : i32
    %dma_start3A_523 = tpu.memref_slice %arg2[%dma_start3A_521, %dma_start3A_522] : memref<20000x64xf32, #tpu.memory_space<hbm>> -> memref<20000x64xf32, #tpu.memory_space<hbm>>
    %dma_start3A_524 = tpu.memref_slice %arg14[%dma_start3A_513] : memref<5x!tpu.dma_semaphore, #tpu.memory_space<semaphore_mem>> -> memref<1x!tpu.dma_semaphore, #tpu.memory_space<semaphore_mem>>
    %dma_start3A_525 = tpu.memref_squeeze %dma_start3A_524 : memref<1x!tpu.dma_semaphore, #tpu.memory_space<semaphore_mem>> -> memref<!tpu.dma_semaphore, #tpu.memory_space<semaphore_mem>>
    tpu.enqueue_indirect_dma source(%dma_start3A_523 : memref<20000x64xf32, #tpu.memory_space<hbm>>) target(%dma_start3A_517 : memref<128x64xf32, #tpu.memory_space<vmem>>) offsets(%dma_start3A_520 : memref<128xi32, #tpu.memory_space<vmem>>) semaphore(%dma_start3A_525 : memref<!tpu.dma_semaphore, #tpu.memory_space<semaphore_mem>>)
    %dma_start3A_526 = arith.constant 2 : i32
    %dma_start3A_527 = arith.constant 0 : i32
    %dma_start3A_528 = arith.constant 2 : i32
    %dma_start3A_529 = arith.constant 2 : i32
    %dma_start3A_530 = arith.constant 0 : i32
    %dma_start3A_531 = tpu.memref_slice %arg9[%dma_start3A_528, %dma_start3A_530] : memref<5x128xf32, #tpu.memory_space<vmem>> -> memref<1x128xf32, #tpu.memory_space<vmem>>
    %dma_start3A_532 = tpu.memref_squeeze %dma_start3A_531 : memref<1x128xf32, #tpu.memory_space<vmem>> -> memref<128xf32, #tpu.memory_space<vmem>>
    %dma_start3A_533 = arith.constant 0 : i32
    %dma_start3A_534 = tpu.memref_slice %arg7[%dma_start3A_526, %dma_start3A_527, %dma_start3A_533] : memref<10x2x128xi32, #tpu.memory_space<vmem>> -> memref<1x1x128xi32, #tpu.memory_space<vmem>>
    %dma_start3A_535 = tpu.memref_squeeze %dma_start3A_534 : memref<1x1x128xi32, #tpu.memory_space<vmem>> -> memref<128xi32, #tpu.memory_space<vmem>>
    %dma_start3A_536 = arith.constant 0 : i32
    %dma_start3A_537 = tpu.memref_slice %arg3[%dma_start3A_536] : memref<20000xf32, #tpu.memory_space<hbm>> -> memref<20000xf32, #tpu.memory_space<hbm>>
    %dma_start3A_538 = tpu.memref_slice %arg17[%dma_start3A_529] : memref<5x!tpu.dma_semaphore, #tpu.memory_space<semaphore_mem>> -> memref<1x!tpu.dma_semaphore, #tpu.memory_space<semaphore_mem>>
    %dma_start3A_539 = tpu.memref_squeeze %dma_start3A_538 : memref<1x!tpu.dma_semaphore, #tpu.memory_space<semaphore_mem>> -> memref<!tpu.dma_semaphore, #tpu.memory_space<semaphore_mem>>
    tpu.enqueue_indirect_dma source(%dma_start3A_537 : memref<20000xf32, #tpu.memory_space<hbm>>) target(%dma_start3A_532 : memref<128xf32, #tpu.memory_space<vmem>>) offsets(%dma_start3A_535 : memref<128xi32, #tpu.memory_space<vmem>>) semaphore(%dma_start3A_539 : memref<!tpu.dma_semaphore, #tpu.memory_space<semaphore_mem>>)
    %add3A_540 = arith.constant 3 : i32
    %add3A_541 = arith.addi %mul3A_187, %add3A_540 : i32
    %dma_wait3A_542 = arith.constant 3 : i32
    %dma_wait3A_543 = arith.constant 3 : i32
    %dma_wait3A_544 = arith.constant 0 : i32
    %dma_wait3A_545 = arith.constant 0 : i32
    %dma_wait3A_546 = tpu.memref_slice %arg7[%dma_wait3A_542, %dma_wait3A_544, %dma_wait3A_545] : memref<10x2x128xi32, #tpu.memory_space<vmem>> -> memref<1x2x128xi32, #tpu.memory_space<vmem>>
    %dma_wait3A_547 = tpu.memref_squeeze %dma_wait3A_546 : memref<1x2x128xi32, #tpu.memory_space<vmem>> -> memref<2x128xi32, #tpu.memory_space<vmem>>
    %dma_wait3A_548 = arith.constant 0 : i32
    %dma_wait3A_549 = arith.constant 0 : i32
    %dma_wait3A_550 = tpu.memref_slice %arg4[%arg0, %add3A_541, %dma_wait3A_548, %dma_wait3A_549] : memref<2x2560x2x128xi32, #tpu.memory_space<hbm>> -> memref<1x1x2x128xi32, #tpu.memory_space<hbm>>
    %dma_wait3A_551 = tpu.memref_squeeze %dma_wait3A_550 : memref<1x1x2x128xi32, #tpu.memory_space<hbm>> -> memref<2x128xi32, #tpu.memory_space<hbm>>
    %dma_wait3A_552 = tpu.memref_slice %arg16[%dma_wait3A_543] : memref<10x!tpu.dma_semaphore, #tpu.memory_space<semaphore_mem>> -> memref<1x!tpu.dma_semaphore, #tpu.memory_space<semaphore_mem>>
    %dma_wait3A_553 = tpu.memref_squeeze %dma_wait3A_552 : memref<1x!tpu.dma_semaphore, #tpu.memory_space<semaphore_mem>> -> memref<!tpu.dma_semaphore, #tpu.memory_space<semaphore_mem>>
    %dma_wait3A_554 = arith.constant 0 : i32
    %dma_wait3A_555 = arith.constant 0 : i32
    %dma_wait3A_556 = tpu.memref_slice %arg7[%dma_wait3A_542, %dma_wait3A_554, %dma_wait3A_555] : memref<10x2x128xi32, #tpu.memory_space<vmem>> -> memref<1x2x128xi32, #tpu.memory_space<vmem>>
    %dma_wait3A_557 = tpu.memref_squeeze %dma_wait3A_556 : memref<1x2x128xi32, #tpu.memory_space<vmem>> -> memref<2x128xi32, #tpu.memory_space<vmem>>
    %dma_wait3A_558 = arith.constant 0 : i32
    %dma_wait3A_559 = arith.constant 0 : i32
    %dma_wait3A_560 = tpu.memref_slice %arg4[%arg0, %add3A_541, %dma_wait3A_558, %dma_wait3A_559] : memref<2x2560x2x128xi32, #tpu.memory_space<hbm>> -> memref<1x1x2x128xi32, #tpu.memory_space<hbm>>
    %dma_wait3A_561 = tpu.memref_squeeze %dma_wait3A_560 : memref<1x1x2x128xi32, #tpu.memory_space<hbm>> -> memref<2x128xi32, #tpu.memory_space<hbm>>
    tpu.wait_dma2 semaphore(%dma_wait3A_553 : memref<!tpu.dma_semaphore, #tpu.memory_space<semaphore_mem>>) src(%dma_wait3A_561 : memref<2x128xi32, #tpu.memory_space<hbm>>) dst(%dma_wait3A_557 : memref<2x128xi32, #tpu.memory_space<vmem>>)
    %dma_start3A_562 = arith.constant 3 : i32
    %dma_start3A_563 = arith.constant 0 : i32
    %dma_start3A_564 = arith.constant 3 : i32
    %dma_start3A_565 = arith.constant 3 : i32
    %dma_start3A_566 = arith.constant 0 : i32
    %dma_start3A_567 = arith.constant 0 : i32
    %dma_start3A_568 = tpu.memref_slice %arg8[%dma_start3A_564, %dma_start3A_566, %dma_start3A_567] : memref<5x128x64xf32, #tpu.memory_space<vmem>> -> memref<1x128x64xf32, #tpu.memory_space<vmem>>
    %dma_start3A_569 = tpu.memref_squeeze %dma_start3A_568 : memref<1x128x64xf32, #tpu.memory_space<vmem>> -> memref<128x64xf32, #tpu.memory_space<vmem>>
    %dma_start3A_570 = arith.constant 0 : i32
    %dma_start3A_571 = tpu.memref_slice %arg7[%dma_start3A_562, %dma_start3A_563, %dma_start3A_570] : memref<10x2x128xi32, #tpu.memory_space<vmem>> -> memref<1x1x128xi32, #tpu.memory_space<vmem>>
    %dma_start3A_572 = tpu.memref_squeeze %dma_start3A_571 : memref<1x1x128xi32, #tpu.memory_space<vmem>> -> memref<128xi32, #tpu.memory_space<vmem>>
    %dma_start3A_573 = arith.constant 0 : i32
    %dma_start3A_574 = arith.constant 0 : i32
    %dma_start3A_575 = tpu.memref_slice %arg2[%dma_start3A_573, %dma_start3A_574] : memref<20000x64xf32, #tpu.memory_space<hbm>> -> memref<20000x64xf32, #tpu.memory_space<hbm>>
    %dma_start3A_576 = tpu.memref_slice %arg14[%dma_start3A_565] : memref<5x!tpu.dma_semaphore, #tpu.memory_space<semaphore_mem>> -> memref<1x!tpu.dma_semaphore, #tpu.memory_space<semaphore_mem>>
    %dma_start3A_577 = tpu.memref_squeeze %dma_start3A_576 : memref<1x!tpu.dma_semaphore, #tpu.memory_space<semaphore_mem>> -> memref<!tpu.dma_semaphore, #tpu.memory_space<semaphore_mem>>
    tpu.enqueue_indirect_dma source(%dma_start3A_575 : memref<20000x64xf32, #tpu.memory_space<hbm>>) target(%dma_start3A_569 : memref<128x64xf32, #tpu.memory_space<vmem>>) offsets(%dma_start3A_572 : memref<128xi32, #tpu.memory_space<vmem>>) semaphore(%dma_start3A_577 : memref<!tpu.dma_semaphore, #tpu.memory_space<semaphore_mem>>)
    %dma_start3A_578 = arith.constant 3 : i32
    %dma_start3A_579 = arith.constant 0 : i32
    %dma_start3A_580 = arith.constant 3 : i32
    %dma_start3A_581 = arith.constant 3 : i32
    %dma_start3A_582 = arith.constant 0 : i32
    %dma_start3A_583 = tpu.memref_slice %arg9[%dma_start3A_580, %dma_start3A_582] : memref<5x128xf32, #tpu.memory_space<vmem>> -> memref<1x128xf32, #tpu.memory_space<vmem>>
    %dma_start3A_584 = tpu.memref_squeeze %dma_start3A_583 : memref<1x128xf32, #tpu.memory_space<vmem>> -> memref<128xf32, #tpu.memory_space<vmem>>
    %dma_start3A_585 = arith.constant 0 : i32
    %dma_start3A_586 = tpu.memref_slice %arg7[%dma_start3A_578, %dma_start3A_579, %dma_start3A_585] : memref<10x2x128xi32, #tpu.memory_space<vmem>> -> memref<1x1x128xi32, #tpu.memory_space<vmem>>
    %dma_start3A_587 = tpu.memref_squeeze %dma_start3A_586 : memref<1x1x128xi32, #tpu.memory_space<vmem>> -> memref<128xi32, #tpu.memory_space<vmem>>
    %dma_start3A_588 = arith.constant 0 : i32
    %dma_start3A_589 = tpu.memref_slice %arg3[%dma_start3A_588] : memref<20000xf32, #tpu.memory_space<hbm>> -> memref<20000xf32, #tpu.memory_space<hbm>>
    %dma_start3A_590 = tpu.memref_slice %arg17[%dma_start3A_581] : memref<5x!tpu.dma_semaphore, #tpu.memory_space<semaphore_mem>> -> memref<1x!tpu.dma_semaphore, #tpu.memory_space<semaphore_mem>>
    %dma_start3A_591 = tpu.memref_squeeze %dma_start3A_590 : memref<1x!tpu.dma_semaphore, #tpu.memory_space<semaphore_mem>> -> memref<!tpu.dma_semaphore, #tpu.memory_space<semaphore_mem>>
    tpu.enqueue_indirect_dma source(%dma_start3A_589 : memref<20000xf32, #tpu.memory_space<hbm>>) target(%dma_start3A_584 : memref<128xf32, #tpu.memory_space<vmem>>) offsets(%dma_start3A_587 : memref<128xi32, #tpu.memory_space<vmem>>) semaphore(%dma_start3A_591 : memref<!tpu.dma_semaphore, #tpu.memory_space<semaphore_mem>>)
    %dma_wait3A_592 = arith.constant 0 : i32
    %dma_wait3A_593 = arith.constant 0 : i32
    %dma_wait3A_594 = arith.constant 0 : i32
    %dma_wait3A_595 = arith.constant 0 : i32
    %dma_wait3A_596 = arith.constant 0 : i32
    %dma_wait3A_597 = arith.constant 0 : i32
    %dma_wait3A_598 = tpu.memref_slice %arg8[%dma_wait3A_594, %dma_wait3A_596, %dma_wait3A_597] : memref<5x128x64xf32, #tpu.memory_space<vmem>> -> memref<1x128x64xf32, #tpu.memory_space<vmem>>
    %dma_wait3A_599 = tpu.memref_squeeze %dma_wait3A_598 : memref<1x128x64xf32, #tpu.memory_space<vmem>> -> memref<128x64xf32, #tpu.memory_space<vmem>>
    %dma_wait3A_600 = arith.constant 0 : i32
    %dma_wait3A_601 = tpu.memref_slice %arg7[%dma_wait3A_592, %dma_wait3A_593, %dma_wait3A_600] : memref<10x2x128xi32, #tpu.memory_space<vmem>> -> memref<1x1x128xi32, #tpu.memory_space<vmem>>
    %dma_wait3A_602 = tpu.memref_squeeze %dma_wait3A_601 : memref<1x1x128xi32, #tpu.memory_space<vmem>> -> memref<128xi32, #tpu.memory_space<vmem>>
    %dma_wait3A_603 = arith.constant 0 : i32
    %dma_wait3A_604 = arith.constant 0 : i32
    %dma_wait3A_605 = tpu.memref_slice %arg2[%dma_wait3A_603, %dma_wait3A_604] : memref<20000x64xf32, #tpu.memory_space<hbm>> -> memref<20000x64xf32, #tpu.memory_space<hbm>>
    %dma_wait3A_606 = tpu.memref_slice %arg14[%dma_wait3A_595] : memref<5x!tpu.dma_semaphore, #tpu.memory_space<semaphore_mem>> -> memref<1x!tpu.dma_semaphore, #tpu.memory_space<semaphore_mem>>
    %dma_wait3A_607 = tpu.memref_squeeze %dma_wait3A_606 : memref<1x!tpu.dma_semaphore, #tpu.memory_space<semaphore_mem>> -> memref<!tpu.dma_semaphore, #tpu.memory_space<semaphore_mem>>
    tpu.wait_indirect_dma semaphore(%dma_wait3A_607 : memref<!tpu.dma_semaphore, #tpu.memory_space<semaphore_mem>>) src(%dma_wait3A_605 : memref<20000x64xf32, #tpu.memory_space<hbm>>) dst(%dma_wait3A_599 : memref<128x64xf32, #tpu.memory_space<vmem>>)
    %dma_wait3A_608 = arith.constant 0 : i32
    %dma_wait3A_609 = arith.constant 0 : i32
    %dma_wait3A_610 = arith.constant 0 : i32
    %dma_wait3A_611 = arith.constant 0 : i32
    %dma_wait3A_612 = arith.constant 0 : i32
    %dma_wait3A_613 = tpu.memref_slice %arg9[%dma_wait3A_610, %dma_wait3A_612] : memref<5x128xf32, #tpu.memory_space<vmem>> -> memref<1x128xf32, #tpu.memory_space<vmem>>
    %dma_wait3A_614 = tpu.memref_squeeze %dma_wait3A_613 : memref<1x128xf32, #tpu.memory_space<vmem>> -> memref<128xf32, #tpu.memory_space<vmem>>
    %dma_wait3A_615 = arith.constant 0 : i32
    %dma_wait3A_616 = tpu.memref_slice %arg7[%dma_wait3A_608, %dma_wait3A_609, %dma_wait3A_615] : memref<10x2x128xi32, #tpu.memory_space<vmem>> -> memref<1x1x128xi32, #tpu.memory_space<vmem>>
    %dma_wait3A_617 = tpu.memref_squeeze %dma_wait3A_616 : memref<1x1x128xi32, #tpu.memory_space<vmem>> -> memref<128xi32, #tpu.memory_space<vmem>>
    %dma_wait3A_618 = arith.constant 0 : i32
    %dma_wait3A_619 = tpu.memref_slice %arg3[%dma_wait3A_618] : memref<20000xf32, #tpu.memory_space<hbm>> -> memref<20000xf32, #tpu.memory_space<hbm>>
    %dma_wait3A_620 = tpu.memref_slice %arg17[%dma_wait3A_611] : memref<5x!tpu.dma_semaphore, #tpu.memory_space<semaphore_mem>> -> memref<1x!tpu.dma_semaphore, #tpu.memory_space<semaphore_mem>>
    %dma_wait3A_621 = tpu.memref_squeeze %dma_wait3A_620 : memref<1x!tpu.dma_semaphore, #tpu.memory_space<semaphore_mem>> -> memref<!tpu.dma_semaphore, #tpu.memory_space<semaphore_mem>>
    tpu.wait_indirect_dma semaphore(%dma_wait3A_621 : memref<!tpu.dma_semaphore, #tpu.memory_space<semaphore_mem>>) src(%dma_wait3A_619 : memref<20000xf32, #tpu.memory_space<hbm>>) dst(%dma_wait3A_614 : memref<128xf32, #tpu.memory_space<vmem>>)
    %dma_start3A_622 = arith.constant 0 : i32
    %dma_start3A_623 = arith.constant 0 : i32
    %dma_start3A_624 = arith.constant 1 : i32
    %dma_start3A_625 = arith.constant 0 : i32
    %dma_start3A_626 = arith.constant 0 : i32
    %dma_start3A_627 = arith.constant 0 : i32
    %dma_start3A_628 = tpu.memref_slice %arg8[%dma_start3A_622, %dma_start3A_626, %dma_start3A_627] : memref<5x128x64xf32, #tpu.memory_space<vmem>> -> memref<1x128x64xf32, #tpu.memory_space<vmem>>
    %dma_start3A_629 = tpu.memref_squeeze %dma_start3A_628 : memref<1x128x64xf32, #tpu.memory_space<vmem>> -> memref<128x64xf32, #tpu.memory_space<vmem>>
    %dma_start3A_630 = arith.constant 0 : i32
    %dma_start3A_631 = tpu.memref_slice %arg7[%dma_start3A_623, %dma_start3A_624, %dma_start3A_630] : memref<10x2x128xi32, #tpu.memory_space<vmem>> -> memref<1x1x128xi32, #tpu.memory_space<vmem>>
    %dma_start3A_632 = tpu.memref_squeeze %dma_start3A_631 : memref<1x1x128xi32, #tpu.memory_space<vmem>> -> memref<128xi32, #tpu.memory_space<vmem>>
    %dma_start3A_633 = arith.constant 0 : i32
    %dma_start3A_634 = arith.constant 0 : i32
    %dma_start3A_635 = tpu.memref_slice %arg12[%dma_start3A_633, %dma_start3A_634] : memref<10240x64xf32, #tpu.memory_space<vmem_shared>> -> memref<10240x64xf32, #tpu.memory_space<vmem_shared>>
    %dma_start3A_636 = tpu.memref_slice %arg15[%dma_start3A_625] : memref<5x!tpu.dma_semaphore, #tpu.memory_space<semaphore_mem>> -> memref<1x!tpu.dma_semaphore, #tpu.memory_space<semaphore_mem>>
    %dma_start3A_637 = tpu.memref_squeeze %dma_start3A_636 : memref<1x!tpu.dma_semaphore, #tpu.memory_space<semaphore_mem>> -> memref<!tpu.dma_semaphore, #tpu.memory_space<semaphore_mem>>
    tpu.enqueue_indirect_dma source(%dma_start3A_629 : memref<128x64xf32, #tpu.memory_space<vmem>>) target(%dma_start3A_635 : memref<10240x64xf32, #tpu.memory_space<vmem_shared>>) offsets(%dma_start3A_632 : memref<128xi32, #tpu.memory_space<vmem>>) semaphore(%dma_start3A_637 : memref<!tpu.dma_semaphore, #tpu.memory_space<semaphore_mem>>) {add = true}
    %dma_start3A_638 = arith.constant 0 : i32
    %dma_start3A_639 = arith.constant 0 : i32
    %dma_start3A_640 = arith.constant 1 : i32
    %dma_start3A_641 = arith.constant 0 : i32
    %dma_start3A_642 = arith.constant 0 : i32
    %dma_start3A_643 = tpu.memref_slice %arg9[%dma_start3A_638, %dma_start3A_642] : memref<5x128xf32, #tpu.memory_space<vmem>> -> memref<1x128xf32, #tpu.memory_space<vmem>>
    %dma_start3A_644 = tpu.memref_squeeze %dma_start3A_643 : memref<1x128xf32, #tpu.memory_space<vmem>> -> memref<128xf32, #tpu.memory_space<vmem>>
    %dma_start3A_645 = arith.constant 0 : i32
    %dma_start3A_646 = tpu.memref_slice %arg7[%dma_start3A_639, %dma_start3A_640, %dma_start3A_645] : memref<10x2x128xi32, #tpu.memory_space<vmem>> -> memref<1x1x128xi32, #tpu.memory_space<vmem>>
    %dma_start3A_647 = tpu.memref_squeeze %dma_start3A_646 : memref<1x1x128xi32, #tpu.memory_space<vmem>> -> memref<128xi32, #tpu.memory_space<vmem>>
    %dma_start3A_648 = arith.constant 0 : i32
    %dma_start3A_649 = tpu.memref_slice %arg13[%dma_start3A_648] : memref<10240xf32, #tpu.memory_space<vmem_shared>> -> memref<10240xf32, #tpu.memory_space<vmem_shared>>
    %dma_start3A_650 = tpu.memref_slice %arg18[%dma_start3A_641] : memref<5x!tpu.dma_semaphore, #tpu.memory_space<semaphore_mem>> -> memref<1x!tpu.dma_semaphore, #tpu.memory_space<semaphore_mem>>
    %dma_start3A_651 = tpu.memref_squeeze %dma_start3A_650 : memref<1x!tpu.dma_semaphore, #tpu.memory_space<semaphore_mem>> -> memref<!tpu.dma_semaphore, #tpu.memory_space<semaphore_mem>>
    tpu.enqueue_indirect_dma source(%dma_start3A_644 : memref<128xf32, #tpu.memory_space<vmem>>) target(%dma_start3A_649 : memref<10240xf32, #tpu.memory_space<vmem_shared>>) offsets(%dma_start3A_647 : memref<128xi32, #tpu.memory_space<vmem>>) semaphore(%dma_start3A_651 : memref<!tpu.dma_semaphore, #tpu.memory_space<semaphore_mem>>) {add = true}
    %add3A_652 = arith.constant 4 : i32
    %add3A_653 = arith.addi %mul3A_187, %add3A_652 : i32
    %dma_wait3A_654 = arith.constant 4 : i32
    %dma_wait3A_655 = arith.constant 4 : i32
    %dma_wait3A_656 = arith.constant 0 : i32
    %dma_wait3A_657 = arith.constant 0 : i32
    %dma_wait3A_658 = tpu.memref_slice %arg7[%dma_wait3A_654, %dma_wait3A_656, %dma_wait3A_657] : memref<10x2x128xi32, #tpu.memory_space<vmem>> -> memref<1x2x128xi32, #tpu.memory_space<vmem>>
    %dma_wait3A_659 = tpu.memref_squeeze %dma_wait3A_658 : memref<1x2x128xi32, #tpu.memory_space<vmem>> -> memref<2x128xi32, #tpu.memory_space<vmem>>
    %dma_wait3A_660 = arith.constant 0 : i32
    %dma_wait3A_661 = arith.constant 0 : i32
    %dma_wait3A_662 = tpu.memref_slice %arg4[%arg0, %add3A_653, %dma_wait3A_660, %dma_wait3A_661] : memref<2x2560x2x128xi32, #tpu.memory_space<hbm>> -> memref<1x1x2x128xi32, #tpu.memory_space<hbm>>
    %dma_wait3A_663 = tpu.memref_squeeze %dma_wait3A_662 : memref<1x1x2x128xi32, #tpu.memory_space<hbm>> -> memref<2x128xi32, #tpu.memory_space<hbm>>
    %dma_wait3A_664 = tpu.memref_slice %arg16[%dma_wait3A_655] : memref<10x!tpu.dma_semaphore, #tpu.memory_space<semaphore_mem>> -> memref<1x!tpu.dma_semaphore, #tpu.memory_space<semaphore_mem>>
    %dma_wait3A_665 = tpu.memref_squeeze %dma_wait3A_664 : memref<1x!tpu.dma_semaphore, #tpu.memory_space<semaphore_mem>> -> memref<!tpu.dma_semaphore, #tpu.memory_space<semaphore_mem>>
    %dma_wait3A_666 = arith.constant 0 : i32
    %dma_wait3A_667 = arith.constant 0 : i32
    %dma_wait3A_668 = tpu.memref_slice %arg7[%dma_wait3A_654, %dma_wait3A_666, %dma_wait3A_667] : memref<10x2x128xi32, #tpu.memory_space<vmem>> -> memref<1x2x128xi32, #tpu.memory_space<vmem>>
    %dma_wait3A_669 = tpu.memref_squeeze %dma_wait3A_668 : memref<1x2x128xi32, #tpu.memory_space<vmem>> -> memref<2x128xi32, #tpu.memory_space<vmem>>
    %dma_wait3A_670 = arith.constant 0 : i32
    %dma_wait3A_671 = arith.constant 0 : i32
    %dma_wait3A_672 = tpu.memref_slice %arg4[%arg0, %add3A_653, %dma_wait3A_670, %dma_wait3A_671] : memref<2x2560x2x128xi32, #tpu.memory_space<hbm>> -> memref<1x1x2x128xi32, #tpu.memory_space<hbm>>
    %dma_wait3A_673 = tpu.memref_squeeze %dma_wait3A_672 : memref<1x1x2x128xi32, #tpu.memory_space<hbm>> -> memref<2x128xi32, #tpu.memory_space<hbm>>
    tpu.wait_dma2 semaphore(%dma_wait3A_665 : memref<!tpu.dma_semaphore, #tpu.memory_space<semaphore_mem>>) src(%dma_wait3A_673 : memref<2x128xi32, #tpu.memory_space<hbm>>) dst(%dma_wait3A_669 : memref<2x128xi32, #tpu.memory_space<vmem>>)
    %dma_start3A_674 = arith.constant 4 : i32
    %dma_start3A_675 = arith.constant 0 : i32
    %dma_start3A_676 = arith.constant 4 : i32
    %dma_start3A_677 = arith.constant 4 : i32
    %dma_start3A_678 = arith.constant 0 : i32
    %dma_start3A_679 = arith.constant 0 : i32
    %dma_start3A_680 = tpu.memref_slice %arg8[%dma_start3A_676, %dma_start3A_678, %dma_start3A_679] : memref<5x128x64xf32, #tpu.memory_space<vmem>> -> memref<1x128x64xf32, #tpu.memory_space<vmem>>
    %dma_start3A_681 = tpu.memref_squeeze %dma_start3A_680 : memref<1x128x64xf32, #tpu.memory_space<vmem>> -> memref<128x64xf32, #tpu.memory_space<vmem>>
    %dma_start3A_682 = arith.constant 0 : i32
    %dma_start3A_683 = tpu.memref_slice %arg7[%dma_start3A_674, %dma_start3A_675, %dma_start3A_682] : memref<10x2x128xi32, #tpu.memory_space<vmem>> -> memref<1x1x128xi32, #tpu.memory_space<vmem>>
    %dma_start3A_684 = tpu.memref_squeeze %dma_start3A_683 : memref<1x1x128xi32, #tpu.memory_space<vmem>> -> memref<128xi32, #tpu.memory_space<vmem>>
    %dma_start3A_685 = arith.constant 0 : i32
    %dma_start3A_686 = arith.constant 0 : i32
    %dma_start3A_687 = tpu.memref_slice %arg2[%dma_start3A_685, %dma_start3A_686] : memref<20000x64xf32, #tpu.memory_space<hbm>> -> memref<20000x64xf32, #tpu.memory_space<hbm>>
    %dma_start3A_688 = tpu.memref_slice %arg14[%dma_start3A_677] : memref<5x!tpu.dma_semaphore, #tpu.memory_space<semaphore_mem>> -> memref<1x!tpu.dma_semaphore, #tpu.memory_space<semaphore_mem>>
    %dma_start3A_689 = tpu.memref_squeeze %dma_start3A_688 : memref<1x!tpu.dma_semaphore, #tpu.memory_space<semaphore_mem>> -> memref<!tpu.dma_semaphore, #tpu.memory_space<semaphore_mem>>
    tpu.enqueue_indirect_dma source(%dma_start3A_687 : memref<20000x64xf32, #tpu.memory_space<hbm>>) target(%dma_start3A_681 : memref<128x64xf32, #tpu.memory_space<vmem>>) offsets(%dma_start3A_684 : memref<128xi32, #tpu.memory_space<vmem>>) semaphore(%dma_start3A_689 : memref<!tpu.dma_semaphore, #tpu.memory_space<semaphore_mem>>)
    %dma_start3A_690 = arith.constant 4 : i32
    %dma_start3A_691 = arith.constant 0 : i32
    %dma_start3A_692 = arith.constant 4 : i32
    %dma_start3A_693 = arith.constant 4 : i32
    %dma_start3A_694 = arith.constant 0 : i32
    %dma_start3A_695 = tpu.memref_slice %arg9[%dma_start3A_692, %dma_start3A_694] : memref<5x128xf32, #tpu.memory_space<vmem>> -> memref<1x128xf32, #tpu.memory_space<vmem>>
    %dma_start3A_696 = tpu.memref_squeeze %dma_start3A_695 : memref<1x128xf32, #tpu.memory_space<vmem>> -> memref<128xf32, #tpu.memory_space<vmem>>
    %dma_start3A_697 = arith.constant 0 : i32
    %dma_start3A_698 = tpu.memref_slice %arg7[%dma_start3A_690, %dma_start3A_691, %dma_start3A_697] : memref<10x2x128xi32, #tpu.memory_space<vmem>> -> memref<1x1x128xi32, #tpu.memory_space<vmem>>
    %dma_start3A_699 = tpu.memref_squeeze %dma_start3A_698 : memref<1x1x128xi32, #tpu.memory_space<vmem>> -> memref<128xi32, #tpu.memory_space<vmem>>
    %dma_start3A_700 = arith.constant 0 : i32
    %dma_start3A_701 = tpu.memref_slice %arg3[%dma_start3A_700] : memref<20000xf32, #tpu.memory_space<hbm>> -> memref<20000xf32, #tpu.memory_space<hbm>>
    %dma_start3A_702 = tpu.memref_slice %arg17[%dma_start3A_693] : memref<5x!tpu.dma_semaphore, #tpu.memory_space<semaphore_mem>> -> memref<1x!tpu.dma_semaphore, #tpu.memory_space<semaphore_mem>>
    %dma_start3A_703 = tpu.memref_squeeze %dma_start3A_702 : memref<1x!tpu.dma_semaphore, #tpu.memory_space<semaphore_mem>> -> memref<!tpu.dma_semaphore, #tpu.memory_space<semaphore_mem>>
    tpu.enqueue_indirect_dma source(%dma_start3A_701 : memref<20000xf32, #tpu.memory_space<hbm>>) target(%dma_start3A_696 : memref<128xf32, #tpu.memory_space<vmem>>) offsets(%dma_start3A_699 : memref<128xi32, #tpu.memory_space<vmem>>) semaphore(%dma_start3A_703 : memref<!tpu.dma_semaphore, #tpu.memory_space<semaphore_mem>>)
    %add3A_704 = arith.constant 9 : i32
    %add3A_705 = arith.addi %mul3A_187, %add3A_704 : i32
    %dma_start3A_706 = arith.constant 9 : i32
    %dma_start3A_707 = arith.constant 9 : i32
    %dma_start3A_708 = arith.constant 0 : i32
    %dma_start3A_709 = arith.constant 0 : i32
    %dma_start3A_710 = tpu.memref_slice %arg7[%dma_start3A_706, %dma_start3A_708, %dma_start3A_709] : memref<10x2x128xi32, #tpu.memory_space<vmem>> -> memref<1x2x128xi32, #tpu.memory_space<vmem>>
    %dma_start3A_711 = tpu.memref_squeeze %dma_start3A_710 : memref<1x2x128xi32, #tpu.memory_space<vmem>> -> memref<2x128xi32, #tpu.memory_space<vmem>>
    %dma_start3A_712 = arith.constant 0 : i32
    %dma_start3A_713 = arith.constant 0 : i32
    %dma_start3A_714 = tpu.memref_slice %arg4[%arg0, %add3A_705, %dma_start3A_712, %dma_start3A_713] : memref<2x2560x2x128xi32, #tpu.memory_space<hbm>> -> memref<1x1x2x128xi32, #tpu.memory_space<hbm>>
    %dma_start3A_715 = tpu.memref_squeeze %dma_start3A_714 : memref<1x1x2x128xi32, #tpu.memory_space<hbm>> -> memref<2x128xi32, #tpu.memory_space<hbm>>
    %dma_start3A_716 = tpu.memref_slice %arg16[%dma_start3A_707] : memref<10x!tpu.dma_semaphore, #tpu.memory_space<semaphore_mem>> -> memref<1x!tpu.dma_semaphore, #tpu.memory_space<semaphore_mem>>
    %dma_start3A_717 = tpu.memref_squeeze %dma_start3A_716 : memref<1x!tpu.dma_semaphore, #tpu.memory_space<semaphore_mem>> -> memref<!tpu.dma_semaphore, #tpu.memory_space<semaphore_mem>>
    %dma_start3A_718 = arith.constant 0 : i32
    %dma_start3A_719 = arith.constant 0 : i32
    %dma_start3A_720 = tpu.memref_slice %arg7[%dma_start3A_706, %dma_start3A_718, %dma_start3A_719] : memref<10x2x128xi32, #tpu.memory_space<vmem>> -> memref<1x2x128xi32, #tpu.memory_space<vmem>>
    %dma_start3A_721 = tpu.memref_squeeze %dma_start3A_720 : memref<1x2x128xi32, #tpu.memory_space<vmem>> -> memref<2x128xi32, #tpu.memory_space<vmem>>
    %dma_start3A_722 = arith.constant 0 : i32
    %dma_start3A_723 = arith.constant 0 : i32
    %dma_start3A_724 = tpu.memref_slice %arg4[%arg0, %add3A_705, %dma_start3A_722, %dma_start3A_723] : memref<2x2560x2x128xi32, #tpu.memory_space<hbm>> -> memref<1x1x2x128xi32, #tpu.memory_space<hbm>>
    %dma_start3A_725 = tpu.memref_squeeze %dma_start3A_724 : memref<1x1x2x128xi32, #tpu.memory_space<hbm>> -> memref<2x128xi32, #tpu.memory_space<hbm>>
    tpu.enqueue_dma source(%dma_start3A_725 : memref<2x128xi32, #tpu.memory_space<hbm>>) target(%dma_start3A_721 : memref<2x128xi32, #tpu.memory_space<vmem>>) target_semaphore(%dma_start3A_717 : memref<!tpu.dma_semaphore, #tpu.memory_space<semaphore_mem>>)
    %dma_wait3A_726 = arith.constant 1 : i32
    %dma_wait3A_727 = arith.constant 0 : i32
    %dma_wait3A_728 = arith.constant 1 : i32
    %dma_wait3A_729 = arith.constant 1 : i32
    %dma_wait3A_730 = arith.constant 0 : i32
    %dma_wait3A_731 = arith.constant 0 : i32
    %dma_wait3A_732 = tpu.memref_slice %arg8[%dma_wait3A_728, %dma_wait3A_730, %dma_wait3A_731] : memref<5x128x64xf32, #tpu.memory_space<vmem>> -> memref<1x128x64xf32, #tpu.memory_space<vmem>>
    %dma_wait3A_733 = tpu.memref_squeeze %dma_wait3A_732 : memref<1x128x64xf32, #tpu.memory_space<vmem>> -> memref<128x64xf32, #tpu.memory_space<vmem>>
    %dma_wait3A_734 = arith.constant 0 : i32
    %dma_wait3A_735 = tpu.memref_slice %arg7[%dma_wait3A_726, %dma_wait3A_727, %dma_wait3A_734] : memref<10x2x128xi32, #tpu.memory_space<vmem>> -> memref<1x1x128xi32, #tpu.memory_space<vmem>>
    %dma_wait3A_736 = tpu.memref_squeeze %dma_wait3A_735 : memref<1x1x128xi32, #tpu.memory_space<vmem>> -> memref<128xi32, #tpu.memory_space<vmem>>
    %dma_wait3A_737 = arith.constant 0 : i32
    %dma_wait3A_738 = arith.constant 0 : i32
    %dma_wait3A_739 = tpu.memref_slice %arg2[%dma_wait3A_737, %dma_wait3A_738] : memref<20000x64xf32, #tpu.memory_space<hbm>> -> memref<20000x64xf32, #tpu.memory_space<hbm>>
    %dma_wait3A_740 = tpu.memref_slice %arg14[%dma_wait3A_729] : memref<5x!tpu.dma_semaphore, #tpu.memory_space<semaphore_mem>> -> memref<1x!tpu.dma_semaphore, #tpu.memory_space<semaphore_mem>>
    %dma_wait3A_741 = tpu.memref_squeeze %dma_wait3A_740 : memref<1x!tpu.dma_semaphore, #tpu.memory_space<semaphore_mem>> -> memref<!tpu.dma_semaphore, #tpu.memory_space<semaphore_mem>>
    tpu.wait_indirect_dma semaphore(%dma_wait3A_741 : memref<!tpu.dma_semaphore, #tpu.memory_space<semaphore_mem>>) src(%dma_wait3A_739 : memref<20000x64xf32, #tpu.memory_space<hbm>>) dst(%dma_wait3A_733 : memref<128x64xf32, #tpu.memory_space<vmem>>)
    %dma_wait3A_742 = arith.constant 1 : i32
    %dma_wait3A_743 = arith.constant 0 : i32
    %dma_wait3A_744 = arith.constant 1 : i32
    %dma_wait3A_745 = arith.constant 1 : i32
    %dma_wait3A_746 = arith.constant 0 : i32
    %dma_wait3A_747 = tpu.memref_slice %arg9[%dma_wait3A_744, %dma_wait3A_746] : memref<5x128xf32, #tpu.memory_space<vmem>> -> memref<1x128xf32, #tpu.memory_space<vmem>>
    %dma_wait3A_748 = tpu.memref_squeeze %dma_wait3A_747 : memref<1x128xf32, #tpu.memory_space<vmem>> -> memref<128xf32, #tpu.memory_space<vmem>>
    %dma_wait3A_749 = arith.constant 0 : i32
    %dma_wait3A_750 = tpu.memref_slice %arg7[%dma_wait3A_742, %dma_wait3A_743, %dma_wait3A_749] : memref<10x2x128xi32, #tpu.memory_space<vmem>> -> memref<1x1x128xi32, #tpu.memory_space<vmem>>
    %dma_wait3A_751 = tpu.memref_squeeze %dma_wait3A_750 : memref<1x1x128xi32, #tpu.memory_space<vmem>> -> memref<128xi32, #tpu.memory_space<vmem>>
    %dma_wait3A_752 = arith.constant 0 : i32
    %dma_wait3A_753 = tpu.memref_slice %arg3[%dma_wait3A_752] : memref<20000xf32, #tpu.memory_space<hbm>> -> memref<20000xf32, #tpu.memory_space<hbm>>
    %dma_wait3A_754 = tpu.memref_slice %arg17[%dma_wait3A_745] : memref<5x!tpu.dma_semaphore, #tpu.memory_space<semaphore_mem>> -> memref<1x!tpu.dma_semaphore, #tpu.memory_space<semaphore_mem>>
    %dma_wait3A_755 = tpu.memref_squeeze %dma_wait3A_754 : memref<1x!tpu.dma_semaphore, #tpu.memory_space<semaphore_mem>> -> memref<!tpu.dma_semaphore, #tpu.memory_space<semaphore_mem>>
    tpu.wait_indirect_dma semaphore(%dma_wait3A_755 : memref<!tpu.dma_semaphore, #tpu.memory_space<semaphore_mem>>) src(%dma_wait3A_753 : memref<20000xf32, #tpu.memory_space<hbm>>) dst(%dma_wait3A_748 : memref<128xf32, #tpu.memory_space<vmem>>)
    %dma_start3A_756 = arith.constant 1 : i32
    %dma_start3A_757 = arith.constant 1 : i32
    %dma_start3A_758 = arith.constant 1 : i32
    %dma_start3A_759 = arith.constant 1 : i32
    %dma_start3A_760 = arith.constant 0 : i32
    %dma_start3A_761 = arith.constant 0 : i32
    %dma_start3A_762 = tpu.memref_slice %arg8[%dma_start3A_756, %dma_start3A_760, %dma_start3A_761] : memref<5x128x64xf32, #tpu.memory_space<vmem>> -> memref<1x128x64xf32, #tpu.memory_space<vmem>>
    %dma_start3A_763 = tpu.memref_squeeze %dma_start3A_762 : memref<1x128x64xf32, #tpu.memory_space<vmem>> -> memref<128x64xf32, #tpu.memory_space<vmem>>
    %dma_start3A_764 = arith.constant 0 : i32
    %dma_start3A_765 = tpu.memref_slice %arg7[%dma_start3A_757, %dma_start3A_758, %dma_start3A_764] : memref<10x2x128xi32, #tpu.memory_space<vmem>> -> memref<1x1x128xi32, #tpu.memory_space<vmem>>
    %dma_start3A_766 = tpu.memref_squeeze %dma_start3A_765 : memref<1x1x128xi32, #tpu.memory_space<vmem>> -> memref<128xi32, #tpu.memory_space<vmem>>
    %dma_start3A_767 = arith.constant 0 : i32
    %dma_start3A_768 = arith.constant 0 : i32
    %dma_start3A_769 = tpu.memref_slice %arg12[%dma_start3A_767, %dma_start3A_768] : memref<10240x64xf32, #tpu.memory_space<vmem_shared>> -> memref<10240x64xf32, #tpu.memory_space<vmem_shared>>
    %dma_start3A_770 = tpu.memref_slice %arg15[%dma_start3A_759] : memref<5x!tpu.dma_semaphore, #tpu.memory_space<semaphore_mem>> -> memref<1x!tpu.dma_semaphore, #tpu.memory_space<semaphore_mem>>
    %dma_start3A_771 = tpu.memref_squeeze %dma_start3A_770 : memref<1x!tpu.dma_semaphore, #tpu.memory_space<semaphore_mem>> -> memref<!tpu.dma_semaphore, #tpu.memory_space<semaphore_mem>>
    tpu.enqueue_indirect_dma source(%dma_start3A_763 : memref<128x64xf32, #tpu.memory_space<vmem>>) target(%dma_start3A_769 : memref<10240x64xf32, #tpu.memory_space<vmem_shared>>) offsets(%dma_start3A_766 : memref<128xi32, #tpu.memory_space<vmem>>) semaphore(%dma_start3A_771 : memref<!tpu.dma_semaphore, #tpu.memory_space<semaphore_mem>>) {add = true}
    %dma_start3A_772 = arith.constant 1 : i32
    %dma_start3A_773 = arith.constant 1 : i32
    %dma_start3A_774 = arith.constant 1 : i32
    %dma_start3A_775 = arith.constant 1 : i32
    %dma_start3A_776 = arith.constant 0 : i32
    %dma_start3A_777 = tpu.memref_slice %arg9[%dma_start3A_772, %dma_start3A_776] : memref<5x128xf32, #tpu.memory_space<vmem>> -> memref<1x128xf32, #tpu.memory_space<vmem>>
    %dma_start3A_778 = tpu.memref_squeeze %dma_start3A_777 : memref<1x128xf32, #tpu.memory_space<vmem>> -> memref<128xf32, #tpu.memory_space<vmem>>
    %dma_start3A_779 = arith.constant 0 : i32
    %dma_start3A_780 = tpu.memref_slice %arg7[%dma_start3A_773, %dma_start3A_774, %dma_start3A_779] : memref<10x2x128xi32, #tpu.memory_space<vmem>> -> memref<1x1x128xi32, #tpu.memory_space<vmem>>
    %dma_start3A_781 = tpu.memref_squeeze %dma_start3A_780 : memref<1x1x128xi32, #tpu.memory_space<vmem>> -> memref<128xi32, #tpu.memory_space<vmem>>
    %dma_start3A_782 = arith.constant 0 : i32
    %dma_start3A_783 = tpu.memref_slice %arg13[%dma_start3A_782] : memref<10240xf32, #tpu.memory_space<vmem_shared>> -> memref<10240xf32, #tpu.memory_space<vmem_shared>>
    %dma_start3A_784 = tpu.memref_slice %arg18[%dma_start3A_775] : memref<5x!tpu.dma_semaphore, #tpu.memory_space<semaphore_mem>> -> memref<1x!tpu.dma_semaphore, #tpu.memory_space<semaphore_mem>>
    %dma_start3A_785 = tpu.memref_squeeze %dma_start3A_784 : memref<1x!tpu.dma_semaphore, #tpu.memory_space<semaphore_mem>> -> memref<!tpu.dma_semaphore, #tpu.memory_space<semaphore_mem>>
    tpu.enqueue_indirect_dma source(%dma_start3A_778 : memref<128xf32, #tpu.memory_space<vmem>>) target(%dma_start3A_783 : memref<10240xf32, #tpu.memory_space<vmem_shared>>) offsets(%dma_start3A_781 : memref<128xi32, #tpu.memory_space<vmem>>) semaphore(%dma_start3A_785 : memref<!tpu.dma_semaphore, #tpu.memory_space<semaphore_mem>>) {add = true}
    %dma_wait3A_786 = arith.constant 0 : i32
    %dma_wait3A_787 = arith.constant 0 : i32
    %dma_wait3A_788 = arith.constant 1 : i32
    %dma_wait3A_789 = arith.constant 0 : i32
    %dma_wait3A_790 = arith.constant 0 : i32
    %dma_wait3A_791 = arith.constant 0 : i32
    %dma_wait3A_792 = tpu.memref_slice %arg8[%dma_wait3A_786, %dma_wait3A_790, %dma_wait3A_791] : memref<5x128x64xf32, #tpu.memory_space<vmem>> -> memref<1x128x64xf32, #tpu.memory_space<vmem>>
    %dma_wait3A_793 = tpu.memref_squeeze %dma_wait3A_792 : memref<1x128x64xf32, #tpu.memory_space<vmem>> -> memref<128x64xf32, #tpu.memory_space<vmem>>
    %dma_wait3A_794 = arith.constant 0 : i32
    %dma_wait3A_795 = tpu.memref_slice %arg7[%dma_wait3A_787, %dma_wait3A_788, %dma_wait3A_794] : memref<10x2x128xi32, #tpu.memory_space<vmem>> -> memref<1x1x128xi32, #tpu.memory_space<vmem>>
    %dma_wait3A_796 = tpu.memref_squeeze %dma_wait3A_795 : memref<1x1x128xi32, #tpu.memory_space<vmem>> -> memref<128xi32, #tpu.memory_space<vmem>>
    %dma_wait3A_797 = arith.constant 0 : i32
    %dma_wait3A_798 = arith.constant 0 : i32
    %dma_wait3A_799 = tpu.memref_slice %arg12[%dma_wait3A_797, %dma_wait3A_798] : memref<10240x64xf32, #tpu.memory_space<vmem_shared>> -> memref<10240x64xf32, #tpu.memory_space<vmem_shared>>
    %dma_wait3A_800 = tpu.memref_slice %arg15[%dma_wait3A_789] : memref<5x!tpu.dma_semaphore, #tpu.memory_space<semaphore_mem>> -> memref<1x!tpu.dma_semaphore, #tpu.memory_space<semaphore_mem>>
    %dma_wait3A_801 = tpu.memref_squeeze %dma_wait3A_800 : memref<1x!tpu.dma_semaphore, #tpu.memory_space<semaphore_mem>> -> memref<!tpu.dma_semaphore, #tpu.memory_space<semaphore_mem>>
    tpu.wait_indirect_dma semaphore(%dma_wait3A_801 : memref<!tpu.dma_semaphore, #tpu.memory_space<semaphore_mem>>) src(%dma_wait3A_793 : memref<128x64xf32, #tpu.memory_space<vmem>>) dst(%dma_wait3A_799 : memref<10240x64xf32, #tpu.memory_space<vmem_shared>>)
    %dma_wait3A_802 = arith.constant 0 : i32
    %dma_wait3A_803 = arith.constant 0 : i32
    %dma_wait3A_804 = arith.constant 1 : i32
    %dma_wait3A_805 = arith.constant 0 : i32
    %dma_wait3A_806 = arith.constant 0 : i32
    %dma_wait3A_807 = tpu.memref_slice %arg9[%dma_wait3A_802, %dma_wait3A_806] : memref<5x128xf32, #tpu.memory_space<vmem>> -> memref<1x128xf32, #tpu.memory_space<vmem>>
    %dma_wait3A_808 = tpu.memref_squeeze %dma_wait3A_807 : memref<1x128xf32, #tpu.memory_space<vmem>> -> memref<128xf32, #tpu.memory_space<vmem>>
    %dma_wait3A_809 = arith.constant 0 : i32
    %dma_wait3A_810 = tpu.memref_slice %arg7[%dma_wait3A_803, %dma_wait3A_804, %dma_wait3A_809] : memref<10x2x128xi32, #tpu.memory_space<vmem>> -> memref<1x1x128xi32, #tpu.memory_space<vmem>>
    %dma_wait3A_811 = tpu.memref_squeeze %dma_wait3A_810 : memref<1x1x128xi32, #tpu.memory_space<vmem>> -> memref<128xi32, #tpu.memory_space<vmem>>
    %dma_wait3A_812 = arith.constant 0 : i32
    %dma_wait3A_813 = tpu.memref_slice %arg13[%dma_wait3A_812] : memref<10240xf32, #tpu.memory_space<vmem_shared>> -> memref<10240xf32, #tpu.memory_space<vmem_shared>>
    %dma_wait3A_814 = tpu.memref_slice %arg18[%dma_wait3A_805] : memref<5x!tpu.dma_semaphore, #tpu.memory_space<semaphore_mem>> -> memref<1x!tpu.dma_semaphore, #tpu.memory_space<semaphore_mem>>
    %dma_wait3A_815 = tpu.memref_squeeze %dma_wait3A_814 : memref<1x!tpu.dma_semaphore, #tpu.memory_space<semaphore_mem>> -> memref<!tpu.dma_semaphore, #tpu.memory_space<semaphore_mem>>
    tpu.wait_indirect_dma semaphore(%dma_wait3A_815 : memref<!tpu.dma_semaphore, #tpu.memory_space<semaphore_mem>>) src(%dma_wait3A_808 : memref<128xf32, #tpu.memory_space<vmem>>) dst(%dma_wait3A_813 : memref<10240xf32, #tpu.memory_space<vmem_shared>>)
    %add3A_816 = arith.constant 5 : i32
    %add3A_817 = arith.addi %mul3A_187, %add3A_816 : i32
    %dma_wait3A_818 = arith.constant 5 : i32
    %dma_wait3A_819 = arith.constant 5 : i32
    %dma_wait3A_820 = arith.constant 0 : i32
    %dma_wait3A_821 = arith.constant 0 : i32
    %dma_wait3A_822 = tpu.memref_slice %arg7[%dma_wait3A_818, %dma_wait3A_820, %dma_wait3A_821] : memref<10x2x128xi32, #tpu.memory_space<vmem>> -> memref<1x2x128xi32, #tpu.memory_space<vmem>>
    %dma_wait3A_823 = tpu.memref_squeeze %dma_wait3A_822 : memref<1x2x128xi32, #tpu.memory_space<vmem>> -> memref<2x128xi32, #tpu.memory_space<vmem>>
    %dma_wait3A_824 = arith.constant 0 : i32
    %dma_wait3A_825 = arith.constant 0 : i32
    %dma_wait3A_826 = tpu.memref_slice %arg4[%arg0, %add3A_817, %dma_wait3A_824, %dma_wait3A_825] : memref<2x2560x2x128xi32, #tpu.memory_space<hbm>> -> memref<1x1x2x128xi32, #tpu.memory_space<hbm>>
    %dma_wait3A_827 = tpu.memref_squeeze %dma_wait3A_826 : memref<1x1x2x128xi32, #tpu.memory_space<hbm>> -> memref<2x128xi32, #tpu.memory_space<hbm>>
    %dma_wait3A_828 = tpu.memref_slice %arg16[%dma_wait3A_819] : memref<10x!tpu.dma_semaphore, #tpu.memory_space<semaphore_mem>> -> memref<1x!tpu.dma_semaphore, #tpu.memory_space<semaphore_mem>>
    %dma_wait3A_829 = tpu.memref_squeeze %dma_wait3A_828 : memref<1x!tpu.dma_semaphore, #tpu.memory_space<semaphore_mem>> -> memref<!tpu.dma_semaphore, #tpu.memory_space<semaphore_mem>>
    %dma_wait3A_830 = arith.constant 0 : i32
    %dma_wait3A_831 = arith.constant 0 : i32
    %dma_wait3A_832 = tpu.memref_slice %arg7[%dma_wait3A_818, %dma_wait3A_830, %dma_wait3A_831] : memref<10x2x128xi32, #tpu.memory_space<vmem>> -> memref<1x2x128xi32, #tpu.memory_space<vmem>>
    %dma_wait3A_833 = tpu.memref_squeeze %dma_wait3A_832 : memref<1x2x128xi32, #tpu.memory_space<vmem>> -> memref<2x128xi32, #tpu.memory_space<vmem>>
    %dma_wait3A_834 = arith.constant 0 : i32
    %dma_wait3A_835 = arith.constant 0 : i32
    %dma_wait3A_836 = tpu.memref_slice %arg4[%arg0, %add3A_817, %dma_wait3A_834, %dma_wait3A_835] : memref<2x2560x2x128xi32, #tpu.memory_space<hbm>> -> memref<1x1x2x128xi32, #tpu.memory_space<hbm>>
    %dma_wait3A_837 = tpu.memref_squeeze %dma_wait3A_836 : memref<1x1x2x128xi32, #tpu.memory_space<hbm>> -> memref<2x128xi32, #tpu.memory_space<hbm>>
    tpu.wait_dma2 semaphore(%dma_wait3A_829 : memref<!tpu.dma_semaphore, #tpu.memory_space<semaphore_mem>>) src(%dma_wait3A_837 : memref<2x128xi32, #tpu.memory_space<hbm>>) dst(%dma_wait3A_833 : memref<2x128xi32, #tpu.memory_space<vmem>>)
    %dma_start3A_838 = arith.constant 5 : i32
    %dma_start3A_839 = arith.constant 0 : i32
    %dma_start3A_840 = arith.constant 0 : i32
    %dma_start3A_841 = arith.constant 0 : i32
    %dma_start3A_842 = arith.constant 0 : i32
    %dma_start3A_843 = arith.constant 0 : i32
    %dma_start3A_844 = tpu.memref_slice %arg8[%dma_start3A_840, %dma_start3A_842, %dma_start3A_843] : memref<5x128x64xf32, #tpu.memory_space<vmem>> -> memref<1x128x64xf32, #tpu.memory_space<vmem>>
    %dma_start3A_845 = tpu.memref_squeeze %dma_start3A_844 : memref<1x128x64xf32, #tpu.memory_space<vmem>> -> memref<128x64xf32, #tpu.memory_space<vmem>>
    %dma_start3A_846 = arith.constant 0 : i32
    %dma_start3A_847 = tpu.memref_slice %arg7[%dma_start3A_838, %dma_start3A_839, %dma_start3A_846] : memref<10x2x128xi32, #tpu.memory_space<vmem>> -> memref<1x1x128xi32, #tpu.memory_space<vmem>>
    %dma_start3A_848 = tpu.memref_squeeze %dma_start3A_847 : memref<1x1x128xi32, #tpu.memory_space<vmem>> -> memref<128xi32, #tpu.memory_space<vmem>>
    %dma_start3A_849 = arith.constant 0 : i32
    %dma_start3A_850 = arith.constant 0 : i32
    %dma_start3A_851 = tpu.memref_slice %arg2[%dma_start3A_849, %dma_start3A_850] : memref<20000x64xf32, #tpu.memory_space<hbm>> -> memref<20000x64xf32, #tpu.memory_space<hbm>>
    %dma_start3A_852 = tpu.memref_slice %arg14[%dma_start3A_841] : memref<5x!tpu.dma_semaphore, #tpu.memory_space<semaphore_mem>> -> memref<1x!tpu.dma_semaphore, #tpu.memory_space<semaphore_mem>>
    %dma_start3A_853 = tpu.memref_squeeze %dma_start3A_852 : memref<1x!tpu.dma_semaphore, #tpu.memory_space<semaphore_mem>> -> memref<!tpu.dma_semaphore, #tpu.memory_space<semaphore_mem>>
    tpu.enqueue_indirect_dma source(%dma_start3A_851 : memref<20000x64xf32, #tpu.memory_space<hbm>>) target(%dma_start3A_845 : memref<128x64xf32, #tpu.memory_space<vmem>>) offsets(%dma_start3A_848 : memref<128xi32, #tpu.memory_space<vmem>>) semaphore(%dma_start3A_853 : memref<!tpu.dma_semaphore, #tpu.memory_space<semaphore_mem>>)
    %dma_start3A_854 = arith.constant 5 : i32
    %dma_start3A_855 = arith.constant 0 : i32
    %dma_start3A_856 = arith.constant 0 : i32
    %dma_start3A_857 = arith.constant 0 : i32
    %dma_start3A_858 = arith.constant 0 : i32
    %dma_start3A_859 = tpu.memref_slice %arg9[%dma_start3A_856, %dma_start3A_858] : memref<5x128xf32, #tpu.memory_space<vmem>> -> memref<1x128xf32, #tpu.memory_space<vmem>>
    %dma_start3A_860 = tpu.memref_squeeze %dma_start3A_859 : memref<1x128xf32, #tpu.memory_space<vmem>> -> memref<128xf32, #tpu.memory_space<vmem>>
    %dma_start3A_861 = arith.constant 0 : i32
    %dma_start3A_862 = tpu.memref_slice %arg7[%dma_start3A_854, %dma_start3A_855, %dma_start3A_861] : memref<10x2x128xi32, #tpu.memory_space<vmem>> -> memref<1x1x128xi32, #tpu.memory_space<vmem>>
    %dma_start3A_863 = tpu.memref_squeeze %dma_start3A_862 : memref<1x1x128xi32, #tpu.memory_space<vmem>> -> memref<128xi32, #tpu.memory_space<vmem>>
    %dma_start3A_864 = arith.constant 0 : i32
    %dma_start3A_865 = tpu.memref_slice %arg3[%dma_start3A_864] : memref<20000xf32, #tpu.memory_space<hbm>> -> memref<20000xf32, #tpu.memory_space<hbm>>
    %dma_start3A_866 = tpu.memref_slice %arg17[%dma_start3A_857] : memref<5x!tpu.dma_semaphore, #tpu.memory_space<semaphore_mem>> -> memref<1x!tpu.dma_semaphore, #tpu.memory_space<semaphore_mem>>
    %dma_start3A_867 = tpu.memref_squeeze %dma_start3A_866 : memref<1x!tpu.dma_semaphore, #tpu.memory_space<semaphore_mem>> -> memref<!tpu.dma_semaphore, #tpu.memory_space<semaphore_mem>>
    tpu.enqueue_indirect_dma source(%dma_start3A_865 : memref<20000xf32, #tpu.memory_space<hbm>>) target(%dma_start3A_860 : memref<128xf32, #tpu.memory_space<vmem>>) offsets(%dma_start3A_863 : memref<128xi32, #tpu.memory_space<vmem>>) semaphore(%dma_start3A_867 : memref<!tpu.dma_semaphore, #tpu.memory_space<semaphore_mem>>)
    %add3A_868 = arith.constant 10 : i32
    %add3A_869 = arith.addi %mul3A_187, %add3A_868 : i32
    %dma_start3A_870 = arith.constant 0 : i32
    %dma_start3A_871 = arith.constant 0 : i32
    %dma_start3A_872 = arith.constant 0 : i32
    %dma_start3A_873 = arith.constant 0 : i32
    %dma_start3A_874 = tpu.memref_slice %arg7[%dma_start3A_870, %dma_start3A_872, %dma_start3A_873] : memref<10x2x128xi32, #tpu.memory_space<vmem>> -> memref<1x2x128xi32, #tpu.memory_space<vmem>>
    %dma_start3A_875 = tpu.memref_squeeze %dma_start3A_874 : memref<1x2x128xi32, #tpu.memory_space<vmem>> -> memref<2x128xi32, #tpu.memory_space<vmem>>
    %dma_start3A_876 = arith.constant 0 : i32
    %dma_start3A_877 = arith.constant 0 : i32
    %dma_start3A_878 = tpu.memref_slice %arg4[%arg0, %add3A_869, %dma_start3A_876, %dma_start3A_877] : memref<2x2560x2x128xi32, #tpu.memory_space<hbm>> -> memref<1x1x2x128xi32, #tpu.memory_space<hbm>>
    %dma_start3A_879 = tpu.memref_squeeze %dma_start3A_878 : memref<1x1x2x128xi32, #tpu.memory_space<hbm>> -> memref<2x128xi32, #tpu.memory_space<hbm>>
    %dma_start3A_880 = tpu.memref_slice %arg16[%dma_start3A_871] : memref<10x!tpu.dma_semaphore, #tpu.memory_space<semaphore_mem>> -> memref<1x!tpu.dma_semaphore, #tpu.memory_space<semaphore_mem>>
    %dma_start3A_881 = tpu.memref_squeeze %dma_start3A_880 : memref<1x!tpu.dma_semaphore, #tpu.memory_space<semaphore_mem>> -> memref<!tpu.dma_semaphore, #tpu.memory_space<semaphore_mem>>
    %dma_start3A_882 = arith.constant 0 : i32
    %dma_start3A_883 = arith.constant 0 : i32
    %dma_start3A_884 = tpu.memref_slice %arg7[%dma_start3A_870, %dma_start3A_882, %dma_start3A_883] : memref<10x2x128xi32, #tpu.memory_space<vmem>> -> memref<1x2x128xi32, #tpu.memory_space<vmem>>
    %dma_start3A_885 = tpu.memref_squeeze %dma_start3A_884 : memref<1x2x128xi32, #tpu.memory_space<vmem>> -> memref<2x128xi32, #tpu.memory_space<vmem>>
    %dma_start3A_886 = arith.constant 0 : i32
    %dma_start3A_887 = arith.constant 0 : i32
    %dma_start3A_888 = tpu.memref_slice %arg4[%arg0, %add3A_869, %dma_start3A_886, %dma_start3A_887] : memref<2x2560x2x128xi32, #tpu.memory_space<hbm>> -> memref<1x1x2x128xi32, #tpu.memory_space<hbm>>
    %dma_start3A_889 = tpu.memref_squeeze %dma_start3A_888 : memref<1x1x2x128xi32, #tpu.memory_space<hbm>> -> memref<2x128xi32, #tpu.memory_space<hbm>>
    tpu.enqueue_dma source(%dma_start3A_889 : memref<2x128xi32, #tpu.memory_space<hbm>>) target(%dma_start3A_885 : memref<2x128xi32, #tpu.memory_space<vmem>>) target_semaphore(%dma_start3A_881 : memref<!tpu.dma_semaphore, #tpu.memory_space<semaphore_mem>>)
    %dma_wait3A_890 = arith.constant 2 : i32
    %dma_wait3A_891 = arith.constant 0 : i32
    %dma_wait3A_892 = arith.constant 2 : i32
    %dma_wait3A_893 = arith.constant 2 : i32
    %dma_wait3A_894 = arith.constant 0 : i32
    %dma_wait3A_895 = arith.constant 0 : i32
    %dma_wait3A_896 = tpu.memref_slice %arg8[%dma_wait3A_892, %dma_wait3A_894, %dma_wait3A_895] : memref<5x128x64xf32, #tpu.memory_space<vmem>> -> memref<1x128x64xf32, #tpu.memory_space<vmem>>
    %dma_wait3A_897 = tpu.memref_squeeze %dma_wait3A_896 : memref<1x128x64xf32, #tpu.memory_space<vmem>> -> memref<128x64xf32, #tpu.memory_space<vmem>>
    %dma_wait3A_898 = arith.constant 0 : i32
    %dma_wait3A_899 = tpu.memref_slice %arg7[%dma_wait3A_890, %dma_wait3A_891, %dma_wait3A_898] : memref<10x2x128xi32, #tpu.memory_space<vmem>> -> memref<1x1x128xi32, #tpu.memory_space<vmem>>
    %dma_wait3A_900 = tpu.memref_squeeze %dma_wait3A_899 : memref<1x1x128xi32, #tpu.memory_space<vmem>> -> memref<128xi32, #tpu.memory_space<vmem>>
    %dma_wait3A_901 = arith.constant 0 : i32
    %dma_wait3A_902 = arith.constant 0 : i32
    %dma_wait3A_903 = tpu.memref_slice %arg2[%dma_wait3A_901, %dma_wait3A_902] : memref<20000x64xf32, #tpu.memory_space<hbm>> -> memref<20000x64xf32, #tpu.memory_space<hbm>>
    %dma_wait3A_904 = tpu.memref_slice %arg14[%dma_wait3A_893] : memref<5x!tpu.dma_semaphore, #tpu.memory_space<semaphore_mem>> -> memref<1x!tpu.dma_semaphore, #tpu.memory_space<semaphore_mem>>
    %dma_wait3A_905 = tpu.memref_squeeze %dma_wait3A_904 : memref<1x!tpu.dma_semaphore, #tpu.memory_space<semaphore_mem>> -> memref<!tpu.dma_semaphore, #tpu.memory_space<semaphore_mem>>
    tpu.wait_indirect_dma semaphore(%dma_wait3A_905 : memref<!tpu.dma_semaphore, #tpu.memory_space<semaphore_mem>>) src(%dma_wait3A_903 : memref<20000x64xf32, #tpu.memory_space<hbm>>) dst(%dma_wait3A_897 : memref<128x64xf32, #tpu.memory_space<vmem>>)
    %dma_wait3A_906 = arith.constant 2 : i32
    %dma_wait3A_907 = arith.constant 0 : i32
    %dma_wait3A_908 = arith.constant 2 : i32
    %dma_wait3A_909 = arith.constant 2 : i32
    %dma_wait3A_910 = arith.constant 0 : i32
    %dma_wait3A_911 = tpu.memref_slice %arg9[%dma_wait3A_908, %dma_wait3A_910] : memref<5x128xf32, #tpu.memory_space<vmem>> -> memref<1x128xf32, #tpu.memory_space<vmem>>
    %dma_wait3A_912 = tpu.memref_squeeze %dma_wait3A_911 : memref<1x128xf32, #tpu.memory_space<vmem>> -> memref<128xf32, #tpu.memory_space<vmem>>
    %dma_wait3A_913 = arith.constant 0 : i32
    %dma_wait3A_914 = tpu.memref_slice %arg7[%dma_wait3A_906, %dma_wait3A_907, %dma_wait3A_913] : memref<10x2x128xi32, #tpu.memory_space<vmem>> -> memref<1x1x128xi32, #tpu.memory_space<vmem>>
    %dma_wait3A_915 = tpu.memref_squeeze %dma_wait3A_914 : memref<1x1x128xi32, #tpu.memory_space<vmem>> -> memref<128xi32, #tpu.memory_space<vmem>>
    %dma_wait3A_916 = arith.constant 0 : i32
    %dma_wait3A_917 = tpu.memref_slice %arg3[%dma_wait3A_916] : memref<20000xf32, #tpu.memory_space<hbm>> -> memref<20000xf32, #tpu.memory_space<hbm>>
    %dma_wait3A_918 = tpu.memref_slice %arg17[%dma_wait3A_909] : memref<5x!tpu.dma_semaphore, #tpu.memory_space<semaphore_mem>> -> memref<1x!tpu.dma_semaphore, #tpu.memory_space<semaphore_mem>>
    %dma_wait3A_919 = tpu.memref_squeeze %dma_wait3A_918 : memref<1x!tpu.dma_semaphore, #tpu.memory_space<semaphore_mem>> -> memref<!tpu.dma_semaphore, #tpu.memory_space<semaphore_mem>>
    tpu.wait_indirect_dma semaphore(%dma_wait3A_919 : memref<!tpu.dma_semaphore, #tpu.memory_space<semaphore_mem>>) src(%dma_wait3A_917 : memref<20000xf32, #tpu.memory_space<hbm>>) dst(%dma_wait3A_912 : memref<128xf32, #tpu.memory_space<vmem>>)
    %dma_start3A_920 = arith.constant 2 : i32
    %dma_start3A_921 = arith.constant 2 : i32
    %dma_start3A_922 = arith.constant 1 : i32
    %dma_start3A_923 = arith.constant 2 : i32
    %dma_start3A_924 = arith.constant 0 : i32
    %dma_start3A_925 = arith.constant 0 : i32
    %dma_start3A_926 = tpu.memref_slice %arg8[%dma_start3A_920, %dma_start3A_924, %dma_start3A_925] : memref<5x128x64xf32, #tpu.memory_space<vmem>> -> memref<1x128x64xf32, #tpu.memory_space<vmem>>
    %dma_start3A_927 = tpu.memref_squeeze %dma_start3A_926 : memref<1x128x64xf32, #tpu.memory_space<vmem>> -> memref<128x64xf32, #tpu.memory_space<vmem>>
    %dma_start3A_928 = arith.constant 0 : i32
    %dma_start3A_929 = tpu.memref_slice %arg7[%dma_start3A_921, %dma_start3A_922, %dma_start3A_928] : memref<10x2x128xi32, #tpu.memory_space<vmem>> -> memref<1x1x128xi32, #tpu.memory_space<vmem>>
    %dma_start3A_930 = tpu.memref_squeeze %dma_start3A_929 : memref<1x1x128xi32, #tpu.memory_space<vmem>> -> memref<128xi32, #tpu.memory_space<vmem>>
    %dma_start3A_931 = arith.constant 0 : i32
    %dma_start3A_932 = arith.constant 0 : i32
    %dma_start3A_933 = tpu.memref_slice %arg12[%dma_start3A_931, %dma_start3A_932] : memref<10240x64xf32, #tpu.memory_space<vmem_shared>> -> memref<10240x64xf32, #tpu.memory_space<vmem_shared>>
    %dma_start3A_934 = tpu.memref_slice %arg15[%dma_start3A_923] : memref<5x!tpu.dma_semaphore, #tpu.memory_space<semaphore_mem>> -> memref<1x!tpu.dma_semaphore, #tpu.memory_space<semaphore_mem>>
    %dma_start3A_935 = tpu.memref_squeeze %dma_start3A_934 : memref<1x!tpu.dma_semaphore, #tpu.memory_space<semaphore_mem>> -> memref<!tpu.dma_semaphore, #tpu.memory_space<semaphore_mem>>
    tpu.enqueue_indirect_dma source(%dma_start3A_927 : memref<128x64xf32, #tpu.memory_space<vmem>>) target(%dma_start3A_933 : memref<10240x64xf32, #tpu.memory_space<vmem_shared>>) offsets(%dma_start3A_930 : memref<128xi32, #tpu.memory_space<vmem>>) semaphore(%dma_start3A_935 : memref<!tpu.dma_semaphore, #tpu.memory_space<semaphore_mem>>) {add = true}
    %dma_start3A_936 = arith.constant 2 : i32
    %dma_start3A_937 = arith.constant 2 : i32
    %dma_start3A_938 = arith.constant 1 : i32
    %dma_start3A_939 = arith.constant 2 : i32
    %dma_start3A_940 = arith.constant 0 : i32
    %dma_start3A_941 = tpu.memref_slice %arg9[%dma_start3A_936, %dma_start3A_940] : memref<5x128xf32, #tpu.memory_space<vmem>> -> memref<1x128xf32, #tpu.memory_space<vmem>>
    %dma_start3A_942 = tpu.memref_squeeze %dma_start3A_941 : memref<1x128xf32, #tpu.memory_space<vmem>> -> memref<128xf32, #tpu.memory_space<vmem>>
    %dma_start3A_943 = arith.constant 0 : i32
    %dma_start3A_944 = tpu.memref_slice %arg7[%dma_start3A_937, %dma_start3A_938, %dma_start3A_943] : memref<10x2x128xi32, #tpu.memory_space<vmem>> -> memref<1x1x128xi32, #tpu.memory_space<vmem>>
    %dma_start3A_945 = tpu.memref_squeeze %dma_start3A_944 : memref<1x1x128xi32, #tpu.memory_space<vmem>> -> memref<128xi32, #tpu.memory_space<vmem>>
    %dma_start3A_946 = arith.constant 0 : i32
    %dma_start3A_947 = tpu.memref_slice %arg13[%dma_start3A_946] : memref<10240xf32, #tpu.memory_space<vmem_shared>> -> memref<10240xf32, #tpu.memory_space<vmem_shared>>
    %dma_start3A_948 = tpu.memref_slice %arg18[%dma_start3A_939] : memref<5x!tpu.dma_semaphore, #tpu.memory_space<semaphore_mem>> -> memref<1x!tpu.dma_semaphore, #tpu.memory_space<semaphore_mem>>
    %dma_start3A_949 = tpu.memref_squeeze %dma_start3A_948 : memref<1x!tpu.dma_semaphore, #tpu.memory_space<semaphore_mem>> -> memref<!tpu.dma_semaphore, #tpu.memory_space<semaphore_mem>>
    tpu.enqueue_indirect_dma source(%dma_start3A_942 : memref<128xf32, #tpu.memory_space<vmem>>) target(%dma_start3A_947 : memref<10240xf32, #tpu.memory_space<vmem_shared>>) offsets(%dma_start3A_945 : memref<128xi32, #tpu.memory_space<vmem>>) semaphore(%dma_start3A_949 : memref<!tpu.dma_semaphore, #tpu.memory_space<semaphore_mem>>) {add = true}
    %dma_wait3A_950 = arith.constant 1 : i32
    %dma_wait3A_951 = arith.constant 1 : i32
    %dma_wait3A_952 = arith.constant 1 : i32
    %dma_wait3A_953 = arith.constant 1 : i32
    %dma_wait3A_954 = arith.constant 0 : i32
    %dma_wait3A_955 = arith.constant 0 : i32
    %dma_wait3A_956 = tpu.memref_slice %arg8[%dma_wait3A_950, %dma_wait3A_954, %dma_wait3A_955] : memref<5x128x64xf32, #tpu.memory_space<vmem>> -> memref<1x128x64xf32, #tpu.memory_space<vmem>>
    %dma_wait3A_957 = tpu.memref_squeeze %dma_wait3A_956 : memref<1x128x64xf32, #tpu.memory_space<vmem>> -> memref<128x64xf32, #tpu.memory_space<vmem>>
    %dma_wait3A_958 = arith.constant 0 : i32
    %dma_wait3A_959 = tpu.memref_slice %arg7[%dma_wait3A_951, %dma_wait3A_952, %dma_wait3A_958] : memref<10x2x128xi32, #tpu.memory_space<vmem>> -> memref<1x1x128xi32, #tpu.memory_space<vmem>>
    %dma_wait3A_960 = tpu.memref_squeeze %dma_wait3A_959 : memref<1x1x128xi32, #tpu.memory_space<vmem>> -> memref<128xi32, #tpu.memory_space<vmem>>
    %dma_wait3A_961 = arith.constant 0 : i32
    %dma_wait3A_962 = arith.constant 0 : i32
    %dma_wait3A_963 = tpu.memref_slice %arg12[%dma_wait3A_961, %dma_wait3A_962] : memref<10240x64xf32, #tpu.memory_space<vmem_shared>> -> memref<10240x64xf32, #tpu.memory_space<vmem_shared>>
    %dma_wait3A_964 = tpu.memref_slice %arg15[%dma_wait3A_953] : memref<5x!tpu.dma_semaphore, #tpu.memory_space<semaphore_mem>> -> memref<1x!tpu.dma_semaphore, #tpu.memory_space<semaphore_mem>>
    %dma_wait3A_965 = tpu.memref_squeeze %dma_wait3A_964 : memref<1x!tpu.dma_semaphore, #tpu.memory_space<semaphore_mem>> -> memref<!tpu.dma_semaphore, #tpu.memory_space<semaphore_mem>>
    tpu.wait_indirect_dma semaphore(%dma_wait3A_965 : memref<!tpu.dma_semaphore, #tpu.memory_space<semaphore_mem>>) src(%dma_wait3A_957 : memref<128x64xf32, #tpu.memory_space<vmem>>) dst(%dma_wait3A_963 : memref<10240x64xf32, #tpu.memory_space<vmem_shared>>)
    %dma_wait3A_966 = arith.constant 1 : i32
    %dma_wait3A_967 = arith.constant 1 : i32
    %dma_wait3A_968 = arith.constant 1 : i32
    %dma_wait3A_969 = arith.constant 1 : i32
    %dma_wait3A_970 = arith.constant 0 : i32
    %dma_wait3A_971 = tpu.memref_slice %arg9[%dma_wait3A_966, %dma_wait3A_970] : memref<5x128xf32, #tpu.memory_space<vmem>> -> memref<1x128xf32, #tpu.memory_space<vmem>>
    %dma_wait3A_972 = tpu.memref_squeeze %dma_wait3A_971 : memref<1x128xf32, #tpu.memory_space<vmem>> -> memref<128xf32, #tpu.memory_space<vmem>>
    %dma_wait3A_973 = arith.constant 0 : i32
    %dma_wait3A_974 = tpu.memref_slice %arg7[%dma_wait3A_967, %dma_wait3A_968, %dma_wait3A_973] : memref<10x2x128xi32, #tpu.memory_space<vmem>> -> memref<1x1x128xi32, #tpu.memory_space<vmem>>
    %dma_wait3A_975 = tpu.memref_squeeze %dma_wait3A_974 : memref<1x1x128xi32, #tpu.memory_space<vmem>> -> memref<128xi32, #tpu.memory_space<vmem>>
    %dma_wait3A_976 = arith.constant 0 : i32
    %dma_wait3A_977 = tpu.memref_slice %arg13[%dma_wait3A_976] : memref<10240xf32, #tpu.memory_space<vmem_shared>> -> memref<10240xf32, #tpu.memory_space<vmem_shared>>
    %dma_wait3A_978 = tpu.memref_slice %arg18[%dma_wait3A_969] : memref<5x!tpu.dma_semaphore, #tpu.memory_space<semaphore_mem>> -> memref<1x!tpu.dma_semaphore, #tpu.memory_space<semaphore_mem>>
    %dma_wait3A_979 = tpu.memref_squeeze %dma_wait3A_978 : memref<1x!tpu.dma_semaphore, #tpu.memory_space<semaphore_mem>> -> memref<!tpu.dma_semaphore, #tpu.memory_space<semaphore_mem>>
    tpu.wait_indirect_dma semaphore(%dma_wait3A_979 : memref<!tpu.dma_semaphore, #tpu.memory_space<semaphore_mem>>) src(%dma_wait3A_972 : memref<128xf32, #tpu.memory_space<vmem>>) dst(%dma_wait3A_977 : memref<10240xf32, #tpu.memory_space<vmem_shared>>)
    %add3A_980 = arith.constant 6 : i32
    %add3A_981 = arith.addi %mul3A_187, %add3A_980 : i32
    %dma_wait3A_982 = arith.constant 6 : i32
    %dma_wait3A_983 = arith.constant 6 : i32
    %dma_wait3A_984 = arith.constant 0 : i32
    %dma_wait3A_985 = arith.constant 0 : i32
    %dma_wait3A_986 = tpu.memref_slice %arg7[%dma_wait3A_982, %dma_wait3A_984, %dma_wait3A_985] : memref<10x2x128xi32, #tpu.memory_space<vmem>> -> memref<1x2x128xi32, #tpu.memory_space<vmem>>
    %dma_wait3A_987 = tpu.memref_squeeze %dma_wait3A_986 : memref<1x2x128xi32, #tpu.memory_space<vmem>> -> memref<2x128xi32, #tpu.memory_space<vmem>>
    %dma_wait3A_988 = arith.constant 0 : i32
    %dma_wait3A_989 = arith.constant 0 : i32
    %dma_wait3A_990 = tpu.memref_slice %arg4[%arg0, %add3A_981, %dma_wait3A_988, %dma_wait3A_989] : memref<2x2560x2x128xi32, #tpu.memory_space<hbm>> -> memref<1x1x2x128xi32, #tpu.memory_space<hbm>>
    %dma_wait3A_991 = tpu.memref_squeeze %dma_wait3A_990 : memref<1x1x2x128xi32, #tpu.memory_space<hbm>> -> memref<2x128xi32, #tpu.memory_space<hbm>>
    %dma_wait3A_992 = tpu.memref_slice %arg16[%dma_wait3A_983] : memref<10x!tpu.dma_semaphore, #tpu.memory_space<semaphore_mem>> -> memref<1x!tpu.dma_semaphore, #tpu.memory_space<semaphore_mem>>
    %dma_wait3A_993 = tpu.memref_squeeze %dma_wait3A_992 : memref<1x!tpu.dma_semaphore, #tpu.memory_space<semaphore_mem>> -> memref<!tpu.dma_semaphore, #tpu.memory_space<semaphore_mem>>
    %dma_wait3A_994 = arith.constant 0 : i32
    %dma_wait3A_995 = arith.constant 0 : i32
    %dma_wait3A_996 = tpu.memref_slice %arg7[%dma_wait3A_982, %dma_wait3A_994, %dma_wait3A_995] : memref<10x2x128xi32, #tpu.memory_space<vmem>> -> memref<1x2x128xi32, #tpu.memory_space<vmem>>
    %dma_wait3A_997 = tpu.memref_squeeze %dma_wait3A_996 : memref<1x2x128xi32, #tpu.memory_space<vmem>> -> memref<2x128xi32, #tpu.memory_space<vmem>>
    %dma_wait3A_998 = arith.constant 0 : i32
    %dma_wait3A_999 = arith.constant 0 : i32
    %dma_wait3A_1000 = tpu.memref_slice %arg4[%arg0, %add3A_981, %dma_wait3A_998, %dma_wait3A_999] : memref<2x2560x2x128xi32, #tpu.memory_space<hbm>> -> memref<1x1x2x128xi32, #tpu.memory_space<hbm>>
    %dma_wait3A_1001 = tpu.memref_squeeze %dma_wait3A_1000 : memref<1x1x2x128xi32, #tpu.memory_space<hbm>> -> memref<2x128xi32, #tpu.memory_space<hbm>>
    tpu.wait_dma2 semaphore(%dma_wait3A_993 : memref<!tpu.dma_semaphore, #tpu.memory_space<semaphore_mem>>) src(%dma_wait3A_1001 : memref<2x128xi32, #tpu.memory_space<hbm>>) dst(%dma_wait3A_997 : memref<2x128xi32, #tpu.memory_space<vmem>>)
    %dma_start3A_1002 = arith.constant 6 : i32
    %dma_start3A_1003 = arith.constant 0 : i32
    %dma_start3A_1004 = arith.constant 1 : i32
    %dma_start3A_1005 = arith.constant 1 : i32
    %dma_start3A_1006 = arith.constant 0 : i32
    %dma_start3A_1007 = arith.constant 0 : i32
    %dma_start3A_1008 = tpu.memref_slice %arg8[%dma_start3A_1004, %dma_start3A_1006, %dma_start3A_1007] : memref<5x128x64xf32, #tpu.memory_space<vmem>> -> memref<1x128x64xf32, #tpu.memory_space<vmem>>
    %dma_start3A_1009 = tpu.memref_squeeze %dma_start3A_1008 : memref<1x128x64xf32, #tpu.memory_space<vmem>> -> memref<128x64xf32, #tpu.memory_space<vmem>>
    %dma_start3A_1010 = arith.constant 0 : i32
    %dma_start3A_1011 = tpu.memref_slice %arg7[%dma_start3A_1002, %dma_start3A_1003, %dma_start3A_1010] : memref<10x2x128xi32, #tpu.memory_space<vmem>> -> memref<1x1x128xi32, #tpu.memory_space<vmem>>
    %dma_start3A_1012 = tpu.memref_squeeze %dma_start3A_1011 : memref<1x1x128xi32, #tpu.memory_space<vmem>> -> memref<128xi32, #tpu.memory_space<vmem>>
    %dma_start3A_1013 = arith.constant 0 : i32
    %dma_start3A_1014 = arith.constant 0 : i32
    %dma_start3A_1015 = tpu.memref_slice %arg2[%dma_start3A_1013, %dma_start3A_1014] : memref<20000x64xf32, #tpu.memory_space<hbm>> -> memref<20000x64xf32, #tpu.memory_space<hbm>>
    %dma_start3A_1016 = tpu.memref_slice %arg14[%dma_start3A_1005] : memref<5x!tpu.dma_semaphore, #tpu.memory_space<semaphore_mem>> -> memref<1x!tpu.dma_semaphore, #tpu.memory_space<semaphore_mem>>
    %dma_start3A_1017 = tpu.memref_squeeze %dma_start3A_1016 : memref<1x!tpu.dma_semaphore, #tpu.memory_space<semaphore_mem>> -> memref<!tpu.dma_semaphore, #tpu.memory_space<semaphore_mem>>
    tpu.enqueue_indirect_dma source(%dma_start3A_1015 : memref<20000x64xf32, #tpu.memory_space<hbm>>) target(%dma_start3A_1009 : memref<128x64xf32, #tpu.memory_space<vmem>>) offsets(%dma_start3A_1012 : memref<128xi32, #tpu.memory_space<vmem>>) semaphore(%dma_start3A_1017 : memref<!tpu.dma_semaphore, #tpu.memory_space<semaphore_mem>>)
    %dma_start3A_1018 = arith.constant 6 : i32
    %dma_start3A_1019 = arith.constant 0 : i32
    %dma_start3A_1020 = arith.constant 1 : i32
    %dma_start3A_1021 = arith.constant 1 : i32
    %dma_start3A_1022 = arith.constant 0 : i32
    %dma_start3A_1023 = tpu.memref_slice %arg9[%dma_start3A_1020, %dma_start3A_1022] : memref<5x128xf32, #tpu.memory_space<vmem>> -> memref<1x128xf32, #tpu.memory_space<vmem>>
    %dma_start3A_1024 = tpu.memref_squeeze %dma_start3A_1023 : memref<1x128xf32, #tpu.memory_space<vmem>> -> memref<128xf32, #tpu.memory_space<vmem>>
    %dma_start3A_1025 = arith.constant 0 : i32
    %dma_start3A_1026 = tpu.memref_slice %arg7[%dma_start3A_1018, %dma_start3A_1019, %dma_start3A_1025] : memref<10x2x128xi32, #tpu.memory_space<vmem>> -> memref<1x1x128xi32, #tpu.memory_space<vmem>>
    %dma_start3A_1027 = tpu.memref_squeeze %dma_start3A_1026 : memref<1x1x128xi32, #tpu.memory_space<vmem>> -> memref<128xi32, #tpu.memory_space<vmem>>
    %dma_start3A_1028 = arith.constant 0 : i32
    %dma_start3A_1029 = tpu.memref_slice %arg3[%dma_start3A_1028] : memref<20000xf32, #tpu.memory_space<hbm>> -> memref<20000xf32, #tpu.memory_space<hbm>>
    %dma_start3A_1030 = tpu.memref_slice %arg17[%dma_start3A_1021] : memref<5x!tpu.dma_semaphore, #tpu.memory_space<semaphore_mem>> -> memref<1x!tpu.dma_semaphore, #tpu.memory_space<semaphore_mem>>
    %dma_start3A_1031 = tpu.memref_squeeze %dma_start3A_1030 : memref<1x!tpu.dma_semaphore, #tpu.memory_space<semaphore_mem>> -> memref<!tpu.dma_semaphore, #tpu.memory_space<semaphore_mem>>
    tpu.enqueue_indirect_dma source(%dma_start3A_1029 : memref<20000xf32, #tpu.memory_space<hbm>>) target(%dma_start3A_1024 : memref<128xf32, #tpu.memory_space<vmem>>) offsets(%dma_start3A_1027 : memref<128xi32, #tpu.memory_space<vmem>>) semaphore(%dma_start3A_1031 : memref<!tpu.dma_semaphore, #tpu.memory_space<semaphore_mem>>)
    %add3A_1032 = arith.constant 11 : i32
    %add3A_1033 = arith.addi %mul3A_187, %add3A_1032 : i32
    %dma_start3A_1034 = arith.constant 1 : i32
    %dma_start3A_1035 = arith.constant 1 : i32
    %dma_start3A_1036 = arith.constant 0 : i32
    %dma_start3A_1037 = arith.constant 0 : i32
    %dma_start3A_1038 = tpu.memref_slice %arg7[%dma_start3A_1034, %dma_start3A_1036, %dma_start3A_1037] : memref<10x2x128xi32, #tpu.memory_space<vmem>> -> memref<1x2x128xi32, #tpu.memory_space<vmem>>
    %dma_start3A_1039 = tpu.memref_squeeze %dma_start3A_1038 : memref<1x2x128xi32, #tpu.memory_space<vmem>> -> memref<2x128xi32, #tpu.memory_space<vmem>>
    %dma_start3A_1040 = arith.constant 0 : i32
    %dma_start3A_1041 = arith.constant 0 : i32
    %dma_start3A_1042 = tpu.memref_slice %arg4[%arg0, %add3A_1033, %dma_start3A_1040, %dma_start3A_1041] : memref<2x2560x2x128xi32, #tpu.memory_space<hbm>> -> memref<1x1x2x128xi32, #tpu.memory_space<hbm>>
    %dma_start3A_1043 = tpu.memref_squeeze %dma_start3A_1042 : memref<1x1x2x128xi32, #tpu.memory_space<hbm>> -> memref<2x128xi32, #tpu.memory_space<hbm>>
    %dma_start3A_1044 = tpu.memref_slice %arg16[%dma_start3A_1035] : memref<10x!tpu.dma_semaphore, #tpu.memory_space<semaphore_mem>> -> memref<1x!tpu.dma_semaphore, #tpu.memory_space<semaphore_mem>>
    %dma_start3A_1045 = tpu.memref_squeeze %dma_start3A_1044 : memref<1x!tpu.dma_semaphore, #tpu.memory_space<semaphore_mem>> -> memref<!tpu.dma_semaphore, #tpu.memory_space<semaphore_mem>>
    %dma_start3A_1046 = arith.constant 0 : i32
    %dma_start3A_1047 = arith.constant 0 : i32
    %dma_start3A_1048 = tpu.memref_slice %arg7[%dma_start3A_1034, %dma_start3A_1046, %dma_start3A_1047] : memref<10x2x128xi32, #tpu.memory_space<vmem>> -> memref<1x2x128xi32, #tpu.memory_space<vmem>>
    %dma_start3A_1049 = tpu.memref_squeeze %dma_start3A_1048 : memref<1x2x128xi32, #tpu.memory_space<vmem>> -> memref<2x128xi32, #tpu.memory_space<vmem>>
    %dma_start3A_1050 = arith.constant 0 : i32
    %dma_start3A_1051 = arith.constant 0 : i32
    %dma_start3A_1052 = tpu.memref_slice %arg4[%arg0, %add3A_1033, %dma_start3A_1050, %dma_start3A_1051] : memref<2x2560x2x128xi32, #tpu.memory_space<hbm>> -> memref<1x1x2x128xi32, #tpu.memory_space<hbm>>
    %dma_start3A_1053 = tpu.memref_squeeze %dma_start3A_1052 : memref<1x1x2x128xi32, #tpu.memory_space<hbm>> -> memref<2x128xi32, #tpu.memory_space<hbm>>
    tpu.enqueue_dma source(%dma_start3A_1053 : memref<2x128xi32, #tpu.memory_space<hbm>>) target(%dma_start3A_1049 : memref<2x128xi32, #tpu.memory_space<vmem>>) target_semaphore(%dma_start3A_1045 : memref<!tpu.dma_semaphore, #tpu.memory_space<semaphore_mem>>)
    %dma_wait3A_1054 = arith.constant 3 : i32
    %dma_wait3A_1055 = arith.constant 0 : i32
    %dma_wait3A_1056 = arith.constant 3 : i32
    %dma_wait3A_1057 = arith.constant 3 : i32
    %dma_wait3A_1058 = arith.constant 0 : i32
    %dma_wait3A_1059 = arith.constant 0 : i32
    %dma_wait3A_1060 = tpu.memref_slice %arg8[%dma_wait3A_1056, %dma_wait3A_1058, %dma_wait3A_1059] : memref<5x128x64xf32, #tpu.memory_space<vmem>> -> memref<1x128x64xf32, #tpu.memory_space<vmem>>
    %dma_wait3A_1061 = tpu.memref_squeeze %dma_wait3A_1060 : memref<1x128x64xf32, #tpu.memory_space<vmem>> -> memref<128x64xf32, #tpu.memory_space<vmem>>
    %dma_wait3A_1062 = arith.constant 0 : i32
    %dma_wait3A_1063 = tpu.memref_slice %arg7[%dma_wait3A_1054, %dma_wait3A_1055, %dma_wait3A_1062] : memref<10x2x128xi32, #tpu.memory_space<vmem>> -> memref<1x1x128xi32, #tpu.memory_space<vmem>>
    %dma_wait3A_1064 = tpu.memref_squeeze %dma_wait3A_1063 : memref<1x1x128xi32, #tpu.memory_space<vmem>> -> memref<128xi32, #tpu.memory_space<vmem>>
    %dma_wait3A_1065 = arith.constant 0 : i32
    %dma_wait3A_1066 = arith.constant 0 : i32
    %dma_wait3A_1067 = tpu.memref_slice %arg2[%dma_wait3A_1065, %dma_wait3A_1066] : memref<20000x64xf32, #tpu.memory_space<hbm>> -> memref<20000x64xf32, #tpu.memory_space<hbm>>
    %dma_wait3A_1068 = tpu.memref_slice %arg14[%dma_wait3A_1057] : memref<5x!tpu.dma_semaphore, #tpu.memory_space<semaphore_mem>> -> memref<1x!tpu.dma_semaphore, #tpu.memory_space<semaphore_mem>>
    %dma_wait3A_1069 = tpu.memref_squeeze %dma_wait3A_1068 : memref<1x!tpu.dma_semaphore, #tpu.memory_space<semaphore_mem>> -> memref<!tpu.dma_semaphore, #tpu.memory_space<semaphore_mem>>
    tpu.wait_indirect_dma semaphore(%dma_wait3A_1069 : memref<!tpu.dma_semaphore, #tpu.memory_space<semaphore_mem>>) src(%dma_wait3A_1067 : memref<20000x64xf32, #tpu.memory_space<hbm>>) dst(%dma_wait3A_1061 : memref<128x64xf32, #tpu.memory_space<vmem>>)
    %dma_wait3A_1070 = arith.constant 3 : i32
    %dma_wait3A_1071 = arith.constant 0 : i32
    %dma_wait3A_1072 = arith.constant 3 : i32
    %dma_wait3A_1073 = arith.constant 3 : i32
    %dma_wait3A_1074 = arith.constant 0 : i32
    %dma_wait3A_1075 = tpu.memref_slice %arg9[%dma_wait3A_1072, %dma_wait3A_1074] : memref<5x128xf32, #tpu.memory_space<vmem>> -> memref<1x128xf32, #tpu.memory_space<vmem>>
    %dma_wait3A_1076 = tpu.memref_squeeze %dma_wait3A_1075 : memref<1x128xf32, #tpu.memory_space<vmem>> -> memref<128xf32, #tpu.memory_space<vmem>>
    %dma_wait3A_1077 = arith.constant 0 : i32
    %dma_wait3A_1078 = tpu.memref_slice %arg7[%dma_wait3A_1070, %dma_wait3A_1071, %dma_wait3A_1077] : memref<10x2x128xi32, #tpu.memory_space<vmem>> -> memref<1x1x128xi32, #tpu.memory_space<vmem>>
    %dma_wait3A_1079 = tpu.memref_squeeze %dma_wait3A_1078 : memref<1x1x128xi32, #tpu.memory_space<vmem>> -> memref<128xi32, #tpu.memory_space<vmem>>
    %dma_wait3A_1080 = arith.constant 0 : i32
    %dma_wait3A_1081 = tpu.memref_slice %arg3[%dma_wait3A_1080] : memref<20000xf32, #tpu.memory_space<hbm>> -> memref<20000xf32, #tpu.memory_space<hbm>>
    %dma_wait3A_1082 = tpu.memref_slice %arg17[%dma_wait3A_1073] : memref<5x!tpu.dma_semaphore, #tpu.memory_space<semaphore_mem>> -> memref<1x!tpu.dma_semaphore, #tpu.memory_space<semaphore_mem>>
    %dma_wait3A_1083 = tpu.memref_squeeze %dma_wait3A_1082 : memref<1x!tpu.dma_semaphore, #tpu.memory_space<semaphore_mem>> -> memref<!tpu.dma_semaphore, #tpu.memory_space<semaphore_mem>>
    tpu.wait_indirect_dma semaphore(%dma_wait3A_1083 : memref<!tpu.dma_semaphore, #tpu.memory_space<semaphore_mem>>) src(%dma_wait3A_1081 : memref<20000xf32, #tpu.memory_space<hbm>>) dst(%dma_wait3A_1076 : memref<128xf32, #tpu.memory_space<vmem>>)
    %dma_start3A_1084 = arith.constant 3 : i32
    %dma_start3A_1085 = arith.constant 3 : i32
    %dma_start3A_1086 = arith.constant 1 : i32
    %dma_start3A_1087 = arith.constant 3 : i32
    %dma_start3A_1088 = arith.constant 0 : i32
    %dma_start3A_1089 = arith.constant 0 : i32
    %dma_start3A_1090 = tpu.memref_slice %arg8[%dma_start3A_1084, %dma_start3A_1088, %dma_start3A_1089] : memref<5x128x64xf32, #tpu.memory_space<vmem>> -> memref<1x128x64xf32, #tpu.memory_space<vmem>>
    %dma_start3A_1091 = tpu.memref_squeeze %dma_start3A_1090 : memref<1x128x64xf32, #tpu.memory_space<vmem>> -> memref<128x64xf32, #tpu.memory_space<vmem>>
    %dma_start3A_1092 = arith.constant 0 : i32
    %dma_start3A_1093 = tpu.memref_slice %arg7[%dma_start3A_1085, %dma_start3A_1086, %dma_start3A_1092] : memref<10x2x128xi32, #tpu.memory_space<vmem>> -> memref<1x1x128xi32, #tpu.memory_space<vmem>>
    %dma_start3A_1094 = tpu.memref_squeeze %dma_start3A_1093 : memref<1x1x128xi32, #tpu.memory_space<vmem>> -> memref<128xi32, #tpu.memory_space<vmem>>
    %dma_start3A_1095 = arith.constant 0 : i32
    %dma_start3A_1096 = arith.constant 0 : i32
    %dma_start3A_1097 = tpu.memref_slice %arg12[%dma_start3A_1095, %dma_start3A_1096] : memref<10240x64xf32, #tpu.memory_space<vmem_shared>> -> memref<10240x64xf32, #tpu.memory_space<vmem_shared>>
    %dma_start3A_1098 = tpu.memref_slice %arg15[%dma_start3A_1087] : memref<5x!tpu.dma_semaphore, #tpu.memory_space<semaphore_mem>> -> memref<1x!tpu.dma_semaphore, #tpu.memory_space<semaphore_mem>>
    %dma_start3A_1099 = tpu.memref_squeeze %dma_start3A_1098 : memref<1x!tpu.dma_semaphore, #tpu.memory_space<semaphore_mem>> -> memref<!tpu.dma_semaphore, #tpu.memory_space<semaphore_mem>>
    tpu.enqueue_indirect_dma source(%dma_start3A_1091 : memref<128x64xf32, #tpu.memory_space<vmem>>) target(%dma_start3A_1097 : memref<10240x64xf32, #tpu.memory_space<vmem_shared>>) offsets(%dma_start3A_1094 : memref<128xi32, #tpu.memory_space<vmem>>) semaphore(%dma_start3A_1099 : memref<!tpu.dma_semaphore, #tpu.memory_space<semaphore_mem>>) {add = true}
    %dma_start3A_1100 = arith.constant 3 : i32
    %dma_start3A_1101 = arith.constant 3 : i32
    %dma_start3A_1102 = arith.constant 1 : i32
    %dma_start3A_1103 = arith.constant 3 : i32
    %dma_start3A_1104 = arith.constant 0 : i32
    %dma_start3A_1105 = tpu.memref_slice %arg9[%dma_start3A_1100, %dma_start3A_1104] : memref<5x128xf32, #tpu.memory_space<vmem>> -> memref<1x128xf32, #tpu.memory_space<vmem>>
    %dma_start3A_1106 = tpu.memref_squeeze %dma_start3A_1105 : memref<1x128xf32, #tpu.memory_space<vmem>> -> memref<128xf32, #tpu.memory_space<vmem>>
    %dma_start3A_1107 = arith.constant 0 : i32
    %dma_start3A_1108 = tpu.memref_slice %arg7[%dma_start3A_1101, %dma_start3A_1102, %dma_start3A_1107] : memref<10x2x128xi32, #tpu.memory_space<vmem>> -> memref<1x1x128xi32, #tpu.memory_space<vmem>>
    %dma_start3A_1109 = tpu.memref_squeeze %dma_start3A_1108 : memref<1x1x128xi32, #tpu.memory_space<vmem>> -> memref<128xi32, #tpu.memory_space<vmem>>
    %dma_start3A_1110 = arith.constant 0 : i32
    %dma_start3A_1111 = tpu.memref_slice %arg13[%dma_start3A_1110] : memref<10240xf32, #tpu.memory_space<vmem_shared>> -> memref<10240xf32, #tpu.memory_space<vmem_shared>>
    %dma_start3A_1112 = tpu.memref_slice %arg18[%dma_start3A_1103] : memref<5x!tpu.dma_semaphore, #tpu.memory_space<semaphore_mem>> -> memref<1x!tpu.dma_semaphore, #tpu.memory_space<semaphore_mem>>
    %dma_start3A_1113 = tpu.memref_squeeze %dma_start3A_1112 : memref<1x!tpu.dma_semaphore, #tpu.memory_space<semaphore_mem>> -> memref<!tpu.dma_semaphore, #tpu.memory_space<semaphore_mem>>
    tpu.enqueue_indirect_dma source(%dma_start3A_1106 : memref<128xf32, #tpu.memory_space<vmem>>) target(%dma_start3A_1111 : memref<10240xf32, #tpu.memory_space<vmem_shared>>) offsets(%dma_start3A_1109 : memref<128xi32, #tpu.memory_space<vmem>>) semaphore(%dma_start3A_1113 : memref<!tpu.dma_semaphore, #tpu.memory_space<semaphore_mem>>) {add = true}
    %dma_wait3A_1114 = arith.constant 2 : i32
    %dma_wait3A_1115 = arith.constant 2 : i32
    %dma_wait3A_1116 = arith.constant 1 : i32
    %dma_wait3A_1117 = arith.constant 2 : i32
    %dma_wait3A_1118 = arith.constant 0 : i32
    %dma_wait3A_1119 = arith.constant 0 : i32
    %dma_wait3A_1120 = tpu.memref_slice %arg8[%dma_wait3A_1114, %dma_wait3A_1118, %dma_wait3A_1119] : memref<5x128x64xf32, #tpu.memory_space<vmem>> -> memref<1x128x64xf32, #tpu.memory_space<vmem>>
    %dma_wait3A_1121 = tpu.memref_squeeze %dma_wait3A_1120 : memref<1x128x64xf32, #tpu.memory_space<vmem>> -> memref<128x64xf32, #tpu.memory_space<vmem>>
    %dma_wait3A_1122 = arith.constant 0 : i32
    %dma_wait3A_1123 = tpu.memref_slice %arg7[%dma_wait3A_1115, %dma_wait3A_1116, %dma_wait3A_1122] : memref<10x2x128xi32, #tpu.memory_space<vmem>> -> memref<1x1x128xi32, #tpu.memory_space<vmem>>
    %dma_wait3A_1124 = tpu.memref_squeeze %dma_wait3A_1123 : memref<1x1x128xi32, #tpu.memory_space<vmem>> -> memref<128xi32, #tpu.memory_space<vmem>>
    %dma_wait3A_1125 = arith.constant 0 : i32
    %dma_wait3A_1126 = arith.constant 0 : i32
    %dma_wait3A_1127 = tpu.memref_slice %arg12[%dma_wait3A_1125, %dma_wait3A_1126] : memref<10240x64xf32, #tpu.memory_space<vmem_shared>> -> memref<10240x64xf32, #tpu.memory_space<vmem_shared>>
    %dma_wait3A_1128 = tpu.memref_slice %arg15[%dma_wait3A_1117] : memref<5x!tpu.dma_semaphore, #tpu.memory_space<semaphore_mem>> -> memref<1x!tpu.dma_semaphore, #tpu.memory_space<semaphore_mem>>
    %dma_wait3A_1129 = tpu.memref_squeeze %dma_wait3A_1128 : memref<1x!tpu.dma_semaphore, #tpu.memory_space<semaphore_mem>> -> memref<!tpu.dma_semaphore, #tpu.memory_space<semaphore_mem>>
    tpu.wait_indirect_dma semaphore(%dma_wait3A_1129 : memref<!tpu.dma_semaphore, #tpu.memory_space<semaphore_mem>>) src(%dma_wait3A_1121 : memref<128x64xf32, #tpu.memory_space<vmem>>) dst(%dma_wait3A_1127 : memref<10240x64xf32, #tpu.memory_space<vmem_shared>>)
    %dma_wait3A_1130 = arith.constant 2 : i32
    %dma_wait3A_1131 = arith.constant 2 : i32
    %dma_wait3A_1132 = arith.constant 1 : i32
    %dma_wait3A_1133 = arith.constant 2 : i32
    %dma_wait3A_1134 = arith.constant 0 : i32
    %dma_wait3A_1135 = tpu.memref_slice %arg9[%dma_wait3A_1130, %dma_wait3A_1134] : memref<5x128xf32, #tpu.memory_space<vmem>> -> memref<1x128xf32, #tpu.memory_space<vmem>>
    %dma_wait3A_1136 = tpu.memref_squeeze %dma_wait3A_1135 : memref<1x128xf32, #tpu.memory_space<vmem>> -> memref<128xf32, #tpu.memory_space<vmem>>
    %dma_wait3A_1137 = arith.constant 0 : i32
    %dma_wait3A_1138 = tpu.memref_slice %arg7[%dma_wait3A_1131, %dma_wait3A_1132, %dma_wait3A_1137] : memref<10x2x128xi32, #tpu.memory_space<vmem>> -> memref<1x1x128xi32, #tpu.memory_space<vmem>>
    %dma_wait3A_1139 = tpu.memref_squeeze %dma_wait3A_1138 : memref<1x1x128xi32, #tpu.memory_space<vmem>> -> memref<128xi32, #tpu.memory_space<vmem>>
    %dma_wait3A_1140 = arith.constant 0 : i32
    %dma_wait3A_1141 = tpu.memref_slice %arg13[%dma_wait3A_1140] : memref<10240xf32, #tpu.memory_space<vmem_shared>> -> memref<10240xf32, #tpu.memory_space<vmem_shared>>
    %dma_wait3A_1142 = tpu.memref_slice %arg18[%dma_wait3A_1133] : memref<5x!tpu.dma_semaphore, #tpu.memory_space<semaphore_mem>> -> memref<1x!tpu.dma_semaphore, #tpu.memory_space<semaphore_mem>>
    %dma_wait3A_1143 = tpu.memref_squeeze %dma_wait3A_1142 : memref<1x!tpu.dma_semaphore, #tpu.memory_space<semaphore_mem>> -> memref<!tpu.dma_semaphore, #tpu.memory_space<semaphore_mem>>
    tpu.wait_indirect_dma semaphore(%dma_wait3A_1143 : memref<!tpu.dma_semaphore, #tpu.memory_space<semaphore_mem>>) src(%dma_wait3A_1136 : memref<128xf32, #tpu.memory_space<vmem>>) dst(%dma_wait3A_1141 : memref<10240xf32, #tpu.memory_space<vmem_shared>>)
    %add3A_1144 = arith.constant 7 : i32
    %add3A_1145 = arith.addi %mul3A_187, %add3A_1144 : i32
    %dma_wait3A_1146 = arith.constant 7 : i32
    %dma_wait3A_1147 = arith.constant 7 : i32
    %dma_wait3A_1148 = arith.constant 0 : i32
    %dma_wait3A_1149 = arith.constant 0 : i32
    %dma_wait3A_1150 = tpu.memref_slice %arg7[%dma_wait3A_1146, %dma_wait3A_1148, %dma_wait3A_1149] : memref<10x2x128xi32, #tpu.memory_space<vmem>> -> memref<1x2x128xi32, #tpu.memory_space<vmem>>
    %dma_wait3A_1151 = tpu.memref_squeeze %dma_wait3A_1150 : memref<1x2x128xi32, #tpu.memory_space<vmem>> -> memref<2x128xi32, #tpu.memory_space<vmem>>
    %dma_wait3A_1152 = arith.constant 0 : i32
    %dma_wait3A_1153 = arith.constant 0 : i32
    %dma_wait3A_1154 = tpu.memref_slice %arg4[%arg0, %add3A_1145, %dma_wait3A_1152, %dma_wait3A_1153] : memref<2x2560x2x128xi32, #tpu.memory_space<hbm>> -> memref<1x1x2x128xi32, #tpu.memory_space<hbm>>
    %dma_wait3A_1155 = tpu.memref_squeeze %dma_wait3A_1154 : memref<1x1x2x128xi32, #tpu.memory_space<hbm>> -> memref<2x128xi32, #tpu.memory_space<hbm>>
    %dma_wait3A_1156 = tpu.memref_slice %arg16[%dma_wait3A_1147] : memref<10x!tpu.dma_semaphore, #tpu.memory_space<semaphore_mem>> -> memref<1x!tpu.dma_semaphore, #tpu.memory_space<semaphore_mem>>
    %dma_wait3A_1157 = tpu.memref_squeeze %dma_wait3A_1156 : memref<1x!tpu.dma_semaphore, #tpu.memory_space<semaphore_mem>> -> memref<!tpu.dma_semaphore, #tpu.memory_space<semaphore_mem>>
    %dma_wait3A_1158 = arith.constant 0 : i32
    %dma_wait3A_1159 = arith.constant 0 : i32
    %dma_wait3A_1160 = tpu.memref_slice %arg7[%dma_wait3A_1146, %dma_wait3A_1158, %dma_wait3A_1159] : memref<10x2x128xi32, #tpu.memory_space<vmem>> -> memref<1x2x128xi32, #tpu.memory_space<vmem>>
    %dma_wait3A_1161 = tpu.memref_squeeze %dma_wait3A_1160 : memref<1x2x128xi32, #tpu.memory_space<vmem>> -> memref<2x128xi32, #tpu.memory_space<vmem>>
    %dma_wait3A_1162 = arith.constant 0 : i32
    %dma_wait3A_1163 = arith.constant 0 : i32
    %dma_wait3A_1164 = tpu.memref_slice %arg4[%arg0, %add3A_1145, %dma_wait3A_1162, %dma_wait3A_1163] : memref<2x2560x2x128xi32, #tpu.memory_space<hbm>> -> memref<1x1x2x128xi32, #tpu.memory_space<hbm>>
    %dma_wait3A_1165 = tpu.memref_squeeze %dma_wait3A_1164 : memref<1x1x2x128xi32, #tpu.memory_space<hbm>> -> memref<2x128xi32, #tpu.memory_space<hbm>>
    tpu.wait_dma2 semaphore(%dma_wait3A_1157 : memref<!tpu.dma_semaphore, #tpu.memory_space<semaphore_mem>>) src(%dma_wait3A_1165 : memref<2x128xi32, #tpu.memory_space<hbm>>) dst(%dma_wait3A_1161 : memref<2x128xi32, #tpu.memory_space<vmem>>)
    %dma_start3A_1166 = arith.constant 7 : i32
    %dma_start3A_1167 = arith.constant 0 : i32
    %dma_start3A_1168 = arith.constant 2 : i32
    %dma_start3A_1169 = arith.constant 2 : i32
    %dma_start3A_1170 = arith.constant 0 : i32
    %dma_start3A_1171 = arith.constant 0 : i32
    %dma_start3A_1172 = tpu.memref_slice %arg8[%dma_start3A_1168, %dma_start3A_1170, %dma_start3A_1171] : memref<5x128x64xf32, #tpu.memory_space<vmem>> -> memref<1x128x64xf32, #tpu.memory_space<vmem>>
    %dma_start3A_1173 = tpu.memref_squeeze %dma_start3A_1172 : memref<1x128x64xf32, #tpu.memory_space<vmem>> -> memref<128x64xf32, #tpu.memory_space<vmem>>
    %dma_start3A_1174 = arith.constant 0 : i32
    %dma_start3A_1175 = tpu.memref_slice %arg7[%dma_start3A_1166, %dma_start3A_1167, %dma_start3A_1174] : memref<10x2x128xi32, #tpu.memory_space<vmem>> -> memref<1x1x128xi32, #tpu.memory_space<vmem>>
    %dma_start3A_1176 = tpu.memref_squeeze %dma_start3A_1175 : memref<1x1x128xi32, #tpu.memory_space<vmem>> -> memref<128xi32, #tpu.memory_space<vmem>>
    %dma_start3A_1177 = arith.constant 0 : i32
    %dma_start3A_1178 = arith.constant 0 : i32
    %dma_start3A_1179 = tpu.memref_slice %arg2[%dma_start3A_1177, %dma_start3A_1178] : memref<20000x64xf32, #tpu.memory_space<hbm>> -> memref<20000x64xf32, #tpu.memory_space<hbm>>
    %dma_start3A_1180 = tpu.memref_slice %arg14[%dma_start3A_1169] : memref<5x!tpu.dma_semaphore, #tpu.memory_space<semaphore_mem>> -> memref<1x!tpu.dma_semaphore, #tpu.memory_space<semaphore_mem>>
    %dma_start3A_1181 = tpu.memref_squeeze %dma_start3A_1180 : memref<1x!tpu.dma_semaphore, #tpu.memory_space<semaphore_mem>> -> memref<!tpu.dma_semaphore, #tpu.memory_space<semaphore_mem>>
    tpu.enqueue_indirect_dma source(%dma_start3A_1179 : memref<20000x64xf32, #tpu.memory_space<hbm>>) target(%dma_start3A_1173 : memref<128x64xf32, #tpu.memory_space<vmem>>) offsets(%dma_start3A_1176 : memref<128xi32, #tpu.memory_space<vmem>>) semaphore(%dma_start3A_1181 : memref<!tpu.dma_semaphore, #tpu.memory_space<semaphore_mem>>)
    %dma_start3A_1182 = arith.constant 7 : i32
    %dma_start3A_1183 = arith.constant 0 : i32
    %dma_start3A_1184 = arith.constant 2 : i32
    %dma_start3A_1185 = arith.constant 2 : i32
    %dma_start3A_1186 = arith.constant 0 : i32
    %dma_start3A_1187 = tpu.memref_slice %arg9[%dma_start3A_1184, %dma_start3A_1186] : memref<5x128xf32, #tpu.memory_space<vmem>> -> memref<1x128xf32, #tpu.memory_space<vmem>>
    %dma_start3A_1188 = tpu.memref_squeeze %dma_start3A_1187 : memref<1x128xf32, #tpu.memory_space<vmem>> -> memref<128xf32, #tpu.memory_space<vmem>>
    %dma_start3A_1189 = arith.constant 0 : i32
    %dma_start3A_1190 = tpu.memref_slice %arg7[%dma_start3A_1182, %dma_start3A_1183, %dma_start3A_1189] : memref<10x2x128xi32, #tpu.memory_space<vmem>> -> memref<1x1x128xi32, #tpu.memory_space<vmem>>
    %dma_start3A_1191 = tpu.memref_squeeze %dma_start3A_1190 : memref<1x1x128xi32, #tpu.memory_space<vmem>> -> memref<128xi32, #tpu.memory_space<vmem>>
    %dma_start3A_1192 = arith.constant 0 : i32
    %dma_start3A_1193 = tpu.memref_slice %arg3[%dma_start3A_1192] : memref<20000xf32, #tpu.memory_space<hbm>> -> memref<20000xf32, #tpu.memory_space<hbm>>
    %dma_start3A_1194 = tpu.memref_slice %arg17[%dma_start3A_1185] : memref<5x!tpu.dma_semaphore, #tpu.memory_space<semaphore_mem>> -> memref<1x!tpu.dma_semaphore, #tpu.memory_space<semaphore_mem>>
    %dma_start3A_1195 = tpu.memref_squeeze %dma_start3A_1194 : memref<1x!tpu.dma_semaphore, #tpu.memory_space<semaphore_mem>> -> memref<!tpu.dma_semaphore, #tpu.memory_space<semaphore_mem>>
    tpu.enqueue_indirect_dma source(%dma_start3A_1193 : memref<20000xf32, #tpu.memory_space<hbm>>) target(%dma_start3A_1188 : memref<128xf32, #tpu.memory_space<vmem>>) offsets(%dma_start3A_1191 : memref<128xi32, #tpu.memory_space<vmem>>) semaphore(%dma_start3A_1195 : memref<!tpu.dma_semaphore, #tpu.memory_space<semaphore_mem>>)
    %add3A_1196 = arith.constant 12 : i32
    %add3A_1197 = arith.addi %mul3A_187, %add3A_1196 : i32
    %dma_start3A_1198 = arith.constant 2 : i32
    %dma_start3A_1199 = arith.constant 2 : i32
    %dma_start3A_1200 = arith.constant 0 : i32
    %dma_start3A_1201 = arith.constant 0 : i32
    %dma_start3A_1202 = tpu.memref_slice %arg7[%dma_start3A_1198, %dma_start3A_1200, %dma_start3A_1201] : memref<10x2x128xi32, #tpu.memory_space<vmem>> -> memref<1x2x128xi32, #tpu.memory_space<vmem>>
    %dma_start3A_1203 = tpu.memref_squeeze %dma_start3A_1202 : memref<1x2x128xi32, #tpu.memory_space<vmem>> -> memref<2x128xi32, #tpu.memory_space<vmem>>
    %dma_start3A_1204 = arith.constant 0 : i32
    %dma_start3A_1205 = arith.constant 0 : i32
    %dma_start3A_1206 = tpu.memref_slice %arg4[%arg0, %add3A_1197, %dma_start3A_1204, %dma_start3A_1205] : memref<2x2560x2x128xi32, #tpu.memory_space<hbm>> -> memref<1x1x2x128xi32, #tpu.memory_space<hbm>>
    %dma_start3A_1207 = tpu.memref_squeeze %dma_start3A_1206 : memref<1x1x2x128xi32, #tpu.memory_space<hbm>> -> memref<2x128xi32, #tpu.memory_space<hbm>>
    %dma_start3A_1208 = tpu.memref_slice %arg16[%dma_start3A_1199] : memref<10x!tpu.dma_semaphore, #tpu.memory_space<semaphore_mem>> -> memref<1x!tpu.dma_semaphore, #tpu.memory_space<semaphore_mem>>
    %dma_start3A_1209 = tpu.memref_squeeze %dma_start3A_1208 : memref<1x!tpu.dma_semaphore, #tpu.memory_space<semaphore_mem>> -> memref<!tpu.dma_semaphore, #tpu.memory_space<semaphore_mem>>
    %dma_start3A_1210 = arith.constant 0 : i32
    %dma_start3A_1211 = arith.constant 0 : i32
    %dma_start3A_1212 = tpu.memref_slice %arg7[%dma_start3A_1198, %dma_start3A_1210, %dma_start3A_1211] : memref<10x2x128xi32, #tpu.memory_space<vmem>> -> memref<1x2x128xi32, #tpu.memory_space<vmem>>
    %dma_start3A_1213 = tpu.memref_squeeze %dma_start3A_1212 : memref<1x2x128xi32, #tpu.memory_space<vmem>> -> memref<2x128xi32, #tpu.memory_space<vmem>>
    %dma_start3A_1214 = arith.constant 0 : i32
    %dma_start3A_1215 = arith.constant 0 : i32
    %dma_start3A_1216 = tpu.memref_slice %arg4[%arg0, %add3A_1197, %dma_start3A_1214, %dma_start3A_1215] : memref<2x2560x2x128xi32, #tpu.memory_space<hbm>> -> memref<1x1x2x128xi32, #tpu.memory_space<hbm>>
    %dma_start3A_1217 = tpu.memref_squeeze %dma_start3A_1216 : memref<1x1x2x128xi32, #tpu.memory_space<hbm>> -> memref<2x128xi32, #tpu.memory_space<hbm>>
    tpu.enqueue_dma source(%dma_start3A_1217 : memref<2x128xi32, #tpu.memory_space<hbm>>) target(%dma_start3A_1213 : memref<2x128xi32, #tpu.memory_space<vmem>>) target_semaphore(%dma_start3A_1209 : memref<!tpu.dma_semaphore, #tpu.memory_space<semaphore_mem>>)
    %dma_wait3A_1218 = arith.constant 4 : i32
    %dma_wait3A_1219 = arith.constant 0 : i32
    %dma_wait3A_1220 = arith.constant 4 : i32
    %dma_wait3A_1221 = arith.constant 4 : i32
    %dma_wait3A_1222 = arith.constant 0 : i32
    %dma_wait3A_1223 = arith.constant 0 : i32
    %dma_wait3A_1224 = tpu.memref_slice %arg8[%dma_wait3A_1220, %dma_wait3A_1222, %dma_wait3A_1223] : memref<5x128x64xf32, #tpu.memory_space<vmem>> -> memref<1x128x64xf32, #tpu.memory_space<vmem>>
    %dma_wait3A_1225 = tpu.memref_squeeze %dma_wait3A_1224 : memref<1x128x64xf32, #tpu.memory_space<vmem>> -> memref<128x64xf32, #tpu.memory_space<vmem>>
    %dma_wait3A_1226 = arith.constant 0 : i32
    %dma_wait3A_1227 = tpu.memref_slice %arg7[%dma_wait3A_1218, %dma_wait3A_1219, %dma_wait3A_1226] : memref<10x2x128xi32, #tpu.memory_space<vmem>> -> memref<1x1x128xi32, #tpu.memory_space<vmem>>
    %dma_wait3A_1228 = tpu.memref_squeeze %dma_wait3A_1227 : memref<1x1x128xi32, #tpu.memory_space<vmem>> -> memref<128xi32, #tpu.memory_space<vmem>>
    %dma_wait3A_1229 = arith.constant 0 : i32
    %dma_wait3A_1230 = arith.constant 0 : i32
    %dma_wait3A_1231 = tpu.memref_slice %arg2[%dma_wait3A_1229, %dma_wait3A_1230] : memref<20000x64xf32, #tpu.memory_space<hbm>> -> memref<20000x64xf32, #tpu.memory_space<hbm>>
    %dma_wait3A_1232 = tpu.memref_slice %arg14[%dma_wait3A_1221] : memref<5x!tpu.dma_semaphore, #tpu.memory_space<semaphore_mem>> -> memref<1x!tpu.dma_semaphore, #tpu.memory_space<semaphore_mem>>
    %dma_wait3A_1233 = tpu.memref_squeeze %dma_wait3A_1232 : memref<1x!tpu.dma_semaphore, #tpu.memory_space<semaphore_mem>> -> memref<!tpu.dma_semaphore, #tpu.memory_space<semaphore_mem>>
    tpu.wait_indirect_dma semaphore(%dma_wait3A_1233 : memref<!tpu.dma_semaphore, #tpu.memory_space<semaphore_mem>>) src(%dma_wait3A_1231 : memref<20000x64xf32, #tpu.memory_space<hbm>>) dst(%dma_wait3A_1225 : memref<128x64xf32, #tpu.memory_space<vmem>>)
    %dma_wait3A_1234 = arith.constant 4 : i32
    %dma_wait3A_1235 = arith.constant 0 : i32
    %dma_wait3A_1236 = arith.constant 4 : i32
    %dma_wait3A_1237 = arith.constant 4 : i32
    %dma_wait3A_1238 = arith.constant 0 : i32
    %dma_wait3A_1239 = tpu.memref_slice %arg9[%dma_wait3A_1236, %dma_wait3A_1238] : memref<5x128xf32, #tpu.memory_space<vmem>> -> memref<1x128xf32, #tpu.memory_space<vmem>>
    %dma_wait3A_1240 = tpu.memref_squeeze %dma_wait3A_1239 : memref<1x128xf32, #tpu.memory_space<vmem>> -> memref<128xf32, #tpu.memory_space<vmem>>
    %dma_wait3A_1241 = arith.constant 0 : i32
    %dma_wait3A_1242 = tpu.memref_slice %arg7[%dma_wait3A_1234, %dma_wait3A_1235, %dma_wait3A_1241] : memref<10x2x128xi32, #tpu.memory_space<vmem>> -> memref<1x1x128xi32, #tpu.memory_space<vmem>>
    %dma_wait3A_1243 = tpu.memref_squeeze %dma_wait3A_1242 : memref<1x1x128xi32, #tpu.memory_space<vmem>> -> memref<128xi32, #tpu.memory_space<vmem>>
    %dma_wait3A_1244 = arith.constant 0 : i32
    %dma_wait3A_1245 = tpu.memref_slice %arg3[%dma_wait3A_1244] : memref<20000xf32, #tpu.memory_space<hbm>> -> memref<20000xf32, #tpu.memory_space<hbm>>
    %dma_wait3A_1246 = tpu.memref_slice %arg17[%dma_wait3A_1237] : memref<5x!tpu.dma_semaphore, #tpu.memory_space<semaphore_mem>> -> memref<1x!tpu.dma_semaphore, #tpu.memory_space<semaphore_mem>>
    %dma_wait3A_1247 = tpu.memref_squeeze %dma_wait3A_1246 : memref<1x!tpu.dma_semaphore, #tpu.memory_space<semaphore_mem>> -> memref<!tpu.dma_semaphore, #tpu.memory_space<semaphore_mem>>
    tpu.wait_indirect_dma semaphore(%dma_wait3A_1247 : memref<!tpu.dma_semaphore, #tpu.memory_space<semaphore_mem>>) src(%dma_wait3A_1245 : memref<20000xf32, #tpu.memory_space<hbm>>) dst(%dma_wait3A_1240 : memref<128xf32, #tpu.memory_space<vmem>>)
    %dma_start3A_1248 = arith.constant 4 : i32
    %dma_start3A_1249 = arith.constant 4 : i32
    %dma_start3A_1250 = arith.constant 1 : i32
    %dma_start3A_1251 = arith.constant 4 : i32
    %dma_start3A_1252 = arith.constant 0 : i32
    %dma_start3A_1253 = arith.constant 0 : i32
    %dma_start3A_1254 = tpu.memref_slice %arg8[%dma_start3A_1248, %dma_start3A_1252, %dma_start3A_1253] : memref<5x128x64xf32, #tpu.memory_space<vmem>> -> memref<1x128x64xf32, #tpu.memory_space<vmem>>
    %dma_start3A_1255 = tpu.memref_squeeze %dma_start3A_1254 : memref<1x128x64xf32, #tpu.memory_space<vmem>> -> memref<128x64xf32, #tpu.memory_space<vmem>>
    %dma_start3A_1256 = arith.constant 0 : i32
    %dma_start3A_1257 = tpu.memref_slice %arg7[%dma_start3A_1249, %dma_start3A_1250, %dma_start3A_1256] : memref<10x2x128xi32, #tpu.memory_space<vmem>> -> memref<1x1x128xi32, #tpu.memory_space<vmem>>
    %dma_start3A_1258 = tpu.memref_squeeze %dma_start3A_1257 : memref<1x1x128xi32, #tpu.memory_space<vmem>> -> memref<128xi32, #tpu.memory_space<vmem>>
    %dma_start3A_1259 = arith.constant 0 : i32
    %dma_start3A_1260 = arith.constant 0 : i32
    %dma_start3A_1261 = tpu.memref_slice %arg12[%dma_start3A_1259, %dma_start3A_1260] : memref<10240x64xf32, #tpu.memory_space<vmem_shared>> -> memref<10240x64xf32, #tpu.memory_space<vmem_shared>>
    %dma_start3A_1262 = tpu.memref_slice %arg15[%dma_start3A_1251] : memref<5x!tpu.dma_semaphore, #tpu.memory_space<semaphore_mem>> -> memref<1x!tpu.dma_semaphore, #tpu.memory_space<semaphore_mem>>
    %dma_start3A_1263 = tpu.memref_squeeze %dma_start3A_1262 : memref<1x!tpu.dma_semaphore, #tpu.memory_space<semaphore_mem>> -> memref<!tpu.dma_semaphore, #tpu.memory_space<semaphore_mem>>
    tpu.enqueue_indirect_dma source(%dma_start3A_1255 : memref<128x64xf32, #tpu.memory_space<vmem>>) target(%dma_start3A_1261 : memref<10240x64xf32, #tpu.memory_space<vmem_shared>>) offsets(%dma_start3A_1258 : memref<128xi32, #tpu.memory_space<vmem>>) semaphore(%dma_start3A_1263 : memref<!tpu.dma_semaphore, #tpu.memory_space<semaphore_mem>>) {add = true}
    %dma_start3A_1264 = arith.constant 4 : i32
    %dma_start3A_1265 = arith.constant 4 : i32
    %dma_start3A_1266 = arith.constant 1 : i32
    %dma_start3A_1267 = arith.constant 4 : i32
    %dma_start3A_1268 = arith.constant 0 : i32
    %dma_start3A_1269 = tpu.memref_slice %arg9[%dma_start3A_1264, %dma_start3A_1268] : memref<5x128xf32, #tpu.memory_space<vmem>> -> memref<1x128xf32, #tpu.memory_space<vmem>>
    %dma_start3A_1270 = tpu.memref_squeeze %dma_start3A_1269 : memref<1x128xf32, #tpu.memory_space<vmem>> -> memref<128xf32, #tpu.memory_space<vmem>>
    %dma_start3A_1271 = arith.constant 0 : i32
    %dma_start3A_1272 = tpu.memref_slice %arg7[%dma_start3A_1265, %dma_start3A_1266, %dma_start3A_1271] : memref<10x2x128xi32, #tpu.memory_space<vmem>> -> memref<1x1x128xi32, #tpu.memory_space<vmem>>
    %dma_start3A_1273 = tpu.memref_squeeze %dma_start3A_1272 : memref<1x1x128xi32, #tpu.memory_space<vmem>> -> memref<128xi32, #tpu.memory_space<vmem>>
    %dma_start3A_1274 = arith.constant 0 : i32
    %dma_start3A_1275 = tpu.memref_slice %arg13[%dma_start3A_1274] : memref<10240xf32, #tpu.memory_space<vmem_shared>> -> memref<10240xf32, #tpu.memory_space<vmem_shared>>
    %dma_start3A_1276 = tpu.memref_slice %arg18[%dma_start3A_1267] : memref<5x!tpu.dma_semaphore, #tpu.memory_space<semaphore_mem>> -> memref<1x!tpu.dma_semaphore, #tpu.memory_space<semaphore_mem>>
    %dma_start3A_1277 = tpu.memref_squeeze %dma_start3A_1276 : memref<1x!tpu.dma_semaphore, #tpu.memory_space<semaphore_mem>> -> memref<!tpu.dma_semaphore, #tpu.memory_space<semaphore_mem>>
    tpu.enqueue_indirect_dma source(%dma_start3A_1270 : memref<128xf32, #tpu.memory_space<vmem>>) target(%dma_start3A_1275 : memref<10240xf32, #tpu.memory_space<vmem_shared>>) offsets(%dma_start3A_1273 : memref<128xi32, #tpu.memory_space<vmem>>) semaphore(%dma_start3A_1277 : memref<!tpu.dma_semaphore, #tpu.memory_space<semaphore_mem>>) {add = true}
    %dma_wait3A_1278 = arith.constant 3 : i32
    %dma_wait3A_1279 = arith.constant 3 : i32
    %dma_wait3A_1280 = arith.constant 1 : i32
    %dma_wait3A_1281 = arith.constant 3 : i32
    %dma_wait3A_1282 = arith.constant 0 : i32
    %dma_wait3A_1283 = arith.constant 0 : i32
    %dma_wait3A_1284 = tpu.memref_slice %arg8[%dma_wait3A_1278, %dma_wait3A_1282, %dma_wait3A_1283] : memref<5x128x64xf32, #tpu.memory_space<vmem>> -> memref<1x128x64xf32, #tpu.memory_space<vmem>>
    %dma_wait3A_1285 = tpu.memref_squeeze %dma_wait3A_1284 : memref<1x128x64xf32, #tpu.memory_space<vmem>> -> memref<128x64xf32, #tpu.memory_space<vmem>>
    %dma_wait3A_1286 = arith.constant 0 : i32
    %dma_wait3A_1287 = tpu.memref_slice %arg7[%dma_wait3A_1279, %dma_wait3A_1280, %dma_wait3A_1286] : memref<10x2x128xi32, #tpu.memory_space<vmem>> -> memref<1x1x128xi32, #tpu.memory_space<vmem>>
    %dma_wait3A_1288 = tpu.memref_squeeze %dma_wait3A_1287 : memref<1x1x128xi32, #tpu.memory_space<vmem>> -> memref<128xi32, #tpu.memory_space<vmem>>
    %dma_wait3A_1289 = arith.constant 0 : i32
    %dma_wait3A_1290 = arith.constant 0 : i32
    %dma_wait3A_1291 = tpu.memref_slice %arg12[%dma_wait3A_1289, %dma_wait3A_1290] : memref<10240x64xf32, #tpu.memory_space<vmem_shared>> -> memref<10240x64xf32, #tpu.memory_space<vmem_shared>>
    %dma_wait3A_1292 = tpu.memref_slice %arg15[%dma_wait3A_1281] : memref<5x!tpu.dma_semaphore, #tpu.memory_space<semaphore_mem>> -> memref<1x!tpu.dma_semaphore, #tpu.memory_space<semaphore_mem>>
    %dma_wait3A_1293 = tpu.memref_squeeze %dma_wait3A_1292 : memref<1x!tpu.dma_semaphore, #tpu.memory_space<semaphore_mem>> -> memref<!tpu.dma_semaphore, #tpu.memory_space<semaphore_mem>>
    tpu.wait_indirect_dma semaphore(%dma_wait3A_1293 : memref<!tpu.dma_semaphore, #tpu.memory_space<semaphore_mem>>) src(%dma_wait3A_1285 : memref<128x64xf32, #tpu.memory_space<vmem>>) dst(%dma_wait3A_1291 : memref<10240x64xf32, #tpu.memory_space<vmem_shared>>)
    %dma_wait3A_1294 = arith.constant 3 : i32
    %dma_wait3A_1295 = arith.constant 3 : i32
    %dma_wait3A_1296 = arith.constant 1 : i32
    %dma_wait3A_1297 = arith.constant 3 : i32
    %dma_wait3A_1298 = arith.constant 0 : i32
    %dma_wait3A_1299 = tpu.memref_slice %arg9[%dma_wait3A_1294, %dma_wait3A_1298] : memref<5x128xf32, #tpu.memory_space<vmem>> -> memref<1x128xf32, #tpu.memory_space<vmem>>
    %dma_wait3A_1300 = tpu.memref_squeeze %dma_wait3A_1299 : memref<1x128xf32, #tpu.memory_space<vmem>> -> memref<128xf32, #tpu.memory_space<vmem>>
    %dma_wait3A_1301 = arith.constant 0 : i32
    %dma_wait3A_1302 = tpu.memref_slice %arg7[%dma_wait3A_1295, %dma_wait3A_1296, %dma_wait3A_1301] : memref<10x2x128xi32, #tpu.memory_space<vmem>> -> memref<1x1x128xi32, #tpu.memory_space<vmem>>
    %dma_wait3A_1303 = tpu.memref_squeeze %dma_wait3A_1302 : memref<1x1x128xi32, #tpu.memory_space<vmem>> -> memref<128xi32, #tpu.memory_space<vmem>>
    %dma_wait3A_1304 = arith.constant 0 : i32
    %dma_wait3A_1305 = tpu.memref_slice %arg13[%dma_wait3A_1304] : memref<10240xf32, #tpu.memory_space<vmem_shared>> -> memref<10240xf32, #tpu.memory_space<vmem_shared>>
    %dma_wait3A_1306 = tpu.memref_slice %arg18[%dma_wait3A_1297] : memref<5x!tpu.dma_semaphore, #tpu.memory_space<semaphore_mem>> -> memref<1x!tpu.dma_semaphore, #tpu.memory_space<semaphore_mem>>
    %dma_wait3A_1307 = tpu.memref_squeeze %dma_wait3A_1306 : memref<1x!tpu.dma_semaphore, #tpu.memory_space<semaphore_mem>> -> memref<!tpu.dma_semaphore, #tpu.memory_space<semaphore_mem>>
    tpu.wait_indirect_dma semaphore(%dma_wait3A_1307 : memref<!tpu.dma_semaphore, #tpu.memory_space<semaphore_mem>>) src(%dma_wait3A_1300 : memref<128xf32, #tpu.memory_space<vmem>>) dst(%dma_wait3A_1305 : memref<10240xf32, #tpu.memory_space<vmem_shared>>)
    %add3A_1308 = arith.constant 8 : i32
    %add3A_1309 = arith.addi %mul3A_187, %add3A_1308 : i32
    %dma_wait3A_1310 = arith.constant 8 : i32
    %dma_wait3A_1311 = arith.constant 8 : i32
    %dma_wait3A_1312 = arith.constant 0 : i32
    %dma_wait3A_1313 = arith.constant 0 : i32
    %dma_wait3A_1314 = tpu.memref_slice %arg7[%dma_wait3A_1310, %dma_wait3A_1312, %dma_wait3A_1313] : memref<10x2x128xi32, #tpu.memory_space<vmem>> -> memref<1x2x128xi32, #tpu.memory_space<vmem>>
    %dma_wait3A_1315 = tpu.memref_squeeze %dma_wait3A_1314 : memref<1x2x128xi32, #tpu.memory_space<vmem>> -> memref<2x128xi32, #tpu.memory_space<vmem>>
    %dma_wait3A_1316 = arith.constant 0 : i32
    %dma_wait3A_1317 = arith.constant 0 : i32
    %dma_wait3A_1318 = tpu.memref_slice %arg4[%arg0, %add3A_1309, %dma_wait3A_1316, %dma_wait3A_1317] : memref<2x2560x2x128xi32, #tpu.memory_space<hbm>> -> memref<1x1x2x128xi32, #tpu.memory_space<hbm>>
    %dma_wait3A_1319 = tpu.memref_squeeze %dma_wait3A_1318 : memref<1x1x2x128xi32, #tpu.memory_space<hbm>> -> memref<2x128xi32, #tpu.memory_space<hbm>>
    %dma_wait3A_1320 = tpu.memref_slice %arg16[%dma_wait3A_1311] : memref<10x!tpu.dma_semaphore, #tpu.memory_space<semaphore_mem>> -> memref<1x!tpu.dma_semaphore, #tpu.memory_space<semaphore_mem>>
    %dma_wait3A_1321 = tpu.memref_squeeze %dma_wait3A_1320 : memref<1x!tpu.dma_semaphore, #tpu.memory_space<semaphore_mem>> -> memref<!tpu.dma_semaphore, #tpu.memory_space<semaphore_mem>>
    %dma_wait3A_1322 = arith.constant 0 : i32
    %dma_wait3A_1323 = arith.constant 0 : i32
    %dma_wait3A_1324 = tpu.memref_slice %arg7[%dma_wait3A_1310, %dma_wait3A_1322, %dma_wait3A_1323] : memref<10x2x128xi32, #tpu.memory_space<vmem>> -> memref<1x2x128xi32, #tpu.memory_space<vmem>>
    %dma_wait3A_1325 = tpu.memref_squeeze %dma_wait3A_1324 : memref<1x2x128xi32, #tpu.memory_space<vmem>> -> memref<2x128xi32, #tpu.memory_space<vmem>>
    %dma_wait3A_1326 = arith.constant 0 : i32
    %dma_wait3A_1327 = arith.constant 0 : i32
    %dma_wait3A_1328 = tpu.memref_slice %arg4[%arg0, %add3A_1309, %dma_wait3A_1326, %dma_wait3A_1327] : memref<2x2560x2x128xi32, #tpu.memory_space<hbm>> -> memref<1x1x2x128xi32, #tpu.memory_space<hbm>>
    %dma_wait3A_1329 = tpu.memref_squeeze %dma_wait3A_1328 : memref<1x1x2x128xi32, #tpu.memory_space<hbm>> -> memref<2x128xi32, #tpu.memory_space<hbm>>
    tpu.wait_dma2 semaphore(%dma_wait3A_1321 : memref<!tpu.dma_semaphore, #tpu.memory_space<semaphore_mem>>) src(%dma_wait3A_1329 : memref<2x128xi32, #tpu.memory_space<hbm>>) dst(%dma_wait3A_1325 : memref<2x128xi32, #tpu.memory_space<vmem>>)
    %dma_start3A_1330 = arith.constant 8 : i32
    %dma_start3A_1331 = arith.constant 0 : i32
    %dma_start3A_1332 = arith.constant 3 : i32
    %dma_start3A_1333 = arith.constant 3 : i32
    %dma_start3A_1334 = arith.constant 0 : i32
    %dma_start3A_1335 = arith.constant 0 : i32
    %dma_start3A_1336 = tpu.memref_slice %arg8[%dma_start3A_1332, %dma_start3A_1334, %dma_start3A_1335] : memref<5x128x64xf32, #tpu.memory_space<vmem>> -> memref<1x128x64xf32, #tpu.memory_space<vmem>>
    %dma_start3A_1337 = tpu.memref_squeeze %dma_start3A_1336 : memref<1x128x64xf32, #tpu.memory_space<vmem>> -> memref<128x64xf32, #tpu.memory_space<vmem>>
    %dma_start3A_1338 = arith.constant 0 : i32
    %dma_start3A_1339 = tpu.memref_slice %arg7[%dma_start3A_1330, %dma_start3A_1331, %dma_start3A_1338] : memref<10x2x128xi32, #tpu.memory_space<vmem>> -> memref<1x1x128xi32, #tpu.memory_space<vmem>>
    %dma_start3A_1340 = tpu.memref_squeeze %dma_start3A_1339 : memref<1x1x128xi32, #tpu.memory_space<vmem>> -> memref<128xi32, #tpu.memory_space<vmem>>
    %dma_start3A_1341 = arith.constant 0 : i32
    %dma_start3A_1342 = arith.constant 0 : i32
    %dma_start3A_1343 = tpu.memref_slice %arg2[%dma_start3A_1341, %dma_start3A_1342] : memref<20000x64xf32, #tpu.memory_space<hbm>> -> memref<20000x64xf32, #tpu.memory_space<hbm>>
    %dma_start3A_1344 = tpu.memref_slice %arg14[%dma_start3A_1333] : memref<5x!tpu.dma_semaphore, #tpu.memory_space<semaphore_mem>> -> memref<1x!tpu.dma_semaphore, #tpu.memory_space<semaphore_mem>>
    %dma_start3A_1345 = tpu.memref_squeeze %dma_start3A_1344 : memref<1x!tpu.dma_semaphore, #tpu.memory_space<semaphore_mem>> -> memref<!tpu.dma_semaphore, #tpu.memory_space<semaphore_mem>>
    tpu.enqueue_indirect_dma source(%dma_start3A_1343 : memref<20000x64xf32, #tpu.memory_space<hbm>>) target(%dma_start3A_1337 : memref<128x64xf32, #tpu.memory_space<vmem>>) offsets(%dma_start3A_1340 : memref<128xi32, #tpu.memory_space<vmem>>) semaphore(%dma_start3A_1345 : memref<!tpu.dma_semaphore, #tpu.memory_space<semaphore_mem>>)
    %dma_start3A_1346 = arith.constant 8 : i32
    %dma_start3A_1347 = arith.constant 0 : i32
    %dma_start3A_1348 = arith.constant 3 : i32
    %dma_start3A_1349 = arith.constant 3 : i32
    %dma_start3A_1350 = arith.constant 0 : i32
    %dma_start3A_1351 = tpu.memref_slice %arg9[%dma_start3A_1348, %dma_start3A_1350] : memref<5x128xf32, #tpu.memory_space<vmem>> -> memref<1x128xf32, #tpu.memory_space<vmem>>
    %dma_start3A_1352 = tpu.memref_squeeze %dma_start3A_1351 : memref<1x128xf32, #tpu.memory_space<vmem>> -> memref<128xf32, #tpu.memory_space<vmem>>
    %dma_start3A_1353 = arith.constant 0 : i32
    %dma_start3A_1354 = tpu.memref_slice %arg7[%dma_start3A_1346, %dma_start3A_1347, %dma_start3A_1353] : memref<10x2x128xi32, #tpu.memory_space<vmem>> -> memref<1x1x128xi32, #tpu.memory_space<vmem>>
    %dma_start3A_1355 = tpu.memref_squeeze %dma_start3A_1354 : memref<1x1x128xi32, #tpu.memory_space<vmem>> -> memref<128xi32, #tpu.memory_space<vmem>>
    %dma_start3A_1356 = arith.constant 0 : i32
    %dma_start3A_1357 = tpu.memref_slice %arg3[%dma_start3A_1356] : memref<20000xf32, #tpu.memory_space<hbm>> -> memref<20000xf32, #tpu.memory_space<hbm>>
    %dma_start3A_1358 = tpu.memref_slice %arg17[%dma_start3A_1349] : memref<5x!tpu.dma_semaphore, #tpu.memory_space<semaphore_mem>> -> memref<1x!tpu.dma_semaphore, #tpu.memory_space<semaphore_mem>>
    %dma_start3A_1359 = tpu.memref_squeeze %dma_start3A_1358 : memref<1x!tpu.dma_semaphore, #tpu.memory_space<semaphore_mem>> -> memref<!tpu.dma_semaphore, #tpu.memory_space<semaphore_mem>>
    tpu.enqueue_indirect_dma source(%dma_start3A_1357 : memref<20000xf32, #tpu.memory_space<hbm>>) target(%dma_start3A_1352 : memref<128xf32, #tpu.memory_space<vmem>>) offsets(%dma_start3A_1355 : memref<128xi32, #tpu.memory_space<vmem>>) semaphore(%dma_start3A_1359 : memref<!tpu.dma_semaphore, #tpu.memory_space<semaphore_mem>>)
    %add3A_1360 = arith.constant 13 : i32
    %add3A_1361 = arith.addi %mul3A_187, %add3A_1360 : i32
    %dma_start3A_1362 = arith.constant 3 : i32
    %dma_start3A_1363 = arith.constant 3 : i32
    %dma_start3A_1364 = arith.constant 0 : i32
    %dma_start3A_1365 = arith.constant 0 : i32
    %dma_start3A_1366 = tpu.memref_slice %arg7[%dma_start3A_1362, %dma_start3A_1364, %dma_start3A_1365] : memref<10x2x128xi32, #tpu.memory_space<vmem>> -> memref<1x2x128xi32, #tpu.memory_space<vmem>>
    %dma_start3A_1367 = tpu.memref_squeeze %dma_start3A_1366 : memref<1x2x128xi32, #tpu.memory_space<vmem>> -> memref<2x128xi32, #tpu.memory_space<vmem>>
    %dma_start3A_1368 = arith.constant 0 : i32
    %dma_start3A_1369 = arith.constant 0 : i32
    %dma_start3A_1370 = tpu.memref_slice %arg4[%arg0, %add3A_1361, %dma_start3A_1368, %dma_start3A_1369] : memref<2x2560x2x128xi32, #tpu.memory_space<hbm>> -> memref<1x1x2x128xi32, #tpu.memory_space<hbm>>
    %dma_start3A_1371 = tpu.memref_squeeze %dma_start3A_1370 : memref<1x1x2x128xi32, #tpu.memory_space<hbm>> -> memref<2x128xi32, #tpu.memory_space<hbm>>
    %dma_start3A_1372 = tpu.memref_slice %arg16[%dma_start3A_1363] : memref<10x!tpu.dma_semaphore, #tpu.memory_space<semaphore_mem>> -> memref<1x!tpu.dma_semaphore, #tpu.memory_space<semaphore_mem>>
    %dma_start3A_1373 = tpu.memref_squeeze %dma_start3A_1372 : memref<1x!tpu.dma_semaphore, #tpu.memory_space<semaphore_mem>> -> memref<!tpu.dma_semaphore, #tpu.memory_space<semaphore_mem>>
    %dma_start3A_1374 = arith.constant 0 : i32
    %dma_start3A_1375 = arith.constant 0 : i32
    %dma_start3A_1376 = tpu.memref_slice %arg7[%dma_start3A_1362, %dma_start3A_1374, %dma_start3A_1375] : memref<10x2x128xi32, #tpu.memory_space<vmem>> -> memref<1x2x128xi32, #tpu.memory_space<vmem>>
    %dma_start3A_1377 = tpu.memref_squeeze %dma_start3A_1376 : memref<1x2x128xi32, #tpu.memory_space<vmem>> -> memref<2x128xi32, #tpu.memory_space<vmem>>
    %dma_start3A_1378 = arith.constant 0 : i32
    %dma_start3A_1379 = arith.constant 0 : i32
    %dma_start3A_1380 = tpu.memref_slice %arg4[%arg0, %add3A_1361, %dma_start3A_1378, %dma_start3A_1379] : memref<2x2560x2x128xi32, #tpu.memory_space<hbm>> -> memref<1x1x2x128xi32, #tpu.memory_space<hbm>>
    %dma_start3A_1381 = tpu.memref_squeeze %dma_start3A_1380 : memref<1x1x2x128xi32, #tpu.memory_space<hbm>> -> memref<2x128xi32, #tpu.memory_space<hbm>>
    tpu.enqueue_dma source(%dma_start3A_1381 : memref<2x128xi32, #tpu.memory_space<hbm>>) target(%dma_start3A_1377 : memref<2x128xi32, #tpu.memory_space<vmem>>) target_semaphore(%dma_start3A_1373 : memref<!tpu.dma_semaphore, #tpu.memory_space<semaphore_mem>>)
    %scan3A_1382 = arith.constant 0 : i32
    %scan3A_1383 = arith.constant 1 : i32
    %scan3A_1384 = arith.constant 31 : i32
    %scan3A_1385 = arith.addi %scan3A_1383, %scan3A_1384 : i32
    %scan3A_1386 = arith.constant 1 : i32
    %scan3A_1387 = scf.for %scan3A_1426 = %scan3A_1383 to %scan3A_1385 step %scan3A_1386 iter_args(%scan3A_1427 = %scan3A_1382) -> (i32)  : i32 {
      %mul3A_1428 = arith.constant 5 : i32
      %mul3A_1429 = arith.muli %scan3A_1426, %mul3A_1428 : i32
      %add3A_1430 = arith.constant 0 : i32
      %add3A_1431 = arith.addi %mul3A_1429, %add3A_1430 : i32
      %rem3A = arith.constant 10 : i32
      %rem3A_1432 = arith.remsi %add3A_1431, %rem3A : i32
      %dma_wait3A_1433 = arith.constant 0 : i32
      %dma_wait3A_1434 = arith.constant 0 : i32
      %dma_wait3A_1435 = arith.constant 0 : i32
      %dma_wait3A_1436 = arith.constant 0 : i32
      %dma_wait3A_1437 = arith.constant 0 : i32
      %dma_wait3A_1438 = tpu.memref_slice %arg8[%dma_wait3A_1434, %dma_wait3A_1436, %dma_wait3A_1437] : memref<5x128x64xf32, #tpu.memory_space<vmem>> -> memref<1x128x64xf32, #tpu.memory_space<vmem>>
      %dma_wait3A_1439 = tpu.memref_squeeze %dma_wait3A_1438 : memref<1x128x64xf32, #tpu.memory_space<vmem>> -> memref<128x64xf32, #tpu.memory_space<vmem>>
      %dma_wait3A_1440 = arith.constant 0 : i32
      %dma_wait3A_1441 = tpu.memref_slice %arg7[%rem3A_1432, %dma_wait3A_1433, %dma_wait3A_1440] : memref<10x2x128xi32, #tpu.memory_space<vmem>> -> memref<1x1x128xi32, #tpu.memory_space<vmem>>
      %dma_wait3A_1442 = tpu.memref_squeeze %dma_wait3A_1441 : memref<1x1x128xi32, #tpu.memory_space<vmem>> -> memref<128xi32, #tpu.memory_space<vmem>>
      %dma_wait3A_1443 = arith.constant 0 : i32
      %dma_wait3A_1444 = arith.constant 0 : i32
      %dma_wait3A_1445 = tpu.memref_slice %arg2[%dma_wait3A_1443, %dma_wait3A_1444] : memref<20000x64xf32, #tpu.memory_space<hbm>> -> memref<20000x64xf32, #tpu.memory_space<hbm>>
      %dma_wait3A_1446 = tpu.memref_slice %arg14[%dma_wait3A_1435] : memref<5x!tpu.dma_semaphore, #tpu.memory_space<semaphore_mem>> -> memref<1x!tpu.dma_semaphore, #tpu.memory_space<semaphore_mem>>
      %dma_wait3A_1447 = tpu.memref_squeeze %dma_wait3A_1446 : memref<1x!tpu.dma_semaphore, #tpu.memory_space<semaphore_mem>> -> memref<!tpu.dma_semaphore, #tpu.memory_space<semaphore_mem>>
      tpu.wait_indirect_dma semaphore(%dma_wait3A_1447 : memref<!tpu.dma_semaphore, #tpu.memory_space<semaphore_mem>>) src(%dma_wait3A_1445 : memref<20000x64xf32, #tpu.memory_space<hbm>>) dst(%dma_wait3A_1439 : memref<128x64xf32, #tpu.memory_space<vmem>>)
      %dma_wait3A_1448 = arith.constant 0 : i32
      %dma_wait3A_1449 = arith.constant 0 : i32
      %dma_wait3A_1450 = arith.constant 0 : i32
      %dma_wait3A_1451 = arith.constant 0 : i32
      %dma_wait3A_1452 = tpu.memref_slice %arg9[%dma_wait3A_1449, %dma_wait3A_1451] : memref<5x128xf32, #tpu.memory_space<vmem>> -> memref<1x128xf32, #tpu.memory_space<vmem>>
      %dma_wait3A_1453 = tpu.memref_squeeze %dma_wait3A_1452 : memref<1x128xf32, #tpu.memory_space<vmem>> -> memref<128xf32, #tpu.memory_space<vmem>>
      %dma_wait3A_1454 = arith.constant 0 : i32
      %dma_wait3A_1455 = tpu.memref_slice %arg7[%rem3A_1432, %dma_wait3A_1448, %dma_wait3A_1454] : memref<10x2x128xi32, #tpu.memory_space<vmem>> -> memref<1x1x128xi32, #tpu.memory_space<vmem>>
      %dma_wait3A_1456 = tpu.memref_squeeze %dma_wait3A_1455 : memref<1x1x128xi32, #tpu.memory_space<vmem>> -> memref<128xi32, #tpu.memory_space<vmem>>
      %dma_wait3A_1457 = arith.constant 0 : i32
      %dma_wait3A_1458 = tpu.memref_slice %arg3[%dma_wait3A_1457] : memref<20000xf32, #tpu.memory_space<hbm>> -> memref<20000xf32, #tpu.memory_space<hbm>>
      %dma_wait3A_1459 = tpu.memref_slice %arg17[%dma_wait3A_1450] : memref<5x!tpu.dma_semaphore, #tpu.memory_space<semaphore_mem>> -> memref<1x!tpu.dma_semaphore, #tpu.memory_space<semaphore_mem>>
      %dma_wait3A_1460 = tpu.memref_squeeze %dma_wait3A_1459 : memref<1x!tpu.dma_semaphore, #tpu.memory_space<semaphore_mem>> -> memref<!tpu.dma_semaphore, #tpu.memory_space<semaphore_mem>>
      tpu.wait_indirect_dma semaphore(%dma_wait3A_1460 : memref<!tpu.dma_semaphore, #tpu.memory_space<semaphore_mem>>) src(%dma_wait3A_1458 : memref<20000xf32, #tpu.memory_space<hbm>>) dst(%dma_wait3A_1453 : memref<128xf32, #tpu.memory_space<vmem>>)
      %rem3A_1461 = arith.constant 10 : i32
      %rem3A_1462 = arith.remsi %add3A_1431, %rem3A_1461 : i32
      %dma_start3A_1463 = arith.constant 0 : i32
      %dma_start3A_1464 = arith.constant 1 : i32
      %dma_start3A_1465 = arith.constant 0 : i32
      %dma_start3A_1466 = arith.constant 0 : i32
      %dma_start3A_1467 = arith.constant 0 : i32
      %dma_start3A_1468 = tpu.memref_slice %arg8[%dma_start3A_1463, %dma_start3A_1466, %dma_start3A_1467] : memref<5x128x64xf32, #tpu.memory_space<vmem>> -> memref<1x128x64xf32, #tpu.memory_space<vmem>>
      %dma_start3A_1469 = tpu.memref_squeeze %dma_start3A_1468 : memref<1x128x64xf32, #tpu.memory_space<vmem>> -> memref<128x64xf32, #tpu.memory_space<vmem>>
      %dma_start3A_1470 = arith.constant 0 : i32
      %dma_start3A_1471 = tpu.memref_slice %arg7[%rem3A_1462, %dma_start3A_1464, %dma_start3A_1470] : memref<10x2x128xi32, #tpu.memory_space<vmem>> -> memref<1x1x128xi32, #tpu.memory_space<vmem>>
      %dma_start3A_1472 = tpu.memref_squeeze %dma_start3A_1471 : memref<1x1x128xi32, #tpu.memory_space<vmem>> -> memref<128xi32, #tpu.memory_space<vmem>>
      %dma_start3A_1473 = arith.constant 0 : i32
      %dma_start3A_1474 = arith.constant 0 : i32
      %dma_start3A_1475 = tpu.memref_slice %arg12[%dma_start3A_1473, %dma_start3A_1474] : memref<10240x64xf32, #tpu.memory_space<vmem_shared>> -> memref<10240x64xf32, #tpu.memory_space<vmem_shared>>
      %dma_start3A_1476 = tpu.memref_slice %arg15[%dma_start3A_1465] : memref<5x!tpu.dma_semaphore, #tpu.memory_space<semaphore_mem>> -> memref<1x!tpu.dma_semaphore, #tpu.memory_space<semaphore_mem>>
      %dma_start3A_1477 = tpu.memref_squeeze %dma_start3A_1476 : memref<1x!tpu.dma_semaphore, #tpu.memory_space<semaphore_mem>> -> memref<!tpu.dma_semaphore, #tpu.memory_space<semaphore_mem>>
      tpu.enqueue_indirect_dma source(%dma_start3A_1469 : memref<128x64xf32, #tpu.memory_space<vmem>>) target(%dma_start3A_1475 : memref<10240x64xf32, #tpu.memory_space<vmem_shared>>) offsets(%dma_start3A_1472 : memref<128xi32, #tpu.memory_space<vmem>>) semaphore(%dma_start3A_1477 : memref<!tpu.dma_semaphore, #tpu.memory_space<semaphore_mem>>) {add = true}
      %dma_start3A_1478 = arith.constant 0 : i32
      %dma_start3A_1479 = arith.constant 1 : i32
      %dma_start3A_1480 = arith.constant 0 : i32
      %dma_start3A_1481 = arith.constant 0 : i32
      %dma_start3A_1482 = tpu.memref_slice %arg9[%dma_start3A_1478, %dma_start3A_1481] : memref<5x128xf32, #tpu.memory_space<vmem>> -> memref<1x128xf32, #tpu.memory_space<vmem>>
      %dma_start3A_1483 = tpu.memref_squeeze %dma_start3A_1482 : memref<1x128xf32, #tpu.memory_space<vmem>> -> memref<128xf32, #tpu.memory_space<vmem>>
      %dma_start3A_1484 = arith.constant 0 : i32
      %dma_start3A_1485 = tpu.memref_slice %arg7[%rem3A_1462, %dma_start3A_1479, %dma_start3A_1484] : memref<10x2x128xi32, #tpu.memory_space<vmem>> -> memref<1x1x128xi32, #tpu.memory_space<vmem>>
      %dma_start3A_1486 = tpu.memref_squeeze %dma_start3A_1485 : memref<1x1x128xi32, #tpu.memory_space<vmem>> -> memref<128xi32, #tpu.memory_space<vmem>>
      %dma_start3A_1487 = arith.constant 0 : i32
      %dma_start3A_1488 = tpu.memref_slice %arg13[%dma_start3A_1487] : memref<10240xf32, #tpu.memory_space<vmem_shared>> -> memref<10240xf32, #tpu.memory_space<vmem_shared>>
      %dma_start3A_1489 = tpu.memref_slice %arg18[%dma_start3A_1480] : memref<5x!tpu.dma_semaphore, #tpu.memory_space<semaphore_mem>> -> memref<1x!tpu.dma_semaphore, #tpu.memory_space<semaphore_mem>>
      %dma_start3A_1490 = tpu.memref_squeeze %dma_start3A_1489 : memref<1x!tpu.dma_semaphore, #tpu.memory_space<semaphore_mem>> -> memref<!tpu.dma_semaphore, #tpu.memory_space<semaphore_mem>>
      tpu.enqueue_indirect_dma source(%dma_start3A_1483 : memref<128xf32, #tpu.memory_space<vmem>>) target(%dma_start3A_1488 : memref<10240xf32, #tpu.memory_space<vmem_shared>>) offsets(%dma_start3A_1486 : memref<128xi32, #tpu.memory_space<vmem>>) semaphore(%dma_start3A_1490 : memref<!tpu.dma_semaphore, #tpu.memory_space<semaphore_mem>>) {add = true}
      %sub3A = arith.constant 1 : i32
      %sub3A_1491 = arith.subi %add3A_1431, %sub3A : i32
      %rem3A_1492 = arith.constant 10 : i32
      %rem3A_1493 = arith.remsi %sub3A_1491, %rem3A_1492 : i32
      %dma_wait3A_1494 = arith.constant 4 : i32
      %dma_wait3A_1495 = arith.constant 1 : i32
      %dma_wait3A_1496 = arith.constant 4 : i32
      %dma_wait3A_1497 = arith.constant 0 : i32
      %dma_wait3A_1498 = arith.constant 0 : i32
      %dma_wait3A_1499 = tpu.memref_slice %arg8[%dma_wait3A_1494, %dma_wait3A_1497, %dma_wait3A_1498] : memref<5x128x64xf32, #tpu.memory_space<vmem>> -> memref<1x128x64xf32, #tpu.memory_space<vmem>>
      %dma_wait3A_1500 = tpu.memref_squeeze %dma_wait3A_1499 : memref<1x128x64xf32, #tpu.memory_space<vmem>> -> memref<128x64xf32, #tpu.memory_space<vmem>>
      %dma_wait3A_1501 = arith.constant 0 : i32
      %dma_wait3A_1502 = tpu.memref_slice %arg7[%rem3A_1493, %dma_wait3A_1495, %dma_wait3A_1501] : memref<10x2x128xi32, #tpu.memory_space<vmem>> -> memref<1x1x128xi32, #tpu.memory_space<vmem>>
      %dma_wait3A_1503 = tpu.memref_squeeze %dma_wait3A_1502 : memref<1x1x128xi32, #tpu.memory_space<vmem>> -> memref<128xi32, #tpu.memory_space<vmem>>
      %dma_wait3A_1504 = arith.constant 0 : i32
      %dma_wait3A_1505 = arith.constant 0 : i32
      %dma_wait3A_1506 = tpu.memref_slice %arg12[%dma_wait3A_1504, %dma_wait3A_1505] : memref<10240x64xf32, #tpu.memory_space<vmem_shared>> -> memref<10240x64xf32, #tpu.memory_space<vmem_shared>>
      %dma_wait3A_1507 = tpu.memref_slice %arg15[%dma_wait3A_1496] : memref<5x!tpu.dma_semaphore, #tpu.memory_space<semaphore_mem>> -> memref<1x!tpu.dma_semaphore, #tpu.memory_space<semaphore_mem>>
      %dma_wait3A_1508 = tpu.memref_squeeze %dma_wait3A_1507 : memref<1x!tpu.dma_semaphore, #tpu.memory_space<semaphore_mem>> -> memref<!tpu.dma_semaphore, #tpu.memory_space<semaphore_mem>>
      tpu.wait_indirect_dma semaphore(%dma_wait3A_1508 : memref<!tpu.dma_semaphore, #tpu.memory_space<semaphore_mem>>) src(%dma_wait3A_1500 : memref<128x64xf32, #tpu.memory_space<vmem>>) dst(%dma_wait3A_1506 : memref<10240x64xf32, #tpu.memory_space<vmem_shared>>)
      %dma_wait3A_1509 = arith.constant 4 : i32
      %dma_wait3A_1510 = arith.constant 1 : i32
      %dma_wait3A_1511 = arith.constant 4 : i32
      %dma_wait3A_1512 = arith.constant 0 : i32
      %dma_wait3A_1513 = tpu.memref_slice %arg9[%dma_wait3A_1509, %dma_wait3A_1512] : memref<5x128xf32, #tpu.memory_space<vmem>> -> memref<1x128xf32, #tpu.memory_space<vmem>>
      %dma_wait3A_1514 = tpu.memref_squeeze %dma_wait3A_1513 : memref<1x128xf32, #tpu.memory_space<vmem>> -> memref<128xf32, #tpu.memory_space<vmem>>
      %dma_wait3A_1515 = arith.constant 0 : i32
      %dma_wait3A_1516 = tpu.memref_slice %arg7[%rem3A_1493, %dma_wait3A_1510, %dma_wait3A_1515] : memref<10x2x128xi32, #tpu.memory_space<vmem>> -> memref<1x1x128xi32, #tpu.memory_space<vmem>>
      %dma_wait3A_1517 = tpu.memref_squeeze %dma_wait3A_1516 : memref<1x1x128xi32, #tpu.memory_space<vmem>> -> memref<128xi32, #tpu.memory_space<vmem>>
      %dma_wait3A_1518 = arith.constant 0 : i32
      %dma_wait3A_1519 = tpu.memref_slice %arg13[%dma_wait3A_1518] : memref<10240xf32, #tpu.memory_space<vmem_shared>> -> memref<10240xf32, #tpu.memory_space<vmem_shared>>
      %dma_wait3A_1520 = tpu.memref_slice %arg18[%dma_wait3A_1511] : memref<5x!tpu.dma_semaphore, #tpu.memory_space<semaphore_mem>> -> memref<1x!tpu.dma_semaphore, #tpu.memory_space<semaphore_mem>>
      %dma_wait3A_1521 = tpu.memref_squeeze %dma_wait3A_1520 : memref<1x!tpu.dma_semaphore, #tpu.memory_space<semaphore_mem>> -> memref<!tpu.dma_semaphore, #tpu.memory_space<semaphore_mem>>
      tpu.wait_indirect_dma semaphore(%dma_wait3A_1521 : memref<!tpu.dma_semaphore, #tpu.memory_space<semaphore_mem>>) src(%dma_wait3A_1514 : memref<128xf32, #tpu.memory_space<vmem>>) dst(%dma_wait3A_1519 : memref<10240xf32, #tpu.memory_space<vmem_shared>>)
      %sub3A_1522 = arith.constant 1 : i32
      %sub3A_1523 = arith.subi %add3A_1431, %sub3A_1522 : i32
      %add3A_1524 = arith.constant 5 : i32
      %add3A_1525 = arith.addi %sub3A_1523, %add3A_1524 : i32
      %lt3A_1526 = arith.constant 160 : i32
      %lt3A_1527 = arith.cmpi slt, %add3A_1525, %lt3A_1526 : i32
      %convert_element_type3A_1528 = arith.extui %lt3A_1527 : i1 to i32
      %cond3A_1529 = arith.constant 0 : i32
      %cond3A_1530 = arith.cmpi ne, %convert_element_type3A_1528, %cond3A_1529 : i32
      scf.if %cond3A_1530 {
        %sub3A_1997 = arith.constant 1 : i32
        %sub3A_1998 = arith.subi %add3A_1431, %sub3A_1997 : i32
        %add3A_1999 = arith.constant 5 : i32
        %add3A_2000 = arith.addi %sub3A_1998, %add3A_1999 : i32
        %rem3A_2001 = arith.constant 10 : i32
        %rem3A_2002 = arith.remsi %add3A_2000, %rem3A_2001 : i32
        %add3A_2003 = arith.addi %mul3A_187, %add3A_2000 : i32
        %dma_wait3A_2004 = arith.constant 0 : i32
        %dma_wait3A_2005 = arith.constant 0 : i32
        %dma_wait3A_2006 = tpu.memref_slice %arg7[%rem3A_2002, %dma_wait3A_2004, %dma_wait3A_2005] : memref<10x2x128xi32, #tpu.memory_space<vmem>> -> memref<1x2x128xi32, #tpu.memory_space<vmem>>
        %dma_wait3A_2007 = tpu.memref_squeeze %dma_wait3A_2006 : memref<1x2x128xi32, #tpu.memory_space<vmem>> -> memref<2x128xi32, #tpu.memory_space<vmem>>
        %dma_wait3A_2008 = arith.constant 0 : i32
        %dma_wait3A_2009 = arith.constant 0 : i32
        %dma_wait3A_2010 = tpu.memref_slice %arg4[%arg0, %add3A_2003, %dma_wait3A_2008, %dma_wait3A_2009] : memref<2x2560x2x128xi32, #tpu.memory_space<hbm>> -> memref<1x1x2x128xi32, #tpu.memory_space<hbm>>
        %dma_wait3A_2011 = tpu.memref_squeeze %dma_wait3A_2010 : memref<1x1x2x128xi32, #tpu.memory_space<hbm>> -> memref<2x128xi32, #tpu.memory_space<hbm>>
        %dma_wait3A_2012 = tpu.memref_slice %arg16[%rem3A_2002] : memref<10x!tpu.dma_semaphore, #tpu.memory_space<semaphore_mem>> -> memref<1x!tpu.dma_semaphore, #tpu.memory_space<semaphore_mem>>
        %dma_wait3A_2013 = tpu.memref_squeeze %dma_wait3A_2012 : memref<1x!tpu.dma_semaphore, #tpu.memory_space<semaphore_mem>> -> memref<!tpu.dma_semaphore, #tpu.memory_space<semaphore_mem>>
        %dma_wait3A_2014 = arith.constant 0 : i32
        %dma_wait3A_2015 = arith.constant 0 : i32
        %dma_wait3A_2016 = tpu.memref_slice %arg7[%rem3A_2002, %dma_wait3A_2014, %dma_wait3A_2015] : memref<10x2x128xi32, #tpu.memory_space<vmem>> -> memref<1x2x128xi32, #tpu.memory_space<vmem>>
        %dma_wait3A_2017 = tpu.memref_squeeze %dma_wait3A_2016 : memref<1x2x128xi32, #tpu.memory_space<vmem>> -> memref<2x128xi32, #tpu.memory_space<vmem>>
        %dma_wait3A_2018 = arith.constant 0 : i32
        %dma_wait3A_2019 = arith.constant 0 : i32
        %dma_wait3A_2020 = tpu.memref_slice %arg4[%arg0, %add3A_2003, %dma_wait3A_2018, %dma_wait3A_2019] : memref<2x2560x2x128xi32, #tpu.memory_space<hbm>> -> memref<1x1x2x128xi32, #tpu.memory_space<hbm>>
        %dma_wait3A_2021 = tpu.memref_squeeze %dma_wait3A_2020 : memref<1x1x2x128xi32, #tpu.memory_space<hbm>> -> memref<2x128xi32, #tpu.memory_space<hbm>>
        tpu.wait_dma2 semaphore(%dma_wait3A_2013 : memref<!tpu.dma_semaphore, #tpu.memory_space<semaphore_mem>>) src(%dma_wait3A_2021 : memref<2x128xi32, #tpu.memory_space<hbm>>) dst(%dma_wait3A_2017 : memref<2x128xi32, #tpu.memory_space<vmem>>)
        %sub3A_2022 = arith.constant 1 : i32
        %sub3A_2023 = arith.subi %add3A_1431, %sub3A_2022 : i32
        %add3A_2024 = arith.constant 5 : i32
        %add3A_2025 = arith.addi %sub3A_2023, %add3A_2024 : i32
        %rem3A_2026 = arith.constant 10 : i32
        %rem3A_2027 = arith.remsi %add3A_2025, %rem3A_2026 : i32
        %dma_start3A_2028 = arith.constant 0 : i32
        %dma_start3A_2029 = arith.constant 4 : i32
        %dma_start3A_2030 = arith.constant 4 : i32
        %dma_start3A_2031 = arith.constant 0 : i32
        %dma_start3A_2032 = arith.constant 0 : i32
        %dma_start3A_2033 = tpu.memref_slice %arg8[%dma_start3A_2029, %dma_start3A_2031, %dma_start3A_2032] : memref<5x128x64xf32, #tpu.memory_space<vmem>> -> memref<1x128x64xf32, #tpu.memory_space<vmem>>
        %dma_start3A_2034 = tpu.memref_squeeze %dma_start3A_2033 : memref<1x128x64xf32, #tpu.memory_space<vmem>> -> memref<128x64xf32, #tpu.memory_space<vmem>>
        %dma_start3A_2035 = arith.constant 0 : i32
        %dma_start3A_2036 = tpu.memref_slice %arg7[%rem3A_2027, %dma_start3A_2028, %dma_start3A_2035] : memref<10x2x128xi32, #tpu.memory_space<vmem>> -> memref<1x1x128xi32, #tpu.memory_space<vmem>>
        %dma_start3A_2037 = tpu.memref_squeeze %dma_start3A_2036 : memref<1x1x128xi32, #tpu.memory_space<vmem>> -> memref<128xi32, #tpu.memory_space<vmem>>
        %dma_start3A_2038 = arith.constant 0 : i32
        %dma_start3A_2039 = arith.constant 0 : i32
        %dma_start3A_2040 = tpu.memref_slice %arg2[%dma_start3A_2038, %dma_start3A_2039] : memref<20000x64xf32, #tpu.memory_space<hbm>> -> memref<20000x64xf32, #tpu.memory_space<hbm>>
        %dma_start3A_2041 = tpu.memref_slice %arg14[%dma_start3A_2030] : memref<5x!tpu.dma_semaphore, #tpu.memory_space<semaphore_mem>> -> memref<1x!tpu.dma_semaphore, #tpu.memory_space<semaphore_mem>>
        %dma_start3A_2042 = tpu.memref_squeeze %dma_start3A_2041 : memref<1x!tpu.dma_semaphore, #tpu.memory_space<semaphore_mem>> -> memref<!tpu.dma_semaphore, #tpu.memory_space<semaphore_mem>>
        tpu.enqueue_indirect_dma source(%dma_start3A_2040 : memref<20000x64xf32, #tpu.memory_space<hbm>>) target(%dma_start3A_2034 : memref<128x64xf32, #tpu.memory_space<vmem>>) offsets(%dma_start3A_2037 : memref<128xi32, #tpu.memory_space<vmem>>) semaphore(%dma_start3A_2042 : memref<!tpu.dma_semaphore, #tpu.memory_space<semaphore_mem>>)
        %dma_start3A_2043 = arith.constant 0 : i32
        %dma_start3A_2044 = arith.constant 4 : i32
        %dma_start3A_2045 = arith.constant 4 : i32
        %dma_start3A_2046 = arith.constant 0 : i32
        %dma_start3A_2047 = tpu.memref_slice %arg9[%dma_start3A_2044, %dma_start3A_2046] : memref<5x128xf32, #tpu.memory_space<vmem>> -> memref<1x128xf32, #tpu.memory_space<vmem>>
        %dma_start3A_2048 = tpu.memref_squeeze %dma_start3A_2047 : memref<1x128xf32, #tpu.memory_space<vmem>> -> memref<128xf32, #tpu.memory_space<vmem>>
        %dma_start3A_2049 = arith.constant 0 : i32
        %dma_start3A_2050 = tpu.memref_slice %arg7[%rem3A_2027, %dma_start3A_2043, %dma_start3A_2049] : memref<10x2x128xi32, #tpu.memory_space<vmem>> -> memref<1x1x128xi32, #tpu.memory_space<vmem>>
        %dma_start3A_2051 = tpu.memref_squeeze %dma_start3A_2050 : memref<1x1x128xi32, #tpu.memory_space<vmem>> -> memref<128xi32, #tpu.memory_space<vmem>>
        %dma_start3A_2052 = arith.constant 0 : i32
        %dma_start3A_2053 = tpu.memref_slice %arg3[%dma_start3A_2052] : memref<20000xf32, #tpu.memory_space<hbm>> -> memref<20000xf32, #tpu.memory_space<hbm>>
        %dma_start3A_2054 = tpu.memref_slice %arg17[%dma_start3A_2045] : memref<5x!tpu.dma_semaphore, #tpu.memory_space<semaphore_mem>> -> memref<1x!tpu.dma_semaphore, #tpu.memory_space<semaphore_mem>>
        %dma_start3A_2055 = tpu.memref_squeeze %dma_start3A_2054 : memref<1x!tpu.dma_semaphore, #tpu.memory_space<semaphore_mem>> -> memref<!tpu.dma_semaphore, #tpu.memory_space<semaphore_mem>>
        tpu.enqueue_indirect_dma source(%dma_start3A_2053 : memref<20000xf32, #tpu.memory_space<hbm>>) target(%dma_start3A_2048 : memref<128xf32, #tpu.memory_space<vmem>>) offsets(%dma_start3A_2051 : memref<128xi32, #tpu.memory_space<vmem>>) semaphore(%dma_start3A_2055 : memref<!tpu.dma_semaphore, #tpu.memory_space<semaphore_mem>>)
      } else {
      }
      %sub3A_1531 = arith.constant 1 : i32
      %sub3A_1532 = arith.subi %add3A_1431, %sub3A_1531 : i32
      %add3A_1533 = arith.constant 10 : i32
      %add3A_1534 = arith.addi %sub3A_1532, %add3A_1533 : i32
      %lt3A_1535 = arith.constant 160 : i32
      %lt3A_1536 = arith.cmpi slt, %add3A_1534, %lt3A_1535 : i32
      %convert_element_type3A_1537 = arith.extui %lt3A_1536 : i1 to i32
      %cond3A_1538 = arith.constant 0 : i32
      %cond3A_1539 = arith.cmpi ne, %convert_element_type3A_1537, %cond3A_1538 : i32
      scf.if %cond3A_1539 {
        %sub3A_1997 = arith.constant 1 : i32
        %sub3A_1998 = arith.subi %add3A_1431, %sub3A_1997 : i32
        %add3A_1999 = arith.constant 10 : i32
        %add3A_2000 = arith.addi %sub3A_1998, %add3A_1999 : i32
        %rem3A_2001 = arith.constant 10 : i32
        %rem3A_2002 = arith.remsi %add3A_2000, %rem3A_2001 : i32
        %add3A_2003 = arith.addi %mul3A_187, %add3A_2000 : i32
        %dma_start3A_2004 = arith.constant 0 : i32
        %dma_start3A_2005 = arith.constant 0 : i32
        %dma_start3A_2006 = tpu.memref_slice %arg7[%rem3A_2002, %dma_start3A_2004, %dma_start3A_2005] : memref<10x2x128xi32, #tpu.memory_space<vmem>> -> memref<1x2x128xi32, #tpu.memory_space<vmem>>
        %dma_start3A_2007 = tpu.memref_squeeze %dma_start3A_2006 : memref<1x2x128xi32, #tpu.memory_space<vmem>> -> memref<2x128xi32, #tpu.memory_space<vmem>>
        %dma_start3A_2008 = arith.constant 0 : i32
        %dma_start3A_2009 = arith.constant 0 : i32
        %dma_start3A_2010 = tpu.memref_slice %arg4[%arg0, %add3A_2003, %dma_start3A_2008, %dma_start3A_2009] : memref<2x2560x2x128xi32, #tpu.memory_space<hbm>> -> memref<1x1x2x128xi32, #tpu.memory_space<hbm>>
        %dma_start3A_2011 = tpu.memref_squeeze %dma_start3A_2010 : memref<1x1x2x128xi32, #tpu.memory_space<hbm>> -> memref<2x128xi32, #tpu.memory_space<hbm>>
        %dma_start3A_2012 = tpu.memref_slice %arg16[%rem3A_2002] : memref<10x!tpu.dma_semaphore, #tpu.memory_space<semaphore_mem>> -> memref<1x!tpu.dma_semaphore, #tpu.memory_space<semaphore_mem>>
        %dma_start3A_2013 = tpu.memref_squeeze %dma_start3A_2012 : memref<1x!tpu.dma_semaphore, #tpu.memory_space<semaphore_mem>> -> memref<!tpu.dma_semaphore, #tpu.memory_space<semaphore_mem>>
        %dma_start3A_2014 = arith.constant 0 : i32
        %dma_start3A_2015 = arith.constant 0 : i32
        %dma_start3A_2016 = tpu.memref_slice %arg7[%rem3A_2002, %dma_start3A_2014, %dma_start3A_2015] : memref<10x2x128xi32, #tpu.memory_space<vmem>> -> memref<1x2x128xi32, #tpu.memory_space<vmem>>
        %dma_start3A_2017 = tpu.memref_squeeze %dma_start3A_2016 : memref<1x2x128xi32, #tpu.memory_space<vmem>> -> memref<2x128xi32, #tpu.memory_space<vmem>>
        %dma_start3A_2018 = arith.constant 0 : i32
        %dma_start3A_2019 = arith.constant 0 : i32
        %dma_start3A_2020 = tpu.memref_slice %arg4[%arg0, %add3A_2003, %dma_start3A_2018, %dma_start3A_2019] : memref<2x2560x2x128xi32, #tpu.memory_space<hbm>> -> memref<1x1x2x128xi32, #tpu.memory_space<hbm>>
        %dma_start3A_2021 = tpu.memref_squeeze %dma_start3A_2020 : memref<1x1x2x128xi32, #tpu.memory_space<hbm>> -> memref<2x128xi32, #tpu.memory_space<hbm>>
        tpu.enqueue_dma source(%dma_start3A_2021 : memref<2x128xi32, #tpu.memory_space<hbm>>) target(%dma_start3A_2017 : memref<2x128xi32, #tpu.memory_space<vmem>>) target_semaphore(%dma_start3A_2013 : memref<!tpu.dma_semaphore, #tpu.memory_space<semaphore_mem>>)
      } else {
      }
      %mul3A_1540 = arith.constant 5 : i32
      %mul3A_1541 = arith.muli %scan3A_1426, %mul3A_1540 : i32
      %add3A_1542 = arith.constant 1 : i32
      %add3A_1543 = arith.addi %mul3A_1541, %add3A_1542 : i32
      %rem3A_1544 = arith.constant 10 : i32
      %rem3A_1545 = arith.remsi %add3A_1543, %rem3A_1544 : i32
      %dma_wait3A_1546 = arith.constant 0 : i32
      %dma_wait3A_1547 = arith.constant 1 : i32
      %dma_wait3A_1548 = arith.constant 1 : i32
      %dma_wait3A_1549 = arith.constant 0 : i32
      %dma_wait3A_1550 = arith.constant 0 : i32
      %dma_wait3A_1551 = tpu.memref_slice %arg8[%dma_wait3A_1547, %dma_wait3A_1549, %dma_wait3A_1550] : memref<5x128x64xf32, #tpu.memory_space<vmem>> -> memref<1x128x64xf32, #tpu.memory_space<vmem>>
      %dma_wait3A_1552 = tpu.memref_squeeze %dma_wait3A_1551 : memref<1x128x64xf32, #tpu.memory_space<vmem>> -> memref<128x64xf32, #tpu.memory_space<vmem>>
      %dma_wait3A_1553 = arith.constant 0 : i32
      %dma_wait3A_1554 = tpu.memref_slice %arg7[%rem3A_1545, %dma_wait3A_1546, %dma_wait3A_1553] : memref<10x2x128xi32, #tpu.memory_space<vmem>> -> memref<1x1x128xi32, #tpu.memory_space<vmem>>
      %dma_wait3A_1555 = tpu.memref_squeeze %dma_wait3A_1554 : memref<1x1x128xi32, #tpu.memory_space<vmem>> -> memref<128xi32, #tpu.memory_space<vmem>>
      %dma_wait3A_1556 = arith.constant 0 : i32
      %dma_wait3A_1557 = arith.constant 0 : i32
      %dma_wait3A_1558 = tpu.memref_slice %arg2[%dma_wait3A_1556, %dma_wait3A_1557] : memref<20000x64xf32, #tpu.memory_space<hbm>> -> memref<20000x64xf32, #tpu.memory_space<hbm>>
      %dma_wait3A_1559 = tpu.memref_slice %arg14[%dma_wait3A_1548] : memref<5x!tpu.dma_semaphore, #tpu.memory_space<semaphore_mem>> -> memref<1x!tpu.dma_semaphore, #tpu.memory_space<semaphore_mem>>
      %dma_wait3A_1560 = tpu.memref_squeeze %dma_wait3A_1559 : memref<1x!tpu.dma_semaphore, #tpu.memory_space<semaphore_mem>> -> memref<!tpu.dma_semaphore, #tpu.memory_space<semaphore_mem>>
      tpu.wait_indirect_dma semaphore(%dma_wait3A_1560 : memref<!tpu.dma_semaphore, #tpu.memory_space<semaphore_mem>>) src(%dma_wait3A_1558 : memref<20000x64xf32, #tpu.memory_space<hbm>>) dst(%dma_wait3A_1552 : memref<128x64xf32, #tpu.memory_space<vmem>>)
      %dma_wait3A_1561 = arith.constant 0 : i32
      %dma_wait3A_1562 = arith.constant 1 : i32
      %dma_wait3A_1563 = arith.constant 1 : i32
      %dma_wait3A_1564 = arith.constant 0 : i32
      %dma_wait3A_1565 = tpu.memref_slice %arg9[%dma_wait3A_1562, %dma_wait3A_1564] : memref<5x128xf32, #tpu.memory_space<vmem>> -> memref<1x128xf32, #tpu.memory_space<vmem>>
      %dma_wait3A_1566 = tpu.memref_squeeze %dma_wait3A_1565 : memref<1x128xf32, #tpu.memory_space<vmem>> -> memref<128xf32, #tpu.memory_space<vmem>>
      %dma_wait3A_1567 = arith.constant 0 : i32
      %dma_wait3A_1568 = tpu.memref_slice %arg7[%rem3A_1545, %dma_wait3A_1561, %dma_wait3A_1567] : memref<10x2x128xi32, #tpu.memory_space<vmem>> -> memref<1x1x128xi32, #tpu.memory_space<vmem>>
      %dma_wait3A_1569 = tpu.memref_squeeze %dma_wait3A_1568 : memref<1x1x128xi32, #tpu.memory_space<vmem>> -> memref<128xi32, #tpu.memory_space<vmem>>
      %dma_wait3A_1570 = arith.constant 0 : i32
      %dma_wait3A_1571 = tpu.memref_slice %arg3[%dma_wait3A_1570] : memref<20000xf32, #tpu.memory_space<hbm>> -> memref<20000xf32, #tpu.memory_space<hbm>>
      %dma_wait3A_1572 = tpu.memref_slice %arg17[%dma_wait3A_1563] : memref<5x!tpu.dma_semaphore, #tpu.memory_space<semaphore_mem>> -> memref<1x!tpu.dma_semaphore, #tpu.memory_space<semaphore_mem>>
      %dma_wait3A_1573 = tpu.memref_squeeze %dma_wait3A_1572 : memref<1x!tpu.dma_semaphore, #tpu.memory_space<semaphore_mem>> -> memref<!tpu.dma_semaphore, #tpu.memory_space<semaphore_mem>>
      tpu.wait_indirect_dma semaphore(%dma_wait3A_1573 : memref<!tpu.dma_semaphore, #tpu.memory_space<semaphore_mem>>) src(%dma_wait3A_1571 : memref<20000xf32, #tpu.memory_space<hbm>>) dst(%dma_wait3A_1566 : memref<128xf32, #tpu.memory_space<vmem>>)
      %rem3A_1574 = arith.constant 10 : i32
      %rem3A_1575 = arith.remsi %add3A_1543, %rem3A_1574 : i32
      %dma_start3A_1576 = arith.constant 1 : i32
      %dma_start3A_1577 = arith.constant 1 : i32
      %dma_start3A_1578 = arith.constant 1 : i32
      %dma_start3A_1579 = arith.constant 0 : i32
      %dma_start3A_1580 = arith.constant 0 : i32
      %dma_start3A_1581 = tpu.memref_slice %arg8[%dma_start3A_1576, %dma_start3A_1579, %dma_start3A_1580] : memref<5x128x64xf32, #tpu.memory_space<vmem>> -> memref<1x128x64xf32, #tpu.memory_space<vmem>>
      %dma_start3A_1582 = tpu.memref_squeeze %dma_start3A_1581 : memref<1x128x64xf32, #tpu.memory_space<vmem>> -> memref<128x64xf32, #tpu.memory_space<vmem>>
      %dma_start3A_1583 = arith.constant 0 : i32
      %dma_start3A_1584 = tpu.memref_slice %arg7[%rem3A_1575, %dma_start3A_1577, %dma_start3A_1583] : memref<10x2x128xi32, #tpu.memory_space<vmem>> -> memref<1x1x128xi32, #tpu.memory_space<vmem>>
      %dma_start3A_1585 = tpu.memref_squeeze %dma_start3A_1584 : memref<1x1x128xi32, #tpu.memory_space<vmem>> -> memref<128xi32, #tpu.memory_space<vmem>>
      %dma_start3A_1586 = arith.constant 0 : i32
      %dma_start3A_1587 = arith.constant 0 : i32
      %dma_start3A_1588 = tpu.memref_slice %arg12[%dma_start3A_1586, %dma_start3A_1587] : memref<10240x64xf32, #tpu.memory_space<vmem_shared>> -> memref<10240x64xf32, #tpu.memory_space<vmem_shared>>
      %dma_start3A_1589 = tpu.memref_slice %arg15[%dma_start3A_1578] : memref<5x!tpu.dma_semaphore, #tpu.memory_space<semaphore_mem>> -> memref<1x!tpu.dma_semaphore, #tpu.memory_space<semaphore_mem>>
      %dma_start3A_1590 = tpu.memref_squeeze %dma_start3A_1589 : memref<1x!tpu.dma_semaphore, #tpu.memory_space<semaphore_mem>> -> memref<!tpu.dma_semaphore, #tpu.memory_space<semaphore_mem>>
      tpu.enqueue_indirect_dma source(%dma_start3A_1582 : memref<128x64xf32, #tpu.memory_space<vmem>>) target(%dma_start3A_1588 : memref<10240x64xf32, #tpu.memory_space<vmem_shared>>) offsets(%dma_start3A_1585 : memref<128xi32, #tpu.memory_space<vmem>>) semaphore(%dma_start3A_1590 : memref<!tpu.dma_semaphore, #tpu.memory_space<semaphore_mem>>) {add = true}
      %dma_start3A_1591 = arith.constant 1 : i32
      %dma_start3A_1592 = arith.constant 1 : i32
      %dma_start3A_1593 = arith.constant 1 : i32
      %dma_start3A_1594 = arith.constant 0 : i32
      %dma_start3A_1595 = tpu.memref_slice %arg9[%dma_start3A_1591, %dma_start3A_1594] : memref<5x128xf32, #tpu.memory_space<vmem>> -> memref<1x128xf32, #tpu.memory_space<vmem>>
      %dma_start3A_1596 = tpu.memref_squeeze %dma_start3A_1595 : memref<1x128xf32, #tpu.memory_space<vmem>> -> memref<128xf32, #tpu.memory_space<vmem>>
      %dma_start3A_1597 = arith.constant 0 : i32
      %dma_start3A_1598 = tpu.memref_slice %arg7[%rem3A_1575, %dma_start3A_1592, %dma_start3A_1597] : memref<10x2x128xi32, #tpu.memory_space<vmem>> -> memref<1x1x128xi32, #tpu.memory_space<vmem>>
      %dma_start3A_1599 = tpu.memref_squeeze %dma_start3A_1598 : memref<1x1x128xi32, #tpu.memory_space<vmem>> -> memref<128xi32, #tpu.memory_space<vmem>>
      %dma_start3A_1600 = arith.constant 0 : i32
      %dma_start3A_1601 = tpu.memref_slice %arg13[%dma_start3A_1600] : memref<10240xf32, #tpu.memory_space<vmem_shared>> -> memref<10240xf32, #tpu.memory_space<vmem_shared>>
      %dma_start3A_1602 = tpu.memref_slice %arg18[%dma_start3A_1593] : memref<5x!tpu.dma_semaphore, #tpu.memory_space<semaphore_mem>> -> memref<1x!tpu.dma_semaphore, #tpu.memory_space<semaphore_mem>>
      %dma_start3A_1603 = tpu.memref_squeeze %dma_start3A_1602 : memref<1x!tpu.dma_semaphore, #tpu.memory_space<semaphore_mem>> -> memref<!tpu.dma_semaphore, #tpu.memory_space<semaphore_mem>>
      tpu.enqueue_indirect_dma source(%dma_start3A_1596 : memref<128xf32, #tpu.memory_space<vmem>>) target(%dma_start3A_1601 : memref<10240xf32, #tpu.memory_space<vmem_shared>>) offsets(%dma_start3A_1599 : memref<128xi32, #tpu.memory_space<vmem>>) semaphore(%dma_start3A_1603 : memref<!tpu.dma_semaphore, #tpu.memory_space<semaphore_mem>>) {add = true}
      %sub3A_1604 = arith.constant 1 : i32
      %sub3A_1605 = arith.subi %add3A_1543, %sub3A_1604 : i32
      %rem3A_1606 = arith.constant 10 : i32
      %rem3A_1607 = arith.remsi %sub3A_1605, %rem3A_1606 : i32
      %dma_wait3A_1608 = arith.constant 0 : i32
      %dma_wait3A_1609 = arith.constant 1 : i32
      %dma_wait3A_1610 = arith.constant 0 : i32
      %dma_wait3A_1611 = arith.constant 0 : i32
      %dma_wait3A_1612 = arith.constant 0 : i32
      %dma_wait3A_1613 = tpu.memref_slice %arg8[%dma_wait3A_1608, %dma_wait3A_1611, %dma_wait3A_1612] : memref<5x128x64xf32, #tpu.memory_space<vmem>> -> memref<1x128x64xf32, #tpu.memory_space<vmem>>
      %dma_wait3A_1614 = tpu.memref_squeeze %dma_wait3A_1613 : memref<1x128x64xf32, #tpu.memory_space<vmem>> -> memref<128x64xf32, #tpu.memory_space<vmem>>
      %dma_wait3A_1615 = arith.constant 0 : i32
      %dma_wait3A_1616 = tpu.memref_slice %arg7[%rem3A_1607, %dma_wait3A_1609, %dma_wait3A_1615] : memref<10x2x128xi32, #tpu.memory_space<vmem>> -> memref<1x1x128xi32, #tpu.memory_space<vmem>>
      %dma_wait3A_1617 = tpu.memref_squeeze %dma_wait3A_1616 : memref<1x1x128xi32, #tpu.memory_space<vmem>> -> memref<128xi32, #tpu.memory_space<vmem>>
      %dma_wait3A_1618 = arith.constant 0 : i32
      %dma_wait3A_1619 = arith.constant 0 : i32
      %dma_wait3A_1620 = tpu.memref_slice %arg12[%dma_wait3A_1618, %dma_wait3A_1619] : memref<10240x64xf32, #tpu.memory_space<vmem_shared>> -> memref<10240x64xf32, #tpu.memory_space<vmem_shared>>
      %dma_wait3A_1621 = tpu.memref_slice %arg15[%dma_wait3A_1610] : memref<5x!tpu.dma_semaphore, #tpu.memory_space<semaphore_mem>> -> memref<1x!tpu.dma_semaphore, #tpu.memory_space<semaphore_mem>>
      %dma_wait3A_1622 = tpu.memref_squeeze %dma_wait3A_1621 : memref<1x!tpu.dma_semaphore, #tpu.memory_space<semaphore_mem>> -> memref<!tpu.dma_semaphore, #tpu.memory_space<semaphore_mem>>
      tpu.wait_indirect_dma semaphore(%dma_wait3A_1622 : memref<!tpu.dma_semaphore, #tpu.memory_space<semaphore_mem>>) src(%dma_wait3A_1614 : memref<128x64xf32, #tpu.memory_space<vmem>>) dst(%dma_wait3A_1620 : memref<10240x64xf32, #tpu.memory_space<vmem_shared>>)
      %dma_wait3A_1623 = arith.constant 0 : i32
      %dma_wait3A_1624 = arith.constant 1 : i32
      %dma_wait3A_1625 = arith.constant 0 : i32
      %dma_wait3A_1626 = arith.constant 0 : i32
      %dma_wait3A_1627 = tpu.memref_slice %arg9[%dma_wait3A_1623, %dma_wait3A_1626] : memref<5x128xf32, #tpu.memory_space<vmem>> -> memref<1x128xf32, #tpu.memory_space<vmem>>
      %dma_wait3A_1628 = tpu.memref_squeeze %dma_wait3A_1627 : memref<1x128xf32, #tpu.memory_space<vmem>> -> memref<128xf32, #tpu.memory_space<vmem>>
      %dma_wait3A_1629 = arith.constant 0 : i32
      %dma_wait3A_1630 = tpu.memref_slice %arg7[%rem3A_1607, %dma_wait3A_1624, %dma_wait3A_1629] : memref<10x2x128xi32, #tpu.memory_space<vmem>> -> memref<1x1x128xi32, #tpu.memory_space<vmem>>
      %dma_wait3A_1631 = tpu.memref_squeeze %dma_wait3A_1630 : memref<1x1x128xi32, #tpu.memory_space<vmem>> -> memref<128xi32, #tpu.memory_space<vmem>>
      %dma_wait3A_1632 = arith.constant 0 : i32
      %dma_wait3A_1633 = tpu.memref_slice %arg13[%dma_wait3A_1632] : memref<10240xf32, #tpu.memory_space<vmem_shared>> -> memref<10240xf32, #tpu.memory_space<vmem_shared>>
      %dma_wait3A_1634 = tpu.memref_slice %arg18[%dma_wait3A_1625] : memref<5x!tpu.dma_semaphore, #tpu.memory_space<semaphore_mem>> -> memref<1x!tpu.dma_semaphore, #tpu.memory_space<semaphore_mem>>
      %dma_wait3A_1635 = tpu.memref_squeeze %dma_wait3A_1634 : memref<1x!tpu.dma_semaphore, #tpu.memory_space<semaphore_mem>> -> memref<!tpu.dma_semaphore, #tpu.memory_space<semaphore_mem>>
      tpu.wait_indirect_dma semaphore(%dma_wait3A_1635 : memref<!tpu.dma_semaphore, #tpu.memory_space<semaphore_mem>>) src(%dma_wait3A_1628 : memref<128xf32, #tpu.memory_space<vmem>>) dst(%dma_wait3A_1633 : memref<10240xf32, #tpu.memory_space<vmem_shared>>)
      %sub3A_1636 = arith.constant 1 : i32
      %sub3A_1637 = arith.subi %add3A_1543, %sub3A_1636 : i32
      %add3A_1638 = arith.constant 5 : i32
      %add3A_1639 = arith.addi %sub3A_1637, %add3A_1638 : i32
      %lt3A_1640 = arith.constant 160 : i32
      %lt3A_1641 = arith.cmpi slt, %add3A_1639, %lt3A_1640 : i32
      %convert_element_type3A_1642 = arith.extui %lt3A_1641 : i1 to i32
      %cond3A_1643 = arith.constant 0 : i32
      %cond3A_1644 = arith.cmpi ne, %convert_element_type3A_1642, %cond3A_1643 : i32
      scf.if %cond3A_1644 {
        %sub3A_1997 = arith.constant 1 : i32
        %sub3A_1998 = arith.subi %add3A_1543, %sub3A_1997 : i32
        %add3A_1999 = arith.constant 5 : i32
        %add3A_2000 = arith.addi %sub3A_1998, %add3A_1999 : i32
        %rem3A_2001 = arith.constant 10 : i32
        %rem3A_2002 = arith.remsi %add3A_2000, %rem3A_2001 : i32
        %add3A_2003 = arith.addi %mul3A_187, %add3A_2000 : i32
        %dma_wait3A_2004 = arith.constant 0 : i32
        %dma_wait3A_2005 = arith.constant 0 : i32
        %dma_wait3A_2006 = tpu.memref_slice %arg7[%rem3A_2002, %dma_wait3A_2004, %dma_wait3A_2005] : memref<10x2x128xi32, #tpu.memory_space<vmem>> -> memref<1x2x128xi32, #tpu.memory_space<vmem>>
        %dma_wait3A_2007 = tpu.memref_squeeze %dma_wait3A_2006 : memref<1x2x128xi32, #tpu.memory_space<vmem>> -> memref<2x128xi32, #tpu.memory_space<vmem>>
        %dma_wait3A_2008 = arith.constant 0 : i32
        %dma_wait3A_2009 = arith.constant 0 : i32
        %dma_wait3A_2010 = tpu.memref_slice %arg4[%arg0, %add3A_2003, %dma_wait3A_2008, %dma_wait3A_2009] : memref<2x2560x2x128xi32, #tpu.memory_space<hbm>> -> memref<1x1x2x128xi32, #tpu.memory_space<hbm>>
        %dma_wait3A_2011 = tpu.memref_squeeze %dma_wait3A_2010 : memref<1x1x2x128xi32, #tpu.memory_space<hbm>> -> memref<2x128xi32, #tpu.memory_space<hbm>>
        %dma_wait3A_2012 = tpu.memref_slice %arg16[%rem3A_2002] : memref<10x!tpu.dma_semaphore, #tpu.memory_space<semaphore_mem>> -> memref<1x!tpu.dma_semaphore, #tpu.memory_space<semaphore_mem>>
        %dma_wait3A_2013 = tpu.memref_squeeze %dma_wait3A_2012 : memref<1x!tpu.dma_semaphore, #tpu.memory_space<semaphore_mem>> -> memref<!tpu.dma_semaphore, #tpu.memory_space<semaphore_mem>>
        %dma_wait3A_2014 = arith.constant 0 : i32
        %dma_wait3A_2015 = arith.constant 0 : i32
        %dma_wait3A_2016 = tpu.memref_slice %arg7[%rem3A_2002, %dma_wait3A_2014, %dma_wait3A_2015] : memref<10x2x128xi32, #tpu.memory_space<vmem>> -> memref<1x2x128xi32, #tpu.memory_space<vmem>>
        %dma_wait3A_2017 = tpu.memref_squeeze %dma_wait3A_2016 : memref<1x2x128xi32, #tpu.memory_space<vmem>> -> memref<2x128xi32, #tpu.memory_space<vmem>>
        %dma_wait3A_2018 = arith.constant 0 : i32
        %dma_wait3A_2019 = arith.constant 0 : i32
        %dma_wait3A_2020 = tpu.memref_slice %arg4[%arg0, %add3A_2003, %dma_wait3A_2018, %dma_wait3A_2019] : memref<2x2560x2x128xi32, #tpu.memory_space<hbm>> -> memref<1x1x2x128xi32, #tpu.memory_space<hbm>>
        %dma_wait3A_2021 = tpu.memref_squeeze %dma_wait3A_2020 : memref<1x1x2x128xi32, #tpu.memory_space<hbm>> -> memref<2x128xi32, #tpu.memory_space<hbm>>
        tpu.wait_dma2 semaphore(%dma_wait3A_2013 : memref<!tpu.dma_semaphore, #tpu.memory_space<semaphore_mem>>) src(%dma_wait3A_2021 : memref<2x128xi32, #tpu.memory_space<hbm>>) dst(%dma_wait3A_2017 : memref<2x128xi32, #tpu.memory_space<vmem>>)
        %sub3A_2022 = arith.constant 1 : i32
        %sub3A_2023 = arith.subi %add3A_1543, %sub3A_2022 : i32
        %add3A_2024 = arith.constant 5 : i32
        %add3A_2025 = arith.addi %sub3A_2023, %add3A_2024 : i32
        %rem3A_2026 = arith.constant 10 : i32
        %rem3A_2027 = arith.remsi %add3A_2025, %rem3A_2026 : i32
        %dma_start3A_2028 = arith.constant 0 : i32
        %dma_start3A_2029 = arith.constant 0 : i32
        %dma_start3A_2030 = arith.constant 0 : i32
        %dma_start3A_2031 = arith.constant 0 : i32
        %dma_start3A_2032 = arith.constant 0 : i32
        %dma_start3A_2033 = tpu.memref_slice %arg8[%dma_start3A_2029, %dma_start3A_2031, %dma_start3A_2032] : memref<5x128x64xf32, #tpu.memory_space<vmem>> -> memref<1x128x64xf32, #tpu.memory_space<vmem>>
        %dma_start3A_2034 = tpu.memref_squeeze %dma_start3A_2033 : memref<1x128x64xf32, #tpu.memory_space<vmem>> -> memref<128x64xf32, #tpu.memory_space<vmem>>
        %dma_start3A_2035 = arith.constant 0 : i32
        %dma_start3A_2036 = tpu.memref_slice %arg7[%rem3A_2027, %dma_start3A_2028, %dma_start3A_2035] : memref<10x2x128xi32, #tpu.memory_space<vmem>> -> memref<1x1x128xi32, #tpu.memory_space<vmem>>
        %dma_start3A_2037 = tpu.memref_squeeze %dma_start3A_2036 : memref<1x1x128xi32, #tpu.memory_space<vmem>> -> memref<128xi32, #tpu.memory_space<vmem>>
        %dma_start3A_2038 = arith.constant 0 : i32
        %dma_start3A_2039 = arith.constant 0 : i32
        %dma_start3A_2040 = tpu.memref_slice %arg2[%dma_start3A_2038, %dma_start3A_2039] : memref<20000x64xf32, #tpu.memory_space<hbm>> -> memref<20000x64xf32, #tpu.memory_space<hbm>>
        %dma_start3A_2041 = tpu.memref_slice %arg14[%dma_start3A_2030] : memref<5x!tpu.dma_semaphore, #tpu.memory_space<semaphore_mem>> -> memref<1x!tpu.dma_semaphore, #tpu.memory_space<semaphore_mem>>
        %dma_start3A_2042 = tpu.memref_squeeze %dma_start3A_2041 : memref<1x!tpu.dma_semaphore, #tpu.memory_space<semaphore_mem>> -> memref<!tpu.dma_semaphore, #tpu.memory_space<semaphore_mem>>
        tpu.enqueue_indirect_dma source(%dma_start3A_2040 : memref<20000x64xf32, #tpu.memory_space<hbm>>) target(%dma_start3A_2034 : memref<128x64xf32, #tpu.memory_space<vmem>>) offsets(%dma_start3A_2037 : memref<128xi32, #tpu.memory_space<vmem>>) semaphore(%dma_start3A_2042 : memref<!tpu.dma_semaphore, #tpu.memory_space<semaphore_mem>>)
        %dma_start3A_2043 = arith.constant 0 : i32
        %dma_start3A_2044 = arith.constant 0 : i32
        %dma_start3A_2045 = arith.constant 0 : i32
        %dma_start3A_2046 = arith.constant 0 : i32
        %dma_start3A_2047 = tpu.memref_slice %arg9[%dma_start3A_2044, %dma_start3A_2046] : memref<5x128xf32, #tpu.memory_space<vmem>> -> memref<1x128xf32, #tpu.memory_space<vmem>>
        %dma_start3A_2048 = tpu.memref_squeeze %dma_start3A_2047 : memref<1x128xf32, #tpu.memory_space<vmem>> -> memref<128xf32, #tpu.memory_space<vmem>>
        %dma_start3A_2049 = arith.constant 0 : i32
        %dma_start3A_2050 = tpu.memref_slice %arg7[%rem3A_2027, %dma_start3A_2043, %dma_start3A_2049] : memref<10x2x128xi32, #tpu.memory_space<vmem>> -> memref<1x1x128xi32, #tpu.memory_space<vmem>>
        %dma_start3A_2051 = tpu.memref_squeeze %dma_start3A_2050 : memref<1x1x128xi32, #tpu.memory_space<vmem>> -> memref<128xi32, #tpu.memory_space<vmem>>
        %dma_start3A_2052 = arith.constant 0 : i32
        %dma_start3A_2053 = tpu.memref_slice %arg3[%dma_start3A_2052] : memref<20000xf32, #tpu.memory_space<hbm>> -> memref<20000xf32, #tpu.memory_space<hbm>>
        %dma_start3A_2054 = tpu.memref_slice %arg17[%dma_start3A_2045] : memref<5x!tpu.dma_semaphore, #tpu.memory_space<semaphore_mem>> -> memref<1x!tpu.dma_semaphore, #tpu.memory_space<semaphore_mem>>
        %dma_start3A_2055 = tpu.memref_squeeze %dma_start3A_2054 : memref<1x!tpu.dma_semaphore, #tpu.memory_space<semaphore_mem>> -> memref<!tpu.dma_semaphore, #tpu.memory_space<semaphore_mem>>
        tpu.enqueue_indirect_dma source(%dma_start3A_2053 : memref<20000xf32, #tpu.memory_space<hbm>>) target(%dma_start3A_2048 : memref<128xf32, #tpu.memory_space<vmem>>) offsets(%dma_start3A_2051 : memref<128xi32, #tpu.memory_space<vmem>>) semaphore(%dma_start3A_2055 : memref<!tpu.dma_semaphore, #tpu.memory_space<semaphore_mem>>)
      } else {
      }
      %sub3A_1645 = arith.constant 1 : i32
      %sub3A_1646 = arith.subi %add3A_1543, %sub3A_1645 : i32
      %add3A_1647 = arith.constant 10 : i32
      %add3A_1648 = arith.addi %sub3A_1646, %add3A_1647 : i32
      %lt3A_1649 = arith.constant 160 : i32
      %lt3A_1650 = arith.cmpi slt, %add3A_1648, %lt3A_1649 : i32
      %convert_element_type3A_1651 = arith.extui %lt3A_1650 : i1 to i32
      %cond3A_1652 = arith.constant 0 : i32
      %cond3A_1653 = arith.cmpi ne, %convert_element_type3A_1651, %cond3A_1652 : i32
      scf.if %cond3A_1653 {
        %sub3A_1997 = arith.constant 1 : i32
        %sub3A_1998 = arith.subi %add3A_1543, %sub3A_1997 : i32
        %add3A_1999 = arith.constant 10 : i32
        %add3A_2000 = arith.addi %sub3A_1998, %add3A_1999 : i32
        %rem3A_2001 = arith.constant 10 : i32
        %rem3A_2002 = arith.remsi %add3A_2000, %rem3A_2001 : i32
        %add3A_2003 = arith.addi %mul3A_187, %add3A_2000 : i32
        %dma_start3A_2004 = arith.constant 0 : i32
        %dma_start3A_2005 = arith.constant 0 : i32
        %dma_start3A_2006 = tpu.memref_slice %arg7[%rem3A_2002, %dma_start3A_2004, %dma_start3A_2005] : memref<10x2x128xi32, #tpu.memory_space<vmem>> -> memref<1x2x128xi32, #tpu.memory_space<vmem>>
        %dma_start3A_2007 = tpu.memref_squeeze %dma_start3A_2006 : memref<1x2x128xi32, #tpu.memory_space<vmem>> -> memref<2x128xi32, #tpu.memory_space<vmem>>
        %dma_start3A_2008 = arith.constant 0 : i32
        %dma_start3A_2009 = arith.constant 0 : i32
        %dma_start3A_2010 = tpu.memref_slice %arg4[%arg0, %add3A_2003, %dma_start3A_2008, %dma_start3A_2009] : memref<2x2560x2x128xi32, #tpu.memory_space<hbm>> -> memref<1x1x2x128xi32, #tpu.memory_space<hbm>>
        %dma_start3A_2011 = tpu.memref_squeeze %dma_start3A_2010 : memref<1x1x2x128xi32, #tpu.memory_space<hbm>> -> memref<2x128xi32, #tpu.memory_space<hbm>>
        %dma_start3A_2012 = tpu.memref_slice %arg16[%rem3A_2002] : memref<10x!tpu.dma_semaphore, #tpu.memory_space<semaphore_mem>> -> memref<1x!tpu.dma_semaphore, #tpu.memory_space<semaphore_mem>>
        %dma_start3A_2013 = tpu.memref_squeeze %dma_start3A_2012 : memref<1x!tpu.dma_semaphore, #tpu.memory_space<semaphore_mem>> -> memref<!tpu.dma_semaphore, #tpu.memory_space<semaphore_mem>>
        %dma_start3A_2014 = arith.constant 0 : i32
        %dma_start3A_2015 = arith.constant 0 : i32
        %dma_start3A_2016 = tpu.memref_slice %arg7[%rem3A_2002, %dma_start3A_2014, %dma_start3A_2015] : memref<10x2x128xi32, #tpu.memory_space<vmem>> -> memref<1x2x128xi32, #tpu.memory_space<vmem>>
        %dma_start3A_2017 = tpu.memref_squeeze %dma_start3A_2016 : memref<1x2x128xi32, #tpu.memory_space<vmem>> -> memref<2x128xi32, #tpu.memory_space<vmem>>
        %dma_start3A_2018 = arith.constant 0 : i32
        %dma_start3A_2019 = arith.constant 0 : i32
        %dma_start3A_2020 = tpu.memref_slice %arg4[%arg0, %add3A_2003, %dma_start3A_2018, %dma_start3A_2019] : memref<2x2560x2x128xi32, #tpu.memory_space<hbm>> -> memref<1x1x2x128xi32, #tpu.memory_space<hbm>>
        %dma_start3A_2021 = tpu.memref_squeeze %dma_start3A_2020 : memref<1x1x2x128xi32, #tpu.memory_space<hbm>> -> memref<2x128xi32, #tpu.memory_space<hbm>>
        tpu.enqueue_dma source(%dma_start3A_2021 : memref<2x128xi32, #tpu.memory_space<hbm>>) target(%dma_start3A_2017 : memref<2x128xi32, #tpu.memory_space<vmem>>) target_semaphore(%dma_start3A_2013 : memref<!tpu.dma_semaphore, #tpu.memory_space<semaphore_mem>>)
      } else {
      }
      %mul3A_1654 = arith.constant 5 : i32
      %mul3A_1655 = arith.muli %scan3A_1426, %mul3A_1654 : i32
      %add3A_1656 = arith.constant 2 : i32
      %add3A_1657 = arith.addi %mul3A_1655, %add3A_1656 : i32
      %rem3A_1658 = arith.constant 10 : i32
      %rem3A_1659 = arith.remsi %add3A_1657, %rem3A_1658 : i32
      %dma_wait3A_1660 = arith.constant 0 : i32
      %dma_wait3A_1661 = arith.constant 2 : i32
      %dma_wait3A_1662 = arith.constant 2 : i32
      %dma_wait3A_1663 = arith.constant 0 : i32
      %dma_wait3A_1664 = arith.constant 0 : i32
      %dma_wait3A_1665 = tpu.memref_slice %arg8[%dma_wait3A_1661, %dma_wait3A_1663, %dma_wait3A_1664] : memref<5x128x64xf32, #tpu.memory_space<vmem>> -> memref<1x128x64xf32, #tpu.memory_space<vmem>>
      %dma_wait3A_1666 = tpu.memref_squeeze %dma_wait3A_1665 : memref<1x128x64xf32, #tpu.memory_space<vmem>> -> memref<128x64xf32, #tpu.memory_space<vmem>>
      %dma_wait3A_1667 = arith.constant 0 : i32
      %dma_wait3A_1668 = tpu.memref_slice %arg7[%rem3A_1659, %dma_wait3A_1660, %dma_wait3A_1667] : memref<10x2x128xi32, #tpu.memory_space<vmem>> -> memref<1x1x128xi32, #tpu.memory_space<vmem>>
      %dma_wait3A_1669 = tpu.memref_squeeze %dma_wait3A_1668 : memref<1x1x128xi32, #tpu.memory_space<vmem>> -> memref<128xi32, #tpu.memory_space<vmem>>
      %dma_wait3A_1670 = arith.constant 0 : i32
      %dma_wait3A_1671 = arith.constant 0 : i32
      %dma_wait3A_1672 = tpu.memref_slice %arg2[%dma_wait3A_1670, %dma_wait3A_1671] : memref<20000x64xf32, #tpu.memory_space<hbm>> -> memref<20000x64xf32, #tpu.memory_space<hbm>>
      %dma_wait3A_1673 = tpu.memref_slice %arg14[%dma_wait3A_1662] : memref<5x!tpu.dma_semaphore, #tpu.memory_space<semaphore_mem>> -> memref<1x!tpu.dma_semaphore, #tpu.memory_space<semaphore_mem>>
      %dma_wait3A_1674 = tpu.memref_squeeze %dma_wait3A_1673 : memref<1x!tpu.dma_semaphore, #tpu.memory_space<semaphore_mem>> -> memref<!tpu.dma_semaphore, #tpu.memory_space<semaphore_mem>>
      tpu.wait_indirect_dma semaphore(%dma_wait3A_1674 : memref<!tpu.dma_semaphore, #tpu.memory_space<semaphore_mem>>) src(%dma_wait3A_1672 : memref<20000x64xf32, #tpu.memory_space<hbm>>) dst(%dma_wait3A_1666 : memref<128x64xf32, #tpu.memory_space<vmem>>)
      %dma_wait3A_1675 = arith.constant 0 : i32
      %dma_wait3A_1676 = arith.constant 2 : i32
      %dma_wait3A_1677 = arith.constant 2 : i32
      %dma_wait3A_1678 = arith.constant 0 : i32
      %dma_wait3A_1679 = tpu.memref_slice %arg9[%dma_wait3A_1676, %dma_wait3A_1678] : memref<5x128xf32, #tpu.memory_space<vmem>> -> memref<1x128xf32, #tpu.memory_space<vmem>>
      %dma_wait3A_1680 = tpu.memref_squeeze %dma_wait3A_1679 : memref<1x128xf32, #tpu.memory_space<vmem>> -> memref<128xf32, #tpu.memory_space<vmem>>
      %dma_wait3A_1681 = arith.constant 0 : i32
      %dma_wait3A_1682 = tpu.memref_slice %arg7[%rem3A_1659, %dma_wait3A_1675, %dma_wait3A_1681] : memref<10x2x128xi32, #tpu.memory_space<vmem>> -> memref<1x1x128xi32, #tpu.memory_space<vmem>>
      %dma_wait3A_1683 = tpu.memref_squeeze %dma_wait3A_1682 : memref<1x1x128xi32, #tpu.memory_space<vmem>> -> memref<128xi32, #tpu.memory_space<vmem>>
      %dma_wait3A_1684 = arith.constant 0 : i32
      %dma_wait3A_1685 = tpu.memref_slice %arg3[%dma_wait3A_1684] : memref<20000xf32, #tpu.memory_space<hbm>> -> memref<20000xf32, #tpu.memory_space<hbm>>
      %dma_wait3A_1686 = tpu.memref_slice %arg17[%dma_wait3A_1677] : memref<5x!tpu.dma_semaphore, #tpu.memory_space<semaphore_mem>> -> memref<1x!tpu.dma_semaphore, #tpu.memory_space<semaphore_mem>>
      %dma_wait3A_1687 = tpu.memref_squeeze %dma_wait3A_1686 : memref<1x!tpu.dma_semaphore, #tpu.memory_space<semaphore_mem>> -> memref<!tpu.dma_semaphore, #tpu.memory_space<semaphore_mem>>
      tpu.wait_indirect_dma semaphore(%dma_wait3A_1687 : memref<!tpu.dma_semaphore, #tpu.memory_space<semaphore_mem>>) src(%dma_wait3A_1685 : memref<20000xf32, #tpu.memory_space<hbm>>) dst(%dma_wait3A_1680 : memref<128xf32, #tpu.memory_space<vmem>>)
      %rem3A_1688 = arith.constant 10 : i32
      %rem3A_1689 = arith.remsi %add3A_1657, %rem3A_1688 : i32
      %dma_start3A_1690 = arith.constant 2 : i32
      %dma_start3A_1691 = arith.constant 1 : i32
      %dma_start3A_1692 = arith.constant 2 : i32
      %dma_start3A_1693 = arith.constant 0 : i32
      %dma_start3A_1694 = arith.constant 0 : i32
      %dma_start3A_1695 = tpu.memref_slice %arg8[%dma_start3A_1690, %dma_start3A_1693, %dma_start3A_1694] : memref<5x128x64xf32, #tpu.memory_space<vmem>> -> memref<1x128x64xf32, #tpu.memory_space<vmem>>
      %dma_start3A_1696 = tpu.memref_squeeze %dma_start3A_1695 : memref<1x128x64xf32, #tpu.memory_space<vmem>> -> memref<128x64xf32, #tpu.memory_space<vmem>>
      %dma_start3A_1697 = arith.constant 0 : i32
      %dma_start3A_1698 = tpu.memref_slice %arg7[%rem3A_1689, %dma_start3A_1691, %dma_start3A_1697] : memref<10x2x128xi32, #tpu.memory_space<vmem>> -> memref<1x1x128xi32, #tpu.memory_space<vmem>>
      %dma_start3A_1699 = tpu.memref_squeeze %dma_start3A_1698 : memref<1x1x128xi32, #tpu.memory_space<vmem>> -> memref<128xi32, #tpu.memory_space<vmem>>
      %dma_start3A_1700 = arith.constant 0 : i32
      %dma_start3A_1701 = arith.constant 0 : i32
      %dma_start3A_1702 = tpu.memref_slice %arg12[%dma_start3A_1700, %dma_start3A_1701] : memref<10240x64xf32, #tpu.memory_space<vmem_shared>> -> memref<10240x64xf32, #tpu.memory_space<vmem_shared>>
      %dma_start3A_1703 = tpu.memref_slice %arg15[%dma_start3A_1692] : memref<5x!tpu.dma_semaphore, #tpu.memory_space<semaphore_mem>> -> memref<1x!tpu.dma_semaphore, #tpu.memory_space<semaphore_mem>>
      %dma_start3A_1704 = tpu.memref_squeeze %dma_start3A_1703 : memref<1x!tpu.dma_semaphore, #tpu.memory_space<semaphore_mem>> -> memref<!tpu.dma_semaphore, #tpu.memory_space<semaphore_mem>>
      tpu.enqueue_indirect_dma source(%dma_start3A_1696 : memref<128x64xf32, #tpu.memory_space<vmem>>) target(%dma_start3A_1702 : memref<10240x64xf32, #tpu.memory_space<vmem_shared>>) offsets(%dma_start3A_1699 : memref<128xi32, #tpu.memory_space<vmem>>) semaphore(%dma_start3A_1704 : memref<!tpu.dma_semaphore, #tpu.memory_space<semaphore_mem>>) {add = true}
      %dma_start3A_1705 = arith.constant 2 : i32
      %dma_start3A_1706 = arith.constant 1 : i32
      %dma_start3A_1707 = arith.constant 2 : i32
      %dma_start3A_1708 = arith.constant 0 : i32
      %dma_start3A_1709 = tpu.memref_slice %arg9[%dma_start3A_1705, %dma_start3A_1708] : memref<5x128xf32, #tpu.memory_space<vmem>> -> memref<1x128xf32, #tpu.memory_space<vmem>>
      %dma_start3A_1710 = tpu.memref_squeeze %dma_start3A_1709 : memref<1x128xf32, #tpu.memory_space<vmem>> -> memref<128xf32, #tpu.memory_space<vmem>>
      %dma_start3A_1711 = arith.constant 0 : i32
      %dma_start3A_1712 = tpu.memref_slice %arg7[%rem3A_1689, %dma_start3A_1706, %dma_start3A_1711] : memref<10x2x128xi32, #tpu.memory_space<vmem>> -> memref<1x1x128xi32, #tpu.memory_space<vmem>>
      %dma_start3A_1713 = tpu.memref_squeeze %dma_start3A_1712 : memref<1x1x128xi32, #tpu.memory_space<vmem>> -> memref<128xi32, #tpu.memory_space<vmem>>
      %dma_start3A_1714 = arith.constant 0 : i32
      %dma_start3A_1715 = tpu.memref_slice %arg13[%dma_start3A_1714] : memref<10240xf32, #tpu.memory_space<vmem_shared>> -> memref<10240xf32, #tpu.memory_space<vmem_shared>>
      %dma_start3A_1716 = tpu.memref_slice %arg18[%dma_start3A_1707] : memref<5x!tpu.dma_semaphore, #tpu.memory_space<semaphore_mem>> -> memref<1x!tpu.dma_semaphore, #tpu.memory_space<semaphore_mem>>
      %dma_start3A_1717 = tpu.memref_squeeze %dma_start3A_1716 : memref<1x!tpu.dma_semaphore, #tpu.memory_space<semaphore_mem>> -> memref<!tpu.dma_semaphore, #tpu.memory_space<semaphore_mem>>
      tpu.enqueue_indirect_dma source(%dma_start3A_1710 : memref<128xf32, #tpu.memory_space<vmem>>) target(%dma_start3A_1715 : memref<10240xf32, #tpu.memory_space<vmem_shared>>) offsets(%dma_start3A_1713 : memref<128xi32, #tpu.memory_space<vmem>>) semaphore(%dma_start3A_1717 : memref<!tpu.dma_semaphore, #tpu.memory_space<semaphore_mem>>) {add = true}
      %sub3A_1718 = arith.constant 1 : i32
      %sub3A_1719 = arith.subi %add3A_1657, %sub3A_1718 : i32
      %rem3A_1720 = arith.constant 10 : i32
      %rem3A_1721 = arith.remsi %sub3A_1719, %rem3A_1720 : i32
      %dma_wait3A_1722 = arith.constant 1 : i32
      %dma_wait3A_1723 = arith.constant 1 : i32
      %dma_wait3A_1724 = arith.constant 1 : i32
      %dma_wait3A_1725 = arith.constant 0 : i32
      %dma_wait3A_1726 = arith.constant 0 : i32
      %dma_wait3A_1727 = tpu.memref_slice %arg8[%dma_wait3A_1722, %dma_wait3A_1725, %dma_wait3A_1726] : memref<5x128x64xf32, #tpu.memory_space<vmem>> -> memref<1x128x64xf32, #tpu.memory_space<vmem>>
      %dma_wait3A_1728 = tpu.memref_squeeze %dma_wait3A_1727 : memref<1x128x64xf32, #tpu.memory_space<vmem>> -> memref<128x64xf32, #tpu.memory_space<vmem>>
      %dma_wait3A_1729 = arith.constant 0 : i32
      %dma_wait3A_1730 = tpu.memref_slice %arg7[%rem3A_1721, %dma_wait3A_1723, %dma_wait3A_1729] : memref<10x2x128xi32, #tpu.memory_space<vmem>> -> memref<1x1x128xi32, #tpu.memory_space<vmem>>
      %dma_wait3A_1731 = tpu.memref_squeeze %dma_wait3A_1730 : memref<1x1x128xi32, #tpu.memory_space<vmem>> -> memref<128xi32, #tpu.memory_space<vmem>>
      %dma_wait3A_1732 = arith.constant 0 : i32
      %dma_wait3A_1733 = arith.constant 0 : i32
      %dma_wait3A_1734 = tpu.memref_slice %arg12[%dma_wait3A_1732, %dma_wait3A_1733] : memref<10240x64xf32, #tpu.memory_space<vmem_shared>> -> memref<10240x64xf32, #tpu.memory_space<vmem_shared>>
      %dma_wait3A_1735 = tpu.memref_slice %arg15[%dma_wait3A_1724] : memref<5x!tpu.dma_semaphore, #tpu.memory_space<semaphore_mem>> -> memref<1x!tpu.dma_semaphore, #tpu.memory_space<semaphore_mem>>
      %dma_wait3A_1736 = tpu.memref_squeeze %dma_wait3A_1735 : memref<1x!tpu.dma_semaphore, #tpu.memory_space<semaphore_mem>> -> memref<!tpu.dma_semaphore, #tpu.memory_space<semaphore_mem>>
      tpu.wait_indirect_dma semaphore(%dma_wait3A_1736 : memref<!tpu.dma_semaphore, #tpu.memory_space<semaphore_mem>>) src(%dma_wait3A_1728 : memref<128x64xf32, #tpu.memory_space<vmem>>) dst(%dma_wait3A_1734 : memref<10240x64xf32, #tpu.memory_space<vmem_shared>>)
      %dma_wait3A_1737 = arith.constant 1 : i32
      %dma_wait3A_1738 = arith.constant 1 : i32
      %dma_wait3A_1739 = arith.constant 1 : i32
      %dma_wait3A_1740 = arith.constant 0 : i32
      %dma_wait3A_1741 = tpu.memref_slice %arg9[%dma_wait3A_1737, %dma_wait3A_1740] : memref<5x128xf32, #tpu.memory_space<vmem>> -> memref<1x128xf32, #tpu.memory_space<vmem>>
      %dma_wait3A_1742 = tpu.memref_squeeze %dma_wait3A_1741 : memref<1x128xf32, #tpu.memory_space<vmem>> -> memref<128xf32, #tpu.memory_space<vmem>>
      %dma_wait3A_1743 = arith.constant 0 : i32
      %dma_wait3A_1744 = tpu.memref_slice %arg7[%rem3A_1721, %dma_wait3A_1738, %dma_wait3A_1743] : memref<10x2x128xi32, #tpu.memory_space<vmem>> -> memref<1x1x128xi32, #tpu.memory_space<vmem>>
      %dma_wait3A_1745 = tpu.memref_squeeze %dma_wait3A_1744 : memref<1x1x128xi32, #tpu.memory_space<vmem>> -> memref<128xi32, #tpu.memory_space<vmem>>
      %dma_wait3A_1746 = arith.constant 0 : i32
      %dma_wait3A_1747 = tpu.memref_slice %arg13[%dma_wait3A_1746] : memref<10240xf32, #tpu.memory_space<vmem_shared>> -> memref<10240xf32, #tpu.memory_space<vmem_shared>>
      %dma_wait3A_1748 = tpu.memref_slice %arg18[%dma_wait3A_1739] : memref<5x!tpu.dma_semaphore, #tpu.memory_space<semaphore_mem>> -> memref<1x!tpu.dma_semaphore, #tpu.memory_space<semaphore_mem>>
      %dma_wait3A_1749 = tpu.memref_squeeze %dma_wait3A_1748 : memref<1x!tpu.dma_semaphore, #tpu.memory_space<semaphore_mem>> -> memref<!tpu.dma_semaphore, #tpu.memory_space<semaphore_mem>>
      tpu.wait_indirect_dma semaphore(%dma_wait3A_1749 : memref<!tpu.dma_semaphore, #tpu.memory_space<semaphore_mem>>) src(%dma_wait3A_1742 : memref<128xf32, #tpu.memory_space<vmem>>) dst(%dma_wait3A_1747 : memref<10240xf32, #tpu.memory_space<vmem_shared>>)
      %sub3A_1750 = arith.constant 1 : i32
      %sub3A_1751 = arith.subi %add3A_1657, %sub3A_1750 : i32
      %add3A_1752 = arith.constant 5 : i32
      %add3A_1753 = arith.addi %sub3A_1751, %add3A_1752 : i32
      %lt3A_1754 = arith.constant 160 : i32
      %lt3A_1755 = arith.cmpi slt, %add3A_1753, %lt3A_1754 : i32
      %convert_element_type3A_1756 = arith.extui %lt3A_1755 : i1 to i32
      %cond3A_1757 = arith.constant 0 : i32
      %cond3A_1758 = arith.cmpi ne, %convert_element_type3A_1756, %cond3A_1757 : i32
      scf.if %cond3A_1758 {
        %sub3A_1997 = arith.constant 1 : i32
        %sub3A_1998 = arith.subi %add3A_1657, %sub3A_1997 : i32
        %add3A_1999 = arith.constant 5 : i32
        %add3A_2000 = arith.addi %sub3A_1998, %add3A_1999 : i32
        %rem3A_2001 = arith.constant 10 : i32
        %rem3A_2002 = arith.remsi %add3A_2000, %rem3A_2001 : i32
        %add3A_2003 = arith.addi %mul3A_187, %add3A_2000 : i32
        %dma_wait3A_2004 = arith.constant 0 : i32
        %dma_wait3A_2005 = arith.constant 0 : i32
        %dma_wait3A_2006 = tpu.memref_slice %arg7[%rem3A_2002, %dma_wait3A_2004, %dma_wait3A_2005] : memref<10x2x128xi32, #tpu.memory_space<vmem>> -> memref<1x2x128xi32, #tpu.memory_space<vmem>>
        %dma_wait3A_2007 = tpu.memref_squeeze %dma_wait3A_2006 : memref<1x2x128xi32, #tpu.memory_space<vmem>> -> memref<2x128xi32, #tpu.memory_space<vmem>>
        %dma_wait3A_2008 = arith.constant 0 : i32
        %dma_wait3A_2009 = arith.constant 0 : i32
        %dma_wait3A_2010 = tpu.memref_slice %arg4[%arg0, %add3A_2003, %dma_wait3A_2008, %dma_wait3A_2009] : memref<2x2560x2x128xi32, #tpu.memory_space<hbm>> -> memref<1x1x2x128xi32, #tpu.memory_space<hbm>>
        %dma_wait3A_2011 = tpu.memref_squeeze %dma_wait3A_2010 : memref<1x1x2x128xi32, #tpu.memory_space<hbm>> -> memref<2x128xi32, #tpu.memory_space<hbm>>
        %dma_wait3A_2012 = tpu.memref_slice %arg16[%rem3A_2002] : memref<10x!tpu.dma_semaphore, #tpu.memory_space<semaphore_mem>> -> memref<1x!tpu.dma_semaphore, #tpu.memory_space<semaphore_mem>>
        %dma_wait3A_2013 = tpu.memref_squeeze %dma_wait3A_2012 : memref<1x!tpu.dma_semaphore, #tpu.memory_space<semaphore_mem>> -> memref<!tpu.dma_semaphore, #tpu.memory_space<semaphore_mem>>
        %dma_wait3A_2014 = arith.constant 0 : i32
        %dma_wait3A_2015 = arith.constant 0 : i32
        %dma_wait3A_2016 = tpu.memref_slice %arg7[%rem3A_2002, %dma_wait3A_2014, %dma_wait3A_2015] : memref<10x2x128xi32, #tpu.memory_space<vmem>> -> memref<1x2x128xi32, #tpu.memory_space<vmem>>
        %dma_wait3A_2017 = tpu.memref_squeeze %dma_wait3A_2016 : memref<1x2x128xi32, #tpu.memory_space<vmem>> -> memref<2x128xi32, #tpu.memory_space<vmem>>
        %dma_wait3A_2018 = arith.constant 0 : i32
        %dma_wait3A_2019 = arith.constant 0 : i32
        %dma_wait3A_2020 = tpu.memref_slice %arg4[%arg0, %add3A_2003, %dma_wait3A_2018, %dma_wait3A_2019] : memref<2x2560x2x128xi32, #tpu.memory_space<hbm>> -> memref<1x1x2x128xi32, #tpu.memory_space<hbm>>
        %dma_wait3A_2021 = tpu.memref_squeeze %dma_wait3A_2020 : memref<1x1x2x128xi32, #tpu.memory_space<hbm>> -> memref<2x128xi32, #tpu.memory_space<hbm>>
        tpu.wait_dma2 semaphore(%dma_wait3A_2013 : memref<!tpu.dma_semaphore, #tpu.memory_space<semaphore_mem>>) src(%dma_wait3A_2021 : memref<2x128xi32, #tpu.memory_space<hbm>>) dst(%dma_wait3A_2017 : memref<2x128xi32, #tpu.memory_space<vmem>>)
        %sub3A_2022 = arith.constant 1 : i32
        %sub3A_2023 = arith.subi %add3A_1657, %sub3A_2022 : i32
        %add3A_2024 = arith.constant 5 : i32
        %add3A_2025 = arith.addi %sub3A_2023, %add3A_2024 : i32
        %rem3A_2026 = arith.constant 10 : i32
        %rem3A_2027 = arith.remsi %add3A_2025, %rem3A_2026 : i32
        %dma_start3A_2028 = arith.constant 0 : i32
        %dma_start3A_2029 = arith.constant 1 : i32
        %dma_start3A_2030 = arith.constant 1 : i32
        %dma_start3A_2031 = arith.constant 0 : i32
        %dma_start3A_2032 = arith.constant 0 : i32
        %dma_start3A_2033 = tpu.memref_slice %arg8[%dma_start3A_2029, %dma_start3A_2031, %dma_start3A_2032] : memref<5x128x64xf32, #tpu.memory_space<vmem>> -> memref<1x128x64xf32, #tpu.memory_space<vmem>>
        %dma_start3A_2034 = tpu.memref_squeeze %dma_start3A_2033 : memref<1x128x64xf32, #tpu.memory_space<vmem>> -> memref<128x64xf32, #tpu.memory_space<vmem>>
        %dma_start3A_2035 = arith.constant 0 : i32
        %dma_start3A_2036 = tpu.memref_slice %arg7[%rem3A_2027, %dma_start3A_2028, %dma_start3A_2035] : memref<10x2x128xi32, #tpu.memory_space<vmem>> -> memref<1x1x128xi32, #tpu.memory_space<vmem>>
        %dma_start3A_2037 = tpu.memref_squeeze %dma_start3A_2036 : memref<1x1x128xi32, #tpu.memory_space<vmem>> -> memref<128xi32, #tpu.memory_space<vmem>>
        %dma_start3A_2038 = arith.constant 0 : i32
        %dma_start3A_2039 = arith.constant 0 : i32
        %dma_start3A_2040 = tpu.memref_slice %arg2[%dma_start3A_2038, %dma_start3A_2039] : memref<20000x64xf32, #tpu.memory_space<hbm>> -> memref<20000x64xf32, #tpu.memory_space<hbm>>
        %dma_start3A_2041 = tpu.memref_slice %arg14[%dma_start3A_2030] : memref<5x!tpu.dma_semaphore, #tpu.memory_space<semaphore_mem>> -> memref<1x!tpu.dma_semaphore, #tpu.memory_space<semaphore_mem>>
        %dma_start3A_2042 = tpu.memref_squeeze %dma_start3A_2041 : memref<1x!tpu.dma_semaphore, #tpu.memory_space<semaphore_mem>> -> memref<!tpu.dma_semaphore, #tpu.memory_space<semaphore_mem>>
        tpu.enqueue_indirect_dma source(%dma_start3A_2040 : memref<20000x64xf32, #tpu.memory_space<hbm>>) target(%dma_start3A_2034 : memref<128x64xf32, #tpu.memory_space<vmem>>) offsets(%dma_start3A_2037 : memref<128xi32, #tpu.memory_space<vmem>>) semaphore(%dma_start3A_2042 : memref<!tpu.dma_semaphore, #tpu.memory_space<semaphore_mem>>)
        %dma_start3A_2043 = arith.constant 0 : i32
        %dma_start3A_2044 = arith.constant 1 : i32
        %dma_start3A_2045 = arith.constant 1 : i32
        %dma_start3A_2046 = arith.constant 0 : i32
        %dma_start3A_2047 = tpu.memref_slice %arg9[%dma_start3A_2044, %dma_start3A_2046] : memref<5x128xf32, #tpu.memory_space<vmem>> -> memref<1x128xf32, #tpu.memory_space<vmem>>
        %dma_start3A_2048 = tpu.memref_squeeze %dma_start3A_2047 : memref<1x128xf32, #tpu.memory_space<vmem>> -> memref<128xf32, #tpu.memory_space<vmem>>
        %dma_start3A_2049 = arith.constant 0 : i32
        %dma_start3A_2050 = tpu.memref_slice %arg7[%rem3A_2027, %dma_start3A_2043, %dma_start3A_2049] : memref<10x2x128xi32, #tpu.memory_space<vmem>> -> memref<1x1x128xi32, #tpu.memory_space<vmem>>
        %dma_start3A_2051 = tpu.memref_squeeze %dma_start3A_2050 : memref<1x1x128xi32, #tpu.memory_space<vmem>> -> memref<128xi32, #tpu.memory_space<vmem>>
        %dma_start3A_2052 = arith.constant 0 : i32
        %dma_start3A_2053 = tpu.memref_slice %arg3[%dma_start3A_2052] : memref<20000xf32, #tpu.memory_space<hbm>> -> memref<20000xf32, #tpu.memory_space<hbm>>
        %dma_start3A_2054 = tpu.memref_slice %arg17[%dma_start3A_2045] : memref<5x!tpu.dma_semaphore, #tpu.memory_space<semaphore_mem>> -> memref<1x!tpu.dma_semaphore, #tpu.memory_space<semaphore_mem>>
        %dma_start3A_2055 = tpu.memref_squeeze %dma_start3A_2054 : memref<1x!tpu.dma_semaphore, #tpu.memory_space<semaphore_mem>> -> memref<!tpu.dma_semaphore, #tpu.memory_space<semaphore_mem>>
        tpu.enqueue_indirect_dma source(%dma_start3A_2053 : memref<20000xf32, #tpu.memory_space<hbm>>) target(%dma_start3A_2048 : memref<128xf32, #tpu.memory_space<vmem>>) offsets(%dma_start3A_2051 : memref<128xi32, #tpu.memory_space<vmem>>) semaphore(%dma_start3A_2055 : memref<!tpu.dma_semaphore, #tpu.memory_space<semaphore_mem>>)
      } else {
      }
      %sub3A_1759 = arith.constant 1 : i32
      %sub3A_1760 = arith.subi %add3A_1657, %sub3A_1759 : i32
      %add3A_1761 = arith.constant 10 : i32
      %add3A_1762 = arith.addi %sub3A_1760, %add3A_1761 : i32
      %lt3A_1763 = arith.constant 160 : i32
      %lt3A_1764 = arith.cmpi slt, %add3A_1762, %lt3A_1763 : i32
      %convert_element_type3A_1765 = arith.extui %lt3A_1764 : i1 to i32
      %cond3A_1766 = arith.constant 0 : i32
      %cond3A_1767 = arith.cmpi ne, %convert_element_type3A_1765, %cond3A_1766 : i32
      scf.if %cond3A_1767 {
        %sub3A_1997 = arith.constant 1 : i32
        %sub3A_1998 = arith.subi %add3A_1657, %sub3A_1997 : i32
        %add3A_1999 = arith.constant 10 : i32
        %add3A_2000 = arith.addi %sub3A_1998, %add3A_1999 : i32
        %rem3A_2001 = arith.constant 10 : i32
        %rem3A_2002 = arith.remsi %add3A_2000, %rem3A_2001 : i32
        %add3A_2003 = arith.addi %mul3A_187, %add3A_2000 : i32
        %dma_start3A_2004 = arith.constant 0 : i32
        %dma_start3A_2005 = arith.constant 0 : i32
        %dma_start3A_2006 = tpu.memref_slice %arg7[%rem3A_2002, %dma_start3A_2004, %dma_start3A_2005] : memref<10x2x128xi32, #tpu.memory_space<vmem>> -> memref<1x2x128xi32, #tpu.memory_space<vmem>>
        %dma_start3A_2007 = tpu.memref_squeeze %dma_start3A_2006 : memref<1x2x128xi32, #tpu.memory_space<vmem>> -> memref<2x128xi32, #tpu.memory_space<vmem>>
        %dma_start3A_2008 = arith.constant 0 : i32
        %dma_start3A_2009 = arith.constant 0 : i32
        %dma_start3A_2010 = tpu.memref_slice %arg4[%arg0, %add3A_2003, %dma_start3A_2008, %dma_start3A_2009] : memref<2x2560x2x128xi32, #tpu.memory_space<hbm>> -> memref<1x1x2x128xi32, #tpu.memory_space<hbm>>
        %dma_start3A_2011 = tpu.memref_squeeze %dma_start3A_2010 : memref<1x1x2x128xi32, #tpu.memory_space<hbm>> -> memref<2x128xi32, #tpu.memory_space<hbm>>
        %dma_start3A_2012 = tpu.memref_slice %arg16[%rem3A_2002] : memref<10x!tpu.dma_semaphore, #tpu.memory_space<semaphore_mem>> -> memref<1x!tpu.dma_semaphore, #tpu.memory_space<semaphore_mem>>
        %dma_start3A_2013 = tpu.memref_squeeze %dma_start3A_2012 : memref<1x!tpu.dma_semaphore, #tpu.memory_space<semaphore_mem>> -> memref<!tpu.dma_semaphore, #tpu.memory_space<semaphore_mem>>
        %dma_start3A_2014 = arith.constant 0 : i32
        %dma_start3A_2015 = arith.constant 0 : i32
        %dma_start3A_2016 = tpu.memref_slice %arg7[%rem3A_2002, %dma_start3A_2014, %dma_start3A_2015] : memref<10x2x128xi32, #tpu.memory_space<vmem>> -> memref<1x2x128xi32, #tpu.memory_space<vmem>>
        %dma_start3A_2017 = tpu.memref_squeeze %dma_start3A_2016 : memref<1x2x128xi32, #tpu.memory_space<vmem>> -> memref<2x128xi32, #tpu.memory_space<vmem>>
        %dma_start3A_2018 = arith.constant 0 : i32
        %dma_start3A_2019 = arith.constant 0 : i32
        %dma_start3A_2020 = tpu.memref_slice %arg4[%arg0, %add3A_2003, %dma_start3A_2018, %dma_start3A_2019] : memref<2x2560x2x128xi32, #tpu.memory_space<hbm>> -> memref<1x1x2x128xi32, #tpu.memory_space<hbm>>
        %dma_start3A_2021 = tpu.memref_squeeze %dma_start3A_2020 : memref<1x1x2x128xi32, #tpu.memory_space<hbm>> -> memref<2x128xi32, #tpu.memory_space<hbm>>
        tpu.enqueue_dma source(%dma_start3A_2021 : memref<2x128xi32, #tpu.memory_space<hbm>>) target(%dma_start3A_2017 : memref<2x128xi32, #tpu.memory_space<vmem>>) target_semaphore(%dma_start3A_2013 : memref<!tpu.dma_semaphore, #tpu.memory_space<semaphore_mem>>)
      } else {
      }
      %mul3A_1768 = arith.constant 5 : i32
      %mul3A_1769 = arith.muli %scan3A_1426, %mul3A_1768 : i32
      %add3A_1770 = arith.constant 3 : i32
      %add3A_1771 = arith.addi %mul3A_1769, %add3A_1770 : i32
      %rem3A_1772 = arith.constant 10 : i32
      %rem3A_1773 = arith.remsi %add3A_1771, %rem3A_1772 : i32
      %dma_wait3A_1774 = arith.constant 0 : i32
      %dma_wait3A_1775 = arith.constant 3 : i32
      %dma_wait3A_1776 = arith.constant 3 : i32
      %dma_wait3A_1777 = arith.constant 0 : i32
      %dma_wait3A_1778 = arith.constant 0 : i32
      %dma_wait3A_1779 = tpu.memref_slice %arg8[%dma_wait3A_1775, %dma_wait3A_1777, %dma_wait3A_1778] : memref<5x128x64xf32, #tpu.memory_space<vmem>> -> memref<1x128x64xf32, #tpu.memory_space<vmem>>
      %dma_wait3A_1780 = tpu.memref_squeeze %dma_wait3A_1779 : memref<1x128x64xf32, #tpu.memory_space<vmem>> -> memref<128x64xf32, #tpu.memory_space<vmem>>
      %dma_wait3A_1781 = arith.constant 0 : i32
      %dma_wait3A_1782 = tpu.memref_slice %arg7[%rem3A_1773, %dma_wait3A_1774, %dma_wait3A_1781] : memref<10x2x128xi32, #tpu.memory_space<vmem>> -> memref<1x1x128xi32, #tpu.memory_space<vmem>>
      %dma_wait3A_1783 = tpu.memref_squeeze %dma_wait3A_1782 : memref<1x1x128xi32, #tpu.memory_space<vmem>> -> memref<128xi32, #tpu.memory_space<vmem>>
      %dma_wait3A_1784 = arith.constant 0 : i32
      %dma_wait3A_1785 = arith.constant 0 : i32
      %dma_wait3A_1786 = tpu.memref_slice %arg2[%dma_wait3A_1784, %dma_wait3A_1785] : memref<20000x64xf32, #tpu.memory_space<hbm>> -> memref<20000x64xf32, #tpu.memory_space<hbm>>
      %dma_wait3A_1787 = tpu.memref_slice %arg14[%dma_wait3A_1776] : memref<5x!tpu.dma_semaphore, #tpu.memory_space<semaphore_mem>> -> memref<1x!tpu.dma_semaphore, #tpu.memory_space<semaphore_mem>>
      %dma_wait3A_1788 = tpu.memref_squeeze %dma_wait3A_1787 : memref<1x!tpu.dma_semaphore, #tpu.memory_space<semaphore_mem>> -> memref<!tpu.dma_semaphore, #tpu.memory_space<semaphore_mem>>
      tpu.wait_indirect_dma semaphore(%dma_wait3A_1788 : memref<!tpu.dma_semaphore, #tpu.memory_space<semaphore_mem>>) src(%dma_wait3A_1786 : memref<20000x64xf32, #tpu.memory_space<hbm>>) dst(%dma_wait3A_1780 : memref<128x64xf32, #tpu.memory_space<vmem>>)
      %dma_wait3A_1789 = arith.constant 0 : i32
      %dma_wait3A_1790 = arith.constant 3 : i32
      %dma_wait3A_1791 = arith.constant 3 : i32
      %dma_wait3A_1792 = arith.constant 0 : i32
      %dma_wait3A_1793 = tpu.memref_slice %arg9[%dma_wait3A_1790, %dma_wait3A_1792] : memref<5x128xf32, #tpu.memory_space<vmem>> -> memref<1x128xf32, #tpu.memory_space<vmem>>
      %dma_wait3A_1794 = tpu.memref_squeeze %dma_wait3A_1793 : memref<1x128xf32, #tpu.memory_space<vmem>> -> memref<128xf32, #tpu.memory_space<vmem>>
      %dma_wait3A_1795 = arith.constant 0 : i32
      %dma_wait3A_1796 = tpu.memref_slice %arg7[%rem3A_1773, %dma_wait3A_1789, %dma_wait3A_1795] : memref<10x2x128xi32, #tpu.memory_space<vmem>> -> memref<1x1x128xi32, #tpu.memory_space<vmem>>
      %dma_wait3A_1797 = tpu.memref_squeeze %dma_wait3A_1796 : memref<1x1x128xi32, #tpu.memory_space<vmem>> -> memref<128xi32, #tpu.memory_space<vmem>>
      %dma_wait3A_1798 = arith.constant 0 : i32
      %dma_wait3A_1799 = tpu.memref_slice %arg3[%dma_wait3A_1798] : memref<20000xf32, #tpu.memory_space<hbm>> -> memref<20000xf32, #tpu.memory_space<hbm>>
      %dma_wait3A_1800 = tpu.memref_slice %arg17[%dma_wait3A_1791] : memref<5x!tpu.dma_semaphore, #tpu.memory_space<semaphore_mem>> -> memref<1x!tpu.dma_semaphore, #tpu.memory_space<semaphore_mem>>
      %dma_wait3A_1801 = tpu.memref_squeeze %dma_wait3A_1800 : memref<1x!tpu.dma_semaphore, #tpu.memory_space<semaphore_mem>> -> memref<!tpu.dma_semaphore, #tpu.memory_space<semaphore_mem>>
      tpu.wait_indirect_dma semaphore(%dma_wait3A_1801 : memref<!tpu.dma_semaphore, #tpu.memory_space<semaphore_mem>>) src(%dma_wait3A_1799 : memref<20000xf32, #tpu.memory_space<hbm>>) dst(%dma_wait3A_1794 : memref<128xf32, #tpu.memory_space<vmem>>)
      %rem3A_1802 = arith.constant 10 : i32
      %rem3A_1803 = arith.remsi %add3A_1771, %rem3A_1802 : i32
      %dma_start3A_1804 = arith.constant 3 : i32
      %dma_start3A_1805 = arith.constant 1 : i32
      %dma_start3A_1806 = arith.constant 3 : i32
      %dma_start3A_1807 = arith.constant 0 : i32
      %dma_start3A_1808 = arith.constant 0 : i32
      %dma_start3A_1809 = tpu.memref_slice %arg8[%dma_start3A_1804, %dma_start3A_1807, %dma_start3A_1808] : memref<5x128x64xf32, #tpu.memory_space<vmem>> -> memref<1x128x64xf32, #tpu.memory_space<vmem>>
      %dma_start3A_1810 = tpu.memref_squeeze %dma_start3A_1809 : memref<1x128x64xf32, #tpu.memory_space<vmem>> -> memref<128x64xf32, #tpu.memory_space<vmem>>
      %dma_start3A_1811 = arith.constant 0 : i32
      %dma_start3A_1812 = tpu.memref_slice %arg7[%rem3A_1803, %dma_start3A_1805, %dma_start3A_1811] : memref<10x2x128xi32, #tpu.memory_space<vmem>> -> memref<1x1x128xi32, #tpu.memory_space<vmem>>
      %dma_start3A_1813 = tpu.memref_squeeze %dma_start3A_1812 : memref<1x1x128xi32, #tpu.memory_space<vmem>> -> memref<128xi32, #tpu.memory_space<vmem>>
      %dma_start3A_1814 = arith.constant 0 : i32
      %dma_start3A_1815 = arith.constant 0 : i32
      %dma_start3A_1816 = tpu.memref_slice %arg12[%dma_start3A_1814, %dma_start3A_1815] : memref<10240x64xf32, #tpu.memory_space<vmem_shared>> -> memref<10240x64xf32, #tpu.memory_space<vmem_shared>>
      %dma_start3A_1817 = tpu.memref_slice %arg15[%dma_start3A_1806] : memref<5x!tpu.dma_semaphore, #tpu.memory_space<semaphore_mem>> -> memref<1x!tpu.dma_semaphore, #tpu.memory_space<semaphore_mem>>
      %dma_start3A_1818 = tpu.memref_squeeze %dma_start3A_1817 : memref<1x!tpu.dma_semaphore, #tpu.memory_space<semaphore_mem>> -> memref<!tpu.dma_semaphore, #tpu.memory_space<semaphore_mem>>
      tpu.enqueue_indirect_dma source(%dma_start3A_1810 : memref<128x64xf32, #tpu.memory_space<vmem>>) target(%dma_start3A_1816 : memref<10240x64xf32, #tpu.memory_space<vmem_shared>>) offsets(%dma_start3A_1813 : memref<128xi32, #tpu.memory_space<vmem>>) semaphore(%dma_start3A_1818 : memref<!tpu.dma_semaphore, #tpu.memory_space<semaphore_mem>>) {add = true}
      %dma_start3A_1819 = arith.constant 3 : i32
      %dma_start3A_1820 = arith.constant 1 : i32
      %dma_start3A_1821 = arith.constant 3 : i32
      %dma_start3A_1822 = arith.constant 0 : i32
      %dma_start3A_1823 = tpu.memref_slice %arg9[%dma_start3A_1819, %dma_start3A_1822] : memref<5x128xf32, #tpu.memory_space<vmem>> -> memref<1x128xf32, #tpu.memory_space<vmem>>
      %dma_start3A_1824 = tpu.memref_squeeze %dma_start3A_1823 : memref<1x128xf32, #tpu.memory_space<vmem>> -> memref<128xf32, #tpu.memory_space<vmem>>
      %dma_start3A_1825 = arith.constant 0 : i32
      %dma_start3A_1826 = tpu.memref_slice %arg7[%rem3A_1803, %dma_start3A_1820, %dma_start3A_1825] : memref<10x2x128xi32, #tpu.memory_space<vmem>> -> memref<1x1x128xi32, #tpu.memory_space<vmem>>
      %dma_start3A_1827 = tpu.memref_squeeze %dma_start3A_1826 : memref<1x1x128xi32, #tpu.memory_space<vmem>> -> memref<128xi32, #tpu.memory_space<vmem>>
      %dma_start3A_1828 = arith.constant 0 : i32
      %dma_start3A_1829 = tpu.memref_slice %arg13[%dma_start3A_1828] : memref<10240xf32, #tpu.memory_space<vmem_shared>> -> memref<10240xf32, #tpu.memory_space<vmem_shared>>
      %dma_start3A_1830 = tpu.memref_slice %arg18[%dma_start3A_1821] : memref<5x!tpu.dma_semaphore, #tpu.memory_space<semaphore_mem>> -> memref<1x!tpu.dma_semaphore, #tpu.memory_space<semaphore_mem>>
      %dma_start3A_1831 = tpu.memref_squeeze %dma_start3A_1830 : memref<1x!tpu.dma_semaphore, #tpu.memory_space<semaphore_mem>> -> memref<!tpu.dma_semaphore, #tpu.memory_space<semaphore_mem>>
      tpu.enqueue_indirect_dma source(%dma_start3A_1824 : memref<128xf32, #tpu.memory_space<vmem>>) target(%dma_start3A_1829 : memref<10240xf32, #tpu.memory_space<vmem_shared>>) offsets(%dma_start3A_1827 : memref<128xi32, #tpu.memory_space<vmem>>) semaphore(%dma_start3A_1831 : memref<!tpu.dma_semaphore, #tpu.memory_space<semaphore_mem>>) {add = true}
      %sub3A_1832 = arith.constant 1 : i32
      %sub3A_1833 = arith.subi %add3A_1771, %sub3A_1832 : i32
      %rem3A_1834 = arith.constant 10 : i32
      %rem3A_1835 = arith.remsi %sub3A_1833, %rem3A_1834 : i32
      %dma_wait3A_1836 = arith.constant 2 : i32
      %dma_wait3A_1837 = arith.constant 1 : i32
      %dma_wait3A_1838 = arith.constant 2 : i32
      %dma_wait3A_1839 = arith.constant 0 : i32
      %dma_wait3A_1840 = arith.constant 0 : i32
      %dma_wait3A_1841 = tpu.memref_slice %arg8[%dma_wait3A_1836, %dma_wait3A_1839, %dma_wait3A_1840] : memref<5x128x64xf32, #tpu.memory_space<vmem>> -> memref<1x128x64xf32, #tpu.memory_space<vmem>>
      %dma_wait3A_1842 = tpu.memref_squeeze %dma_wait3A_1841 : memref<1x128x64xf32, #tpu.memory_space<vmem>> -> memref<128x64xf32, #tpu.memory_space<vmem>>
      %dma_wait3A_1843 = arith.constant 0 : i32
      %dma_wait3A_1844 = tpu.memref_slice %arg7[%rem3A_1835, %dma_wait3A_1837, %dma_wait3A_1843] : memref<10x2x128xi32, #tpu.memory_space<vmem>> -> memref<1x1x128xi32, #tpu.memory_space<vmem>>
      %dma_wait3A_1845 = tpu.memref_squeeze %dma_wait3A_1844 : memref<1x1x128xi32, #tpu.memory_space<vmem>> -> memref<128xi32, #tpu.memory_space<vmem>>
      %dma_wait3A_1846 = arith.constant 0 : i32
      %dma_wait3A_1847 = arith.constant 0 : i32
      %dma_wait3A_1848 = tpu.memref_slice %arg12[%dma_wait3A_1846, %dma_wait3A_1847] : memref<10240x64xf32, #tpu.memory_space<vmem_shared>> -> memref<10240x64xf32, #tpu.memory_space<vmem_shared>>
      %dma_wait3A_1849 = tpu.memref_slice %arg15[%dma_wait3A_1838] : memref<5x!tpu.dma_semaphore, #tpu.memory_space<semaphore_mem>> -> memref<1x!tpu.dma_semaphore, #tpu.memory_space<semaphore_mem>>
      %dma_wait3A_1850 = tpu.memref_squeeze %dma_wait3A_1849 : memref<1x!tpu.dma_semaphore, #tpu.memory_space<semaphore_mem>> -> memref<!tpu.dma_semaphore, #tpu.memory_space<semaphore_mem>>
      tpu.wait_indirect_dma semaphore(%dma_wait3A_1850 : memref<!tpu.dma_semaphore, #tpu.memory_space<semaphore_mem>>) src(%dma_wait3A_1842 : memref<128x64xf32, #tpu.memory_space<vmem>>) dst(%dma_wait3A_1848 : memref<10240x64xf32, #tpu.memory_space<vmem_shared>>)
      %dma_wait3A_1851 = arith.constant 2 : i32
      %dma_wait3A_1852 = arith.constant 1 : i32
      %dma_wait3A_1853 = arith.constant 2 : i32
      %dma_wait3A_1854 = arith.constant 0 : i32
      %dma_wait3A_1855 = tpu.memref_slice %arg9[%dma_wait3A_1851, %dma_wait3A_1854] : memref<5x128xf32, #tpu.memory_space<vmem>> -> memref<1x128xf32, #tpu.memory_space<vmem>>
      %dma_wait3A_1856 = tpu.memref_squeeze %dma_wait3A_1855 : memref<1x128xf32, #tpu.memory_space<vmem>> -> memref<128xf32, #tpu.memory_space<vmem>>
      %dma_wait3A_1857 = arith.constant 0 : i32
      %dma_wait3A_1858 = tpu.memref_slice %arg7[%rem3A_1835, %dma_wait3A_1852, %dma_wait3A_1857] : memref<10x2x128xi32, #tpu.memory_space<vmem>> -> memref<1x1x128xi32, #tpu.memory_space<vmem>>
      %dma_wait3A_1859 = tpu.memref_squeeze %dma_wait3A_1858 : memref<1x1x128xi32, #tpu.memory_space<vmem>> -> memref<128xi32, #tpu.memory_space<vmem>>
      %dma_wait3A_1860 = arith.constant 0 : i32
      %dma_wait3A_1861 = tpu.memref_slice %arg13[%dma_wait3A_1860] : memref<10240xf32, #tpu.memory_space<vmem_shared>> -> memref<10240xf32, #tpu.memory_space<vmem_shared>>
      %dma_wait3A_1862 = tpu.memref_slice %arg18[%dma_wait3A_1853] : memref<5x!tpu.dma_semaphore, #tpu.memory_space<semaphore_mem>> -> memref<1x!tpu.dma_semaphore, #tpu.memory_space<semaphore_mem>>
      %dma_wait3A_1863 = tpu.memref_squeeze %dma_wait3A_1862 : memref<1x!tpu.dma_semaphore, #tpu.memory_space<semaphore_mem>> -> memref<!tpu.dma_semaphore, #tpu.memory_space<semaphore_mem>>
      tpu.wait_indirect_dma semaphore(%dma_wait3A_1863 : memref<!tpu.dma_semaphore, #tpu.memory_space<semaphore_mem>>) src(%dma_wait3A_1856 : memref<128xf32, #tpu.memory_space<vmem>>) dst(%dma_wait3A_1861 : memref<10240xf32, #tpu.memory_space<vmem_shared>>)
      %sub3A_1864 = arith.constant 1 : i32
      %sub3A_1865 = arith.subi %add3A_1771, %sub3A_1864 : i32
      %add3A_1866 = arith.constant 5 : i32
      %add3A_1867 = arith.addi %sub3A_1865, %add3A_1866 : i32
      %lt3A_1868 = arith.constant 160 : i32
      %lt3A_1869 = arith.cmpi slt, %add3A_1867, %lt3A_1868 : i32
      %convert_element_type3A_1870 = arith.extui %lt3A_1869 : i1 to i32
      %cond3A_1871 = arith.constant 0 : i32
      %cond3A_1872 = arith.cmpi ne, %convert_element_type3A_1870, %cond3A_1871 : i32
      scf.if %cond3A_1872 {
        %sub3A_1997 = arith.constant 1 : i32
        %sub3A_1998 = arith.subi %add3A_1771, %sub3A_1997 : i32
        %add3A_1999 = arith.constant 5 : i32
        %add3A_2000 = arith.addi %sub3A_1998, %add3A_1999 : i32
        %rem3A_2001 = arith.constant 10 : i32
        %rem3A_2002 = arith.remsi %add3A_2000, %rem3A_2001 : i32
        %add3A_2003 = arith.addi %mul3A_187, %add3A_2000 : i32
        %dma_wait3A_2004 = arith.constant 0 : i32
        %dma_wait3A_2005 = arith.constant 0 : i32
        %dma_wait3A_2006 = tpu.memref_slice %arg7[%rem3A_2002, %dma_wait3A_2004, %dma_wait3A_2005] : memref<10x2x128xi32, #tpu.memory_space<vmem>> -> memref<1x2x128xi32, #tpu.memory_space<vmem>>
        %dma_wait3A_2007 = tpu.memref_squeeze %dma_wait3A_2006 : memref<1x2x128xi32, #tpu.memory_space<vmem>> -> memref<2x128xi32, #tpu.memory_space<vmem>>
        %dma_wait3A_2008 = arith.constant 0 : i32
        %dma_wait3A_2009 = arith.constant 0 : i32
        %dma_wait3A_2010 = tpu.memref_slice %arg4[%arg0, %add3A_2003, %dma_wait3A_2008, %dma_wait3A_2009] : memref<2x2560x2x128xi32, #tpu.memory_space<hbm>> -> memref<1x1x2x128xi32, #tpu.memory_space<hbm>>
        %dma_wait3A_2011 = tpu.memref_squeeze %dma_wait3A_2010 : memref<1x1x2x128xi32, #tpu.memory_space<hbm>> -> memref<2x128xi32, #tpu.memory_space<hbm>>
        %dma_wait3A_2012 = tpu.memref_slice %arg16[%rem3A_2002] : memref<10x!tpu.dma_semaphore, #tpu.memory_space<semaphore_mem>> -> memref<1x!tpu.dma_semaphore, #tpu.memory_space<semaphore_mem>>
        %dma_wait3A_2013 = tpu.memref_squeeze %dma_wait3A_2012 : memref<1x!tpu.dma_semaphore, #tpu.memory_space<semaphore_mem>> -> memref<!tpu.dma_semaphore, #tpu.memory_space<semaphore_mem>>
        %dma_wait3A_2014 = arith.constant 0 : i32
        %dma_wait3A_2015 = arith.constant 0 : i32
        %dma_wait3A_2016 = tpu.memref_slice %arg7[%rem3A_2002, %dma_wait3A_2014, %dma_wait3A_2015] : memref<10x2x128xi32, #tpu.memory_space<vmem>> -> memref<1x2x128xi32, #tpu.memory_space<vmem>>
        %dma_wait3A_2017 = tpu.memref_squeeze %dma_wait3A_2016 : memref<1x2x128xi32, #tpu.memory_space<vmem>> -> memref<2x128xi32, #tpu.memory_space<vmem>>
        %dma_wait3A_2018 = arith.constant 0 : i32
        %dma_wait3A_2019 = arith.constant 0 : i32
        %dma_wait3A_2020 = tpu.memref_slice %arg4[%arg0, %add3A_2003, %dma_wait3A_2018, %dma_wait3A_2019] : memref<2x2560x2x128xi32, #tpu.memory_space<hbm>> -> memref<1x1x2x128xi32, #tpu.memory_space<hbm>>
        %dma_wait3A_2021 = tpu.memref_squeeze %dma_wait3A_2020 : memref<1x1x2x128xi32, #tpu.memory_space<hbm>> -> memref<2x128xi32, #tpu.memory_space<hbm>>
        tpu.wait_dma2 semaphore(%dma_wait3A_2013 : memref<!tpu.dma_semaphore, #tpu.memory_space<semaphore_mem>>) src(%dma_wait3A_2021 : memref<2x128xi32, #tpu.memory_space<hbm>>) dst(%dma_wait3A_2017 : memref<2x128xi32, #tpu.memory_space<vmem>>)
        %sub3A_2022 = arith.constant 1 : i32
        %sub3A_2023 = arith.subi %add3A_1771, %sub3A_2022 : i32
        %add3A_2024 = arith.constant 5 : i32
        %add3A_2025 = arith.addi %sub3A_2023, %add3A_2024 : i32
        %rem3A_2026 = arith.constant 10 : i32
        %rem3A_2027 = arith.remsi %add3A_2025, %rem3A_2026 : i32
        %dma_start3A_2028 = arith.constant 0 : i32
        %dma_start3A_2029 = arith.constant 2 : i32
        %dma_start3A_2030 = arith.constant 2 : i32
        %dma_start3A_2031 = arith.constant 0 : i32
        %dma_start3A_2032 = arith.constant 0 : i32
        %dma_start3A_2033 = tpu.memref_slice %arg8[%dma_start3A_2029, %dma_start3A_2031, %dma_start3A_2032] : memref<5x128x64xf32, #tpu.memory_space<vmem>> -> memref<1x128x64xf32, #tpu.memory_space<vmem>>
        %dma_start3A_2034 = tpu.memref_squeeze %dma_start3A_2033 : memref<1x128x64xf32, #tpu.memory_space<vmem>> -> memref<128x64xf32, #tpu.memory_space<vmem>>
        %dma_start3A_2035 = arith.constant 0 : i32
        %dma_start3A_2036 = tpu.memref_slice %arg7[%rem3A_2027, %dma_start3A_2028, %dma_start3A_2035] : memref<10x2x128xi32, #tpu.memory_space<vmem>> -> memref<1x1x128xi32, #tpu.memory_space<vmem>>
        %dma_start3A_2037 = tpu.memref_squeeze %dma_start3A_2036 : memref<1x1x128xi32, #tpu.memory_space<vmem>> -> memref<128xi32, #tpu.memory_space<vmem>>
        %dma_start3A_2038 = arith.constant 0 : i32
        %dma_start3A_2039 = arith.constant 0 : i32
        %dma_start3A_2040 = tpu.memref_slice %arg2[%dma_start3A_2038, %dma_start3A_2039] : memref<20000x64xf32, #tpu.memory_space<hbm>> -> memref<20000x64xf32, #tpu.memory_space<hbm>>
        %dma_start3A_2041 = tpu.memref_slice %arg14[%dma_start3A_2030] : memref<5x!tpu.dma_semaphore, #tpu.memory_space<semaphore_mem>> -> memref<1x!tpu.dma_semaphore, #tpu.memory_space<semaphore_mem>>
        %dma_start3A_2042 = tpu.memref_squeeze %dma_start3A_2041 : memref<1x!tpu.dma_semaphore, #tpu.memory_space<semaphore_mem>> -> memref<!tpu.dma_semaphore, #tpu.memory_space<semaphore_mem>>
        tpu.enqueue_indirect_dma source(%dma_start3A_2040 : memref<20000x64xf32, #tpu.memory_space<hbm>>) target(%dma_start3A_2034 : memref<128x64xf32, #tpu.memory_space<vmem>>) offsets(%dma_start3A_2037 : memref<128xi32, #tpu.memory_space<vmem>>) semaphore(%dma_start3A_2042 : memref<!tpu.dma_semaphore, #tpu.memory_space<semaphore_mem>>)
        %dma_start3A_2043 = arith.constant 0 : i32
        %dma_start3A_2044 = arith.constant 2 : i32
        %dma_start3A_2045 = arith.constant 2 : i32
        %dma_start3A_2046 = arith.constant 0 : i32
        %dma_start3A_2047 = tpu.memref_slice %arg9[%dma_start3A_2044, %dma_start3A_2046] : memref<5x128xf32, #tpu.memory_space<vmem>> -> memref<1x128xf32, #tpu.memory_space<vmem>>
        %dma_start3A_2048 = tpu.memref_squeeze %dma_start3A_2047 : memref<1x128xf32, #tpu.memory_space<vmem>> -> memref<128xf32, #tpu.memory_space<vmem>>
        %dma_start3A_2049 = arith.constant 0 : i32
        %dma_start3A_2050 = tpu.memref_slice %arg7[%rem3A_2027, %dma_start3A_2043, %dma_start3A_2049] : memref<10x2x128xi32, #tpu.memory_space<vmem>> -> memref<1x1x128xi32, #tpu.memory_space<vmem>>
        %dma_start3A_2051 = tpu.memref_squeeze %dma_start3A_2050 : memref<1x1x128xi32, #tpu.memory_space<vmem>> -> memref<128xi32, #tpu.memory_space<vmem>>
        %dma_start3A_2052 = arith.constant 0 : i32
        %dma_start3A_2053 = tpu.memref_slice %arg3[%dma_start3A_2052] : memref<20000xf32, #tpu.memory_space<hbm>> -> memref<20000xf32, #tpu.memory_space<hbm>>
        %dma_start3A_2054 = tpu.memref_slice %arg17[%dma_start3A_2045] : memref<5x!tpu.dma_semaphore, #tpu.memory_space<semaphore_mem>> -> memref<1x!tpu.dma_semaphore, #tpu.memory_space<semaphore_mem>>
        %dma_start3A_2055 = tpu.memref_squeeze %dma_start3A_2054 : memref<1x!tpu.dma_semaphore, #tpu.memory_space<semaphore_mem>> -> memref<!tpu.dma_semaphore, #tpu.memory_space<semaphore_mem>>
        tpu.enqueue_indirect_dma source(%dma_start3A_2053 : memref<20000xf32, #tpu.memory_space<hbm>>) target(%dma_start3A_2048 : memref<128xf32, #tpu.memory_space<vmem>>) offsets(%dma_start3A_2051 : memref<128xi32, #tpu.memory_space<vmem>>) semaphore(%dma_start3A_2055 : memref<!tpu.dma_semaphore, #tpu.memory_space<semaphore_mem>>)
      } else {
      }
      %sub3A_1873 = arith.constant 1 : i32
      %sub3A_1874 = arith.subi %add3A_1771, %sub3A_1873 : i32
      %add3A_1875 = arith.constant 10 : i32
      %add3A_1876 = arith.addi %sub3A_1874, %add3A_1875 : i32
      %lt3A_1877 = arith.constant 160 : i32
      %lt3A_1878 = arith.cmpi slt, %add3A_1876, %lt3A_1877 : i32
      %convert_element_type3A_1879 = arith.extui %lt3A_1878 : i1 to i32
      %cond3A_1880 = arith.constant 0 : i32
      %cond3A_1881 = arith.cmpi ne, %convert_element_type3A_1879, %cond3A_1880 : i32
      scf.if %cond3A_1881 {
        %sub3A_1997 = arith.constant 1 : i32
        %sub3A_1998 = arith.subi %add3A_1771, %sub3A_1997 : i32
        %add3A_1999 = arith.constant 10 : i32
        %add3A_2000 = arith.addi %sub3A_1998, %add3A_1999 : i32
        %rem3A_2001 = arith.constant 10 : i32
        %rem3A_2002 = arith.remsi %add3A_2000, %rem3A_2001 : i32
        %add3A_2003 = arith.addi %mul3A_187, %add3A_2000 : i32
        %dma_start3A_2004 = arith.constant 0 : i32
        %dma_start3A_2005 = arith.constant 0 : i32
        %dma_start3A_2006 = tpu.memref_slice %arg7[%rem3A_2002, %dma_start3A_2004, %dma_start3A_2005] : memref<10x2x128xi32, #tpu.memory_space<vmem>> -> memref<1x2x128xi32, #tpu.memory_space<vmem>>
        %dma_start3A_2007 = tpu.memref_squeeze %dma_start3A_2006 : memref<1x2x128xi32, #tpu.memory_space<vmem>> -> memref<2x128xi32, #tpu.memory_space<vmem>>
        %dma_start3A_2008 = arith.constant 0 : i32
        %dma_start3A_2009 = arith.constant 0 : i32
        %dma_start3A_2010 = tpu.memref_slice %arg4[%arg0, %add3A_2003, %dma_start3A_2008, %dma_start3A_2009] : memref<2x2560x2x128xi32, #tpu.memory_space<hbm>> -> memref<1x1x2x128xi32, #tpu.memory_space<hbm>>
        %dma_start3A_2011 = tpu.memref_squeeze %dma_start3A_2010 : memref<1x1x2x128xi32, #tpu.memory_space<hbm>> -> memref<2x128xi32, #tpu.memory_space<hbm>>
        %dma_start3A_2012 = tpu.memref_slice %arg16[%rem3A_2002] : memref<10x!tpu.dma_semaphore, #tpu.memory_space<semaphore_mem>> -> memref<1x!tpu.dma_semaphore, #tpu.memory_space<semaphore_mem>>
        %dma_start3A_2013 = tpu.memref_squeeze %dma_start3A_2012 : memref<1x!tpu.dma_semaphore, #tpu.memory_space<semaphore_mem>> -> memref<!tpu.dma_semaphore, #tpu.memory_space<semaphore_mem>>
        %dma_start3A_2014 = arith.constant 0 : i32
        %dma_start3A_2015 = arith.constant 0 : i32
        %dma_start3A_2016 = tpu.memref_slice %arg7[%rem3A_2002, %dma_start3A_2014, %dma_start3A_2015] : memref<10x2x128xi32, #tpu.memory_space<vmem>> -> memref<1x2x128xi32, #tpu.memory_space<vmem>>
        %dma_start3A_2017 = tpu.memref_squeeze %dma_start3A_2016 : memref<1x2x128xi32, #tpu.memory_space<vmem>> -> memref<2x128xi32, #tpu.memory_space<vmem>>
        %dma_start3A_2018 = arith.constant 0 : i32
        %dma_start3A_2019 = arith.constant 0 : i32
        %dma_start3A_2020 = tpu.memref_slice %arg4[%arg0, %add3A_2003, %dma_start3A_2018, %dma_start3A_2019] : memref<2x2560x2x128xi32, #tpu.memory_space<hbm>> -> memref<1x1x2x128xi32, #tpu.memory_space<hbm>>
        %dma_start3A_2021 = tpu.memref_squeeze %dma_start3A_2020 : memref<1x1x2x128xi32, #tpu.memory_space<hbm>> -> memref<2x128xi32, #tpu.memory_space<hbm>>
        tpu.enqueue_dma source(%dma_start3A_2021 : memref<2x128xi32, #tpu.memory_space<hbm>>) target(%dma_start3A_2017 : memref<2x128xi32, #tpu.memory_space<vmem>>) target_semaphore(%dma_start3A_2013 : memref<!tpu.dma_semaphore, #tpu.memory_space<semaphore_mem>>)
      } else {
      }
      %mul3A_1882 = arith.constant 5 : i32
      %mul3A_1883 = arith.muli %scan3A_1426, %mul3A_1882 : i32
      %add3A_1884 = arith.constant 4 : i32
      %add3A_1885 = arith.addi %mul3A_1883, %add3A_1884 : i32
      %rem3A_1886 = arith.constant 10 : i32
      %rem3A_1887 = arith.remsi %add3A_1885, %rem3A_1886 : i32
      %dma_wait3A_1888 = arith.constant 0 : i32
      %dma_wait3A_1889 = arith.constant 4 : i32
      %dma_wait3A_1890 = arith.constant 4 : i32
      %dma_wait3A_1891 = arith.constant 0 : i32
      %dma_wait3A_1892 = arith.constant 0 : i32
      %dma_wait3A_1893 = tpu.memref_slice %arg8[%dma_wait3A_1889, %dma_wait3A_1891, %dma_wait3A_1892] : memref<5x128x64xf32, #tpu.memory_space<vmem>> -> memref<1x128x64xf32, #tpu.memory_space<vmem>>
      %dma_wait3A_1894 = tpu.memref_squeeze %dma_wait3A_1893 : memref<1x128x64xf32, #tpu.memory_space<vmem>> -> memref<128x64xf32, #tpu.memory_space<vmem>>
      %dma_wait3A_1895 = arith.constant 0 : i32
      %dma_wait3A_1896 = tpu.memref_slice %arg7[%rem3A_1887, %dma_wait3A_1888, %dma_wait3A_1895] : memref<10x2x128xi32, #tpu.memory_space<vmem>> -> memref<1x1x128xi32, #tpu.memory_space<vmem>>
      %dma_wait3A_1897 = tpu.memref_squeeze %dma_wait3A_1896 : memref<1x1x128xi32, #tpu.memory_space<vmem>> -> memref<128xi32, #tpu.memory_space<vmem>>
      %dma_wait3A_1898 = arith.constant 0 : i32
      %dma_wait3A_1899 = arith.constant 0 : i32
      %dma_wait3A_1900 = tpu.memref_slice %arg2[%dma_wait3A_1898, %dma_wait3A_1899] : memref<20000x64xf32, #tpu.memory_space<hbm>> -> memref<20000x64xf32, #tpu.memory_space<hbm>>
      %dma_wait3A_1901 = tpu.memref_slice %arg14[%dma_wait3A_1890] : memref<5x!tpu.dma_semaphore, #tpu.memory_space<semaphore_mem>> -> memref<1x!tpu.dma_semaphore, #tpu.memory_space<semaphore_mem>>
      %dma_wait3A_1902 = tpu.memref_squeeze %dma_wait3A_1901 : memref<1x!tpu.dma_semaphore, #tpu.memory_space<semaphore_mem>> -> memref<!tpu.dma_semaphore, #tpu.memory_space<semaphore_mem>>
      tpu.wait_indirect_dma semaphore(%dma_wait3A_1902 : memref<!tpu.dma_semaphore, #tpu.memory_space<semaphore_mem>>) src(%dma_wait3A_1900 : memref<20000x64xf32, #tpu.memory_space<hbm>>) dst(%dma_wait3A_1894 : memref<128x64xf32, #tpu.memory_space<vmem>>)
      %dma_wait3A_1903 = arith.constant 0 : i32
      %dma_wait3A_1904 = arith.constant 4 : i32
      %dma_wait3A_1905 = arith.constant 4 : i32
      %dma_wait3A_1906 = arith.constant 0 : i32
      %dma_wait3A_1907 = tpu.memref_slice %arg9[%dma_wait3A_1904, %dma_wait3A_1906] : memref<5x128xf32, #tpu.memory_space<vmem>> -> memref<1x128xf32, #tpu.memory_space<vmem>>
      %dma_wait3A_1908 = tpu.memref_squeeze %dma_wait3A_1907 : memref<1x128xf32, #tpu.memory_space<vmem>> -> memref<128xf32, #tpu.memory_space<vmem>>
      %dma_wait3A_1909 = arith.constant 0 : i32
      %dma_wait3A_1910 = tpu.memref_slice %arg7[%rem3A_1887, %dma_wait3A_1903, %dma_wait3A_1909] : memref<10x2x128xi32, #tpu.memory_space<vmem>> -> memref<1x1x128xi32, #tpu.memory_space<vmem>>
      %dma_wait3A_1911 = tpu.memref_squeeze %dma_wait3A_1910 : memref<1x1x128xi32, #tpu.memory_space<vmem>> -> memref<128xi32, #tpu.memory_space<vmem>>
      %dma_wait3A_1912 = arith.constant 0 : i32
      %dma_wait3A_1913 = tpu.memref_slice %arg3[%dma_wait3A_1912] : memref<20000xf32, #tpu.memory_space<hbm>> -> memref<20000xf32, #tpu.memory_space<hbm>>
      %dma_wait3A_1914 = tpu.memref_slice %arg17[%dma_wait3A_1905] : memref<5x!tpu.dma_semaphore, #tpu.memory_space<semaphore_mem>> -> memref<1x!tpu.dma_semaphore, #tpu.memory_space<semaphore_mem>>
      %dma_wait3A_1915 = tpu.memref_squeeze %dma_wait3A_1914 : memref<1x!tpu.dma_semaphore, #tpu.memory_space<semaphore_mem>> -> memref<!tpu.dma_semaphore, #tpu.memory_space<semaphore_mem>>
      tpu.wait_indirect_dma semaphore(%dma_wait3A_1915 : memref<!tpu.dma_semaphore, #tpu.memory_space<semaphore_mem>>) src(%dma_wait3A_1913 : memref<20000xf32, #tpu.memory_space<hbm>>) dst(%dma_wait3A_1908 : memref<128xf32, #tpu.memory_space<vmem>>)
      %rem3A_1916 = arith.constant 10 : i32
      %rem3A_1917 = arith.remsi %add3A_1885, %rem3A_1916 : i32
      %dma_start3A_1918 = arith.constant 4 : i32
      %dma_start3A_1919 = arith.constant 1 : i32
      %dma_start3A_1920 = arith.constant 4 : i32
      %dma_start3A_1921 = arith.constant 0 : i32
      %dma_start3A_1922 = arith.constant 0 : i32
      %dma_start3A_1923 = tpu.memref_slice %arg8[%dma_start3A_1918, %dma_start3A_1921, %dma_start3A_1922] : memref<5x128x64xf32, #tpu.memory_space<vmem>> -> memref<1x128x64xf32, #tpu.memory_space<vmem>>
      %dma_start3A_1924 = tpu.memref_squeeze %dma_start3A_1923 : memref<1x128x64xf32, #tpu.memory_space<vmem>> -> memref<128x64xf32, #tpu.memory_space<vmem>>
      %dma_start3A_1925 = arith.constant 0 : i32
      %dma_start3A_1926 = tpu.memref_slice %arg7[%rem3A_1917, %dma_start3A_1919, %dma_start3A_1925] : memref<10x2x128xi32, #tpu.memory_space<vmem>> -> memref<1x1x128xi32, #tpu.memory_space<vmem>>
      %dma_start3A_1927 = tpu.memref_squeeze %dma_start3A_1926 : memref<1x1x128xi32, #tpu.memory_space<vmem>> -> memref<128xi32, #tpu.memory_space<vmem>>
      %dma_start3A_1928 = arith.constant 0 : i32
      %dma_start3A_1929 = arith.constant 0 : i32
      %dma_start3A_1930 = tpu.memref_slice %arg12[%dma_start3A_1928, %dma_start3A_1929] : memref<10240x64xf32, #tpu.memory_space<vmem_shared>> -> memref<10240x64xf32, #tpu.memory_space<vmem_shared>>
      %dma_start3A_1931 = tpu.memref_slice %arg15[%dma_start3A_1920] : memref<5x!tpu.dma_semaphore, #tpu.memory_space<semaphore_mem>> -> memref<1x!tpu.dma_semaphore, #tpu.memory_space<semaphore_mem>>
      %dma_start3A_1932 = tpu.memref_squeeze %dma_start3A_1931 : memref<1x!tpu.dma_semaphore, #tpu.memory_space<semaphore_mem>> -> memref<!tpu.dma_semaphore, #tpu.memory_space<semaphore_mem>>
      tpu.enqueue_indirect_dma source(%dma_start3A_1924 : memref<128x64xf32, #tpu.memory_space<vmem>>) target(%dma_start3A_1930 : memref<10240x64xf32, #tpu.memory_space<vmem_shared>>) offsets(%dma_start3A_1927 : memref<128xi32, #tpu.memory_space<vmem>>) semaphore(%dma_start3A_1932 : memref<!tpu.dma_semaphore, #tpu.memory_space<semaphore_mem>>) {add = true}
      %dma_start3A_1933 = arith.constant 4 : i32
      %dma_start3A_1934 = arith.constant 1 : i32
      %dma_start3A_1935 = arith.constant 4 : i32
      %dma_start3A_1936 = arith.constant 0 : i32
      %dma_start3A_1937 = tpu.memref_slice %arg9[%dma_start3A_1933, %dma_start3A_1936] : memref<5x128xf32, #tpu.memory_space<vmem>> -> memref<1x128xf32, #tpu.memory_space<vmem>>
      %dma_start3A_1938 = tpu.memref_squeeze %dma_start3A_1937 : memref<1x128xf32, #tpu.memory_space<vmem>> -> memref<128xf32, #tpu.memory_space<vmem>>
      %dma_start3A_1939 = arith.constant 0 : i32
      %dma_start3A_1940 = tpu.memref_slice %arg7[%rem3A_1917, %dma_start3A_1934, %dma_start3A_1939] : memref<10x2x128xi32, #tpu.memory_space<vmem>> -> memref<1x1x128xi32, #tpu.memory_space<vmem>>
      %dma_start3A_1941 = tpu.memref_squeeze %dma_start3A_1940 : memref<1x1x128xi32, #tpu.memory_space<vmem>> -> memref<128xi32, #tpu.memory_space<vmem>>
      %dma_start3A_1942 = arith.constant 0 : i32
      %dma_start3A_1943 = tpu.memref_slice %arg13[%dma_start3A_1942] : memref<10240xf32, #tpu.memory_space<vmem_shared>> -> memref<10240xf32, #tpu.memory_space<vmem_shared>>
      %dma_start3A_1944 = tpu.memref_slice %arg18[%dma_start3A_1935] : memref<5x!tpu.dma_semaphore, #tpu.memory_space<semaphore_mem>> -> memref<1x!tpu.dma_semaphore, #tpu.memory_space<semaphore_mem>>
      %dma_start3A_1945 = tpu.memref_squeeze %dma_start3A_1944 : memref<1x!tpu.dma_semaphore, #tpu.memory_space<semaphore_mem>> -> memref<!tpu.dma_semaphore, #tpu.memory_space<semaphore_mem>>
      tpu.enqueue_indirect_dma source(%dma_start3A_1938 : memref<128xf32, #tpu.memory_space<vmem>>) target(%dma_start3A_1943 : memref<10240xf32, #tpu.memory_space<vmem_shared>>) offsets(%dma_start3A_1941 : memref<128xi32, #tpu.memory_space<vmem>>) semaphore(%dma_start3A_1945 : memref<!tpu.dma_semaphore, #tpu.memory_space<semaphore_mem>>) {add = true}
      %sub3A_1946 = arith.constant 1 : i32
      %sub3A_1947 = arith.subi %add3A_1885, %sub3A_1946 : i32
      %rem3A_1948 = arith.constant 10 : i32
      %rem3A_1949 = arith.remsi %sub3A_1947, %rem3A_1948 : i32
      %dma_wait3A_1950 = arith.constant 3 : i32
      %dma_wait3A_1951 = arith.constant 1 : i32
      %dma_wait3A_1952 = arith.constant 3 : i32
      %dma_wait3A_1953 = arith.constant 0 : i32
      %dma_wait3A_1954 = arith.constant 0 : i32
      %dma_wait3A_1955 = tpu.memref_slice %arg8[%dma_wait3A_1950, %dma_wait3A_1953, %dma_wait3A_1954] : memref<5x128x64xf32, #tpu.memory_space<vmem>> -> memref<1x128x64xf32, #tpu.memory_space<vmem>>
      %dma_wait3A_1956 = tpu.memref_squeeze %dma_wait3A_1955 : memref<1x128x64xf32, #tpu.memory_space<vmem>> -> memref<128x64xf32, #tpu.memory_space<vmem>>
      %dma_wait3A_1957 = arith.constant 0 : i32
      %dma_wait3A_1958 = tpu.memref_slice %arg7[%rem3A_1949, %dma_wait3A_1951, %dma_wait3A_1957] : memref<10x2x128xi32, #tpu.memory_space<vmem>> -> memref<1x1x128xi32, #tpu.memory_space<vmem>>
      %dma_wait3A_1959 = tpu.memref_squeeze %dma_wait3A_1958 : memref<1x1x128xi32, #tpu.memory_space<vmem>> -> memref<128xi32, #tpu.memory_space<vmem>>
      %dma_wait3A_1960 = arith.constant 0 : i32
      %dma_wait3A_1961 = arith.constant 0 : i32
      %dma_wait3A_1962 = tpu.memref_slice %arg12[%dma_wait3A_1960, %dma_wait3A_1961] : memref<10240x64xf32, #tpu.memory_space<vmem_shared>> -> memref<10240x64xf32, #tpu.memory_space<vmem_shared>>
      %dma_wait3A_1963 = tpu.memref_slice %arg15[%dma_wait3A_1952] : memref<5x!tpu.dma_semaphore, #tpu.memory_space<semaphore_mem>> -> memref<1x!tpu.dma_semaphore, #tpu.memory_space<semaphore_mem>>
      %dma_wait3A_1964 = tpu.memref_squeeze %dma_wait3A_1963 : memref<1x!tpu.dma_semaphore, #tpu.memory_space<semaphore_mem>> -> memref<!tpu.dma_semaphore, #tpu.memory_space<semaphore_mem>>
      tpu.wait_indirect_dma semaphore(%dma_wait3A_1964 : memref<!tpu.dma_semaphore, #tpu.memory_space<semaphore_mem>>) src(%dma_wait3A_1956 : memref<128x64xf32, #tpu.memory_space<vmem>>) dst(%dma_wait3A_1962 : memref<10240x64xf32, #tpu.memory_space<vmem_shared>>)
      %dma_wait3A_1965 = arith.constant 3 : i32
      %dma_wait3A_1966 = arith.constant 1 : i32
      %dma_wait3A_1967 = arith.constant 3 : i32
      %dma_wait3A_1968 = arith.constant 0 : i32
      %dma_wait3A_1969 = tpu.memref_slice %arg9[%dma_wait3A_1965, %dma_wait3A_1968] : memref<5x128xf32, #tpu.memory_space<vmem>> -> memref<1x128xf32, #tpu.memory_space<vmem>>
      %dma_wait3A_1970 = tpu.memref_squeeze %dma_wait3A_1969 : memref<1x128xf32, #tpu.memory_space<vmem>> -> memref<128xf32, #tpu.memory_space<vmem>>
      %dma_wait3A_1971 = arith.constant 0 : i32
      %dma_wait3A_1972 = tpu.memref_slice %arg7[%rem3A_1949, %dma_wait3A_1966, %dma_wait3A_1971] : memref<10x2x128xi32, #tpu.memory_space<vmem>> -> memref<1x1x128xi32, #tpu.memory_space<vmem>>
      %dma_wait3A_1973 = tpu.memref_squeeze %dma_wait3A_1972 : memref<1x1x128xi32, #tpu.memory_space<vmem>> -> memref<128xi32, #tpu.memory_space<vmem>>
      %dma_wait3A_1974 = arith.constant 0 : i32
      %dma_wait3A_1975 = tpu.memref_slice %arg13[%dma_wait3A_1974] : memref<10240xf32, #tpu.memory_space<vmem_shared>> -> memref<10240xf32, #tpu.memory_space<vmem_shared>>
      %dma_wait3A_1976 = tpu.memref_slice %arg18[%dma_wait3A_1967] : memref<5x!tpu.dma_semaphore, #tpu.memory_space<semaphore_mem>> -> memref<1x!tpu.dma_semaphore, #tpu.memory_space<semaphore_mem>>
      %dma_wait3A_1977 = tpu.memref_squeeze %dma_wait3A_1976 : memref<1x!tpu.dma_semaphore, #tpu.memory_space<semaphore_mem>> -> memref<!tpu.dma_semaphore, #tpu.memory_space<semaphore_mem>>
      tpu.wait_indirect_dma semaphore(%dma_wait3A_1977 : memref<!tpu.dma_semaphore, #tpu.memory_space<semaphore_mem>>) src(%dma_wait3A_1970 : memref<128xf32, #tpu.memory_space<vmem>>) dst(%dma_wait3A_1975 : memref<10240xf32, #tpu.memory_space<vmem_shared>>)
      %sub3A_1978 = arith.constant 1 : i32
      %sub3A_1979 = arith.subi %add3A_1885, %sub3A_1978 : i32
      %add3A_1980 = arith.constant 5 : i32
      %add3A_1981 = arith.addi %sub3A_1979, %add3A_1980 : i32
      %lt3A_1982 = arith.constant 160 : i32
      %lt3A_1983 = arith.cmpi slt, %add3A_1981, %lt3A_1982 : i32
      %convert_element_type3A_1984 = arith.extui %lt3A_1983 : i1 to i32
      %cond3A_1985 = arith.constant 0 : i32
      %cond3A_1986 = arith.cmpi ne, %convert_element_type3A_1984, %cond3A_1985 : i32
      scf.if %cond3A_1986 {
        %sub3A_1997 = arith.constant 1 : i32
        %sub3A_1998 = arith.subi %add3A_1885, %sub3A_1997 : i32
        %add3A_1999 = arith.constant 5 : i32
        %add3A_2000 = arith.addi %sub3A_1998, %add3A_1999 : i32
        %rem3A_2001 = arith.constant 10 : i32
        %rem3A_2002 = arith.remsi %add3A_2000, %rem3A_2001 : i32
        %add3A_2003 = arith.addi %mul3A_187, %add3A_2000 : i32
        %dma_wait3A_2004 = arith.constant 0 : i32
        %dma_wait3A_2005 = arith.constant 0 : i32
        %dma_wait3A_2006 = tpu.memref_slice %arg7[%rem3A_2002, %dma_wait3A_2004, %dma_wait3A_2005] : memref<10x2x128xi32, #tpu.memory_space<vmem>> -> memref<1x2x128xi32, #tpu.memory_space<vmem>>
        %dma_wait3A_2007 = tpu.memref_squeeze %dma_wait3A_2006 : memref<1x2x128xi32, #tpu.memory_space<vmem>> -> memref<2x128xi32, #tpu.memory_space<vmem>>
        %dma_wait3A_2008 = arith.constant 0 : i32
        %dma_wait3A_2009 = arith.constant 0 : i32
        %dma_wait3A_2010 = tpu.memref_slice %arg4[%arg0, %add3A_2003, %dma_wait3A_2008, %dma_wait3A_2009] : memref<2x2560x2x128xi32, #tpu.memory_space<hbm>> -> memref<1x1x2x128xi32, #tpu.memory_space<hbm>>
        %dma_wait3A_2011 = tpu.memref_squeeze %dma_wait3A_2010 : memref<1x1x2x128xi32, #tpu.memory_space<hbm>> -> memref<2x128xi32, #tpu.memory_space<hbm>>
        %dma_wait3A_2012 = tpu.memref_slice %arg16[%rem3A_2002] : memref<10x!tpu.dma_semaphore, #tpu.memory_space<semaphore_mem>> -> memref<1x!tpu.dma_semaphore, #tpu.memory_space<semaphore_mem>>
        %dma_wait3A_2013 = tpu.memref_squeeze %dma_wait3A_2012 : memref<1x!tpu.dma_semaphore, #tpu.memory_space<semaphore_mem>> -> memref<!tpu.dma_semaphore, #tpu.memory_space<semaphore_mem>>
        %dma_wait3A_2014 = arith.constant 0 : i32
        %dma_wait3A_2015 = arith.constant 0 : i32
        %dma_wait3A_2016 = tpu.memref_slice %arg7[%rem3A_2002, %dma_wait3A_2014, %dma_wait3A_2015] : memref<10x2x128xi32, #tpu.memory_space<vmem>> -> memref<1x2x128xi32, #tpu.memory_space<vmem>>
        %dma_wait3A_2017 = tpu.memref_squeeze %dma_wait3A_2016 : memref<1x2x128xi32, #tpu.memory_space<vmem>> -> memref<2x128xi32, #tpu.memory_space<vmem>>
        %dma_wait3A_2018 = arith.constant 0 : i32
        %dma_wait3A_2019 = arith.constant 0 : i32
        %dma_wait3A_2020 = tpu.memref_slice %arg4[%arg0, %add3A_2003, %dma_wait3A_2018, %dma_wait3A_2019] : memref<2x2560x2x128xi32, #tpu.memory_space<hbm>> -> memref<1x1x2x128xi32, #tpu.memory_space<hbm>>
        %dma_wait3A_2021 = tpu.memref_squeeze %dma_wait3A_2020 : memref<1x1x2x128xi32, #tpu.memory_space<hbm>> -> memref<2x128xi32, #tpu.memory_space<hbm>>
        tpu.wait_dma2 semaphore(%dma_wait3A_2013 : memref<!tpu.dma_semaphore, #tpu.memory_space<semaphore_mem>>) src(%dma_wait3A_2021 : memref<2x128xi32, #tpu.memory_space<hbm>>) dst(%dma_wait3A_2017 : memref<2x128xi32, #tpu.memory_space<vmem>>)
        %sub3A_2022 = arith.constant 1 : i32
        %sub3A_2023 = arith.subi %add3A_1885, %sub3A_2022 : i32
        %add3A_2024 = arith.constant 5 : i32
        %add3A_2025 = arith.addi %sub3A_2023, %add3A_2024 : i32
        %rem3A_2026 = arith.constant 10 : i32
        %rem3A_2027 = arith.remsi %add3A_2025, %rem3A_2026 : i32
        %dma_start3A_2028 = arith.constant 0 : i32
        %dma_start3A_2029 = arith.constant 3 : i32
        %dma_start3A_2030 = arith.constant 3 : i32
        %dma_start3A_2031 = arith.constant 0 : i32
        %dma_start3A_2032 = arith.constant 0 : i32
        %dma_start3A_2033 = tpu.memref_slice %arg8[%dma_start3A_2029, %dma_start3A_2031, %dma_start3A_2032] : memref<5x128x64xf32, #tpu.memory_space<vmem>> -> memref<1x128x64xf32, #tpu.memory_space<vmem>>
        %dma_start3A_2034 = tpu.memref_squeeze %dma_start3A_2033 : memref<1x128x64xf32, #tpu.memory_space<vmem>> -> memref<128x64xf32, #tpu.memory_space<vmem>>
        %dma_start3A_2035 = arith.constant 0 : i32
        %dma_start3A_2036 = tpu.memref_slice %arg7[%rem3A_2027, %dma_start3A_2028, %dma_start3A_2035] : memref<10x2x128xi32, #tpu.memory_space<vmem>> -> memref<1x1x128xi32, #tpu.memory_space<vmem>>
        %dma_start3A_2037 = tpu.memref_squeeze %dma_start3A_2036 : memref<1x1x128xi32, #tpu.memory_space<vmem>> -> memref<128xi32, #tpu.memory_space<vmem>>
        %dma_start3A_2038 = arith.constant 0 : i32
        %dma_start3A_2039 = arith.constant 0 : i32
        %dma_start3A_2040 = tpu.memref_slice %arg2[%dma_start3A_2038, %dma_start3A_2039] : memref<20000x64xf32, #tpu.memory_space<hbm>> -> memref<20000x64xf32, #tpu.memory_space<hbm>>
        %dma_start3A_2041 = tpu.memref_slice %arg14[%dma_start3A_2030] : memref<5x!tpu.dma_semaphore, #tpu.memory_space<semaphore_mem>> -> memref<1x!tpu.dma_semaphore, #tpu.memory_space<semaphore_mem>>
        %dma_start3A_2042 = tpu.memref_squeeze %dma_start3A_2041 : memref<1x!tpu.dma_semaphore, #tpu.memory_space<semaphore_mem>> -> memref<!tpu.dma_semaphore, #tpu.memory_space<semaphore_mem>>
        tpu.enqueue_indirect_dma source(%dma_start3A_2040 : memref<20000x64xf32, #tpu.memory_space<hbm>>) target(%dma_start3A_2034 : memref<128x64xf32, #tpu.memory_space<vmem>>) offsets(%dma_start3A_2037 : memref<128xi32, #tpu.memory_space<vmem>>) semaphore(%dma_start3A_2042 : memref<!tpu.dma_semaphore, #tpu.memory_space<semaphore_mem>>)
        %dma_start3A_2043 = arith.constant 0 : i32
        %dma_start3A_2044 = arith.constant 3 : i32
        %dma_start3A_2045 = arith.constant 3 : i32
        %dma_start3A_2046 = arith.constant 0 : i32
        %dma_start3A_2047 = tpu.memref_slice %arg9[%dma_start3A_2044, %dma_start3A_2046] : memref<5x128xf32, #tpu.memory_space<vmem>> -> memref<1x128xf32, #tpu.memory_space<vmem>>
        %dma_start3A_2048 = tpu.memref_squeeze %dma_start3A_2047 : memref<1x128xf32, #tpu.memory_space<vmem>> -> memref<128xf32, #tpu.memory_space<vmem>>
        %dma_start3A_2049 = arith.constant 0 : i32
        %dma_start3A_2050 = tpu.memref_slice %arg7[%rem3A_2027, %dma_start3A_2043, %dma_start3A_2049] : memref<10x2x128xi32, #tpu.memory_space<vmem>> -> memref<1x1x128xi32, #tpu.memory_space<vmem>>
        %dma_start3A_2051 = tpu.memref_squeeze %dma_start3A_2050 : memref<1x1x128xi32, #tpu.memory_space<vmem>> -> memref<128xi32, #tpu.memory_space<vmem>>
        %dma_start3A_2052 = arith.constant 0 : i32
        %dma_start3A_2053 = tpu.memref_slice %arg3[%dma_start3A_2052] : memref<20000xf32, #tpu.memory_space<hbm>> -> memref<20000xf32, #tpu.memory_space<hbm>>
        %dma_start3A_2054 = tpu.memref_slice %arg17[%dma_start3A_2045] : memref<5x!tpu.dma_semaphore, #tpu.memory_space<semaphore_mem>> -> memref<1x!tpu.dma_semaphore, #tpu.memory_space<semaphore_mem>>
        %dma_start3A_2055 = tpu.memref_squeeze %dma_start3A_2054 : memref<1x!tpu.dma_semaphore, #tpu.memory_space<semaphore_mem>> -> memref<!tpu.dma_semaphore, #tpu.memory_space<semaphore_mem>>
        tpu.enqueue_indirect_dma source(%dma_start3A_2053 : memref<20000xf32, #tpu.memory_space<hbm>>) target(%dma_start3A_2048 : memref<128xf32, #tpu.memory_space<vmem>>) offsets(%dma_start3A_2051 : memref<128xi32, #tpu.memory_space<vmem>>) semaphore(%dma_start3A_2055 : memref<!tpu.dma_semaphore, #tpu.memory_space<semaphore_mem>>)
      } else {
      }
      %sub3A_1987 = arith.constant 1 : i32
      %sub3A_1988 = arith.subi %add3A_1885, %sub3A_1987 : i32
      %add3A_1989 = arith.constant 10 : i32
      %add3A_1990 = arith.addi %sub3A_1988, %add3A_1989 : i32
      %lt3A_1991 = arith.constant 160 : i32
      %lt3A_1992 = arith.cmpi slt, %add3A_1990, %lt3A_1991 : i32
      %convert_element_type3A_1993 = arith.extui %lt3A_1992 : i1 to i32
      %cond3A_1994 = arith.constant 0 : i32
      %cond3A_1995 = arith.cmpi ne, %convert_element_type3A_1993, %cond3A_1994 : i32
      scf.if %cond3A_1995 {
        %sub3A_1997 = arith.constant 1 : i32
        %sub3A_1998 = arith.subi %add3A_1885, %sub3A_1997 : i32
        %add3A_1999 = arith.constant 10 : i32
        %add3A_2000 = arith.addi %sub3A_1998, %add3A_1999 : i32
        %rem3A_2001 = arith.constant 10 : i32
        %rem3A_2002 = arith.remsi %add3A_2000, %rem3A_2001 : i32
        %add3A_2003 = arith.addi %mul3A_187, %add3A_2000 : i32
        %dma_start3A_2004 = arith.constant 0 : i32
        %dma_start3A_2005 = arith.constant 0 : i32
        %dma_start3A_2006 = tpu.memref_slice %arg7[%rem3A_2002, %dma_start3A_2004, %dma_start3A_2005] : memref<10x2x128xi32, #tpu.memory_space<vmem>> -> memref<1x2x128xi32, #tpu.memory_space<vmem>>
        %dma_start3A_2007 = tpu.memref_squeeze %dma_start3A_2006 : memref<1x2x128xi32, #tpu.memory_space<vmem>> -> memref<2x128xi32, #tpu.memory_space<vmem>>
        %dma_start3A_2008 = arith.constant 0 : i32
        %dma_start3A_2009 = arith.constant 0 : i32
        %dma_start3A_2010 = tpu.memref_slice %arg4[%arg0, %add3A_2003, %dma_start3A_2008, %dma_start3A_2009] : memref<2x2560x2x128xi32, #tpu.memory_space<hbm>> -> memref<1x1x2x128xi32, #tpu.memory_space<hbm>>
        %dma_start3A_2011 = tpu.memref_squeeze %dma_start3A_2010 : memref<1x1x2x128xi32, #tpu.memory_space<hbm>> -> memref<2x128xi32, #tpu.memory_space<hbm>>
        %dma_start3A_2012 = tpu.memref_slice %arg16[%rem3A_2002] : memref<10x!tpu.dma_semaphore, #tpu.memory_space<semaphore_mem>> -> memref<1x!tpu.dma_semaphore, #tpu.memory_space<semaphore_mem>>
        %dma_start3A_2013 = tpu.memref_squeeze %dma_start3A_2012 : memref<1x!tpu.dma_semaphore, #tpu.memory_space<semaphore_mem>> -> memref<!tpu.dma_semaphore, #tpu.memory_space<semaphore_mem>>
        %dma_start3A_2014 = arith.constant 0 : i32
        %dma_start3A_2015 = arith.constant 0 : i32
        %dma_start3A_2016 = tpu.memref_slice %arg7[%rem3A_2002, %dma_start3A_2014, %dma_start3A_2015] : memref<10x2x128xi32, #tpu.memory_space<vmem>> -> memref<1x2x128xi32, #tpu.memory_space<vmem>>
        %dma_start3A_2017 = tpu.memref_squeeze %dma_start3A_2016 : memref<1x2x128xi32, #tpu.memory_space<vmem>> -> memref<2x128xi32, #tpu.memory_space<vmem>>
        %dma_start3A_2018 = arith.constant 0 : i32
        %dma_start3A_2019 = arith.constant 0 : i32
        %dma_start3A_2020 = tpu.memref_slice %arg4[%arg0, %add3A_2003, %dma_start3A_2018, %dma_start3A_2019] : memref<2x2560x2x128xi32, #tpu.memory_space<hbm>> -> memref<1x1x2x128xi32, #tpu.memory_space<hbm>>
        %dma_start3A_2021 = tpu.memref_squeeze %dma_start3A_2020 : memref<1x1x2x128xi32, #tpu.memory_space<hbm>> -> memref<2x128xi32, #tpu.memory_space<hbm>>
        tpu.enqueue_dma source(%dma_start3A_2021 : memref<2x128xi32, #tpu.memory_space<hbm>>) target(%dma_start3A_2017 : memref<2x128xi32, #tpu.memory_space<vmem>>) target_semaphore(%dma_start3A_2013 : memref<!tpu.dma_semaphore, #tpu.memory_space<semaphore_mem>>)
      } else {
      }
      %scan3A_1996 = arith.constant 0 : i32
      scf.yield %scan3A_1996 : i32
    }
    %scan3A_1388 = arith.constant 31 : i32
    %dma_wait3A_1389 = arith.constant 4 : i32
    %dma_wait3A_1390 = arith.constant 9 : i32
    %dma_wait3A_1391 = arith.constant 1 : i32
    %dma_wait3A_1392 = arith.constant 4 : i32
    %dma_wait3A_1393 = arith.constant 0 : i32
    %dma_wait3A_1394 = arith.constant 0 : i32
    %dma_wait3A_1395 = tpu.memref_slice %arg8[%dma_wait3A_1389, %dma_wait3A_1393, %dma_wait3A_1394] : memref<5x128x64xf32, #tpu.memory_space<vmem>> -> memref<1x128x64xf32, #tpu.memory_space<vmem>>
    %dma_wait3A_1396 = tpu.memref_squeeze %dma_wait3A_1395 : memref<1x128x64xf32, #tpu.memory_space<vmem>> -> memref<128x64xf32, #tpu.memory_space<vmem>>
    %dma_wait3A_1397 = arith.constant 0 : i32
    %dma_wait3A_1398 = tpu.memref_slice %arg7[%dma_wait3A_1390, %dma_wait3A_1391, %dma_wait3A_1397] : memref<10x2x128xi32, #tpu.memory_space<vmem>> -> memref<1x1x128xi32, #tpu.memory_space<vmem>>
    %dma_wait3A_1399 = tpu.memref_squeeze %dma_wait3A_1398 : memref<1x1x128xi32, #tpu.memory_space<vmem>> -> memref<128xi32, #tpu.memory_space<vmem>>
    %dma_wait3A_1400 = arith.constant 0 : i32
    %dma_wait3A_1401 = arith.constant 0 : i32
    %dma_wait3A_1402 = tpu.memref_slice %arg12[%dma_wait3A_1400, %dma_wait3A_1401] : memref<10240x64xf32, #tpu.memory_space<vmem_shared>> -> memref<10240x64xf32, #tpu.memory_space<vmem_shared>>
    %dma_wait3A_1403 = tpu.memref_slice %arg15[%dma_wait3A_1392] : memref<5x!tpu.dma_semaphore, #tpu.memory_space<semaphore_mem>> -> memref<1x!tpu.dma_semaphore, #tpu.memory_space<semaphore_mem>>
    %dma_wait3A_1404 = tpu.memref_squeeze %dma_wait3A_1403 : memref<1x!tpu.dma_semaphore, #tpu.memory_space<semaphore_mem>> -> memref<!tpu.dma_semaphore, #tpu.memory_space<semaphore_mem>>
    tpu.wait_indirect_dma semaphore(%dma_wait3A_1404 : memref<!tpu.dma_semaphore, #tpu.memory_space<semaphore_mem>>) src(%dma_wait3A_1396 : memref<128x64xf32, #tpu.memory_space<vmem>>) dst(%dma_wait3A_1402 : memref<10240x64xf32, #tpu.memory_space<vmem_shared>>)
    %dma_wait3A_1405 = arith.constant 4 : i32
    %dma_wait3A_1406 = arith.constant 9 : i32
    %dma_wait3A_1407 = arith.constant 1 : i32
    %dma_wait3A_1408 = arith.constant 4 : i32
    %dma_wait3A_1409 = arith.constant 0 : i32
    %dma_wait3A_1410 = tpu.memref_slice %arg9[%dma_wait3A_1405, %dma_wait3A_1409] : memref<5x128xf32, #tpu.memory_space<vmem>> -> memref<1x128xf32, #tpu.memory_space<vmem>>
    %dma_wait3A_1411 = tpu.memref_squeeze %dma_wait3A_1410 : memref<1x128xf32, #tpu.memory_space<vmem>> -> memref<128xf32, #tpu.memory_space<vmem>>
    %dma_wait3A_1412 = arith.constant 0 : i32
    %dma_wait3A_1413 = tpu.memref_slice %arg7[%dma_wait3A_1406, %dma_wait3A_1407, %dma_wait3A_1412] : memref<10x2x128xi32, #tpu.memory_space<vmem>> -> memref<1x1x128xi32, #tpu.memory_space<vmem>>
    %dma_wait3A_1414 = tpu.memref_squeeze %dma_wait3A_1413 : memref<1x1x128xi32, #tpu.memory_space<vmem>> -> memref<128xi32, #tpu.memory_space<vmem>>
    %dma_wait3A_1415 = arith.constant 0 : i32
    %dma_wait3A_1416 = tpu.memref_slice %arg13[%dma_wait3A_1415] : memref<10240xf32, #tpu.memory_space<vmem_shared>> -> memref<10240xf32, #tpu.memory_space<vmem_shared>>
    %dma_wait3A_1417 = tpu.memref_slice %arg18[%dma_wait3A_1408] : memref<5x!tpu.dma_semaphore, #tpu.memory_space<semaphore_mem>> -> memref<1x!tpu.dma_semaphore, #tpu.memory_space<semaphore_mem>>
    %dma_wait3A_1418 = tpu.memref_squeeze %dma_wait3A_1417 : memref<1x!tpu.dma_semaphore, #tpu.memory_space<semaphore_mem>> -> memref<!tpu.dma_semaphore, #tpu.memory_space<semaphore_mem>>
    tpu.wait_indirect_dma semaphore(%dma_wait3A_1418 : memref<!tpu.dma_semaphore, #tpu.memory_space<semaphore_mem>>) src(%dma_wait3A_1411 : memref<128xf32, #tpu.memory_space<vmem>>) dst(%dma_wait3A_1416 : memref<10240xf32, #tpu.memory_space<vmem_shared>>)
    %barrier3A_1419 = arith.constant 0 : index
    tpu.barrier barrier_id(%barrier3A_1419)
    %lt3A = arith.constant 15 : i32
    %lt3A_1420 = arith.cmpi slt, %arg1, %lt3A : i32
    %convert_element_type3A = arith.extui %lt3A_1420 : i1 to i32
    %cond3A = arith.constant 0 : i32
    %cond3A_1421 = arith.cmpi ne, %convert_element_type3A, %cond3A : i32
    scf.if %cond3A_1421 {
      %mul3A_1426 = arith.constant 632 : i32
      %mul3A_1427 = arith.muli %arg1, %mul3A_1426 : i32
      %mul3A_1428 = arith.constant 632 : i32
      %mul3A_1429 = arith.muli %arg1, %mul3A_1428 : i32
      "tpu.region"() ({
        %run_scoped3A = tpu.sem_alloc : memref<!tpu.dma_semaphore, #tpu.memory_space<semaphore_mem>>
        %dma_start3A_1434 = arith.constant 0 : i32
        %dma_start3A_1435 = tpu.memref_slice %arg5[%arg0, %mul3A_1429, %dma_start3A_1434] : memref<2x10000x64xf32, #tpu.memory_space<hbm>> -> memref<1x632x64xf32, #tpu.memory_space<hbm>>
        %dma_start3A_1436 = tpu.memref_squeeze %dma_start3A_1435 : memref<1x632x64xf32, #tpu.memory_space<hbm>> -> memref<632x64xf32, #tpu.memory_space<hbm>>
        %dma_start3A_1437 = arith.constant 0 : i32
        %dma_start3A_1438 = tpu.memref_slice %arg12[%mul3A_1427, %dma_start3A_1437] : memref<10240x64xf32, #tpu.memory_space<vmem_shared>> -> memref<632x64xf32, #tpu.memory_space<vmem_shared>>
        tpu.enqueue_dma source(%dma_start3A_1438 : memref<632x64xf32, #tpu.memory_space<vmem_shared>>) target(%dma_start3A_1436 : memref<632x64xf32, #tpu.memory_space<hbm>>) target_semaphore(%run_scoped3A : memref<!tpu.dma_semaphore, #tpu.memory_space<semaphore_mem>>)
        %dma_wait3A_1439 = arith.constant 0 : i32
        %dma_wait3A_1440 = tpu.memref_slice %arg5[%arg0, %mul3A_1429, %dma_wait3A_1439] : memref<2x10000x64xf32, #tpu.memory_space<hbm>> -> memref<1x632x64xf32, #tpu.memory_space<hbm>>
        %dma_wait3A_1441 = tpu.memref_squeeze %dma_wait3A_1440 : memref<1x632x64xf32, #tpu.memory_space<hbm>> -> memref<632x64xf32, #tpu.memory_space<hbm>>
        %dma_wait3A_1442 = arith.constant 0 : i32
        %dma_wait3A_1443 = tpu.memref_slice %arg12[%mul3A_1427, %dma_wait3A_1442] : memref<10240x64xf32, #tpu.memory_space<vmem_shared>> -> memref<632x64xf32, #tpu.memory_space<vmem_shared>>
        tpu.wait_dma2 semaphore(%run_scoped3A : memref<!tpu.dma_semaphore, #tpu.memory_space<semaphore_mem>>) src(%dma_wait3A_1443 : memref<632x64xf32, #tpu.memory_space<vmem_shared>>) dst(%dma_wait3A_1441 : memref<632x64xf32, #tpu.memory_space<hbm>>)
        tpu.yield
      }) : () -> ()
      %mul3A_1430 = arith.constant 632 : i32
      %mul3A_1431 = arith.muli %arg1, %mul3A_1430 : i32
      %mul3A_1432 = arith.constant 632 : i32
      %mul3A_1433 = arith.muli %arg1, %mul3A_1432 : i32
      "tpu.region"() ({
        %run_scoped3A = tpu.sem_alloc : memref<!tpu.dma_semaphore, #tpu.memory_space<semaphore_mem>>
        %dma_start3A_1434 = tpu.memref_slice %arg6[%arg0, %mul3A_1433] : memref<2x10000xf32, #tpu.memory_space<hbm>> -> memref<1x632xf32, #tpu.memory_space<hbm>>
        %dma_start3A_1435 = tpu.memref_squeeze %dma_start3A_1434 : memref<1x632xf32, #tpu.memory_space<hbm>> -> memref<632xf32, #tpu.memory_space<hbm>>
        %dma_start3A_1436 = tpu.memref_slice %arg13[%mul3A_1431] : memref<10240xf32, #tpu.memory_space<vmem_shared>> -> memref<632xf32, #tpu.memory_space<vmem_shared>>
        tpu.enqueue_dma source(%dma_start3A_1436 : memref<632xf32, #tpu.memory_space<vmem_shared>>) target(%dma_start3A_1435 : memref<632xf32, #tpu.memory_space<hbm>>) target_semaphore(%run_scoped3A : memref<!tpu.dma_semaphore, #tpu.memory_space<semaphore_mem>>)
        %dma_wait3A_1437 = tpu.memref_slice %arg6[%arg0, %mul3A_1433] : memref<2x10000xf32, #tpu.memory_space<hbm>> -> memref<1x632xf32, #tpu.memory_space<hbm>>
        %dma_wait3A_1438 = tpu.memref_squeeze %dma_wait3A_1437 : memref<1x632xf32, #tpu.memory_space<hbm>> -> memref<632xf32, #tpu.memory_space<hbm>>
        %dma_wait3A_1439 = tpu.memref_slice %arg13[%mul3A_1431] : memref<10240xf32, #tpu.memory_space<vmem_shared>> -> memref<632xf32, #tpu.memory_space<vmem_shared>>
        tpu.wait_dma2 semaphore(%run_scoped3A : memref<!tpu.dma_semaphore, #tpu.memory_space<semaphore_mem>>) src(%dma_wait3A_1439 : memref<632xf32, #tpu.memory_space<vmem_shared>>) dst(%dma_wait3A_1438 : memref<632xf32, #tpu.memory_space<hbm>>)
        tpu.yield
      }) : () -> ()
    } else {
    }
    %eq3A = arith.constant 15 : i32
    %eq3A_1422 = arith.cmpi eq, %arg1, %eq3A : i32
    %convert_element_type3A_1423 = arith.extui %eq3A_1422 : i1 to i32
    %cond3A_1424 = arith.constant 0 : i32
    %cond3A_1425 = arith.cmpi ne, %convert_element_type3A_1423, %cond3A_1424 : i32
    scf.if %cond3A_1425 {
      "tpu.region"() ({
        %run_scoped3A = tpu.sem_alloc : memref<!tpu.dma_semaphore, #tpu.memory_space<semaphore_mem>>
        %dma_start3A_1426 = arith.constant 9480 : i32
        %dma_start3A_1427 = arith.constant 0 : i32
        %dma_start3A_1428 = tpu.memref_slice %arg5[%arg0, %dma_start3A_1426, %dma_start3A_1427] : memref<2x10000x64xf32, #tpu.memory_space<hbm>> -> memref<1x520x64xf32, #tpu.memory_space<hbm>>
        %dma_start3A_1429 = tpu.memref_squeeze %dma_start3A_1428 : memref<1x520x64xf32, #tpu.memory_space<hbm>> -> memref<520x64xf32, #tpu.memory_space<hbm>>
        %dma_start3A_1430 = arith.constant 9480 : i32
        %dma_start3A_1431 = arith.constant 0 : i32
        %dma_start3A_1432 = tpu.memref_slice %arg12[%dma_start3A_1430, %dma_start3A_1431] : memref<10240x64xf32, #tpu.memory_space<vmem_shared>> -> memref<520x64xf32, #tpu.memory_space<vmem_shared>>
        tpu.enqueue_dma source(%dma_start3A_1432 : memref<520x64xf32, #tpu.memory_space<vmem_shared>>) target(%dma_start3A_1429 : memref<520x64xf32, #tpu.memory_space<hbm>>) target_semaphore(%run_scoped3A : memref<!tpu.dma_semaphore, #tpu.memory_space<semaphore_mem>>)
        %dma_wait3A_1433 = arith.constant 9480 : i32
        %dma_wait3A_1434 = arith.constant 0 : i32
        %dma_wait3A_1435 = tpu.memref_slice %arg5[%arg0, %dma_wait3A_1433, %dma_wait3A_1434] : memref<2x10000x64xf32, #tpu.memory_space<hbm>> -> memref<1x520x64xf32, #tpu.memory_space<hbm>>
        %dma_wait3A_1436 = tpu.memref_squeeze %dma_wait3A_1435 : memref<1x520x64xf32, #tpu.memory_space<hbm>> -> memref<520x64xf32, #tpu.memory_space<hbm>>
        %dma_wait3A_1437 = arith.constant 9480 : i32
        %dma_wait3A_1438 = arith.constant 0 : i32
        %dma_wait3A_1439 = tpu.memref_slice %arg12[%dma_wait3A_1437, %dma_wait3A_1438] : memref<10240x64xf32, #tpu.memory_space<vmem_shared>> -> memref<520x64xf32, #tpu.memory_space<vmem_shared>>
        tpu.wait_dma2 semaphore(%run_scoped3A : memref<!tpu.dma_semaphore, #tpu.memory_space<semaphore_mem>>) src(%dma_wait3A_1439 : memref<520x64xf32, #tpu.memory_space<vmem_shared>>) dst(%dma_wait3A_1436 : memref<520x64xf32, #tpu.memory_space<hbm>>)
        tpu.yield
      }) : () -> ()
      "tpu.region"() ({
        %run_scoped3A = tpu.sem_alloc : memref<!tpu.dma_semaphore, #tpu.memory_space<semaphore_mem>>
        %dma_start3A_1426 = arith.constant 9480 : i32
        %dma_start3A_1427 = tpu.memref_slice %arg6[%arg0, %dma_start3A_1426] : memref<2x10000xf32, #tpu.memory_space<hbm>> -> memref<1x520xf32, #tpu.memory_space<hbm>>
        %dma_start3A_1428 = tpu.memref_squeeze %dma_start3A_1427 : memref<1x520xf32, #tpu.memory_space<hbm>> -> memref<520xf32, #tpu.memory_space<hbm>>
        %dma_start3A_1429 = arith.constant 9480 : i32
        %dma_start3A_1430 = tpu.memref_slice %arg13[%dma_start3A_1429] : memref<10240xf32, #tpu.memory_space<vmem_shared>> -> memref<520xf32, #tpu.memory_space<vmem_shared>>
        tpu.enqueue_dma source(%dma_start3A_1430 : memref<520xf32, #tpu.memory_space<vmem_shared>>) target(%dma_start3A_1428 : memref<520xf32, #tpu.memory_space<hbm>>) target_semaphore(%run_scoped3A : memref<!tpu.dma_semaphore, #tpu.memory_space<semaphore_mem>>)
        %dma_wait3A_1431 = arith.constant 9480 : i32
        %dma_wait3A_1432 = tpu.memref_slice %arg6[%arg0, %dma_wait3A_1431] : memref<2x10000xf32, #tpu.memory_space<hbm>> -> memref<1x520xf32, #tpu.memory_space<hbm>>
        %dma_wait3A_1433 = tpu.memref_squeeze %dma_wait3A_1432 : memref<1x520xf32, #tpu.memory_space<hbm>> -> memref<520xf32, #tpu.memory_space<hbm>>
        %dma_wait3A_1434 = arith.constant 9480 : i32
        %dma_wait3A_1435 = tpu.memref_slice %arg13[%dma_wait3A_1434] : memref<10240xf32, #tpu.memory_space<vmem_shared>> -> memref<520xf32, #tpu.memory_space<vmem_shared>>
        tpu.wait_dma2 semaphore(%run_scoped3A : memref<!tpu.dma_semaphore, #tpu.memory_space<semaphore_mem>>) src(%dma_wait3A_1435 : memref<520xf32, #tpu.memory_space<vmem_shared>>) dst(%dma_wait3A_1433 : memref<520xf32, #tpu.memory_space<hbm>>)
        tpu.yield
      }) : () -> ()
    } else {
    }
    return
  }
}

module attributes {stable_mosaic.version = 14 : i64} {
  func.func @_tc_body(%arg0: i32, %arg1: memref<1000x128xf32, #tpu.memory_space<vmem>>, %arg2: memref<1000x1xf32, #tpu.memory_space<vmem>>, %arg3: memref<1x1000x64xf32, #tpu.memory_space<vmem>>, %arg4: memref<1x1000x64xf32, #tpu.memory_space<vmem>>, %arg5: memref<1x1000x1xf32, #tpu.memory_space<vmem>>, %arg6: memref<1x1000x1xf32, #tpu.memory_space<vmem>>, %arg7: memref<128x128xf32, #tpu.memory_space<vmem>>, %arg8: memref<1x128xf32, #tpu.memory_space<vmem>>, %arg9: memref<64x128xf32, #tpu.memory_space<vmem>>, %arg10: memref<64x128xf32, #tpu.memory_space<vmem>>, %arg11: memref<1x128xf32, #tpu.memory_space<vmem>>, %arg12: memref<128x128xf32, #tpu.memory_space<vmem>>, %arg13: memref<1x128xf32, #tpu.memory_space<vmem>>, %arg14: memref<128x128xf32, #tpu.memory_space<vmem>>, %arg15: memref<128x128xf32, #tpu.memory_space<vmem>>, %arg16: memref<1x128xf32, #tpu.memory_space<vmem>>, %arg17: memref<1x128xf32, #tpu.memory_space<vmem>>, %arg18: memref<128x128xf32, #tpu.memory_space<vmem>>, %arg19: memref<1x128xf32, #tpu.memory_space<vmem>>, %arg20: memref<128x1xf32, #tpu.memory_space<vmem>>, %arg21: memref<1x1xf32, #tpu.memory_space<vmem>>, %arg22: memref<1000x1xf32, #tpu.memory_space<vmem>>) attributes {dimension_semantics = [#tpu.dimension_semantics<arbitrary>], iteration_bounds = array<i64: 10>, scalar_prefetch = 0 : i64, scratch_operands = 0 : i64, tpu.core_type = #tpu.core_type<tc>, window_params = [{transform_indices = @transform_0, window_bounds = array<i64: 1000, 128>}, {transform_indices = @transform_1, window_bounds = array<i64: 1000, 1>}, {transform_indices = @transform_2, window_bounds = array<i64: 1, 1000, 64>}, {transform_indices = @transform_3, window_bounds = array<i64: 1, 1000, 64>}, {transform_indices = @transform_4, window_bounds = array<i64: 1, 1000, 1>}, {transform_indices = @transform_5, window_bounds = array<i64: 1, 1000, 1>}, {pipeline_mode = #tpu.pipeline_mode<synchronous>, transform_indices = @transform_6, window_bounds = array<i64: 128, 128>}, {pipeline_mode = #tpu.pipeline_mode<synchronous>, transform_indices = @transform_7, window_bounds = array<i64: 1, 128>}, {pipeline_mode = #tpu.pipeline_mode<synchronous>, transform_indices = @transform_8, window_bounds = array<i64: 64, 128>}, {pipeline_mode = #tpu.pipeline_mode<synchronous>, transform_indices = @transform_9, window_bounds = array<i64: 64, 128>}, {pipeline_mode = #tpu.pipeline_mode<synchronous>, transform_indices = @transform_10, window_bounds = array<i64: 1, 128>}, {pipeline_mode = #tpu.pipeline_mode<synchronous>, transform_indices = @transform_11, window_bounds = array<i64: 128, 128>}, {pipeline_mode = #tpu.pipeline_mode<synchronous>, transform_indices = @transform_12, window_bounds = array<i64: 1, 128>}, {pipeline_mode = #tpu.pipeline_mode<synchronous>, transform_indices = @transform_13, window_bounds = array<i64: 128, 128>}, {pipeline_mode = #tpu.pipeline_mode<synchronous>, transform_indices = @transform_14, window_bounds = array<i64: 128, 128>}, {pipeline_mode = #tpu.pipeline_mode<synchronous>, transform_indices = @transform_15, window_bounds = array<i64: 1, 128>}, {pipeline_mode = #tpu.pipeline_mode<synchronous>, transform_indices = @transform_16, window_bounds = array<i64: 1, 128>}, {pipeline_mode = #tpu.pipeline_mode<synchronous>, transform_indices = @transform_17, window_bounds = array<i64: 128, 128>}, {pipeline_mode = #tpu.pipeline_mode<synchronous>, transform_indices = @transform_18, window_bounds = array<i64: 1, 128>}, {pipeline_mode = #tpu.pipeline_mode<synchronous>, transform_indices = @transform_19, window_bounds = array<i64: 128, 1>}, {pipeline_mode = #tpu.pipeline_mode<synchronous>, transform_indices = @transform_20, window_bounds = array<i64: 1, 1>}, {transform_indices = @transform_21, window_bounds = array<i64: 1000, 1>}]} {
    %get3A = arith.constant 0 : index
    %get3A_0 = arith.constant 0 : index
    %get3A_1 = vector.load %arg1[%get3A, %get3A_0] : memref<1000x128xf32, #tpu.memory_space<vmem>>, vector<1000x128xf32>
    %get3A_2 = arith.constant 0 : index
    %get3A_3 = arith.constant 0 : index
    %get3A_4 = vector.load %arg2[%get3A_2, %get3A_3] : memref<1000x1xf32, #tpu.memory_space<vmem>>, vector<1000x1xf32>
    %get3A_5 = arith.constant 0 : index
    %get3A_6 = arith.constant 0 : index
    %get3A_7 = arith.constant 0 : index
    %get3A_8 = vector.load %arg3[%get3A_5, %get3A_6, %get3A_7] : memref<1x1000x64xf32, #tpu.memory_space<vmem>>, vector<1x1000x64xf32>
    %get3A_9 = vector.shape_cast %get3A_8 : vector<1x1000x64xf32> to vector<1000x64xf32>
    %get3A_10 = arith.constant 0 : index
    %get3A_11 = arith.constant 0 : index
    %get3A_12 = arith.constant 0 : index
    %get3A_13 = vector.load %arg4[%get3A_10, %get3A_11, %get3A_12] : memref<1x1000x64xf32, #tpu.memory_space<vmem>>, vector<1x1000x64xf32>
    %get3A_14 = vector.shape_cast %get3A_13 : vector<1x1000x64xf32> to vector<1000x64xf32>
    %get3A_15 = arith.constant 0 : index
    %get3A_16 = arith.constant 0 : index
    %get3A_17 = arith.constant 0 : index
    %get3A_18 = vector.load %arg5[%get3A_15, %get3A_16, %get3A_17] : memref<1x1000x1xf32, #tpu.memory_space<vmem>>, vector<1x1000x1xf32>
    %get3A_19 = vector.shape_cast %get3A_18 : vector<1x1000x1xf32> to vector<1000x1xf32>
    %add3A = arith.addf %get3A_4, %get3A_19 : vector<1000x1xf32>
    %get3A_20 = arith.constant 0 : index
    %get3A_21 = arith.constant 0 : index
    %get3A_22 = arith.constant 0 : index
    %get3A_23 = vector.load %arg6[%get3A_20, %get3A_21, %get3A_22] : memref<1x1000x1xf32, #tpu.memory_space<vmem>>, vector<1x1000x1xf32>
    %get3A_24 = vector.shape_cast %get3A_23 : vector<1x1000x1xf32> to vector<1000x1xf32>
    %add3A_25 = arith.addf %add3A, %get3A_24 : vector<1000x1xf32>
    %get3A_26 = arith.constant 0 : index
    %get3A_27 = arith.constant 0 : index
    %get3A_28 = vector.load %arg7[%get3A_26, %get3A_27] : memref<128x128xf32, #tpu.memory_space<vmem>>, vector<128x128xf32>
    %dot_general3A = arith.constant dense<0.000000e+00> : vector<1000x128xf32>
    %dot_general3A_29 = tpu.matmul %get3A_1, %get3A_28, %dot_general3A {dimension_numbers = #tpu.dot_dimension_numbers<[1], [0], [0], [1], [0, 0, 1, 1], [], []>, transpose_lhs_hint = false} : vector<1000x128xf32>, vector<128x128xf32>, vector<1000x128xf32> -> vector<1000x128xf32>
    %get3A_30 = arith.constant 0 : index
    %get3A_31 = arith.constant 0 : index
    %get3A_32 = vector.load %arg9[%get3A_30, %get3A_31] : memref<64x128xf32, #tpu.memory_space<vmem>>, vector<64x128xf32>
    %dot_general3A_33 = arith.constant dense<0.000000e+00> : vector<1000x128xf32>
    %dot_general3A_34 = tpu.matmul %get3A_9, %get3A_32, %dot_general3A_33 {dimension_numbers = #tpu.dot_dimension_numbers<[1], [0], [0], [1], [0, 0, 1, 1], [], []>, transpose_lhs_hint = false} : vector<1000x64xf32>, vector<64x128xf32>, vector<1000x128xf32> -> vector<1000x128xf32>
    %add3A_35 = arith.addf %dot_general3A_29, %dot_general3A_34 : vector<1000x128xf32>
    %get3A_36 = arith.constant 0 : index
    %get3A_37 = arith.constant 0 : index
    %get3A_38 = vector.load %arg10[%get3A_36, %get3A_37] : memref<64x128xf32, #tpu.memory_space<vmem>>, vector<64x128xf32>
    %dot_general3A_39 = arith.constant dense<0.000000e+00> : vector<1000x128xf32>
    %dot_general3A_40 = tpu.matmul %get3A_14, %get3A_38, %dot_general3A_39 {dimension_numbers = #tpu.dot_dimension_numbers<[1], [0], [0], [1], [0, 0, 1, 1], [], []>, transpose_lhs_hint = false} : vector<1000x64xf32>, vector<64x128xf32>, vector<1000x128xf32> -> vector<1000x128xf32>
    %add3A_41 = arith.addf %add3A_35, %dot_general3A_40 : vector<1000x128xf32>
    %get3A_42 = arith.constant 0 : index
    %get3A_43 = arith.constant 0 : index
    %get3A_44 = vector.load %arg8[%get3A_42, %get3A_43] : memref<1x128xf32, #tpu.memory_space<vmem>>, vector<1x128xf32>
    %mul3A = vector.broadcast %add3A_25 : vector<1000x1xf32> to vector<1000x128xf32>
    %mul3A_45 = vector.broadcast %get3A_44 : vector<1x128xf32> to vector<1000x128xf32>
    %mul3A_46 = arith.mulf %mul3A, %mul3A_45 : vector<1000x128xf32>
    %add3A_47 = arith.addf %add3A_41, %mul3A_46 : vector<1000x128xf32>
    %get3A_48 = arith.constant 0 : index
    %get3A_49 = arith.constant 0 : index
    %get3A_50 = vector.load %arg11[%get3A_48, %get3A_49] : memref<1x128xf32, #tpu.memory_space<vmem>>, vector<1x128xf32>
    %add3A_51 = vector.broadcast %get3A_50 : vector<1x128xf32> to vector<1000x128xf32>
    %add3A_52 = arith.addf %add3A_47, %add3A_51 : vector<1000x128xf32>
    %max3A = arith.constant 0.000000e+00 : f32
    %max3A_53 = vector.broadcast %max3A : f32 to vector<1000x128xf32>
    %max3A_54 = arith.maximumf %add3A_52, %max3A_53 : vector<1000x128xf32>
    %get3A_55 = arith.constant 0 : index
    %get3A_56 = arith.constant 0 : index
    %get3A_57 = vector.load %arg12[%get3A_55, %get3A_56] : memref<128x128xf32, #tpu.memory_space<vmem>>, vector<128x128xf32>
    %dot_general3A_58 = arith.constant dense<0.000000e+00> : vector<1000x128xf32>
    %dot_general3A_59 = tpu.matmul %max3A_54, %get3A_57, %dot_general3A_58 {dimension_numbers = #tpu.dot_dimension_numbers<[1], [0], [0], [1], [0, 0, 1, 1], [], []>, transpose_lhs_hint = false} : vector<1000x128xf32>, vector<128x128xf32>, vector<1000x128xf32> -> vector<1000x128xf32>
    %get3A_60 = arith.constant 0 : index
    %get3A_61 = arith.constant 0 : index
    %get3A_62 = vector.load %arg13[%get3A_60, %get3A_61] : memref<1x128xf32, #tpu.memory_space<vmem>>, vector<1x128xf32>
    %add3A_63 = vector.broadcast %get3A_62 : vector<1x128xf32> to vector<1000x128xf32>
    %add3A_64 = arith.addf %dot_general3A_59, %add3A_63 : vector<1000x128xf32>
    %tanh3A = math.tanh %add3A_64 : vector<1000x128xf32>
    %max3A_65 = arith.constant 0.000000e+00 : f32
    %max3A_66 = vector.broadcast %max3A_65 : f32 to vector<1000x128xf32>
    %max3A_67 = arith.maximumf %tanh3A, %max3A_66 : vector<1000x128xf32>
    %get3A_68 = arith.constant 0 : index
    %get3A_69 = arith.constant 0 : index
    %get3A_70 = vector.load %arg14[%get3A_68, %get3A_69] : memref<128x128xf32, #tpu.memory_space<vmem>>, vector<128x128xf32>
    %dot_general3A_71 = arith.constant dense<0.000000e+00> : vector<1000x128xf32>
    %dot_general3A_72 = tpu.matmul %max3A_67, %get3A_70, %dot_general3A_71 {dimension_numbers = #tpu.dot_dimension_numbers<[1], [0], [0], [1], [0, 0, 1, 1], [], []>, transpose_lhs_hint = false} : vector<1000x128xf32>, vector<128x128xf32>, vector<1000x128xf32> -> vector<1000x128xf32>
    %get3A_73 = arith.constant 0 : index
    %get3A_74 = arith.constant 0 : index
    %get3A_75 = vector.load %arg15[%get3A_73, %get3A_74] : memref<128x128xf32, #tpu.memory_space<vmem>>, vector<128x128xf32>
    %dot_general3A_76 = arith.constant dense<0.000000e+00> : vector<1000x128xf32>
    %dot_general3A_77 = tpu.matmul %get3A_1, %get3A_75, %dot_general3A_76 {dimension_numbers = #tpu.dot_dimension_numbers<[1], [0], [0], [1], [0, 0, 1, 1], [], []>, transpose_lhs_hint = false} : vector<1000x128xf32>, vector<128x128xf32>, vector<1000x128xf32> -> vector<1000x128xf32>
    %add3A_78 = arith.addf %dot_general3A_72, %dot_general3A_77 : vector<1000x128xf32>
    %get3A_79 = arith.constant 0 : index
    %get3A_80 = arith.constant 0 : index
    %get3A_81 = vector.load %arg16[%get3A_79, %get3A_80] : memref<1x128xf32, #tpu.memory_space<vmem>>, vector<1x128xf32>
    %mul3A_82 = vector.broadcast %get3A_4 : vector<1000x1xf32> to vector<1000x128xf32>
    %mul3A_83 = vector.broadcast %get3A_81 : vector<1x128xf32> to vector<1000x128xf32>
    %mul3A_84 = arith.mulf %mul3A_82, %mul3A_83 : vector<1000x128xf32>
    %add3A_85 = arith.addf %add3A_78, %mul3A_84 : vector<1000x128xf32>
    %get3A_86 = arith.constant 0 : index
    %get3A_87 = arith.constant 0 : index
    %get3A_88 = vector.load %arg17[%get3A_86, %get3A_87] : memref<1x128xf32, #tpu.memory_space<vmem>>, vector<1x128xf32>
    %add3A_89 = vector.broadcast %get3A_88 : vector<1x128xf32> to vector<1000x128xf32>
    %add3A_90 = arith.addf %add3A_85, %add3A_89 : vector<1000x128xf32>
    %ge3A = arith.constant 0.000000e+00 : f32
    %ge3A_91 = vector.broadcast %ge3A : f32 to vector<1000x128xf32>
    %ge3A_92 = arith.cmpf oge, %add3A_90, %ge3A_91 : vector<1000x128xf32>
    %mul3A_93 = arith.constant 2.000000e-01 : f32
    %mul3A_94 = vector.broadcast %mul3A_93 : f32 to vector<1000x128xf32>
    %mul3A_95 = arith.mulf %mul3A_94, %add3A_90 : vector<1000x128xf32>
    %select_n3A = arith.select %ge3A_92, %add3A_90, %mul3A_95 : vector<1000x128xi1>, vector<1000x128xf32>
    %get3A_96 = arith.constant 0 : index
    %get3A_97 = arith.constant 0 : index
    %get3A_98 = vector.load %arg18[%get3A_96, %get3A_97] : memref<128x128xf32, #tpu.memory_space<vmem>>, vector<128x128xf32>
    %dot_general3A_99 = arith.constant dense<0.000000e+00> : vector<1000x128xf32>
    %dot_general3A_100 = tpu.matmul %select_n3A, %get3A_98, %dot_general3A_99 {dimension_numbers = #tpu.dot_dimension_numbers<[1], [0], [0], [1], [0, 0, 1, 1], [], []>, transpose_lhs_hint = false} : vector<1000x128xf32>, vector<128x128xf32>, vector<1000x128xf32> -> vector<1000x128xf32>
    %get3A_101 = arith.constant 0 : index
    %get3A_102 = arith.constant 0 : index
    %get3A_103 = vector.load %arg19[%get3A_101, %get3A_102] : memref<1x128xf32, #tpu.memory_space<vmem>>, vector<1x128xf32>
    %add3A_104 = vector.broadcast %get3A_103 : vector<1x128xf32> to vector<1000x128xf32>
    %add3A_105 = arith.addf %dot_general3A_100, %add3A_104 : vector<1000x128xf32>
    %ge3A_106 = arith.constant 0.000000e+00 : f32
    %ge3A_107 = vector.broadcast %ge3A_106 : f32 to vector<1000x128xf32>
    %ge3A_108 = arith.cmpf oge, %add3A_105, %ge3A_107 : vector<1000x128xf32>
    %mul3A_109 = arith.constant 2.000000e-01 : f32
    %mul3A_110 = vector.broadcast %mul3A_109 : f32 to vector<1000x128xf32>
    %mul3A_111 = arith.mulf %mul3A_110, %add3A_105 : vector<1000x128xf32>
    %select_n3A_112 = arith.select %ge3A_108, %add3A_105, %mul3A_111 : vector<1000x128xi1>, vector<1000x128xf32>
    %get3A_113 = arith.constant 0 : index
    %get3A_114 = arith.constant 0 : index
    %get3A_115 = vector.load %arg20[%get3A_113, %get3A_114] : memref<128x1xf32, #tpu.memory_space<vmem>>, vector<128x1xf32>
    %dot_general3A_116 = arith.constant dense<0.000000e+00> : vector<1000x1xf32>
    %dot_general3A_117 = tpu.matmul %select_n3A_112, %get3A_115, %dot_general3A_116 {dimension_numbers = #tpu.dot_dimension_numbers<[1], [0], [0], [1], [0, 0, 1, 1], [], []>, transpose_lhs_hint = false} : vector<1000x128xf32>, vector<128x1xf32>, vector<1000x1xf32> -> vector<1000x1xf32>
    %get3A_118 = arith.constant 0 : index
    %get3A_119 = arith.constant 0 : index
    %get3A_120 = vector.load %arg21[%get3A_118, %get3A_119] : memref<1x1xf32, #tpu.memory_space<vmem>>, vector<1x1xf32>
    %add3A_121 = vector.broadcast %get3A_120 : vector<1x1xf32> to vector<1000x1xf32>
    %add3A_122 = arith.addf %dot_general3A_117, %add3A_121 : vector<1000x1xf32>
    %swap3A = arith.constant 0 : index
    %swap3A_123 = arith.constant 0 : index
    %swap3A_124 = vector.load %arg22[%swap3A, %swap3A_123] : memref<1000x1xf32, #tpu.memory_space<vmem>>, vector<1000x1xf32>
    tpu.vector_store %arg22[%swap3A, %swap3A_123], %add3A_122 {strides = array<i32>} : memref<1000x1xf32, #tpu.memory_space<vmem>>, vector<1000x1xf32>,
    return
  }
  func.func @transform_0(%arg0: i32) -> (i32, i32) {
    %c0_i32 = arith.constant 0 : i32
    %c0_i32_0 = arith.constant 0 : i32
    return %arg0, %c0_i32 : i32, i32
  }
  func.func @transform_1(%arg0: i32) -> (i32, i32) {
    %c0_i32 = arith.constant 0 : i32
    %c0_i32_0 = arith.constant 0 : i32
    return %arg0, %c0_i32 : i32, i32
  }
  func.func @transform_2(%arg0: i32) -> (i32, i32, i32) {
    %c0_i32 = arith.constant 0 : i32
    %c0_i32_0 = arith.constant 0 : i32
    %c0_i32_1 = arith.constant 0 : i32
    return %c0_i32, %arg0, %c0_i32_0 : i32, i32, i32
  }
  func.func @transform_3(%arg0: i32) -> (i32, i32, i32) {
    %c1_i32 = arith.constant 1 : i32
    %c0_i32 = arith.constant 0 : i32
    %c0_i32_0 = arith.constant 0 : i32
    return %c1_i32, %arg0, %c0_i32 : i32, i32, i32
  }
  func.func @transform_4(%arg0: i32) -> (i32, i32, i32) {
    %c0_i32 = arith.constant 0 : i32
    %c0_i32_0 = arith.constant 0 : i32
    %c0_i32_1 = arith.constant 0 : i32
    return %c0_i32, %arg0, %c0_i32_0 : i32, i32, i32
  }
  func.func @transform_5(%arg0: i32) -> (i32, i32, i32) {
    %c1_i32 = arith.constant 1 : i32
    %c0_i32 = arith.constant 0 : i32
    %c0_i32_0 = arith.constant 0 : i32
    return %c1_i32, %arg0, %c0_i32 : i32, i32, i32
  }
  func.func @transform_6(%arg0: i32) -> (i32, i32) {
    %c0_i32 = arith.constant 0 : i32
    %c0_i32_0 = arith.constant 0 : i32
    %c0_i32_1 = arith.constant 0 : i32
    return %c0_i32, %c0_i32_0 : i32, i32
  }
  func.func @transform_7(%arg0: i32) -> (i32, i32) {
    %c0_i32 = arith.constant 0 : i32
    %c0_i32_0 = arith.constant 0 : i32
    %c0_i32_1 = arith.constant 0 : i32
    return %c0_i32, %c0_i32_0 : i32, i32
  }
  func.func @transform_8(%arg0: i32) -> (i32, i32) {
    %c0_i32 = arith.constant 0 : i32
    %c0_i32_0 = arith.constant 0 : i32
    %c0_i32_1 = arith.constant 0 : i32
    return %c0_i32, %c0_i32_0 : i32, i32
  }
  func.func @transform_9(%arg0: i32) -> (i32, i32) {
    %c0_i32 = arith.constant 0 : i32
    %c0_i32_0 = arith.constant 0 : i32
    %c0_i32_1 = arith.constant 0 : i32
    return %c0_i32, %c0_i32_0 : i32, i32
  }
  func.func @transform_10(%arg0: i32) -> (i32, i32) {
    %c0_i32 = arith.constant 0 : i32
    %c0_i32_0 = arith.constant 0 : i32
    %c0_i32_1 = arith.constant 0 : i32
    return %c0_i32, %c0_i32_0 : i32, i32
  }
  func.func @transform_11(%arg0: i32) -> (i32, i32) {
    %c0_i32 = arith.constant 0 : i32
    %c0_i32_0 = arith.constant 0 : i32
    %c0_i32_1 = arith.constant 0 : i32
    return %c0_i32, %c0_i32_0 : i32, i32
  }
  func.func @transform_12(%arg0: i32) -> (i32, i32) {
    %c0_i32 = arith.constant 0 : i32
    %c0_i32_0 = arith.constant 0 : i32
    %c0_i32_1 = arith.constant 0 : i32
    return %c0_i32, %c0_i32_0 : i32, i32
  }
  func.func @transform_13(%arg0: i32) -> (i32, i32) {
    %c0_i32 = arith.constant 0 : i32
    %c0_i32_0 = arith.constant 0 : i32
    %c0_i32_1 = arith.constant 0 : i32
    return %c0_i32, %c0_i32_0 : i32, i32
  }
  func.func @transform_14(%arg0: i32) -> (i32, i32) {
    %c0_i32 = arith.constant 0 : i32
    %c0_i32_0 = arith.constant 0 : i32
    %c0_i32_1 = arith.constant 0 : i32
    return %c0_i32, %c0_i32_0 : i32, i32
  }
  func.func @transform_15(%arg0: i32) -> (i32, i32) {
    %c0_i32 = arith.constant 0 : i32
    %c0_i32_0 = arith.constant 0 : i32
    %c0_i32_1 = arith.constant 0 : i32
    return %c0_i32, %c0_i32_0 : i32, i32
  }
  func.func @transform_16(%arg0: i32) -> (i32, i32) {
    %c0_i32 = arith.constant 0 : i32
    %c0_i32_0 = arith.constant 0 : i32
    %c0_i32_1 = arith.constant 0 : i32
    return %c0_i32, %c0_i32_0 : i32, i32
  }
  func.func @transform_17(%arg0: i32) -> (i32, i32) {
    %c0_i32 = arith.constant 0 : i32
    %c0_i32_0 = arith.constant 0 : i32
    %c0_i32_1 = arith.constant 0 : i32
    return %c0_i32, %c0_i32_0 : i32, i32
  }
  func.func @transform_18(%arg0: i32) -> (i32, i32) {
    %c0_i32 = arith.constant 0 : i32
    %c0_i32_0 = arith.constant 0 : i32
    %c0_i32_1 = arith.constant 0 : i32
    return %c0_i32, %c0_i32_0 : i32, i32
  }
  func.func @transform_19(%arg0: i32) -> (i32, i32) {
    %c0_i32 = arith.constant 0 : i32
    %c0_i32_0 = arith.constant 0 : i32
    %c0_i32_1 = arith.constant 0 : i32
    return %c0_i32, %c0_i32_0 : i32, i32
  }
  func.func @transform_20(%arg0: i32) -> (i32, i32) {
    %c0_i32 = arith.constant 0 : i32
    %c0_i32_0 = arith.constant 0 : i32
    %c0_i32_1 = arith.constant 0 : i32
    return %c0_i32, %c0_i32_0 : i32, i32
  }
  func.func @transform_21(%arg0: i32) -> (i32, i32) {
    %c0_i32 = arith.constant 0 : i32
    %c0_i32_0 = arith.constant 0 : i32
    return %arg0, %c0_i32 : i32, i32
  }
}

</mosaic_0001>

<sc_bundles>
// kernel: kernel.4.cloned.1.call-start
scs
__scs_entry_jumppad:
0x0: {  	(pc) =	sbr.rel $0x88, $3  }
0x1: {  	(tag) =	ssettag $0x0;
	lr =	simm.s32 $0x1  }
0x2: {  	[smem:$0x3F94] =	sst lr;
	_ =	strace $0xD0000000  }
0x3: {  	_ = 	snop  }
0x4: {  	_ = 	snop  }
0x5: {  	_ = 	snop  }
0x6: {  	_ = 	snop  }
0x7: {  	_ = 	snop  }
__scs_overlays_trampoline_lowered:
0x8: {  	[smem:$0x3FA3] =	sst s0  }
0x9: {  	[smem:$0x3FA4] =	sst s1  }
0xa: {  	[smem:$0x3FA5] =	sst s2  }
0xb: {  	[smem:$0x3FA6] =	sst s3  }
0xc: {  	[smem:$0x3FA7] =	sst s4  }
0xd: {  	[smem:$0x3FA8] =	sst s5  }
0xe: {  	[smem:$0x3FA9] =	sst s6  }
0xf: {  	[smem:$0x3FAA] =	sst s7  }
0x10: {  	[smem:$0x3FAB] =	sst s8  }
0x11: {  	[smem:$0x3FAC] =	sst s9;
	s0 =	simm.s32 @!p0 $0x0  }
0x12: {  	s1 =	sld [smem:$0x3F92];
	s0 =	simm.s32 @p0 $0x1  }
0x13: {  	[smem:$0x3FAD] =	sst s0;
	s0 =	simm.s32 @!p1 $0x0  }
0x14: {  	s2 =	sld [smem:$0x3F91];
	s0 =	simm.s32 @p1 $0x1  }
0x15: {  	[smem:$0x3FAE] =	sst s0;
	s0 =	simm.s32 @!p2 $0x0  }
0x16: {  	s3 =	sld [smem:$0x3FDB];
	s0 =	simm.s32 @p2 $0x1  }
0x17: {  	s4 =	simm.s32 $0x1BF5;
	[smem:$0x3FB0] =	sst s0  }
0x18: {  	s0 =	sld [smem:$0x3F93];
	_ =	swait.ge [sflag:s4], $0x0  }
0x19: {  	s7 =	sld [smem:$0x3F94]  }
0x1a: {  	s8 =	sadd.s32 $0xFFFFE003, lr  }
0x1b: {  	s9 =	sadd.s32 $0xFFFFFEF7, lr;
	s5 =	simm.s32 $0xFFFFFFFF;
	p2 =	slt.u32 s8, $0xFFFFF086  }
0x1c: {  	p1 =	slt.u32 s9, $0xF7A;
	s5 =	simm.s32 @!p2 $0x0  }
0x1d: {  	s5 =	simm.s32 @p1 $0x1;
	p0 =	seq.s32 s7, s2  }
0x1e: {  	s7 =	smul.u32 @!p0 $0xF7A, s2;
	p2 =	seq.s32 @!p0 s5, $0x0  }
0x1f: {  	s9 =	smul.u32 $0xF7A, s1;
	s8 =	simm.s32 @!p0 $0x1BF5;
	p2 =	por !p2, p0  }
0x20: {  	[sflag:s8] =	ssyncset.s32 @!p0 $0xFFFFF086;
	s6 =	sadd.s32 @!p0 s3, s7;
	s7 =	simm.s32 @!p0 $0x108  }
0x21: {  	s3 =	sadd.s32 s3, s9;
	s6 =	sadd.s32 @!p0 $0x88, s6;
	s7 =	simm.s32 @p2 $0x1082  }
0x22: {  	[simem:s7], [sflag:s8] =	dma.local @!p0 [hbm:s6], $0xF7A  }
0x23: {  	s9 =	sor.u32 $0xD0000000, s2;
	s6 =	simm.s32 $0x108;
	_ =	swait.ge @!p0 [sflag:s8], $0x0  }
0x24: {  	s3 =	sadd.s32 $0x88, s3;
	s6 =	simm.s32 @!p1 $0x1082;
	[sflag:s4] =	ssyncset.s32 $0xFFFFF086  }
0x25: {  	[simem:s6], [sflag:s4] =	dma.local [hbm:s3], $0xF7A  }
0x26: {  	[smem:$0x3F94] =	sst s1;
	(tag) =	ssettag s2;
	_ =	strace s9  }
0x27: {  	s1 =	sld [smem:$0x3FA4]  }
0x28: {  	s2 =	sld [smem:$0x3FA5]  }
0x29: {  	s4 =	sld [smem:$0x3FA7]  }
0x2a: {  	p0 =	seq.s32 s5, $0x0;
	s5 =	sld [smem:$0x3FA8]  }
0x2b: {  	s6 =	sld [smem:$0x3FA9]  }
0x2c: {  	s7 =	sld [smem:$0x3FAA]  }
0x2d: {  	s3 =	simm.s32 $0x108;
	s8 =	sld [smem:$0x3FAB]  }
0x2e: {  	s3 =	simm.s32 @!p0 $0x1082;
	s9 =	sld [smem:$0x3FAC]  }
0x2f: {  	lr =	sadd.s32 s0, s3;
	s0 =	sld [smem:$0x3FA3]  }
0x30: {  	s3 =	sld [smem:$0x3FA6]  }
0x31: {  	[smem:$0x3FAF] =	sst s10  }
0x32: {  	s10 =	sld [smem:$0x3FAD];
	_ =	sdelay $0x3  }
0x33: {  	p0 =	seq.s32 s10, $0x1;
	s10 =	sld [smem:$0x3FAF];
	_ =	sdelay $0x3  }
0x34: {  	[smem:$0x3FAF] =	sst s10  }
0x35: {  	s10 =	sld [smem:$0x3FAE];
	_ =	sdelay $0x3  }
0x36: {  	p1 =	seq.s32 s10, $0x1;
	s10 =	sld [smem:$0x3FAF];
	_ =	sdelay $0x3  }
0x37: {  	[smem:$0x3FAF] =	sst s10  }
0x38: {  	s10 =	sld [smem:$0x3FB0]  }
0x39: {  	_ = 	snop;
	(pc) =	sbr.ind lr, $3  }
0x3a: {  	_ = 	snop  }
0x3b: {  	_ = 	snop  }
0x3c: {  	p2 =	seq.s32 s10, $0x1;
	s10 =	sld [smem:$0x3FAF]  }
0x3d: {  	_ =	shalt  }
0x3e: {  	_ =	shalt  }
0x3f: {  	_ =	shalt  }
0x40: {  	_ =	shalt  }
0x41: {  	_ =	shalt  }
0x42: {  	_ =	shalt  }
0x43: {  	_ =	shalt  }
0x44: {  	_ =	shalt  }
0x45: {  	_ =	shalt  }
0x46: {  	_ =	shalt  }
0x47: {  	_ =	shalt  }
0x48: {  	_ =	shalt  }
0x49: {  	_ =	shalt  }
0x4a: {  	_ =	shalt  }
0x4b: {  	_ =	shalt  }
0x4c: {  	_ =	shalt  }
0x4d: {  	_ =	shalt  }
0x4e: {  	_ =	shalt  }
0x4f: {  	_ =	shalt  }
0x50: {  	_ =	shalt  }
0x51: {  	_ =	shalt  }
0x52: {  	_ =	shalt  }
0x53: {  	_ =	shalt  }
0x54: {  	_ =	shalt  }
0x55: {  	_ =	shalt  }
0x56: {  	_ =	shalt  }
0x57: {  	_ =	shalt  }
0x58: {  	_ =	shalt  }
0x59: {  	_ =	shalt  }
0x5a: {  	_ =	shalt  }
0x5b: {  	_ =	shalt  }
0x5c: {  	_ =	shalt  }
0x5d: {  	_ =	shalt  }
0x5e: {  	_ =	shalt  }
0x5f: {  	_ =	shalt  }
0x60: {  	_ =	shalt  }
0x61: {  	_ =	shalt  }
0x62: {  	_ =	shalt  }
0x63: {  	_ =	shalt  }
0x64: {  	_ =	shalt  }
0x65: {  	_ =	shalt  }
0x66: {  	_ =	shalt  }
0x67: {  	_ =	shalt  }
0x68: {  	_ =	shalt  }
0x69: {  	_ =	shalt  }
0x6a: {  	_ =	shalt  }
0x6b: {  	_ =	shalt  }
0x6c: {  	_ =	shalt  }
0x6d: {  	_ =	shalt  }
0x6e: {  	_ =	shalt  }
0x6f: {  	_ =	shalt  }
0x70: {  	_ =	shalt  }
0x71: {  	_ =	shalt  }
0x72: {  	_ =	shalt  }
0x73: {  	_ =	shalt  }
0x74: {  	_ =	shalt  }
0x75: {  	_ =	shalt  }
0x76: {  	_ =	shalt  }
0x77: {  	_ =	shalt  }
0x78: {  	_ =	shalt  }
0x79: {  	_ =	shalt  }
0x7a: {  	_ =	shalt  }
0x7b: {  	_ =	shalt  }
0x7c: {  	_ =	shalt  }
0x7d: {  	_ =	shalt  }
0x7e: {  	_ =	shalt  }
0x7f: {  	_ =	shalt  }
0x80: {  	_ =	shalt  }
0x81: {  	_ =	shalt  }
0x82: {  	_ =	shalt  }
0x83: {  	_ =	shalt  }
0x84: {  	_ =	shalt  }
0x85: {  	_ =	shalt  }
0x86: {  	_ =	shalt  }
0x87: {  	_ =	shalt  }
.Lfunc_end0:
.L_simem_size_0:
called_computation_lowered:
.L_overlay_start_0:
0x88: {  	s2 =	sld [smem:$0x3FD9]  }
0x89: {  	s3 =	sld [smem:$0x3FFE];
	_ =	sdelay $0x1  }
0x8a: {  	s1 =	srdreg.scid  }
0x8b: {  	s0 =	sand.u32 $0x1, s1  }
0x8c: {  	s16 =	sshll.u32 s0, $0xA;
	s2 =	sadd.s32 s3, s2  }
0x8d: {  	s2 =	sadd.s32 s2, s16  }
0x8e: {  	[smem:$0x3FBB] =	sst s2  }
0x8f: {  	_ = 	snop  }
0x90: {  	(tm) =	ssettm $0x1  }
0x91: {  	s17 =	sld [smem:$0x3FFB];
	_ =	sdelay $0x3  }
0x92: {  	_ =	strace s17  }
0x93: {  	s2 =	sld [smem:$0x3FFC];
	_ =	sdelay $0x3  }
0x94: {  	_ =	strace s2  }
0x95: {  	s2 =	sld [smem:$0x3FFD];
	_ =	sdelay $0x3  }
0x96: {  	_ =	strace s2  }
0x97: {  	_ =	strace $0x8FFFFFFF  }
0x98: {  	s18 =	sld [smem:$0x3FDB];
	_ =	sdelay $0x1  }
0x99: {  	s19 =	simm.s32 $_scs_section_size  }
0x9a: {  	s4 =	simm.s32 $_size__tile_overlayer_lowered;
	s5 =	simm.s32 $_tile_overlayer_lowered  }
0x9b: {  	s22 =	simm.s32 $0x1BFF;
	s21 =	sshll.u32 s5, $0x1;
	s2 =	sadd.s32 s19, s18  }
0x9c: {  	s6 =	simm.s32 $0x0;
	s20 =	sshll.u32 s4, $0x1;
	s4 =	sadd.s32 s21, s2  }
0x9d: {  	[timem:s6], [sflag:s22] =	dma.local [hbm:s4], s20  }
0x9e: {  	_ =	swait.ge [sflag:s22], s20  }
0x9f: {  	s3 =	ssub.s32 $0x0, s20;
	[sflag:s22] =	ssyncset.done $0x0  }
0xa0: {  	[sflag:s22] =	ssyncadd.s32 s3;
	_ =	sdelay $0x1  }
0xa1: {  	s23 =	simm.s32 $0x1B8B  }
0xa2: {  	_ =	swait.ge [sflag:s23], $0x1  }
0xa3: {  	[sflag:s23] =	ssyncset.done $0x0  }
0xa4: {  	s25 =	simm.s32 $0x1B8E;
	s24 =	sld [smem:$0x3FFE];
	[sflag:s23] =	ssyncadd.s32 $0xFFFFFFFF  }
0xa5: {  	s26 =	simm.s32 $execute0_lowered;
	[smem:$0x3FD2] =	sst s25  }
0xa6: {  	s4 =	sshll.u32 s26, $0x1;
	_ =	strace $0x80000046;
	[dreg:$0x1] =	wrdreg $0xFFFFFFFF  }
0xa7: {  	s28 =	simm.s32 $_size_execute0_lowered;
	s2 =	sadd.s32 s2, s4;
	[dreg:$0x0] =	wrdreg $0x0  }
0xa8: {  	s4 =	sshll.u32 s28, $0x1;
	[dreg:$0x2] =	wrdreg s2  }
0xa9: {  	[dreg:$0x3] =	wrdreg s4  }
0xaa: {  	[dreg:$0x4] =	wrdreg $0xC0  }
0xab: {  	_ =	task [dreg:s6], $0x5FFFF  }
0xac: {  	[dreg:$0x1] =	wrdreg $0xFFFFFFFF  }
0xad: {  	[dreg:$0x0] =	wrdreg $0x60  }
0xae: {  	[dreg:$0x2] =	wrdreg s24  }
0xaf: {  	[dreg:$0x3] =	wrdreg $0xBF000  }
0xb0: {  	[dreg:$0x4] =	wrdreg $0x15F000  }
0xb1: {  	[dreg:$0x5] =	wrdreg $0x9  }
0xb2: {  	_ =	task.clear_ibuf [dreg:s6], $0x6FFFF;
	_ =	strace $0x90000046  }
0xb3: {  	s29 =	simm.s32 $0x9;
	_ =	strace $0x80000048  }
0xb4: {  	_ =	swait.ge [sflag:s29], $0x1  }
0xb5: {  	[sflag:s29] =	ssyncadd.s32 $0xFFFFFFFF  }
0xb6: {  	_ =	strace $0x90000048  }
0xb7: {  	_ =	sfence  }
0xb8: {  	s30 =	sld [smem:$0x0];
	_ =	sdelay $0x2  }
0xb9: {  	s31 =	sshll.u32 s1, $0xD;
	s1 =	sshrl.u32 s1, $0x2  }
0xba: {  	s3 =	sand.u32 $0x4000, s31;
	s1 =	sadd.s32 s1, s30  }
0xbb: {  	s0 =	sor.u32 s3, s0;
	s1 =	sshll.u32 s1, $0x11  }
0xbc: {  	s0 =	sor.u32 s1, s0  }
0xbd: {  	s0 =	sadd.s32 $0x8F2B, s0  }
0xbe: {  	[sflag:s0] =	ssyncadd.remote.s32 $0x1  }
0xbf: {  	_ =	sfence.sel $0xFFFF  }
0xc0: {  	[dreg:$0x0] =	wrdreg $0xFFFFFFFF;
	(pc) =	sbr.abs _section_cstart, $3  }
0xc1: {  	[dreg:$0x1] =	wrdreg $0xFFFFFFFF  }
0xc2: {  	_ =	task.clear_ibuf [dreg:s6], $0x2FFFF;
	_ =	strace $0x9FFFFFFF  }
0xc3: {  	(tm) =	ssettm $0x7FFFFFFF  }
tec
execute0_lowered:
.L_overlay_start_1:
0x0: {  	(tag) =	ssettag $0x1  }
0x1: {  	s1 =	srdreg.scid  }
0x2: {  	s0 =	rddreg [dreg:$0x0];
	s24 =	simm.s32 $0x0;
	s12 =	stileid.u32  }
0x3: {  	s28 =	rddreg [dreg:$0x1];
	s4 =	sand.u32 $0x1, s1;
	s5 =	smul.u32 $0xA000, s12  }
0x4: {  	s29 =	simm.s32 $0x6;
	[smem:$0x7FF] =	sst s24;
	s3 =	smul.u32 $0xA0000, s4  }
0x5: {  	s2 =	sadd.s32 $0x29C00, s0;
	s6 =	sadd.s32 $0x52600, s0;
	s25 =	ssub.s32 $0x2, s4  }
0x6: {  	s8 =	sadd.s32 $0x51C00, s0;
	s7 =	sshrl.u32 s25, $0x1;
	s3 =	sadd.s32 s5, s3  }
0x7: {  	p0 =	seq.s32 s12, $0xF;
	s1 =	ssub.s32 s25, s7;
	s5 =	sshrl.u32 s3, $0x3  }
0x8: {  	s26 =	sor.u32 $0x100, s3;
	s9 =	sor.u32 $0x200, s3;
	s11 =	sor.u32 $0x300, s3  }
0x9: {  	s13 =	sor.u32 $0x400, s3;
	s14 =	sor.u32 $0x500, s3;
	s18 =	sor.u32 $0x600, s3  }
0xa: {  	s19 =	sor.u32 $0x700, s3;
	s20 =	sor.u32 $0x800, s3;
	s24 =	sor.u32 $0x900, s3  }
0xb: {  	s25 =	sor.u32 $0xA00, s3;
	s5 =	sadd.s32 s2, s5;
	s7 =	sshrl.u32 s26, $0x3  }
0xc: {  	s9 =	sshrl.u32 s9, $0x3;
	s15 =	sshrl.u32 s13, $0x3;
	s16 =	sshrl.u32 s14, $0x3  }
0xd: {  	s21 =	sshrl.u32 s19, $0x3;
	s22 =	sshrl.u32 s20, $0x3;
	s26 =	smul.u32 $0x9C400, s4  }
0xe: {  	s13 =	sor.u32 $0xB00, s3;
	[dreg:$0x8] =	wrdreg s5;
	s5 =	sadd.s32 s2, s7  }
0xf: {  	s4 =	smul.u32 $0x2710, s4;
	s10 =	sadd.s32 s2, s9;
	[dreg:$0x9] =	wrdreg s5  }
0x10: {  	s17 =	sadd.s32 s2, s16;
	s23 =	sadd.s32 s2, s22;
	[dreg:$0xa] =	wrdreg s10  }
0x11: {  	s7 =	smul.u32 $0x9E00, s12;
	s16 =	sor.u32 $0xC00, s3;
	[dreg:$0xd] =	wrdreg s17  }
0x12: {  	s22 =	sor.u32 $0x1000, s3;
	s5 =	sshrl.u32 s11, $0x3;
	[dreg:$0x10] =	wrdreg s23  }
0x13: {  	s11 =	sshrl.u32 s25, $0x3;
	s10 =	smul.u32 $0x278, s12;
	s9 =	sshrl.u32 s26, $0x3  }
0x14: {  	s17 =	sor.u32 $0xD00, s3;
	s23 =	sor.u32 $0xF00, s3;
	s5 =	sadd.s32 s2, s5  }
0x15: {  	[dreg:$0xb] =	wrdreg s5;
	s5 =	sadd.s32 s2, s15;
	s15 =	sadd.s32 s10, s4  }
0x16: {  	s4 =	sadd.s32 $0x2508, s4;
	[dreg:$0xc] =	wrdreg s5;
	s5 =	sshrl.u32 s18, $0x3  }
0x17: {  	s25 =	sshrl.u32 s23, $0x3;
	s4 =	sshrl.u32 s4, $0x3;
	s5 =	sadd.s32 s2, s5  }
0x18: {  	s18 =	sor.u32 $0x1200, s3;
	s4 =	sadd.s32 s8, s4;
	[dreg:$0xe] =	wrdreg s5  }
0x19: {  	s5 =	sadd.s32 s2, s21;
	[dreg:$0x16] =	wrdreg s4;
	s4 =	sshrl.u32 s17, $0x3  }
0x1a: {  	s21 =	sor.u32 $0x1100, s3;
	s3 =	sor.u32 $0xE00, s3;
	[dreg:$0xf] =	wrdreg s5  }
0x1b: {  	s5 =	sshrl.u32 s24, $0x3;
	s4 =	sadd.s32 s2, s4;
	s24 =	sshrl.u32 s22, $0x3  }
0x1c: {  	s3 =	sshrl.u32 s3, $0x3;
	s5 =	sadd.s32 s2, s5;
	[dreg:$0x18] =	wrdreg s4  }
0x1d: {  	s4 =	sshrl.u32 s21, $0x3;
	[dreg:$0x11] =	wrdreg s5;
	s5 =	sadd.s32 s2, s11  }
0x1e: {  	s11 =	sadd.s32 s7, s26;
	s4 =	sadd.s32 s4, s2;
	[dreg:$0x12] =	wrdreg s5  }
0x1f: {  	s26 =	sadd.s32 s25, s2;
	s25 =	sadd.s32 $0x2000, s0;
	[dreg:$0x1a] =	wrdreg s4  }
0x20: {  	s5 =	sshrl.u32 s13, $0x3;
	s4 =	sadd.s32 s24, s2;
	[dreg:$0x1c] =	wrdreg s26  }
0x21: {  	s14 =	sshrl.u32 s11, $0x3;
	s5 =	sadd.s32 s2, s5;
	[dreg:$0x1b] =	wrdreg s4  }
0x22: {  	[dreg:$0x13] =	wrdreg s5;
	s5 =	sadd.s32 s6, s14;
	s6 =	sadd.s32 s6, s9  }
0x23: {  	s9 =	sshrl.u32 s16, $0x3;
	[dreg:$0x14] =	wrdreg s5;
	s5 =	sshrl.u32 s15, $0x3  }
0x24: {  	s16 =	rddreg [dreg:$0x2];
	s19 =	sadd.s32 s2, s9;
	s5 =	sadd.s32 s8, s5  }
0x25: {  	s8 =	smul.u32 $0xA00, s12;
	[dreg:$0x15] =	wrdreg s5;
	s5 =	sshrl.u32 s18, $0x3  }
0x26: {  	s9 =	sadd.s32 $0x29200, s0;
	[dreg:$0x17] =	wrdreg s19;
	s20 =	sadd.s32 s5, s2  }
0x27: {  	s2 =	sadd.s32 s3, s2;
	s13 =	sshrl.u32 s8, $0x2;
	[dreg:$0x19] =	wrdreg s20  }
0x28: {  	s0 =	sadd.s32 s7, s28;
	[dreg:$0x1d] =	wrdreg s2;
	s14 =	sadd.s32 s13, s16  }
0x29: {  	s15 =	sadd.s32 $0x12840, s6;
	_ =	strace $0x80000047;
	[dreg:$0x1f] =	wrdreg s14  }
0x2a: {  	s1 =	smax.u32 s1, $0x1;
	s0 =	sshrl.u32 @!p0 s0, $0x3;
	[smem:$0x7EF] =	sst s15  }
0x2b: {  	s5 =	smul.u32 $0x28000, s12;
	s2 =	sadd.s32 s10, s16;
	[smem:$0x7F0] =	sst s1  }
0x2c: {  	s1 =	sadd.s32 $0x94200, s28;
	[smem:$0x7F3] =	sst s0;
	s0 =	sshrl.u32 @!p0 s2, $0x3  }
0x2d: {  	s11 =	sshrl.u32 s5, $0x2;
	s1 =	sshrl.u32 @p0 s1, $0x3;
	[smem:$0x7F4] =	sst s0  }
0x2e: {  	s3 =	sadd.s32 $0x2508, s16;
	s4 =	sadd.s32 s11, s28;
	[smem:$0x7F1] =	sst s1  }
0x2f: {  	s30 =	simm.s32 $0x1A;
	s1 =	sshrl.u32 @p0 s3, $0x3;
	[dreg:$0x1e] =	wrdreg s4  }
0x30: {  	s31 =	simm.s32 $0x3;
	s17 =	sadd.s32 $0x1000, s4;
	[smem:$0x7F2] =	sst s1  }
0x31: {  	s6 =	smov.u32 s9;
	s18 =	sadd.s32 $0x2000, s4;
	[smem:$0x7F5] =	sst s17  }
0x32: {  	s12 =	simm.s32 $0xAA00;
	s19 =	sadd.s32 $0x3000, s4;
	[smem:$0x7F6] =	sst s18  }
0x33: {  	s10 =	simm.s32 $0xAB80;
	s20 =	sadd.s32 $0x4000, s4;
	[smem:$0x7F7] =	sst s19  }
0x34: {  	s13 =	simm.s32 $0x15;
	s21 =	sadd.s32 $0x5000, s4;
	[smem:$0x7F8] =	sst s20  }
0x35: {  	s14 =	simm.s32 $0x2A00;
	s22 =	sadd.s32 $0x6000, s4;
	[smem:$0x7F9] =	sst s21  }
0x36: {  	s15 =	simm.s32 $0x8A00;
	s23 =	sadd.s32 $0x7000, s4;
	[smem:$0x7FA] =	sst s22  }
0x37: {  	s2 =	simm.s32 $0x0;
	s24 =	sadd.s32 $0x8000, s4;
	[smem:$0x7FB] =	sst s23  }
0x38: {  	s11 =	simm.s32 $0xA00;
	s26 =	sadd.s32 $0x9000, s4;
	[smem:$0x7FC] =	sst s24  }
0x39: {  	[smem:$0x7FD] =	sst s26;
	s17 =	simm.s32 $0x80;
	s18 =	simm.s32 $0xAA80  }
0x3a: {  	s19 =	simm.s32 $0x4A00;
	s20 =	simm.s32 $0xAB00;
	s24 =	simm.s32 $0x6A00  }
0x3b: {  	v0 =	vimm.f32 $0.0e+00;
	s22 =	simm.s32 $0xAC00;
	s23 =	simm.s32 $0x2;
	s26 =	simm.s32 $0x16  }
.LBB2_1:
0x3c: {  	[smem:$0x7EE] =	sst s2;
	s1 =	simm.s32 $0x100;
	s0 =	simm.s32 $0x0  }
.LBB2_2:
0x3d: {  	p1 =	sne.s32 s1, $0x3F00;
	[tilespmem:s0+$0xACB0] =	vst v0;
	s2 =	smov.u32 s1;
	s1 =	sadd.s32 $0x100, s1  }
.Ltmp0:
0x3e: {  	[tilespmem:s0+$0xACA0] =	vst v0;
	(pc) =	sbr.rel @p1 .LBB2_2-.Ltmp0, $3  }
0x3f: {  	[tilespmem:s0+$0xAC80] =	vst v0  }
0x40: {  	[tilespmem:s0+$0xAC90] =	vst v0;
	_ =	sdelay $0x1  }
0x41: {  	s0 =	sshra.s32 s2, $0x2  }
0x42: {  	[tilespmem:s0+$0xACB0] =	vst v0  }
0x43: {  	[tilespmem:s0+$0xACA0] =	vst v0  }
0x44: {  	[tilespmem:s0+$0xAC80] =	vst v0  }
0x45: {  	[tilespmem:s0+$0xAC90] =	vst v0  }
0x46: {  	[tilespmem:$0xBC80] =	vst v0  }
0x47: {  	[tilespmem:$0xBC90] =	vst v0  }
0x48: {  	[tilespmem:$0xBCA0] =	vst v0  }
0x49: {  	[tilespmem:$0xBCB0] =	vst v0  }
0x4a: {  	[tilespmem:$0xBCC0] =	vst v0  }
0x4b: {  	[tilespmem:$0xBCD0] =	vst v0  }
0x4c: {  	[tilespmem:$0xBCE0] =	vst v0  }
0x4d: {  	[tilespmem:$0xBCF0] =	vst v0  }
0x4e: {  	[tilespmem:$0xBD00] =	vst v0  }
0x4f: {  	[tilespmem:$0xBD10] =	vst v0  }
0x50: {  	[tilespmem:$0xBD20] =	vst v0  }
0x51: {  	[tilespmem:$0xBD30] =	vst v0  }
0x52: {  	[tilespmem:$0xBD40] =	vst v0  }
0x53: {  	[tilespmem:$0xBD50] =	vst v0  }
0x54: {  	[tilespmem:$0xBD60] =	vst v0  }
0x55: {  	[tilespmem:$0xBD70] =	vst v0  }
0x56: {  	[tilespmem:$0xBD80] =	vst v0  }
0x57: {  	[tilespmem:$0xBD90] =	vst v0  }
0x58: {  	[tilespmem:$0xBDA0] =	vst v0  }
0x59: {  	[tilespmem:$0xBDB0] =	vst v0  }
0x5a: {  	[tilespmem:$0xBDC0] =	vst v0  }
0x5b: {  	[tilespmem:$0xBDD0] =	vst v0  }
0x5c: {  	[tilespmem:$0xBDE0] =	vst v0  }
0x5d: {  	[tilespmem:$0xBDF0] =	vst v0  }
0x5e: {  	[tilespmem:$0xBE00] =	vst v0  }
0x5f: {  	[tilespmem:$0xBE10] =	vst v0  }
0x60: {  	[tilespmem:$0xBE20] =	vst v0  }
0x61: {  	[tilespmem:$0xBE30] =	vst v0  }
0x62: {  	[tilespmem:$0xBE40] =	vst v0  }
0x63: {  	[tilespmem:$0xBE50] =	vst v0  }
0x64: {  	[tilespmem:$0xBE60] =	vst v0  }
0x65: {  	[tilespmem:$0xBE70] =	vst v0  }
0x66: {  	[tilespmem:$0xBE80] =	vst v0  }
0x67: {  	[tilespmem:$0xBE90] =	vst v0  }
0x68: {  	[tilespmem:$0xBEA0] =	vst v0  }
0x69: {  	[tilespmem:$0xBEB0] =	vst v0  }
0x6a: {  	[tilespmem:$0xBEC0] =	vst v0  }
0x6b: {  	[tilespmem:$0xBED0] =	vst v0  }
0x6c: {  	[tilespmem:$0xBEE0] =	vst v0  }
0x6d: {  	s5 =	rddreg [dreg:$0x1e];
	s1 =	simm.s32 $0xAC80;
	s2 =	simm.s32 $0x1F;
	[tilespmem:$0xBEF0] =	vst v0  }
0x6e: {  	[spmem:s5] =	stream.linear.scatter [tilespmem:s1], [sflag:$0x1F], $0x1000, $0x38;
	[tilespmem:$0x16180] =	vst v63  }
0x6f: {  	_ =	swait.ge [sflag:s2], $0x1000  }
0x70: {  	s7 =	sld [smem:$0x7F5]  }
0x71: {  	[sflag:s2] =	ssyncset.done $0x0  }
0x72: {  	[sflag:s2] =	ssyncadd.s32 $0xFFFFF000  }
0x73: {  	[spmem:s7] =	stream.linear.scatter [tilespmem:s1], [sflag:$0x1F], $0x1000, $0x38;
	[tilespmem:$0x16180] =	vst v63  }
0x74: {  	_ =	swait.ge [sflag:s2], $0x1000  }
0x75: {  	s8 =	sld [smem:$0x7F6]  }
0x76: {  	[sflag:s2] =	ssyncset.done $0x0  }
0x77: {  	[sflag:s2] =	ssyncadd.s32 $0xFFFFF000  }
0x78: {  	[spmem:s8] =	stream.linear.scatter [tilespmem:s1], [sflag:$0x1F], $0x1000, $0x38;
	[tilespmem:$0x16180] =	vst v63  }
0x79: {  	_ =	swait.ge [sflag:s2], $0x1000  }
0x7a: {  	s9 =	sld [smem:$0x7F7]  }
0x7b: {  	[sflag:s2] =	ssyncset.done $0x0  }
0x7c: {  	[sflag:s2] =	ssyncadd.s32 $0xFFFFF000  }
0x7d: {  	[spmem:s9] =	stream.linear.scatter [tilespmem:s1], [sflag:$0x1F], $0x1000, $0x38;
	[tilespmem:$0x16180] =	vst v63  }
0x7e: {  	_ =	swait.ge [sflag:s2], $0x1000  }
0x7f: {  	s21 =	sld [smem:$0x7F8]  }
0x80: {  	[sflag:s2] =	ssyncset.done $0x0  }
0x81: {  	[sflag:s2] =	ssyncadd.s32 $0xFFFFF000  }
0x82: {  	[spmem:s21] =	stream.linear.scatter [tilespmem:s1], [sflag:$0x1F], $0x1000, $0x38;
	[tilespmem:$0x16180] =	vst v63  }
0x83: {  	_ =	swait.ge [sflag:s2], $0x1000  }
0x84: {  	s3 =	sld [smem:$0x7F9]  }
0x85: {  	[sflag:s2] =	ssyncset.done $0x0  }
0x86: {  	[sflag:s2] =	ssyncadd.s32 $0xFFFFF000  }
0x87: {  	[spmem:s3] =	stream.linear.scatter [tilespmem:s1], [sflag:$0x1F], $0x1000, $0x38;
	[tilespmem:$0x16180] =	vst v63  }
0x88: {  	_ =	swait.ge [sflag:s2], $0x1000  }
0x89: {  	s4 =	sld [smem:$0x7FA]  }
0x8a: {  	[sflag:s2] =	ssyncset.done $0x0  }
0x8b: {  	[sflag:s2] =	ssyncadd.s32 $0xFFFFF000  }
0x8c: {  	[spmem:s4] =	stream.linear.scatter [tilespmem:s1], [sflag:$0x1F], $0x1000, $0x38;
	[tilespmem:$0x16180] =	vst v63  }
0x8d: {  	_ =	swait.ge [sflag:s2], $0x1000  }
0x8e: {  	s5 =	sld [smem:$0x7FB]  }
0x8f: {  	[sflag:s2] =	ssyncset.done $0x0  }
0x90: {  	[sflag:s2] =	ssyncadd.s32 $0xFFFFF000  }
0x91: {  	[spmem:s5] =	stream.linear.scatter [tilespmem:s1], [sflag:$0x1F], $0x1000, $0x38;
	[tilespmem:$0x16180] =	vst v63  }
0x92: {  	_ =	swait.ge [sflag:s2], $0x1000  }
0x93: {  	s7 =	sld [smem:$0x7FC]  }
0x94: {  	[sflag:s2] =	ssyncset.done $0x0  }
0x95: {  	[sflag:s2] =	ssyncadd.s32 $0xFFFFF000  }
0x96: {  	[spmem:s7] =	stream.linear.scatter [tilespmem:s1], [sflag:$0x1F], $0x1000, $0x38;
	[tilespmem:$0x16180] =	vst v63  }
0x97: {  	_ =	swait.ge [sflag:s2], $0x1000  }
0x98: {  	s8 =	sld [smem:$0x7FD]  }
0x99: {  	[sflag:s2] =	ssyncset.done $0x0  }
0x9a: {  	[sflag:s2] =	ssyncadd.s32 $0xFFFFF000  }
0x9b: {  	[spmem:s8] =	stream.linear.scatter [tilespmem:s1], [sflag:$0x1F], $0x1000, $0x38;
	[tilespmem:$0x16180] =	vst v63  }
0x9c: {  	_ =	swait.ge [sflag:s2], $0x1000  }
0x9d: {  	[sflag:s2] =	ssyncset.done $0x0  }
0x9e: {  	s21 =	simm.s32 $0xBC80;
	s9 =	rddreg [dreg:$0x1f];
	[sflag:s2] =	ssyncadd.s32 $0xFFFFF000  }
0x9f: {  	[spmem:s9] =	stream.linear.scatter [tilespmem:s21], [sflag:$0x1F], $0x280, $0x38;
	[tilespmem:$0x16180] =	vst v63  }
0xa0: {  	_ =	swait.ge [sflag:s2], $0x280  }
0xa1: {  	[sflag:s2] =	ssyncset.done $0x0  }
0xa2: {  	[sflag:s2] =	ssyncadd.s32 $0xFFFFFD80  }
0xa3: {  	[bflag:$0x0] =	sbarrier.arrive $0xFFFF  }
0xa4: {  	s2 =	simm.s32 $0x0;
	s1 =	rddreg [dreg:$0x8]  }
0xa5: {  	[tilespmem:s2], [sflag:$0xB] =	stream.linear.gather [hbm4b:s1+s2], $0x100, $0x38;
	[tilespmem:$0x16180] =	vst v63  }
0xa6: {  	s3 =	rddreg [dreg:$0x9];
	s1 =	simm.s32 $0x100  }
0xa7: {  	[tilespmem:s1], [sflag:$0xC] =	stream.linear.gather [hbm4b:s3+s2], $0x100, $0x38;
	[tilespmem:$0x16180] =	vst v63  }
0xa8: {  	s4 =	rddreg [dreg:$0xa];
	s3 =	simm.s32 $0x200  }
0xa9: {  	[tilespmem:s3], [sflag:$0xD] =	stream.linear.gather [hbm4b:s4+s2], $0x100, $0x38;
	[tilespmem:$0x16180] =	vst v63  }
0xaa: {  	s5 =	rddreg [dreg:$0xb];
	s4 =	simm.s32 $0x300  }
0xab: {  	[tilespmem:s4], [sflag:$0xE] =	stream.linear.gather [hbm4b:s5+s2], $0x100, $0x38;
	[tilespmem:$0x16180] =	vst v63  }
0xac: {  	s7 =	rddreg [dreg:$0xc];
	s5 =	simm.s32 $0x400  }
0xad: {  	[tilespmem:s5], [sflag:$0xF] =	stream.linear.gather [hbm4b:s7+s2], $0x100, $0x38;
	[tilespmem:$0x16180] =	vst v63  }
0xae: {  	s8 =	rddreg [dreg:$0xd];
	s7 =	simm.s32 $0x500  }
0xaf: {  	[tilespmem:s7], [sflag:$0x10] =	stream.linear.gather [hbm4b:s8+s2], $0x100, $0x38;
	[tilespmem:$0x16180] =	vst v63  }
0xb0: {  	s9 =	rddreg [dreg:$0xe];
	s8 =	simm.s32 $0x600  }
0xb1: {  	[tilespmem:s8], [sflag:$0x11] =	stream.linear.gather [hbm4b:s9+s2], $0x100, $0x38;
	[tilespmem:$0x16180] =	vst v63  }
0xb2: {  	s21 =	rddreg [dreg:$0xf];
	s9 =	simm.s32 $0x700  }
0xb3: {  	[tilespmem:s9], [sflag:$0x12] =	stream.linear.gather [hbm4b:s21+s2], $0x100, $0x38;
	[tilespmem:$0x16180] =	vst v63  }
0xb4: {  	s0 =	rddreg [dreg:$0x10];
	s21 =	simm.s32 $0x800  }
0xb5: {  	[tilespmem:s21], [sflag:$0x13] =	stream.linear.gather [hbm4b:s0+s2], $0x100, $0x38;
	[tilespmem:$0x16180] =	vst v63  }
0xb6: {  	s21 =	simm.s32 $0xB  }
0xb7: {  	_ =	swait.ge [sflag:s21], $0x100  }
0xb8: {  	[sflag:s21] =	ssyncset.done $0x0  }
0xb9: {  	[sflag:s21] =	ssyncadd.s32 $0xFFFFFF00  }
0xba: {  	[tilespmem:s11], [sflag:$0x1] =	stream.indirect.gather [hbm4b:s25+s17], $0x40, s2, s17, $0xb8;
	[tilespmem:$0x16180] =	vst v63  }
0xbb: {  	s21 =	simm.s32 $0xC  }
0xbc: {  	[tilespmem:s12], [sflag:$0x15] =	stream.indirect.gather [hbm4b:s6+s17], $0x1, s2, s17, $0xb8;
	[tilespmem:$0x16180] =	vst v63  }
0xbd: {  	_ =	swait.ge [sflag:s21], $0x100  }
0xbe: {  	[sflag:s21] =	ssyncset.done $0x0  }
0xbf: {  	[sflag:s21] =	ssyncadd.s32 $0xFFFFFF00  }
0xc0: {  	[tilespmem:s14], [sflag:$0x2] =	stream.indirect.gather [hbm4b:s25+s17], $0x40, s1, s17, $0xb8;
	[tilespmem:$0x16180] =	vst v63  }
0xc1: {  	s21 =	simm.s32 $0xD  }
0xc2: {  	[tilespmem:s18], [sflag:$0x16] =	stream.indirect.gather [hbm4b:s6+s17], $0x1, s1, s17, $0xb8;
	[tilespmem:$0x16180] =	vst v63  }
0xc3: {  	_ =	swait.ge [sflag:s21], $0x100  }
0xc4: {  	[sflag:s21] =	ssyncset.done $0x0  }
0xc5: {  	[sflag:s21] =	ssyncadd.s32 $0xFFFFFF00  }
0xc6: {  	[tilespmem:s19], [sflag:$0x3] =	stream.indirect.gather [hbm4b:s25+s17], $0x40, s3, s17, $0xb8;
	[tilespmem:$0x16180] =	vst v63  }
0xc7: {  	s21 =	simm.s32 $0xE  }
0xc8: {  	[tilespmem:s20], [sflag:$0x17] =	stream.indirect.gather [hbm4b:s6+s17], $0x1, s3, s17, $0xb8;
	[tilespmem:$0x16180] =	vst v63  }
0xc9: {  	_ =	swait.ge [sflag:s21], $0x100  }
0xca: {  	[sflag:s21] =	ssyncset.done $0x0  }
0xcb: {  	[sflag:s21] =	ssyncadd.s32 $0xFFFFFF00  }
0xcc: {  	[tilespmem:s24], [sflag:$0x4] =	stream.indirect.gather [hbm4b:s25+s17], $0x40, s4, s17, $0xb8;
	[tilespmem:$0x16180] =	vst v63  }
0xcd: {  	_ = 	snop  }
0xce: {  	[tilespmem:s10], [sflag:$0x18] =	stream.indirect.gather [hbm4b:s6+s17], $0x1, s4, s17, $0xb8;
	[tilespmem:$0x16180] =	vst v63  }
0xcf: {  	s10 =	simm.s32 $0x1  }
0xd0: {  	_ =	swait.ge [sflag:s10], $0x2000  }
0xd1: {  	[sflag:s10] =	ssyncset.done $0x0  }
0xd2: {  	[sflag:s10] =	ssyncadd.s32 $0xFFFFE000  }
0xd3: {  	_ =	swait.ge [sflag:s13], $0x80  }
0xd4: {  	[sflag:s13] =	ssyncset.done $0x0  }
0xd5: {  	[sflag:s13] =	ssyncadd.s32 $0xFFFFFF80  }
0xd6: {  	[spmem:s28] =	stream.indirect.scatter.add.f32 [tilespmem:s11], [sflag:$0x6], $0x40, s17, s17, $0xb8;
	[tilespmem:$0x16180] =	vst v63  }
0xd7: {  	s21 =	simm.s32 $0xF  }
0xd8: {  	[spmem:s16] =	stream.indirect.scatter.add.f32 [tilespmem:s12], [sflag:$0x1A], $0x1, s17, s17, $0xb8;
	[tilespmem:$0x16180] =	vst v63  }
0xd9: {  	_ =	swait.ge [sflag:s21], $0x100  }
0xda: {  	[sflag:s21] =	ssyncset.done $0x0  }
0xdb: {  	[sflag:s21] =	ssyncadd.s32 $0xFFFFFF00  }
0xdc: {  	[tilespmem:s15], [sflag:$0x5] =	stream.indirect.gather [hbm4b:s25+s17], $0x40, s5, s17, $0xb8;
	[tilespmem:$0x16180] =	vst v63  }
0xdd: {  	_ = 	snop  }
0xde: {  	[tilespmem:s22], [sflag:$0x19] =	stream.indirect.gather [hbm4b:s6+s17], $0x1, s5, s17, $0xb8;
	[tilespmem:$0x16180] =	vst v63  }
0xdf: {  	s10 =	simm.s32 $0x900;
	s5 =	rddreg [dreg:$0x11]  }
0xe0: {  	[tilespmem:s10], [sflag:$0x14] =	stream.linear.gather [hbm4b:s5+s2], $0x100, $0x38;
	[tilespmem:$0x16180] =	vst v63  }
0xe1: {  	_ =	swait.ge [sflag:s23], $0x2000  }
0xe2: {  	[sflag:s23] =	ssyncset.done $0x0  }
0xe3: {  	[sflag:s23] =	ssyncadd.s32 $0xFFFFE000  }
0xe4: {  	_ =	swait.ge [sflag:s26], $0x80  }
0xe5: {  	[sflag:s26] =	ssyncset.done $0x0  }
0xe6: {  	s21 =	simm.s32 $0x180;
	[sflag:s26] =	ssyncadd.s32 $0xFFFFFF80  }
0xe7: {  	[spmem:s28] =	stream.indirect.scatter.add.f32 [tilespmem:s14], [sflag:$0x7], $0x40, s21, s17, $0xb8;
	[tilespmem:$0x16180] =	vst v63  }
0xe8: {  	_ = 	snop  }
0xe9: {  	[spmem:s16] =	stream.indirect.scatter.add.f32 [tilespmem:s18], [sflag:$0x1B], $0x1, s21, s17, $0xb8;
	[tilespmem:$0x16180] =	vst v63  }
0xea: {  	_ =	swait.ge [sflag:s29], $0x2000  }
0xeb: {  	[sflag:s29] =	ssyncset.done $0x0  }
0xec: {  	[sflag:s29] =	ssyncadd.s32 $0xFFFFE000  }
0xed: {  	_ =	swait.ge [sflag:s30], $0x80  }
0xee: {  	[sflag:s30] =	ssyncset.done $0x0  }
0xef: {  	s5 =	simm.s32 $0x10;
	[sflag:s30] =	ssyncadd.s32 $0xFFFFFF80  }
0xf0: {  	_ =	swait.ge [sflag:s5], $0x100  }
0xf1: {  	[sflag:s5] =	ssyncset.done $0x0  }
0xf2: {  	[sflag:s5] =	ssyncadd.s32 $0xFFFFFF00  }
0xf3: {  	[tilespmem:s11], [sflag:$0x1] =	stream.indirect.gather [hbm4b:s25+s17], $0x40, s7, s17, $0xb8;
	[tilespmem:$0x16180] =	vst v63  }
0xf4: {  	_ = 	snop  }
0xf5: {  	[tilespmem:s12], [sflag:$0x15] =	stream.indirect.gather [hbm4b:s6+s17], $0x1, s7, s17, $0xb8;
	[tilespmem:$0x16180] =	vst v63  }
0xf6: {  	s10 =	rddreg [dreg:$0x12]  }
0xf7: {  	[tilespmem:s2], [sflag:$0xB] =	stream.linear.gather [hbm4b:s10+s2], $0x100, $0x38;
	[tilespmem:$0x16180] =	vst v63  }
0xf8: {  	_ =	swait.ge [sflag:s31], $0x2000  }
0xf9: {  	[sflag:s31] =	ssyncset.done $0x0  }
0xfa: {  	s10 =	simm.s32 $0x17;
	[sflag:s31] =	ssyncadd.s32 $0xFFFFE000  }
0xfb: {  	_ =	swait.ge [sflag:s10], $0x80  }
0xfc: {  	[sflag:s10] =	ssyncset.done $0x0  }
0xfd: {  	s21 =	simm.s32 $0x280;
	[sflag:s10] =	ssyncadd.s32 $0xFFFFFF80  }
0xfe: {  	[spmem:s28] =	stream.indirect.scatter.add.f32 [tilespmem:s19], [sflag:$0x8], $0x40, s21, s17, $0xb8;
	[tilespmem:$0x16180] =	vst v63  }
0xff: {  	_ = 	snop  }
0x100: {  	[spmem:s16] =	stream.indirect.scatter.add.f32 [tilespmem:s20], [sflag:$0x1C], $0x1, s21, s17, $0xb8;
	[tilespmem:$0x16180] =	vst v63  }
0x101: {  	s21 =	simm.s32 $0x7  }
0x102: {  	_ =	swait.ge [sflag:s21], $0x2000  }
0x103: {  	[sflag:s21] =	ssyncset.done $0x0  }
0x104: {  	s7 =	simm.s32 $0x1B;
	[sflag:s21] =	ssyncadd.s32 $0xFFFFE000  }
0x105: {  	_ =	swait.ge [sflag:s7], $0x80  }
0x106: {  	[sflag:s7] =	ssyncset.done $0x0  }
0x107: {  	[sflag:s7] =	ssyncadd.s32 $0xFFFFFF80;
	s7 =	simm.s32 $0x11  }
0x108: {  	_ =	swait.ge [sflag:s7], $0x100  }
0x109: {  	[sflag:s7] =	ssyncset.done $0x0  }
0x10a: {  	[sflag:s7] =	ssyncadd.s32 $0xFFFFFF00  }
0x10b: {  	[tilespmem:s14], [sflag:$0x2] =	stream.indirect.gather [hbm4b:s25+s17], $0x40, s8, s17, $0xb8;
	[tilespmem:$0x16180] =	vst v63  }
0x10c: {  	_ = 	snop  }
0x10d: {  	[tilespmem:s18], [sflag:$0x16] =	stream.indirect.gather [hbm4b:s6+s17], $0x1, s8, s17, $0xb8;
	[tilespmem:$0x16180] =	vst v63  }
0x10e: {  	s7 =	rddreg [dreg:$0x13];
	s8 =	simm.s32 $0x4  }
0x10f: {  	[tilespmem:s1], [sflag:$0xC] =	stream.linear.gather [hbm4b:s7+s2], $0x100, $0x38;
	[tilespmem:$0x16180] =	vst v63  }
0x110: {  	_ =	swait.ge [sflag:s8], $0x2000  }
0x111: {  	[sflag:s8] =	ssyncset.done $0x0  }
0x112: {  	s1 =	simm.s32 $0x18;
	[sflag:s8] =	ssyncadd.s32 $0xFFFFE000  }
0x113: {  	_ =	swait.ge [sflag:s1], $0x80  }
0x114: {  	[sflag:s1] =	ssyncset.done $0x0  }
0x115: {  	s7 =	simm.s32 $0x380;
	[sflag:s1] =	ssyncadd.s32 $0xFFFFFF80  }
0x116: {  	[spmem:s28] =	stream.indirect.scatter.add.f32 [tilespmem:s24], [sflag:$0x9], $0x40, s7, s17, $0xb8;
	[tilespmem:$0x16180] =	vst v63  }
0x117: {  	s5 =	simm.s32 $0xAB80;
	s8 =	simm.s32 $0x8  }
0x118: {  	[spmem:s16] =	stream.indirect.scatter.add.f32 [tilespmem:s5], [sflag:$0x1D], $0x1, s7, s17, $0xb8;
	[tilespmem:$0x16180] =	vst v63  }
0x119: {  	_ =	swait.ge [sflag:s8], $0x2000  }
0x11a: {  	[sflag:s8] =	ssyncset.done $0x0  }
0x11b: {  	s1 =	simm.s32 $0x1C;
	[sflag:s8] =	ssyncadd.s32 $0xFFFFE000  }
0x11c: {  	_ =	swait.ge [sflag:s1], $0x80  }
0x11d: {  	[sflag:s1] =	ssyncset.done $0x0  }
0x11e: {  	s0 =	simm.s32 $0x12;
	[sflag:s1] =	ssyncadd.s32 $0xFFFFFF80  }
0x11f: {  	_ =	swait.ge [sflag:s0], $0x100  }
0x120: {  	[sflag:s0] =	ssyncset.done $0x0  }
0x121: {  	[sflag:s0] =	ssyncadd.s32 $0xFFFFFF00  }
0x122: {  	[tilespmem:s19], [sflag:$0x3] =	stream.indirect.gather [hbm4b:s25+s17], $0x40, s9, s17, $0xb8;
	[tilespmem:$0x16180] =	vst v63  }
0x123: {  	_ = 	snop  }
0x124: {  	[tilespmem:s20], [sflag:$0x17] =	stream.indirect.gather [hbm4b:s6+s17], $0x1, s9, s17, $0xb8;
	[tilespmem:$0x16180] =	vst v63  }
0x125: {  	s8 =	simm.s32 $0x5;
	s7 =	rddreg [dreg:$0x17]  }
0x126: {  	[tilespmem:s3], [sflag:$0xD] =	stream.linear.gather [hbm4b:s7+s2], $0x100, $0x38;
	[tilespmem:$0x16180] =	vst v63  }
0x127: {  	_ =	swait.ge [sflag:s8], $0x2000  }
0x128: {  	[sflag:s8] =	ssyncset.done $0x0  }
0x129: {  	s9 =	simm.s32 $0x19;
	[sflag:s8] =	ssyncadd.s32 $0xFFFFE000  }
0x12a: {  	_ =	swait.ge [sflag:s9], $0x80  }
0x12b: {  	[sflag:s9] =	ssyncset.done $0x0  }
0x12c: {  	s3 =	simm.s32 $0x480;
	[sflag:s9] =	ssyncadd.s32 $0xFFFFFF80  }
0x12d: {  	[spmem:s28] =	stream.indirect.scatter.add.f32 [tilespmem:s15], [sflag:$0xA], $0x40, s3, s17, $0xb8;
	[tilespmem:$0x16180] =	vst v63  }
0x12e: {  	s7 =	simm.s32 $0x9  }
0x12f: {  	[spmem:s16] =	stream.indirect.scatter.add.f32 [tilespmem:s22], [sflag:$0x1E], $0x1, s3, s17, $0xb8;
	[tilespmem:$0x16180] =	vst v63  }
0x130: {  	_ =	swait.ge [sflag:s7], $0x2000  }
0x131: {  	[sflag:s7] =	ssyncset.done $0x0  }
0x132: {  	p1 =	por $0x0, $0x0;
	s8 =	simm.s32 $0x1D;
	[sflag:s7] =	ssyncadd.s32 $0xFFFFE000  }
0x133: {  	p3 =	por @!p1 $0x0, $0x0;
	s7 =	simm.s32 $0x5;
	_ =	swait.ge [sflag:s8], $0x80  }
0x134: {  	p2 =	por p1, p1;
	s1 =	smul.u32 $0xCD, s7;
	[sflag:s8] =	ssyncset.done $0x0  }
0x135: {  	p5 =	por @!p1 $0x0, $0x0;
	s9 =	simm.s32 $0x13;
	[sflag:s8] =	ssyncadd.s32 $0xFFFFFF80  }
0x136: {  	p4 =	por p3, p1;
	s1 =	sshrl.u32 s1, $0xB;
	_ =	swait.ge [sflag:s9], $0x100  }
0x137: {  	p3 =	por !p3, p1;
	s1 =	sand.u32 $0x1F, s1;
	[sflag:s9] =	ssyncset.done $0x0  }
0x138: {  	s3 =	simm.s32 $0x800;
	s1 =	smul.u32 $0xA, s1;
	[sflag:s9] =	ssyncadd.s32 $0xFFFFFF00  }
0x139: {  	[tilespmem:s24], [sflag:$0x4] =	stream.indirect.gather [hbm4b:s25+s17], $0x40, s3, s17, $0xb8;
	[tilespmem:$0x16180] =	vst v63  }
0x13a: {  	s5 =	simm.s32 $0xAB80;
	s7 =	simm.s32 $0x1E;
	s1 =	ssub.s32 $0x5, s1  }
0x13b: {  	[tilespmem:s5], [sflag:$0x18] =	stream.indirect.gather [hbm4b:s6+s17], $0x1, s3, s17, $0xb8;
	[tilespmem:$0x16180] =	vst v63  }
0x13c: {  	s8 =	rddreg [dreg:$0x18];
	s9 =	simm.s32 $0x1;
	s1 =	sand.u32 $0xFF, s1  }
0x13d: {  	[tilespmem:s4], [sflag:$0xE] =	stream.linear.gather [hbm4b:s8+s2], $0x100, $0x38;
	[tilespmem:$0x16180] =	vst v63  }
0x13e: {  	s1 =	sshll.u32 s1, $0x8;
	s3 =	simm.s32 $0x9;
	_ =	swait.ge [sflag:s9], $0x2000  }
0x13f: {  	s2 =	sand.u32 $0xFF, s3;
	s3 =	simm.s32 @!p1 $0xE;
	[sflag:s9] =	ssyncset.done $0x0  }
0x140: {  	s2 =	smul.u32 $0xCD, s2;
	s3 =	sand.u32 @!p1 $0xFF, s3;
	[sflag:s9] =	ssyncadd.s32 $0xFFFFE000  }
0x141: {  	s5 =	simm.s32 $0xA;
	s3 =	smul.u32 @!p1 $0xCD, s3;
	_ =	swait.ge [sflag:s13], $0x80  }
0x142: {  	s1 =	sor.u32 $0x80, s1;
	s2 =	sshrl.u32 s2, $0xB;
	[sflag:s13] =	ssyncset.done $0x0  }
0x143: {  	s2 =	smul.u32 $0xA, s2;
	s3 =	sshrl.u32 @!p1 s3, $0xB;
	[sflag:s13] =	ssyncadd.s32 $0xFFFFFF80  }
0x144: {  	[spmem:s28] =	stream.indirect.scatter.add.f32 [tilespmem:s11], [sflag:$0x6], $0x40, s1, s17, $0xb8;
	[tilespmem:$0x16180] =	vst v63  }
0x145: {  	s4 =	simm.s32 $0x6;
	s9 =	simm.s32 $0x7;
	s3 =	smul.u32 @!p1 $0xA, s3  }
0x146: {  	[spmem:s16] =	stream.indirect.scatter.add.f32 [tilespmem:s12], [sflag:$0x1A], $0x1, s1, s17, $0xb8;
	[tilespmem:$0x16180] =	vst v63  }
0x147: {  	s2 =	ssub.s32 $0x9, s2;
	s13 =	simm.s32 $0x17;
	_ =	swait.ge [sflag:s5], $0x2000  }
0x148: {  	s2 =	sand.u32 $0xFF, s2;
	s11 =	sand.u32 $0xFF, s9;
	[sflag:s5] =	ssyncset.done $0x0  }
0x149: {  	s9 =	simm.s32 $0x1C;
	s1 =	sand.u32 $0xFF, s4;
	[sflag:s5] =	ssyncadd.s32 $0xFFFFE000  }
0x14a: {  	s8 =	sadd.s32 $0xB, s2;
	s1 =	smul.u32 $0xCD, s1;
	_ =	swait.ge [sflag:s7], $0x80  }
0x14b: {  	s12 =	sshll.u32 s2, $0x8;
	s2 =	ssub.s32 @!p1 $0xE, s3;
	[sflag:s7] =	ssyncset.done $0x0  }
0x14c: {  	s4 =	simm.s32 @!p1 $0x0;
	s1 =	sshrl.u32 s1, $0xB;
	[sflag:s7] =	ssyncadd.s32 $0xFFFFFF80  }
0x14d: {  	s3 =	simm.s32 @!p1 $0xB;
	s1 =	smul.u32 $0xA, s1;
	_ =	swait.ge [sflag:s8], $0x100  }
0x14e: {  	s2 =	sand.u32 @!p1 $0xFF, s2;
	s3 =	sand.u32 @!p1 $0xFF, s3;
	[sflag:s8] =	ssyncset.done $0x0  }
0x14f: {  	s3 =	smul.u32 @!p1 $0xCD, s3;
	s1 =	ssub.s32 $0x6, s1;
	[sflag:s8] =	ssyncadd.s32 $0xFFFFFF00  }
0x150: {  	[tilespmem:s15], [sflag:$0x5] =	stream.indirect.gather [hbm4b:s25+s17], $0x40, s12, s17, $0xb8;
	[tilespmem:$0x16180] =	vst v63  }
0x151: {  	s5 =	sadd.s32 @!p1 $0xB, s2;
	s2 =	sshll.u32 @!p1 s2, $0x8;
	s1 =	sand.u32 $0xFF, s1  }
0x152: {  	[tilespmem:s22], [sflag:$0x19] =	stream.indirect.gather [hbm4b:s6+s17], $0x1, s12, s17, $0xb8;
	[tilespmem:$0x16180] =	vst v63  }
0x153: {  	s3 =	sshrl.u32 @!p1 s3, $0xB;
	s1 =	sshll.u32 s1, $0x8;
	s15 =	rddreg [dreg:$0x1d]  }
0x154: {  	[tilespmem:s2], [sflag:s5] =	stream.linear.gather @!p1 [hbm4b:s15+s4], $0x100, $0x38;
	[tilespmem:$0x16180] =	vst v63  }
0x155: {  	s7 =	simm.s32 @!p2 $0xA00;
	s1 =	sor.u32 $0x80, s1;
	_ =	swait.ge [sflag:s23], $0x2000  }
0x156: {  	s8 =	simm.s32 @!p2 $0x2A00;
	s22 =	simm.s32 $0x8;
	[sflag:s23] =	ssyncset.done $0x0  }
0x157: {  	s4 =	simm.s32 @!p1 $0xA;
	s2 =	smul.u32 $0xCD, s11;
	[sflag:s23] =	ssyncadd.s32 $0xFFFFE000  }
0x158: {  	s5 =	simm.s32 @!p4 $0xF;
	s4 =	sand.u32 @!p1 $0xFF, s4;
	_ =	swait.ge [sflag:s26], $0x80  }
0x159: {  	s4 =	smul.u32 @!p1 $0xCD, s4;
	s2 =	sshrl.u32 s2, $0xB;
	[sflag:s26] =	ssyncset.done $0x0  }
0x15a: {  	s2 =	smul.u32 $0xA, s2;
	s23 =	simm.s32 $0x1B;
	[sflag:s26] =	ssyncadd.s32 $0xFFFFFF80  }
0x15b: {  	[spmem:s28] =	stream.indirect.scatter.add.f32 [tilespmem:s14], [sflag:$0x7], $0x40, s1, s17, $0xb8;
	[tilespmem:$0x16180] =	vst v63  }
0x15c: {  	s4 =	sshrl.u32 @!p1 s4, $0xB;
	s2 =	ssub.s32 $0x7, s2;
	s26 =	simm.s32 $0x1B  }
0x15d: {  	[spmem:s16] =	stream.indirect.scatter.add.f32 [tilespmem:s18], [sflag:$0x1B], $0x1, s1, s17, $0xb8;
	[tilespmem:$0x16180] =	vst v63  }
0x15e: {  	s1 =	smul.u32 @!p1 $0xA, s4;
	s4 =	sand.u32 @!p4 $0xFF, s5;
	s18 =	sand.u32 $0xFF, s2  }
0x15f: {  	s2 =	smul.u32 @!p1 $0xA, s3;
	s3 =	sand.u32 $0xFF, s22;
	_ =	swait.ge [sflag:s29], $0x2000  }
0x160: {  	s22 =	simm.s32 $0x1C;
	s4 =	smul.u32 @!p4 $0xCD, s4;
	[sflag:s29] =	ssyncset.done $0x0  }
0x161: {  	s3 =	smul.u32 $0xCD, s3;
	s1 =	ssub.s32 @!p1 $0xA, s1;
	[sflag:s29] =	ssyncadd.s32 $0xFFFFE000  }
0x162: {  	s2 =	ssub.s32 @!p1 $0xB, s2;
	s4 =	sshrl.u32 @!p4 s4, $0xB;
	_ =	swait.ge [sflag:s30], $0x80  }
0x163: {  	s1 =	sand.u32 @!p1 $0xFF, s1;
	s3 =	sshrl.u32 s3, $0xB;
	[sflag:s30] =	ssyncset.done $0x0  }
0x164: {  	s4 =	smul.u32 @!p4 $0xA, s4;
	s5 =	sadd.s32 @!p1 $0xB, s1;
	[sflag:s30] =	ssyncadd.s32 $0xFFFFFF80  }
0x165: {  	s1 =	sshll.u32 @!p2 s1, $0x8;
	s3 =	smul.u32 $0xA, s3;
	_ =	swait.ge @!p2 [sflag:s5], $0x100  }
0x166: {  	s4 =	ssub.s32 @!p4 $0xF, s4;
	s30 =	simm.s32 @!p2 $0x80;
	[sflag:s5] =	ssyncset.done @!p2 $0x0  }
0x167: {  	s3 =	ssub.s32 $0x8, s3;
	s4 =	sand.u32 @!p4 $0xFF, s4;
	[sflag:s5] =	ssyncadd.s32 @!p2 $0xFFFFFF00  }
0x168: {  	[tilespmem:s7], [sflag:$0x1] =	stream.indirect.gather @!p2 [hbm4b:s25+s30], $0x40, s1, s30, $0xb8;
	[tilespmem:$0x16180] =	vst v63  }
0x169: {  	s3 =	sand.u32 $0xFF, s3;
	s14 =	rddreg [dreg:$0x1c];
	s5 =	simm.s32 @!p2 $0xAA00  }
0x16a: {  	[tilespmem:s5], [sflag:$0x15] =	stream.indirect.gather @!p2 [hbm4b:s6+s30], $0x1, s1, s30, $0xb8;
	[tilespmem:$0x16180] =	vst v63  }
0x16b: {  	s1 =	sshll.u32 @!p4 s4, $0x8;
	s4 =	sadd.s32 @!p4 $0xB, s4;
	s5 =	simm.s32 @!p4 $0x0  }
0x16c: {  	[tilespmem:s1], [sflag:s4] =	stream.linear.gather @!p4 [hbm4b:s14+s5], $0x100, $0x38;
	[tilespmem:$0x16180] =	vst v63  }
0x16d: {  	s2 =	sand.u32 @!p1 $0xFF, s2;
	s3 =	sshll.u32 s3, $0x8;
	_ =	swait.ge [sflag:s31], $0x2000  }
0x16e: {  	s29 =	simm.s32 $0x4;
	s3 =	sor.u32 $0x80, s3;
	[sflag:s31] =	ssyncset.done $0x0  }
0x16f: {  	s7 =	sadd.s32 @!p2 $0xB, s2;
	s2 =	sshll.u32 @!p2 s2, $0x8;
	[sflag:s31] =	ssyncadd.s32 $0xFFFFE000  }
0x170: {  	s1 =	sshll.u32 s18, $0x8;
	s4 =	simm.s32 @!p1 $0xD;
	_ =	swait.ge [sflag:s10], $0x80  }
0x171: {  	p4 =	por @!p4 $0x1, $0x1;
	s1 =	sor.u32 $0x80, s1;
	[sflag:s10] =	ssyncset.done $0x0  }
0x172: {  	p4 =	por @!p3 p5, p5;
	p3 =	por $0x0, $0x0;
	[sflag:s10] =	ssyncadd.s32 $0xFFFFFF80  }
0x173: {  	[spmem:s28] =	stream.indirect.scatter.add.f32 [tilespmem:s19], [sflag:$0x8], $0x40, s1, s17, $0xb8;
	[tilespmem:$0x16180] =	vst v63  }
0x174: {  	s5 =	simm.s32 @!p1 $0xC;
	s18 =	simm.s32 $0xAB80;
	p3 =	por @!p2 p4, p4  }
0x175: {  	[spmem:s16] =	stream.indirect.scatter.add.f32 [tilespmem:s20], [sflag:$0x1C], $0x1, s1, s17, $0xb8;
	[tilespmem:$0x16180] =	vst v63  }
0x176: {  	s4 =	sand.u32 @!p1 $0xFF, s4;
	s0 =	sand.u32 @p3 $0xFF, s0;
	_ =	swait.ge [sflag:s21], $0x2000  }
0x177: {  	s1 =	smul.u32 @!p1 $0xCD, s4;
	s4 =	simm.s32 @p3 $0x10;
	[sflag:s21] =	ssyncset.done $0x0  }
0x178: {  	s0 =	smul.u32 @p3 $0xCD, s0;
	s4 =	sand.u32 @p3 $0xFF, s4;
	[sflag:s21] =	ssyncadd.s32 $0xFFFFE000  }
0x179: {  	s5 =	sand.u32 @!p1 $0xFF, s5;
	s4 =	smul.u32 @p3 $0xCD, s4;
	_ =	swait.ge [sflag:s23], $0x80  }
0x17a: {  	s5 =	smul.u32 @!p1 $0xCD, s5;
	s0 =	sshrl.u32 @p3 s0, $0xB;
	[sflag:s23] =	ssyncset.done $0x0  }
0x17b: {  	s0 =	smul.u32 @p3 $0xA, s0;
	s4 =	sshrl.u32 @p3 s4, $0xB;
	[sflag:s26] =	ssyncadd.s32 $0xFFFFFF80  }
0x17c: {  	s10 =	simm.s32 $0x18;
	s4 =	smul.u32 @p3 $0xA, s4;
	_ =	swait.ge @!p2 [sflag:s7], $0x100  }
0x17d: {  	s19 =	simm.s32 $0x8;
	s0 =	ssub.s32 @p3 $0x12, s0;
	[sflag:s7] =	ssyncset.done @!p2 $0x0  }
0x17e: {  	s1 =	sshrl.u32 @!p1 s1, $0xB;
	s4 =	ssub.s32 @p3 $0x10, s4;
	[sflag:s7] =	ssyncadd.s32 @!p2 $0xFFFFFF00  }
0x17f: {  	[tilespmem:s8], [sflag:$0x2] =	stream.indirect.gather @!p2 [hbm4b:s25+s30], $0x40, s2, s30, $0xb8;
	[tilespmem:$0x16180] =	vst v63  }
0x180: {  	s26 =	simm.s32 @p3 $0x0;
	s4 =	sand.u32 @p3 $0xFF, s4;
	s7 =	simm.s32 @!p2 $0xAA80  }
0x181: {  	[tilespmem:s7], [sflag:$0x16] =	stream.indirect.gather @!p2 [hbm4b:s6+s30], $0x1, s2, s30, $0xb8;
	[tilespmem:$0x16180] =	vst v63  }
0x182: {  	s11 =	rddreg [dreg:$0x1b];
	s2 =	sshll.u32 @p3 s4, $0x8;
	s4 =	sadd.s32 @p3 $0xB, s4  }
0x183: {  	[tilespmem:s2], [sflag:s4] =	stream.linear.gather @p3 [hbm4b:s11+s26], $0x100, $0x38;
	[tilespmem:$0x16180] =	vst v63  }
0x184: {  	s0 =	sand.u32 @p3 $0xFF, s0;
	s1 =	smul.u32 @!p1 $0xA, s1;
	_ =	swait.ge [sflag:s29], $0x2000  }
0x185: {  	s8 =	simm.s32 @p3 $0x11;
	s7 =	simm.s32 $0x4;
	[sflag:s29] =	ssyncset.done $0x0  }
0x186: {  	s4 =	sand.u32 @p3 $0xFF, s8;
	s8 =	simm.s32 $0x18;
	[sflag:s7] =	ssyncadd.s32 $0xFFFFE000  }
0x187: {  	s20 =	simm.s32 $0x8;
	s31 =	sshll.u32 @p3 s0, $0x8;
	_ =	swait.ge [sflag:s8], $0x80  }
0x188: {  	s1 =	ssub.s32 @!p1 $0xD, s1;
	s23 =	simm.s32 $0x1C;
	[sflag:s8] =	ssyncset.done $0x0  }
0x189: {  	s2 =	sshrl.u32 @!p1 s5, $0xB;
	s4 =	smul.u32 @p3 $0xCD, s4;
	[sflag:s10] =	ssyncadd.s32 $0xFFFFFF80  }
0x18a: {  	[spmem:s28] =	stream.indirect.scatter.add.f32 [tilespmem:s24], [sflag:$0x9], $0x40, s3, s17, $0xb8;
	[tilespmem:$0x16180] =	vst v63  }
0x18b: {  	s21 =	sand.u32 @!p1 $0xFF, s1;
	s2 =	smul.u32 @!p1 $0xA, s2;
	s4 =	sshrl.u32 @p3 s4, $0xB  }
0x18c: {  	[spmem:s16] =	stream.indirect.scatter.add.f32 [tilespmem:s18], [sflag:$0x1D], $0x1, s3, s17, $0xb8;
	[tilespmem:$0x16180] =	vst v63  }
0x18d: {  	s5 =	simm.s32 $0x2;
	s4 =	smul.u32 @p3 $0xA, s4;
	_ =	swait.ge [sflag:s19], $0x2000  }
0x18e: {  	s2 =	ssub.s32 @!p1 $0xC, s2;
	s8 =	simm.s32 @!p2 $0x4A00;
	[sflag:s19] =	ssyncset.done $0x0  }
0x18f: {  	s1 =	ssub.s32 @p3 $0x11, s4;
	s4 =	sadd.s32 $0xA0, s14;
	[sflag:s20] =	ssyncadd.s32 $0xFFFFE000  }
0x190: {  	s1 =	sand.u32 @p3 $0xFF, s1;
	s28 =	sadd.s32 $0xA0, s11;
	_ =	swait.ge [sflag:s22], $0x80  }
0x191: {  	s3 =	sand.u32 @!p1 $0xFF, s2;
	s2 =	sadd.s32 $0xA0, s15;
	s15 =	rddreg [dreg:$0x1a]  }
0x192: {  	s10 =	sadd.s32 @p3 $0xB, s1;
	[sflag:s22] =	ssyncset.done $0x0;
	s24 =	sadd.s32 $0xA0, s15  }
0x193: {  	s7 =	sadd.s32 @!p2 $0xB, s3;
	[sflag:s23] =	ssyncadd.s32 $0xFFFFFF80;
	[dreg:$0x5] =	wrdreg s24  }
0x194: {  	p1 =	por $0x0, $0x0;
	s16 =	simm.s32 $0xB;
	_ =	swait.ge @!p2 [sflag:s7], $0x100  }
0x195: {  	s17 =	simm.s32 $0xC;
	s3 =	sshll.u32 @!p2 s3, $0x8;
	[sflag:s7] =	ssyncset.done @!p2 $0x0  }
0x196: {  	s20 =	sshll.u32 @p3 s1, $0x8;
	[dreg:$0x6] =	wrdreg s28;
	[sflag:s7] =	ssyncadd.s32 @!p2 $0xFFFFFF00  }
0x197: {  	[tilespmem:s8], [sflag:$0x3] =	stream.indirect.gather @!p2 [hbm4b:s25+s30], $0x40, s3, s30, $0xb8;
	[tilespmem:$0x16180] =	vst v63  }
0x198: {  	s1 =	sadd.s32 @p3 $0xB, s0;
	s19 =	rddreg [dreg:$0x19];
	s8 =	simm.s32 @!p2 $0xAB00  }
0x199: {  	[tilespmem:s8], [sflag:$0x17] =	stream.indirect.gather @!p2 [hbm4b:s6+s30], $0x1, s3, s30, $0xb8;
	[tilespmem:$0x16180] =	vst v63  }
0x19a: {  	s29 =	sadd.s32 $0xA0, s19;
	s7 =	simm.s32 @!p2 $0x6A00;
	s3 =	simm.s32 $0xA  }
0x19b: {  	[dreg:$0x4] =	wrdreg s29;
	s8 =	sadd.s32 @!p2 $0xB, s21;
	s18 =	smul.u32 $0xCD, s3  }
.LBB2_4:
0x19c: {  	s11 =	sand.u32 $0xFF, s16  }
0x19d: {  	s24 =	sand.u32 $0xFF, s17;
	s14 =	smov.u32 s6;
	s6 =	smov.u32 s25  }
0x19e: {  	[tilespmem:s20], [sflag:s10] =	stream.linear.gather @p3 [hbm4b:s15+s26], $0x100, $0x38;
	[tilespmem:$0x16180] =	vst v63  }
0x19f: {  	s25 =	sadd.s32 @!p1 $0x6, s3;
	s0 =	smov.u32 s9;
	s29 =	simm.s32 $0x5  }
0x1a0: {  	s10 =	sadd.s32 $0x3, s3;
	s12 =	sadd.s32 $0x80, s12;
	s23 =	simm.s32 $0xAC00  }
0x1a1: {  	s21 =	sshll.u32 @!p2 s21, $0x8;
	p4 =	sgt.u32 @!p1 s5, $0x1D;
	s11 =	smul.u32 $0xCD, s11  }
0x1a2: {  	[dreg:$0x7] =	wrdreg s0;
	s15 =	sand.u32 @!p1 $0xFF, s25;
	s28 =	smul.u32 $0xCD, s24  }
0x1a3: {  	s0 =	simm.s32 $0x19;
	s18 =	sshrl.u32 s18, $0xB;
	_ =	swait.ge [sflag:s29], $0x2000  }
0x1a4: {  	s15 =	smul.u32 @!p1 $0xCD, s15;
	[sflag:s29] =	ssyncset.done $0x0;
	s11 =	sshrl.u32 s11, $0xB  }
0x1a5: {  	s20 =	sshrl.u32 s28, $0xB;
	[sflag:s29] =	ssyncadd.s32 $0xFFFFE000;
	s11 =	smul.u32 $0xA, s11  }
0x1a6: {  	s24 =	sand.u32 $0x1F, s18;
	s20 =	smul.u32 $0xA, s20;
	_ =	swait.ge [sflag:s0], $0x80  }
0x1a7: {  	s24 =	smul.u32 $0xA, s24;
	s29 =	simm.s32 $0x8A00;
	[sflag:s0] =	ssyncset.done $0x0  }
0x1a8: {  	s11 =	ssub.s32 s16, s11;
	s20 =	ssub.s32 s17, s20;
	[sflag:s0] =	ssyncadd.s32 $0xFFFFFF80  }
0x1a9: {  	s0 =	simm.s32 $0x80;
	s11 =	sand.u32 $0xFF, s11;
	s28 =	rddreg [dreg:$0x1]  }
0x1aa: {  	[spmem:s28] =	stream.indirect.scatter.add.f32 [tilespmem:s29], [sflag:$0xA], $0x40, s12, s0, $0xb8;
	[tilespmem:$0x16180] =	vst v63  }
0x1ab: {  	s22 =	rddreg [dreg:$0x2];
	s16 =	sshll.u32 s11, $0x8;
	s11 =	simm.s32 $0x9  }
0x1ac: {  	[spmem:s22] =	stream.indirect.scatter.add.f32 [tilespmem:s23], [sflag:$0x1E], $0x1, s12, s0, $0xb8;
	[tilespmem:$0x16180] =	vst v63  }
0x1ad: {  	s15 =	sshrl.u32 @!p1 s15, $0xB;
	s20 =	sand.u32 $0xFF, s20;
	_ =	swait.ge [sflag:s11], $0x2000  }
0x1ae: {  	s17 =	sshll.u32 s20, $0x8;
	s12 =	smul.u32 @!p1 $0xA, s15;
	[sflag:s11] =	ssyncset.done $0x0  }
0x1af: {  	[sflag:s11] =	ssyncadd.s32 $0xFFFFE000;
	s11 =	ssub.s32 s3, s24;
	s24 =	simm.s32 $0x1D  }
0x1b0: {  	s15 =	sand.u32 $0xFF, s10;
	s12 =	ssub.s32 @!p1 s25, s12;
	_ =	swait.ge [sflag:s24], $0x80  }
0x1b1: {  	s25 =	smov.u32 s6;
	s6 =	smov.u32 s14;
	[sflag:s24] =	ssyncset.done $0x0  }
0x1b2: {  	s20 =	sand.u32 @!p1 $0xFF, s12;
	s11 =	sand.u32 $0xFF, s11;
	[sflag:s24] =	ssyncadd.s32 $0xFFFFFF80  }
0x1b3: {  	s24 =	smul.u32 $0xCD, s15;
	s15 =	sadd.s32 @!p1 $0x8, s3;
	_ =	swait.ge @!p2 [sflag:s8], $0x100  }
0x1b4: {  	s11 =	sshll.u32 s11, $0x8;
	s18 =	sand.u32 @!p1 $0xFF, s15;
	[sflag:s8] =	ssyncset.done @!p2 $0x0  }
0x1b5: {  	s12 =	sshrl.u32 s24, $0xB;
	s18 =	smul.u32 @!p1 $0xCD, s18;
	[sflag:s8] =	ssyncadd.s32 @!p2 $0xFFFFFF00  }
0x1b6: {  	[tilespmem:s7], [sflag:$0x4] =	stream.indirect.gather @!p2 [hbm4b:s25+s30], $0x40, s21, s30, $0xb8;
	[tilespmem:$0x16180] =	vst v63  }
0x1b7: {  	s11 =	sor.u32 $0x80, s11;
	s24 =	smul.u32 $0xA, s12;
	s8 =	sshrl.u32 @!p1 s18, $0xB  }
0x1b8: {  	s12 =	simm.s32 @!p2 $0xAB80;
	s7 =	smul.u32 @!p1 $0xA, s8;
	s8 =	sadd.s32 $0xFFFFFFF7, s13  }
0x1b9: {  	[tilespmem:s12], [sflag:$0x18] =	stream.indirect.gather @!p2 [hbm4b:s14+s30], $0x1, s21, s30, $0xb8;
	[tilespmem:$0x16180] =	vst v63  }
0x1ba: {  	s10 =	ssub.s32 s10, s24;
	s24 =	simm.s32 $0x15;
	s21 =	sand.u32 $0xFF, s8  }
0x1bb: {  	[tilespmem:s31], [sflag:s1] =	stream.linear.gather @p3 [hbm4b:s19+s26], $0x100, $0x38;
	[tilespmem:$0x16180] =	vst v63  }
0x1bc: {  	s14 =	sand.u32 $0xFF, s10;
	s18 =	smul.u32 $0xCD, s21;
	s19 =	simm.s32 $0x1  }
0x1bd: {  	s1 =	sadd.s32 @!p1 $0x7, s3;
	s26 =	simm.s32 $0xA00;
	_ =	swait.ge [sflag:s19], $0x2000  }
0x1be: {  	p3 =	por p4, p1;
	s18 =	sshrl.u32 s18, $0xB;
	[sflag:s19] =	ssyncset.done $0x0  }
0x1bf: {  	s12 =	sand.u32 @!p1 $0xFF, s1;
	s18 =	smul.u32 $0xA, s18;
	[sflag:s19] =	ssyncadd.s32 $0xFFFFE000  }
0x1c0: {  	s12 =	smul.u32 @!p1 $0xCD, s12;
	s19 =	sadd.s32 @!p1 $0xFFFFFFFC, s13;
	_ =	swait.ge [sflag:s24], $0x80  }
0x1c1: {  	s21 =	sand.u32 @!p1 $0xFF, s19;
	s8 =	ssub.s32 s8, s18;
	[sflag:s24] =	ssyncset.done $0x0  }
0x1c2: {  	s10 =	smul.u32 @!p1 $0xCD, s21;
	[sflag:s24] =	ssyncadd.s32 $0xFFFFFF80;
	s24 =	sadd.s32 @!p1 $0x5, s3  }
0x1c3: {  	[spmem:s28] =	stream.indirect.scatter.add.f32 [tilespmem:s26], [sflag:$0x6], $0x40, s11, s0, $0xb8;
	[tilespmem:$0x16180] =	vst v63  }
0x1c4: {  	s3 =	sshll.u32 s14, $0x8;
	s14 =	simm.s32 $0xA;
	s26 =	simm.s32 $0xAA00  }
0x1c5: {  	[spmem:s22] =	stream.indirect.scatter.add.f32 [tilespmem:s26], [sflag:$0x1A], $0x1, s11, s0, $0xb8;
	[tilespmem:$0x16180] =	vst v63  }
0x1c6: {  	s12 =	sshrl.u32 @!p1 s12, $0xB;
	s8 =	sand.u32 $0xFF, s8;
	_ =	swait.ge [sflag:s14], $0x2000  }
0x1c7: {  	s21 =	sand.u32 @!p1 $0xFF, s24;
	s10 =	sshrl.u32 @!p1 s10, $0xB;
	[sflag:s14] =	ssyncset.done $0x0  }
0x1c8: {  	s10 =	smul.u32 @!p1 $0xA, s10;
	[sflag:s14] =	ssyncadd.s32 $0xFFFFE000;
	s14 =	simm.s32 $0x1E  }
0x1c9: {  	s18 =	sadd.s32 $0xB, s8;
	s11 =	smul.u32 @!p1 $0xCD, s21;
	_ =	swait.ge [sflag:s14], $0x80  }
0x1ca: {  	s21 =	smul.u32 @!p1 $0xA, s12;
	s12 =	sshll.u32 s8, $0x8;
	[sflag:s14] =	ssyncset.done $0x0  }
0x1cb: {  	s10 =	ssub.s32 @!p1 s19, s10;
	s19 =	sadd.s32 @!p3 $0xFFFFFFFD, s13;
	[sflag:s14] =	ssyncadd.s32 $0xFFFFFF80  }
0x1cc: {  	s11 =	sshrl.u32 @!p1 s11, $0xB;
	s10 =	sand.u32 @!p1 $0xFF, s10;
	_ =	swait.ge [sflag:s18], $0x100  }
0x1cd: {  	s1 =	ssub.s32 @!p1 s1, s21;
	s8 =	smul.u32 @!p1 $0xA, s11;
	[sflag:s18] =	ssyncset.done $0x0  }
0x1ce: {  	s11 =	simm.s32 @!p1 $0x0;
	s21 =	sadd.s32 @!p1 $0xB, s10;
	[sflag:s18] =	ssyncadd.s32 $0xFFFFFF00  }
0x1cf: {  	[tilespmem:s29], [sflag:$0x5] =	stream.indirect.gather [hbm4b:s25+s0], $0x40, s12, s0, $0xb8;
	[tilespmem:$0x16180] =	vst v63  }
0x1d0: {  	s8 =	ssub.s32 @!p1 s24, s8;
	s24 =	sand.u32 @!p3 $0xFF, s19;
	s18 =	sand.u32 @!p1 $0xFF, s1  }
0x1d1: {  	[tilespmem:s23], [sflag:$0x19] =	stream.indirect.gather [hbm4b:s6+s0], $0x1, s12, s0, $0xb8;
	[tilespmem:$0x16180] =	vst v63  }
0x1d2: {  	s1 =	sshll.u32 @!p1 s10, $0x8;
	s10 =	smul.u32 @!p3 $0xCD, s24;
	s24 =	simm.s32 $0x2  }
0x1d3: {  	[tilespmem:s1], [sflag:s21] =	stream.linear.gather @!p1 [hbm4b:s2+s11], $0x100, $0x38;
	[tilespmem:$0x16180] =	vst v63  }
0x1d4: {  	_ =	swait.ge [sflag:s24], $0x2000  }
0x1d5: {  	[sflag:s24] =	ssyncset.done $0x0  }
0x1d6: {  	s26 =	simm.s32 $0x16;
	[sflag:s24] =	ssyncadd.s32 $0xFFFFE000  }
0x1d7: {  	_ =	swait.ge [sflag:s26], $0x80  }
0x1d8: {  	p2 =	por @!p1 $0x0, $0x0;
	p4 =	por !p4, p1;
	[sflag:s26] =	ssyncset.done $0x0  }
0x1d9: {  	s11 =	sor.u32 $0x80, s16;
	s16 =	simm.s32 $0x2A00;
	[sflag:s26] =	ssyncadd.s32 $0xFFFFFF80  }
0x1da: {  	[spmem:s28] =	stream.indirect.scatter.add.f32 [tilespmem:s16], [sflag:$0x7], $0x40, s11, s0, $0xb8;
	[tilespmem:$0x16180] =	vst v63  }
0x1db: {  	s23 =	simm.s32 $0xAA80;
	s24 =	simm.s32 $0x6;
	s14 =	rddreg [dreg:$0x5]  }
0x1dc: {  	[spmem:s22] =	stream.indirect.scatter.add.f32 [tilespmem:s23], [sflag:$0x1B], $0x1, s11, s0, $0xb8;
	[tilespmem:$0x16180] =	vst v63  }
0x1dd: {  	p5 =	por @!p3 $0x1, $0x1;
	s29 =	rddreg [dreg:$0x4];
	_ =	swait.ge [sflag:s24], $0x2000  }
0x1de: {  	p5 =	por @!p4 p2, p2;
	s1 =	ssub.s32 @!p1 s15, s7;
	[sflag:s24] =	ssyncset.done $0x0  }
0x1df: {  	s7 =	sshrl.u32 @!p3 s10, $0xB;
	s26 =	simm.s32 $0x1A;
	[sflag:s24] =	ssyncadd.s32 $0xFFFFE000  }
0x1e0: {  	p2 =	por p1, p1;
	s7 =	smul.u32 @!p3 $0xA, s7;
	_ =	swait.ge [sflag:s26], $0x80  }
0x1e1: {  	s8 =	sand.u32 @!p1 $0xFF, s8;
	s21 =	sand.u32 @!p1 $0xFF, s1;
	[sflag:s26] =	ssyncset.done $0x0  }
0x1e2: {  	s1 =	ssub.s32 @!p3 s19, s7;
	s7 =	sadd.s32 @!p1 $0xB, s8;
	[sflag:s26] =	ssyncadd.s32 $0xFFFFFF80  }
0x1e3: {  	_ =	swait.ge @!p2 [sflag:s7], $0x100  }
0x1e4: {  	s30 =	simm.s32 @!p2 $0x80;
	[sflag:s7] =	ssyncset.done @!p2 $0x0  }
0x1e5: {  	s8 =	sshll.u32 @!p2 s8, $0x8;
	s11 =	simm.s32 @!p2 $0xA00;
	[sflag:s7] =	ssyncadd.s32 @!p2 $0xFFFFFF00  }
0x1e6: {  	[tilespmem:s11], [sflag:$0x1] =	stream.indirect.gather @!p2 [hbm4b:s25+s30], $0x40, s8, s30, $0xb8;
	[tilespmem:$0x16180] =	vst v63  }
0x1e7: {  	s1 =	sand.u32 @!p3 $0xFF, s1;
	s7 =	simm.s32 @!p2 $0xAA00  }
0x1e8: {  	[tilespmem:s7], [sflag:$0x15] =	stream.indirect.gather @!p2 [hbm4b:s6+s30], $0x1, s8, s30, $0xb8;
	[tilespmem:$0x16180] =	vst v63  }
0x1e9: {  	s10 =	sshll.u32 @!p3 s1, $0x8;
	s1 =	sadd.s32 @!p3 $0xB, s1;
	s7 =	simm.s32 @!p3 $0x0  }
0x1ea: {  	[tilespmem:s10], [sflag:s1] =	stream.linear.gather @!p3 [hbm4b:s4+s7], $0x100, $0x38;
	[tilespmem:$0x16180] =	vst v63  }
0x1eb: {  	s7 =	simm.s32 $0x3  }
0x1ec: {  	_ =	swait.ge [sflag:s7], $0x2000  }
0x1ed: {  	[sflag:s7] =	ssyncset.done $0x0  }
0x1ee: {  	s8 =	simm.s32 $0x17;
	[sflag:s7] =	ssyncadd.s32 $0xFFFFE000  }
0x1ef: {  	s9 =	sadd.s32 $0x5, s9;
	_ =	swait.ge [sflag:s8], $0x80  }
0x1f0: {  	s16 =	simm.s32 $0xAB00;
	s23 =	simm.s32 $0x1B;
	[sflag:s8] =	ssyncset.done $0x0  }
0x1f1: {  	s11 =	simm.s32 $0x4A00;
	s10 =	sor.u32 $0x80, s17;
	[sflag:s8] =	ssyncadd.s32 $0xFFFFFF80  }
0x1f2: {  	[spmem:s28] =	stream.indirect.scatter.add.f32 [tilespmem:s11], [sflag:$0x8], $0x40, s10, s0, $0xb8;
	[tilespmem:$0x16180] =	vst v63  }
0x1f3: {  	p3 =	por $0x0, $0x0;
	s17 =	simm.s32 $0x7;
	s1 =	sshll.u32 @!p2 s20, $0x8  }
0x1f4: {  	[spmem:s22] =	stream.indirect.scatter.add.f32 [tilespmem:s16], [sflag:$0x1C], $0x1, s10, s0, $0xb8;
	[tilespmem:$0x16180] =	vst v63  }
0x1f5: {  	s20 =	sadd.s32 @!p2 $0xB, s20;
	p3 =	por @!p2 p5, p5;
	_ =	swait.ge [sflag:s17], $0x2000  }
0x1f6: {  	s24 =	sand.u32 @p3 $0xFF, s13;
	s10 =	sadd.s32 @p3 $0xFFFFFFFE, s13;
	[sflag:s17] =	ssyncset.done $0x0  }
0x1f7: {  	s11 =	sadd.s32 @p3 $0xFFFFFFFF, s13;
	s16 =	sand.u32 @p3 $0xFF, s10;
	[sflag:s17] =	ssyncadd.s32 $0xFFFFE000  }
0x1f8: {  	s16 =	smul.u32 @p3 $0xCD, s16;
	s17 =	sand.u32 @p3 $0xFF, s11;
	_ =	swait.ge [sflag:s23], $0x80  }
0x1f9: {  	s7 =	simm.s32 @!p2 $0x2A00;
	s17 =	smul.u32 @p3 $0xCD, s17;
	[sflag:s23] =	ssyncset.done $0x0  }
0x1fa: {  	s24 =	smul.u32 @p3 $0xCD, s24;
	s16 =	sshrl.u32 @p3 s16, $0xB;
	[sflag:s23] =	ssyncadd.s32 $0xFFFFFF80  }
0x1fb: {  	s16 =	smul.u32 @p3 $0xA, s16;
	s17 =	sshrl.u32 @p3 s17, $0xB;
	_ =	swait.ge @!p2 [sflag:s20], $0x100  }
0x1fc: {  	s24 =	sshrl.u32 @p3 s24, $0xB;
	s17 =	smul.u32 @p3 $0xA, s17;
	[sflag:s20] =	ssyncset.done @!p2 $0x0  }
0x1fd: {  	s10 =	ssub.s32 @p3 s10, s16;
	s16 =	smul.u32 @p3 $0xA, s24;
	[sflag:s20] =	ssyncadd.s32 @!p2 $0xFFFFFF00  }
0x1fe: {  	[tilespmem:s7], [sflag:$0x2] =	stream.indirect.gather @!p2 [hbm4b:s25+s30], $0x40, s1, s30, $0xb8;
	[tilespmem:$0x16180] =	vst v63  }
0x1ff: {  	s26 =	simm.s32 @p3 $0x0;
	s8 =	simm.s32 @!p2 $0xAA80;
	s7 =	sand.u32 @p3 $0xFF, s10  }
0x200: {  	s10 =	ssub.s32 @p3 s11, s17;
	s11 =	ssub.s32 @p3 s13, s16;
	s16 =	rddreg [dreg:$0x6]  }
0x201: {  	[tilespmem:s8], [sflag:$0x16] =	stream.indirect.gather @!p2 [hbm4b:s6+s30], $0x1, s1, s30, $0xb8;
	[tilespmem:$0x16180] =	vst v63  }
0x202: {  	s17 =	simm.s32 $0x4;
	s1 =	sshll.u32 @p3 s7, $0x8;
	s7 =	sadd.s32 @p3 $0xB, s7  }
0x203: {  	[tilespmem:s1], [sflag:s7] =	stream.linear.gather @p3 [hbm4b:s16+s26], $0x100, $0x38;
	[tilespmem:$0x16180] =	vst v63  }
0x204: {  	s5 =	sadd.s32 $0x1, s5;
	p4 =	sne.s32 s9, $0xAD;
	_ =	swait.ge [sflag:s17], $0x2000  }
0x205: {  	s3 =	sor.u32 $0x80, s3;
	s2 =	sadd.s32 $0xA0, s2;
	[sflag:s17] =	ssyncset.done $0x0  }
0x206: {  	s15 =	smov.u32 s14;
	s23 =	simm.s32 $0x18;
	[sflag:s17] =	ssyncadd.s32 $0xFFFFE000  }
0x207: {  	s19 =	smov.u32 s29;
	s14 =	sadd.s32 $0xA0, s14;
	_ =	swait.ge [sflag:s23], $0x80  }
0x208: {  	s29 =	sadd.s32 $0xA0, s29;
	s4 =	sadd.s32 $0xA0, s4;
	[sflag:s23] =	ssyncset.done $0x0  }
0x209: {  	s24 =	simm.s32 $0x6A00;
	s8 =	sadd.s32 @!p2 $0xB, s21;
	[sflag:s23] =	ssyncadd.s32 $0xFFFFFF80  }
0x20a: {  	[spmem:s28] =	stream.indirect.scatter.add.f32 [tilespmem:s24], [sflag:$0x9], $0x40, s3, s0, $0xb8;
	[tilespmem:$0x16180] =	vst v63  }
0x20b: {  	s1 =	sand.u32 @p3 $0xFF, s10;
	s7 =	sand.u32 @p3 $0xFF, s11;
	s17 =	simm.s32 $0xAB80  }
0x20c: {  	[spmem:s22] =	stream.indirect.scatter.add.f32 [tilespmem:s17], [sflag:$0x1D], $0x1, s3, s0, $0xb8;
	[tilespmem:$0x16180] =	vst v63  }
0x20d: {  	s16 =	sadd.s32 $0xA0, s16;
	s20 =	sshll.u32 @p3 s1, $0x8;
	s22 =	simm.s32 $0x8  }
0x20e: {  	s10 =	sadd.s32 @p3 $0xB, s1;
	s11 =	rddreg [dreg:$0x7];
	_ =	swait.ge [sflag:s22], $0x2000  }
0x20f: {  	s31 =	sshll.u32 @p3 s7, $0x8;
	s1 =	sadd.s32 @p3 $0xB, s7;
	[sflag:s22] =	ssyncset.done $0x0  }
0x210: {  	s7 =	simm.s32 @!p2 $0x6A00;
	s23 =	simm.s32 $0x1C;
	[sflag:s22] =	ssyncadd.s32 $0xFFFFE000  }
0x211: {  	s13 =	smov.u32 s11;
	_ =	swait.ge [sflag:s23], $0x80;
	[dreg:$0x5] =	wrdreg s14  }
0x212: {  	s28 =	simm.s32 $0x1C;
	[dreg:$0x6] =	wrdreg s16;
	[sflag:s23] =	ssyncset.done $0x0  }
0x213: {  	s11 =	sadd.s32 @!p2 $0xB, s18;
	[dreg:$0x4] =	wrdreg s29;
	[sflag:s28] =	ssyncadd.s32 $0xFFFFFF80  }
0x214: {  	p1 =	seq.s32 s13, $0xA8;
	s3 =	sadd.s32 $0xFFFFFFF3, s13;
	_ =	swait.ge @!p2 [sflag:s11], $0x100  }
.Ltmp1:
0x215: {  	s17 =	sadd.s32 $0x2, s3;
	[sflag:s11] =	ssyncset.done @!p2 $0x0;
	(pc) =	sbr.rel @p4 .LBB2_4-.Ltmp1, $4  }
0x216: {  	s16 =	simm.s32 @!p2 $0x4A00;
	[sflag:s11] =	ssyncadd.s32 @!p2 $0xFFFFFF00;
	s11 =	sshll.u32 @!p2 s18, $0x8  }
0x217: {  	[tilespmem:s16], [sflag:$0x3] =	stream.indirect.gather @!p2 [hbm4b:s25+s30], $0x40, s11, s30, $0xb8;
	[tilespmem:$0x16180] =	vst v63  }
0x218: {  	s23 =	simm.s32 @!p2 $0xAB00;
	s18 =	smul.u32 $0xCD, s3;
	s16 =	sadd.s32 $0x1, s3  }
0x219: {  	[tilespmem:s23], [sflag:$0x17] =	stream.indirect.gather @!p2 [hbm4b:s6+s30], $0x1, s11, s30, $0xb8;
	[tilespmem:$0x16180] =	vst v63  }
0x21a: {  	[tilespmem:s20], [sflag:s10] =	stream.linear.gather @p3 [hbm4b:s15+s26], $0x100, $0x38;
	[tilespmem:$0x16180] =	vst v63  }
0x21b: {  	s20 =	simm.s32 $0x5  }
0x21c: {  	_ =	swait.ge [sflag:s20], $0x2000  }
0x21d: {  	[sflag:s20] =	ssyncset.done $0x0  }
0x21e: {  	s15 =	simm.s32 $0x19;
	[sflag:s20] =	ssyncadd.s32 $0xFFFFE000  }
0x21f: {  	_ =	swait.ge [sflag:s15], $0x80  }
0x220: {  	[sflag:s15] =	ssyncset.done $0x0  }
0x221: {  	s9 =	sadd.s32 $0x80, s12;
	[sflag:s15] =	ssyncadd.s32 $0xFFFFFF80  }
0x222: {  	s22 =	simm.s32 $0x8A00;
	s28 =	simm.s32 $0x80;
	s29 =	rddreg [dreg:$0x1]  }
0x223: {  	[spmem:s29] =	stream.indirect.scatter.add.f32 [tilespmem:s22], [sflag:$0xA], $0x40, s9, s28, $0xb8;
	[tilespmem:$0x16180] =	vst v63  }
0x224: {  	s14 =	simm.s32 $0xAC00;
	s12 =	simm.s32 $0x9;
	s23 =	rddreg [dreg:$0x2]  }
0x225: {  	[spmem:s23] =	stream.indirect.scatter.add.f32 [tilespmem:s14], [sflag:$0x1E], $0x1, s9, s28, $0xb8;
	[tilespmem:$0x16180] =	vst v63  }
0x226: {  	_ =	swait.ge [sflag:s12], $0x2000  }
0x227: {  	[sflag:s12] =	ssyncset.done $0x0  }
0x228: {  	s11 =	simm.s32 $0x1D;
	[sflag:s12] =	ssyncadd.s32 $0xFFFFE000  }
0x229: {  	_ =	swait.ge [sflag:s11], $0x80  }
0x22a: {  	[sflag:s11] =	ssyncset.done $0x0  }
0x22b: {  	[sflag:s11] =	ssyncadd.s32 $0xFFFFFF80  }
0x22c: {  	_ =	swait.ge @!p2 [sflag:s8], $0x100  }
0x22d: {  	[sflag:s8] =	ssyncset.done @!p2 $0x0  }
0x22e: {  	[sflag:s8] =	ssyncadd.s32 @!p2 $0xFFFFFF00;
	s8 =	sshll.u32 @!p2 s21, $0x8  }
0x22f: {  	[tilespmem:s7], [sflag:$0x4] =	stream.indirect.gather @!p2 [hbm4b:s25+s30], $0x40, s8, s30, $0xb8;
	[tilespmem:$0x16180] =	vst v63  }
0x230: {  	s18 =	sshrl.u32 s18, $0xB;
	s7 =	simm.s32 @!p2 $0xAB80  }
0x231: {  	[tilespmem:s7], [sflag:$0x18] =	stream.indirect.gather @!p2 [hbm4b:s6+s30], $0x1, s8, s30, $0xb8;
	[tilespmem:$0x16180] =	vst v63  }
0x232: {  	s0 =	simm.s32 $0x1;
	s7 =	sand.u32 $0x1F, s18  }
0x233: {  	[tilespmem:s31], [sflag:s1] =	stream.linear.gather @p3 [hbm4b:s19+s26], $0x100, $0x38;
	[tilespmem:$0x16180] =	vst v63  }
0x234: {  	s19 =	smul.u32 $0xA, s7;
	_ =	swait.ge [sflag:s0], $0x2000  }
0x235: {  	[sflag:s0] =	ssyncset.done $0x0  }
0x236: {  	s21 =	simm.s32 $0x15;
	s1 =	ssub.s32 s3, s19;
	[sflag:s0] =	ssyncadd.s32 $0xFFFFE000  }
0x237: {  	s10 =	simm.s32 $0xA00;
	s1 =	sand.u32 $0xFF, s1;
	_ =	swait.ge [sflag:s21], $0x80  }
0x238: {  	s26 =	sadd.s32 $0xFFFFFFF7, s13;
	s1 =	sshll.u32 s1, $0x8;
	[sflag:s21] =	ssyncset.done $0x0  }
0x239: {  	s9 =	sand.u32 $0xFF, s26;
	s1 =	sor.u32 $0x80, s1;
	[sflag:s21] =	ssyncadd.s32 $0xFFFFFF80  }
0x23a: {  	[spmem:s29] =	stream.indirect.scatter.add.f32 [tilespmem:s10], [sflag:$0x6], $0x40, s1, s28, $0xb8;
	[tilespmem:$0x16180] =	vst v63  }
0x23b: {  	s18 =	simm.s32 $0xAA00;
	s8 =	smul.u32 $0xCD, s9  }
0x23c: {  	[spmem:s23] =	stream.indirect.scatter.add.f32 [tilespmem:s18], [sflag:$0x1A], $0x1, s1, s28, $0xb8;
	[tilespmem:$0x16180] =	vst v63  }
0x23d: {  	s18 =	simm.s32 $0xA  }
0x23e: {  	s19 =	sshrl.u32 s8, $0xB;
	_ =	swait.ge [sflag:s18], $0x2000  }
0x23f: {  	s8 =	sadd.s32 @!p1 $0xFFFFFFFC, s13;
	s1 =	smul.u32 $0xA, s19;
	[sflag:s18] =	ssyncset.done $0x0  }
0x240: {  	s9 =	sand.u32 @!p1 $0xFF, s8;
	s19 =	simm.s32 $0x1E;
	[sflag:s18] =	ssyncadd.s32 $0xFFFFE000  }
0x241: {  	s9 =	smul.u32 @!p1 $0xCD, s9;
	s1 =	ssub.s32 s26, s1;
	_ =	swait.ge [sflag:s19], $0x80  }
0x242: {  	s1 =	sand.u32 $0xFF, s1;
	[sflag:s19] =	ssyncset.done $0x0  }
0x243: {  	s7 =	sshrl.u32 @!p1 s9, $0xB;
	s21 =	sadd.s32 $0xB, s1;
	[sflag:s19] =	ssyncadd.s32 $0xFFFFFF80  }
0x244: {  	s7 =	smul.u32 @!p1 $0xA, s7;
	_ =	swait.ge [sflag:s21], $0x100  }
0x245: {  	p5 =	por @!p1 $0x0, $0x0;
	p2 =	por p1, p1;
	[sflag:s21] =	ssyncset.done $0x0  }
0x246: {  	s7 =	ssub.s32 @!p1 s8, s7;
	s1 =	sshll.u32 s1, $0x8;
	[sflag:s21] =	ssyncadd.s32 $0xFFFFFF00  }
0x247: {  	[tilespmem:s22], [sflag:$0x5] =	stream.indirect.gather [hbm4b:s25+s28], $0x40, s1, s28, $0xb8;
	[tilespmem:$0x16180] =	vst v63  }
0x248: {  	s9 =	simm.s32 @!p1 $0x0;
	s26 =	sand.u32 $0xFF, s16;
	s7 =	sand.u32 @!p1 $0xFF, s7  }
0x249: {  	[tilespmem:s14], [sflag:$0x19] =	stream.indirect.gather [hbm4b:s6+s28], $0x1, s1, s28, $0xb8;
	[tilespmem:$0x16180] =	vst v63  }
0x24a: {  	s0 =	smul.u32 $0xCD, s26;
	s10 =	sadd.s32 @!p1 $0xB, s7;
	s7 =	sshll.u32 @!p1 s7, $0x8  }
0x24b: {  	[tilespmem:s7], [sflag:s10] =	stream.linear.gather @!p1 [hbm4b:s2+s9], $0x100, $0x38;
	[tilespmem:$0x16180] =	vst v63  }
0x24c: {  	p3 =	sgt.u32 @!p1 s5, $0x1D;
	s8 =	simm.s32 $0x2;
	s7 =	sshrl.u32 s0, $0xB  }
0x24d: {  	p4 =	por p3, p1;
	s2 =	smul.u32 $0xA, s7;
	_ =	swait.ge [sflag:s8], $0x2000  }
0x24e: {  	p3 =	por !p3, p1;
	s26 =	simm.s32 $0x1A;
	[sflag:s8] =	ssyncset.done $0x0  }
0x24f: {  	s9 =	simm.s32 $0x16;
	s2 =	ssub.s32 s16, s2;
	[sflag:s8] =	ssyncadd.s32 $0xFFFFE000  }
0x250: {  	s10 =	simm.s32 $0x2A00;
	s2 =	sand.u32 $0xFF, s2;
	_ =	swait.ge [sflag:s9], $0x80  }
0x251: {  	s7 =	sadd.s32 @!p1 $0x5, s3;
	s2 =	sshll.u32 s2, $0x8;
	[sflag:s9] =	ssyncset.done $0x0  }
0x252: {  	s8 =	sand.u32 @!p1 $0xFF, s7;
	[sflag:s9] =	ssyncadd.s32 $0xFFFFFF80;
	s2 =	sor.u32 $0x80, s2  }
0x253: {  	[spmem:s29] =	stream.indirect.scatter.add.f32 [tilespmem:s10], [sflag:$0x7], $0x40, s2, s28, $0xb8;
	[tilespmem:$0x16180] =	vst v63  }
0x254: {  	s21 =	simm.s32 $0x6;
	s16 =	simm.s32 $0xAA80;
	s8 =	smul.u32 @!p1 $0xCD, s8  }
0x255: {  	[spmem:s23] =	stream.indirect.scatter.add.f32 [tilespmem:s16], [sflag:$0x1B], $0x1, s2, s28, $0xb8;
	[tilespmem:$0x16180] =	vst v63  }
0x256: {  	s0 =	sand.u32 $0xFF, s17;
	s5 =	sshrl.u32 @!p1 s8, $0xB;
	_ =	swait.ge [sflag:s21], $0x2000  }
0x257: {  	s8 =	sadd.s32 @!p4 $0xFFFFFFFD, s13;
	s2 =	smul.u32 @!p1 $0xA, s5;
	[sflag:s21] =	ssyncset.done $0x0  }
0x258: {  	s9 =	simm.s32 @!p4 $0x0;
	s5 =	sand.u32 @!p4 $0xFF, s8;
	[sflag:s21] =	ssyncadd.s32 $0xFFFFE000  }
0x259: {  	s5 =	smul.u32 @!p4 $0xCD, s5;
	s2 =	ssub.s32 @!p1 s7, s2;
	_ =	swait.ge [sflag:s26], $0x80  }
0x25a: {  	s16 =	smul.u32 $0xCD, s0;
	s2 =	sand.u32 @!p1 $0xFF, s2;
	[sflag:s26] =	ssyncset.done $0x0  }
0x25b: {  	s5 =	sshrl.u32 @!p4 s5, $0xB;
	s7 =	sadd.s32 @!p1 $0xB, s2;
	[sflag:s26] =	ssyncadd.s32 $0xFFFFFF80  }
0x25c: {  	s0 =	simm.s32 $0x17;
	s5 =	smul.u32 @!p4 $0xA, s5;
	_ =	swait.ge @!p2 [sflag:s7], $0x100  }
0x25d: {  	s10 =	sshll.u32 @!p2 s2, $0x8;
	s2 =	simm.s32 @!p2 $0x80;
	[sflag:s7] =	ssyncset.done @!p2 $0x0  }
0x25e: {  	s5 =	ssub.s32 @!p4 s8, s5;
	s8 =	simm.s32 @!p2 $0xA00;
	[sflag:s7] =	ssyncadd.s32 @!p2 $0xFFFFFF00  }
0x25f: {  	[tilespmem:s8], [sflag:$0x1] =	stream.indirect.gather @!p2 [hbm4b:s25+s2], $0x40, s10, s2, $0xb8;
	[tilespmem:$0x16180] =	vst v63  }
0x260: {  	s21 =	sshrl.u32 s16, $0xB;
	s5 =	sand.u32 @!p4 $0xFF, s5;
	s8 =	simm.s32 @!p2 $0xAA00  }
0x261: {  	[tilespmem:s8], [sflag:$0x15] =	stream.indirect.gather @!p2 [hbm4b:s6+s2], $0x1, s10, s2, $0xb8;
	[tilespmem:$0x16180] =	vst v63  }
0x262: {  	s26 =	simm.s32 $0x3;
	s8 =	sshll.u32 @!p4 s5, $0x8;
	s5 =	sadd.s32 @!p4 $0xB, s5  }
0x263: {  	[tilespmem:s8], [sflag:s5] =	stream.linear.gather @!p4 [hbm4b:s4+s9], $0x100, $0x38;
	[tilespmem:$0x16180] =	vst v63  }
0x264: {  	s10 =	simm.s32 $0x7;
	s4 =	smul.u32 $0xA, s21;
	_ =	swait.ge [sflag:s26], $0x2000  }
0x265: {  	s5 =	sadd.s32 @!p1 $0x6, s3;
	s8 =	simm.s32 $0x4A00;
	[sflag:s26] =	ssyncset.done $0x0  }
0x266: {  	p4 =	por @!p4 $0x1, $0x1;
	s4 =	ssub.s32 s17, s4;
	[sflag:s26] =	ssyncadd.s32 $0xFFFFE000  }
0x267: {  	s9 =	simm.s32 $0xAB00;
	s4 =	sand.u32 $0xFF, s4;
	_ =	swait.ge [sflag:s0], $0x80  }
0x268: {  	s7 =	sand.u32 @!p1 $0xFF, s5;
	s4 =	sshll.u32 s4, $0x8;
	[sflag:s0] =	ssyncset.done $0x0  }
0x269: {  	s7 =	smul.u32 @!p1 $0xCD, s7;
	s4 =	sor.u32 $0x80, s4;
	[sflag:s0] =	ssyncadd.s32 $0xFFFFFF80  }
0x26a: {  	[spmem:s29] =	stream.indirect.scatter.add.f32 [tilespmem:s8], [sflag:$0x8], $0x40, s4, s28, $0xb8;
	[tilespmem:$0x16180] =	vst v63  }
0x26b: {  	p4 =	por @!p3 p5, p5;
	p3 =	por $0x0, $0x0;
	s7 =	sshrl.u32 @!p1 s7, $0xB  }
0x26c: {  	[spmem:s23] =	stream.indirect.scatter.add.f32 [tilespmem:s9], [sflag:$0x1C], $0x1, s4, s28, $0xb8;
	[tilespmem:$0x16180] =	vst v63  }
0x26d: {  	p3 =	por @!p2 p4, p4;
	s4 =	smul.u32 @!p1 $0xA, s7;
	_ =	swait.ge [sflag:s10], $0x2000  }
0x26e: {  	s16 =	simm.s32 $0x1B;
	s7 =	sadd.s32 @p3 $0xFFFFFFFE, s13;
	[sflag:s10] =	ssyncset.done $0x0  }
0x26f: {  	s4 =	ssub.s32 @!p1 s5, s4;
	s5 =	sand.u32 @p3 $0xFF, s7;
	[sflag:s10] =	ssyncadd.s32 $0xFFFFE000  }
0x270: {  	s5 =	smul.u32 @p3 $0xCD, s5;
	_ =	swait.ge [sflag:s16], $0x80  }
0x271: {  	s17 =	sadd.s32 $0x3, s3;
	s4 =	sand.u32 @!p1 $0xFF, s4;
	[sflag:s16] =	ssyncset.done $0x0  }
0x272: {  	s8 =	sadd.s32 @!p2 $0xB, s4;
	s5 =	sshrl.u32 @p3 s5, $0xB;
	[sflag:s16] =	ssyncadd.s32 $0xFFFFFF80  }
0x273: {  	s21 =	sand.u32 $0xFF, s17;
	s5 =	smul.u32 @p3 $0xA, s5;
	_ =	swait.ge @!p2 [sflag:s8], $0x100  }
0x274: {  	s26 =	smul.u32 $0xCD, s21;
	s4 =	sshll.u32 @!p2 s4, $0x8;
	[sflag:s8] =	ssyncset.done @!p2 $0x0  }
0x275: {  	s5 =	ssub.s32 @p3 s7, s5;
	s7 =	simm.s32 @!p2 $0x2A00;
	[sflag:s8] =	ssyncadd.s32 @!p2 $0xFFFFFF00  }
0x276: {  	[tilespmem:s7], [sflag:$0x2] =	stream.indirect.gather @!p2 [hbm4b:s25+s2], $0x40, s4, s2, $0xb8;
	[tilespmem:$0x16180] =	vst v63  }
0x277: {  	s0 =	rddreg [dreg:$0x6];
	s8 =	simm.s32 @!p2 $0xAA80;
	s5 =	sand.u32 @p3 $0xFF, s5  }
0x278: {  	[tilespmem:s8], [sflag:$0x16] =	stream.indirect.gather @!p2 [hbm4b:s6+s2], $0x1, s4, s2, $0xb8;
	[tilespmem:$0x16180] =	vst v63  }
0x279: {  	s8 =	sshll.u32 @p3 s5, $0x8;
	s5 =	sadd.s32 @p3 $0xB, s5;
	s4 =	simm.s32 @p3 $0x0  }
0x27a: {  	[tilespmem:s8], [sflag:s5] =	stream.linear.gather @p3 [hbm4b:s0+s4], $0x100, $0x38;
	[tilespmem:$0x16180] =	vst v63  }
0x27b: {  	s7 =	sshrl.u32 s26, $0xB;
	s8 =	simm.s32 $0x4  }
0x27c: {  	s0 =	smul.u32 $0xA, s7;
	_ =	swait.ge [sflag:s8], $0x2000  }
0x27d: {  	[sflag:s8] =	ssyncset.done $0x0  }
0x27e: {  	s10 =	simm.s32 $0x18;
	s0 =	ssub.s32 s17, s0;
	[sflag:s8] =	ssyncadd.s32 $0xFFFFE000  }
0x27f: {  	s0 =	sand.u32 $0xFF, s0;
	_ =	swait.ge [sflag:s10], $0x80  }
0x280: {  	s5 =	sadd.s32 @!p1 $0x7, s3;
	s0 =	sshll.u32 s0, $0x8;
	[sflag:s10] =	ssyncset.done $0x0  }
0x281: {  	s7 =	sand.u32 @!p1 $0xFF, s5;
	s0 =	sor.u32 $0x80, s0;
	[sflag:s10] =	ssyncadd.s32 $0xFFFFFF80  }
0x282: {  	[spmem:s29] =	stream.indirect.scatter.add.f32 [tilespmem:s24], [sflag:$0x9], $0x40, s0, s28, $0xb8;
	[tilespmem:$0x16180] =	vst v63  }
0x283: {  	s16 =	simm.s32 $0xAB80;
	s7 =	smul.u32 @!p1 $0xCD, s7;
	s17 =	simm.s32 $0x8  }
0x284: {  	[spmem:s23] =	stream.indirect.scatter.add.f32 [tilespmem:s16], [sflag:$0x1D], $0x1, s0, s28, $0xb8;
	[tilespmem:$0x16180] =	vst v63  }
0x285: {  	s0 =	sshrl.u32 @!p1 s7, $0xB;
	_ =	swait.ge [sflag:s17], $0x2000  }
0x286: {  	s0 =	smul.u32 @!p1 $0xA, s0;
	[sflag:s17] =	ssyncset.done $0x0  }
0x287: {  	s21 =	simm.s32 $0x1C;
	[sflag:s17] =	ssyncadd.s32 $0xFFFFE000  }
0x288: {  	s0 =	ssub.s32 @!p1 s5, s0;
	_ =	swait.ge [sflag:s21], $0x80  }
0x289: {  	s5 =	sadd.s32 @p3 $0xFFFFFFFF, s13;
	s0 =	sand.u32 @!p1 $0xFF, s0;
	[sflag:s21] =	ssyncset.done $0x0  }
0x28a: {  	s7 =	sand.u32 @p3 $0xFF, s5;
	s8 =	sadd.s32 @!p2 $0xB, s0;
	[sflag:s21] =	ssyncadd.s32 $0xFFFFFF80  }
0x28b: {  	s7 =	smul.u32 @p3 $0xCD, s7;
	_ =	swait.ge @!p2 [sflag:s8], $0x100  }
0x28c: {  	s0 =	sshll.u32 @!p2 s0, $0x8;
	[sflag:s8] =	ssyncset.done @!p2 $0x0  }
0x28d: {  	s7 =	sshrl.u32 @p3 s7, $0xB;
	[sflag:s8] =	ssyncadd.s32 @!p2 $0xFFFFFF00;
	s8 =	simm.s32 @!p2 $0x4A00  }
0x28e: {  	[tilespmem:s8], [sflag:$0x3] =	stream.indirect.gather @!p2 [hbm4b:s25+s2], $0x40, s0, s2, $0xb8;
	[tilespmem:$0x16180] =	vst v63  }
0x28f: {  	s7 =	smul.u32 @p3 $0xA, s7;
	s8 =	simm.s32 @!p2 $0xAB00  }
0x290: {  	[tilespmem:s8], [sflag:$0x17] =	stream.indirect.gather @!p2 [hbm4b:s6+s2], $0x1, s0, s2, $0xb8;
	[tilespmem:$0x16180] =	vst v63  }
0x291: {  	s0 =	ssub.s32 @p3 s5, s7  }
0x292: {  	s0 =	sand.u32 @p3 $0xFF, s0  }
0x293: {  	s7 =	rddreg [dreg:$0x5];
	s5 =	sshll.u32 @p3 s0, $0x8;
	s0 =	sadd.s32 @p3 $0xB, s0  }
0x294: {  	[tilespmem:s5], [sflag:s0] =	stream.linear.gather @p3 [hbm4b:s7+s4], $0x100, $0x38;
	[tilespmem:$0x16180] =	vst v63  }
0x295: {  	_ =	swait.ge [sflag:s20], $0x2000  }
0x296: {  	[sflag:s20] =	ssyncset.done $0x0  }
0x297: {  	[sflag:s20] =	ssyncadd.s32 $0xFFFFE000  }
0x298: {  	_ =	swait.ge [sflag:s15], $0x80  }
0x299: {  	s0 =	sadd.s32 @!p1 $0x8, s3;
	[sflag:s15] =	ssyncset.done $0x0  }
0x29a: {  	s1 =	sadd.s32 $0x80, s1;
	s3 =	sand.u32 @!p1 $0xFF, s0;
	[sflag:s15] =	ssyncadd.s32 $0xFFFFFF80  }
0x29b: {  	[spmem:s29] =	stream.indirect.scatter.add.f32 [tilespmem:s22], [sflag:$0xA], $0x40, s1, s28, $0xb8;
	[tilespmem:$0x16180] =	vst v63  }
0x29c: {  	s3 =	smul.u32 @!p1 $0xCD, s3  }
0x29d: {  	[spmem:s23] =	stream.indirect.scatter.add.f32 [tilespmem:s14], [sflag:$0x1E], $0x1, s1, s28, $0xb8;
	[tilespmem:$0x16180] =	vst v63  }
0x29e: {  	s1 =	sshrl.u32 @!p1 s3, $0xB;
	_ =	swait.ge [sflag:s12], $0x2000  }
0x29f: {  	s1 =	smul.u32 @!p1 $0xA, s1;
	[sflag:s12] =	ssyncset.done $0x0  }
0x2a0: {  	[sflag:s12] =	ssyncadd.s32 $0xFFFFE000  }
0x2a1: {  	s0 =	ssub.s32 @!p1 s0, s1;
	_ =	swait.ge [sflag:s11], $0x80  }
0x2a2: {  	s0 =	sand.u32 @!p1 $0xFF, s0;
	[sflag:s11] =	ssyncset.done $0x0  }
0x2a3: {  	s1 =	sand.u32 @p3 $0xFF, s13;
	s3 =	sadd.s32 @!p2 $0xB, s0;
	[sflag:s11] =	ssyncadd.s32 $0xFFFFFF80  }
0x2a4: {  	s1 =	smul.u32 @p3 $0xCD, s1;
	_ =	swait.ge @!p2 [sflag:s3], $0x100  }
0x2a5: {  	s0 =	sshll.u32 @!p2 s0, $0x8;
	[sflag:s3] =	ssyncset.done @!p2 $0x0  }
0x2a6: {  	s1 =	sshrl.u32 @p3 s1, $0xB;
	[sflag:s3] =	ssyncadd.s32 @!p2 $0xFFFFFF00;
	s3 =	simm.s32 @!p2 $0x6A00  }
0x2a7: {  	[tilespmem:s3], [sflag:$0x4] =	stream.indirect.gather @!p2 [hbm4b:s25+s2], $0x40, s0, s2, $0xb8;
	[tilespmem:$0x16180] =	vst v63  }
0x2a8: {  	s1 =	smul.u32 @p3 $0xA, s1;
	s3 =	simm.s32 @!p2 $0xAB80  }
0x2a9: {  	[tilespmem:s3], [sflag:$0x18] =	stream.indirect.gather @!p2 [hbm4b:s6+s2], $0x1, s0, s2, $0xb8;
	[tilespmem:$0x16180] =	vst v63  }
0x2aa: {  	s0 =	ssub.s32 @p3 s13, s1  }
0x2ab: {  	s0 =	sand.u32 @p3 $0xFF, s0  }
0x2ac: {  	s2 =	rddreg [dreg:$0x4];
	s1 =	sshll.u32 @p3 s0, $0x8;
	s0 =	sadd.s32 @p3 $0xB, s0  }
0x2ad: {  	[tilespmem:s1], [sflag:s0] =	stream.linear.gather @p3 [hbm4b:s2+s4], $0x100, $0x38;
	[tilespmem:$0x16180] =	vst v63  }
0x2ae: {  	_ =	swait.ge [sflag:s18], $0x2000  }
0x2af: {  	[sflag:s18] =	ssyncset.done $0x0  }
0x2b0: {  	[sflag:s18] =	ssyncadd.s32 $0xFFFFE000  }
0x2b1: {  	_ =	swait.ge [sflag:s19], $0x80  }
0x2b2: {  	[sflag:s19] =	ssyncset.done $0x0  }
0x2b3: {  	[sflag:s19] =	ssyncadd.s32 $0xFFFFFF80  }
0x2b4: {  	[bflag:$0x0] =	sbarrier.arrive $0xFFFF  }
0x2b5: {  	s1 =	sld [smem:$0x7EF]  }
0x2b6: {  	s2 =	sld [smem:$0x7F1];
	_ =	sdelay $0x1  }
0x2b7: {  	s0 =	simm.s32 @p0 $0x1FDF  }
0x2b8: {  	[hbm:s1], [sflag:s0] =	dma.local @p0 [spmem:s2], $0x1040  }
0x2b9: {  	s1 =	simm.s32 @p0 $0x1F  }
0x2ba: {  	_ =	swait.ge @p0 [sflag:s1], $0x1040  }
0x2bb: {  	s3 =	sld [smem:$0x7F2]  }
0x2bc: {  	[sflag:s1] =	ssyncset.done @p0 $0x0  }
0x2bd: {  	s2 =	rddreg [dreg:$0x16];
	[sflag:s1] =	ssyncadd.s32 @p0 $0xFFFFEFC0  }
0x2be: {  	[hbm:s2], [sflag:s0] =	dma.local @p0 [spmem:s3], $0x41  }
0x2bf: {  	_ =	swait.ge @p0 [sflag:s1], $0x41  }
0x2c0: {  	s0 =	stileid.u32;
	s2 =	sld [smem:$0x7F3]  }
0x2c1: {  	s0 =	sshll.u32 @!p0 s0, $0x6;
	[sflag:s1] =	ssyncset.done @p0 $0x0  }
0x2c2: {  	s0 =	sor.u32 @!p0 $0x1C1F, s0;
	[sflag:s1] =	ssyncadd.s32 @p0 $0xFFFFFFBF;
	s1 =	rddreg [dreg:$0x14]  }
0x2c3: {  	[hbm:s1], [sflag:s0] =	dma.local @!p0 [spmem:s2], $0x13C0  }
0x2c4: {  	s1 =	simm.s32 @!p0 $0x1F  }
0x2c5: {  	_ =	swait.ge @!p0 [sflag:s1], $0x13C0  }
0x2c6: {  	s3 =	sld [smem:$0x7F4]  }
0x2c7: {  	[sflag:s1] =	ssyncset.done @!p0 $0x0  }
0x2c8: {  	s2 =	rddreg [dreg:$0x15];
	[sflag:s1] =	ssyncadd.s32 @!p0 $0xFFFFEC40  }
0x2c9: {  	[hbm:s2], [sflag:s0] =	dma.local @!p0 [spmem:s3], $0x4F  }
0x2ca: {  	_ =	swait.ge @!p0 [sflag:s1], $0x4F  }
0x2cb: {  	s22 =	sld [smem:$0x7EE]  }
0x2cc: {  	s26 =	sld [smem:$0x7F0]  }
0x2cd: {  	s30 =	simm.s32 $0x1A;
	s31 =	simm.s32 $0x3  }
0x2ce: {  	s10 =	simm.s32 $0xAB80;
	s16 =	smov.u32 s23;
	s2 =	sadd.s32 $0x1, s22  }
0x2cf: {  	s17 =	simm.s32 $0x80;
	s20 =	simm.s32 $0xAB00;
	p1 =	sne.s32 s2, s26  }
.Ltmp2:
0x2d0: {  	s15 =	simm.s32 $0x8A00;
	s28 =	smov.u32 s29;
	(pc) =	sbr.rel @p1 .LBB2_1-.Ltmp2, $4  }
0x2d1: {  	s14 =	simm.s32 $0x2A00;
	s23 =	simm.s32 $0x2;
	s29 =	simm.s32 $0x6  }
0x2d2: {  	s12 =	simm.s32 $0xAA00;
	s11 =	simm.s32 $0xA00;
	s13 =	simm.s32 $0x15  }
0x2d3: {  	s18 =	simm.s32 $0xAA80;
	s19 =	simm.s32 $0x4A00;
	[sflag:s1] =	ssyncset.done @!p0 $0x0  }
0x2d4: {  	[sflag:s1] =	ssyncadd.s32 @!p0 $0xFFFFFFB1;
	s22 =	simm.s32 $0xAC00;
	s26 =	simm.s32 $0x16  }
0x2d5: {  	_ =	sfence.sel $0x180000  }
0x2d6: {  	[bflag:$0x0] =	sbarrier.arrive $0xFFFF  }
0x2d7: {  	_ =	strace $0x90000047  }
0x2d8: {  	s0 =	stileid.u32;
	[bflag:$0x2] =	sbarrier.arrive $0xFFFF  }
0x2d9: {  	p0 =	sne.s32 s0, $0x0;
	s0 =	rddreg [dreg:$0x3]  }
0x2da: {  	s0 =	sadd.s32 @!p0 $0x100000, s0  }
0x2db: {  	[sflag:s0] =	ssyncadd.tile.s32 @!p0 $0x1;
	_ =	shalt  }
.Lfunc_end2:
_tile_overlayer_lowered:
.L_overlay_start_2:
0x2dc: {  	(tag) =	ssettag $0x2  }
0x2dd: {  	s0 =	rddreg [dreg:$0x0];
	s2 =	stileid.u32  }
0x2de: {  	s1 =	rddreg [dreg:$0x1];
	p0 =	sne.s32 s2, $0x0  }
0x2df: {  	s3 =	rddreg [dreg:$0x2];
	[bflag:$0x3] =	sbarrier.arrive $0xFFFF;
	s2 =	simm.s32 @!p0 $0x1C1F  }
0x2e0: {  	[timem:s3], [sflag:s2] =	dma.local @!p0 [hbm:s0], s1  }
0x2e1: {  	s0 =	simm.s32 @!p0 $0x1F  }
0x2e2: {  	_ =	swait.ge @!p0 [sflag:s0], s1  }
0x2e3: {  	s1 =	ssub.s32 @!p0 $0x0, s1;
	[sflag:s0] =	ssyncset.done @!p0 $0x0  }
0x2e4: {  	[sflag:s0] =	ssyncadd.s32 @!p0 s1  }
0x2e5: {  	[bflag:$0x3] =	sbarrier.arrive $0xFFFF  }
0x2e6: {  	_ =	shalt  }

</sc_bundles>
